<compile_context>
chip_gen: v7x
topology: tpu7x:2x2x1
jax: 0.10.2.dev20260603
libtpu: 0.0.44.dev20260713+nightly
codegen_flags: <defaults>
</compile_context>

<pallas_src>
import functools

import jax
import jax.numpy as jnp
from jax.experimental import pallas as pl
from jax.experimental.pallas import tpu as pltpu
from jax.experimental.pallas import tpu_sc as plsc

D_MODEL = 192
D_INNER = 384
D_STATE = 16
D_CONV = 4
DT_RANK = 12
N_EXPERTS = 8
TOP_K = 2

S_LEN = 2048
CHUNK = 128
N_CHUNKS = S_LEN // CHUNK


_SC_NC = 2
_SC_NS = 16
_SC_NW = _SC_NC * _SC_NS
_SC_CHUNK = 128


def _make_sc_gather(n_rows, c_dim):
    per_w = n_rows // _SC_NW
    n_chunks = per_w // _SC_CHUNK
    assert per_w % _SC_CHUNK == 0

    @functools.partial(
        pl.kernel,
        out_type=jax.ShapeDtypeStruct((n_rows, c_dim), jnp.float32),
        mesh=plsc.VectorSubcoreMesh(core_axis_name="c", subcore_axis_name="s"),
        compiler_params=pltpu.CompilerParams(use_tc_tiling_on_sc=False),
        scratch_types=[
            pltpu.VMEM((_SC_CHUNK,), jnp.int32),
            pltpu.VMEM((_SC_CHUNK, c_dim), jnp.float32),
            pltpu.SemaphoreType.DMA,
        ],
    )
    def _sc_gather(table, idx, out, idx_v, rows_v, sem):
        wid = jax.lax.axis_index("s") * _SC_NC + jax.lax.axis_index("c")
        for j in range(n_chunks):
            base = wid * per_w + j * _SC_CHUNK
            pltpu.sync_copy(idx.at[pl.ds(base, _SC_CHUNK)], idx_v)
            pltpu.async_copy(table.at[idx_v], rows_v, sem).wait()
            pltpu.sync_copy(rows_v, out.at[pl.ds(base, _SC_CHUNK)])

    return _sc_gather


def _silu(v):
    return v * jax.nn.sigmoid(v)


def _softplus(v):
    return jnp.where(v > 20.0, v, jnp.log1p(jnp.exp(jnp.minimum(v, 20.0))))


def _shift_down(arr, k, fill):
    if k == 0:
        return arr
    top = jnp.full((k, arr.shape[1]), fill, arr.dtype)
    return jnp.concatenate([top, arr[: arr.shape[0] - k, :]], axis=0)


def _mamba_body(nsel_ref, xg_ref, gg_ref, iw_ref, cw_ref, cb_ref, xw_ref,
                dw_ref, db_ref, alog_ref, dp_ref, ow_ref, out_ref,
                dt_s, dtx_s, bs_s, cs_s, ys_s):
    xg = xg_ref[0, 0]
    iw = iw_ref[0]
    xz = jnp.dot(xg, iw, preferred_element_type=jnp.float32)
    xin = xz[:, :D_INNER]
    z = xz[:, D_INNER:]

    cw = cw_ref[0]
    cb = cb_ref[0, 0]
    xc = jnp.broadcast_to(cb[None, :], (S_LEN, D_INNER))
    for k in range(D_CONV):
        sh = _shift_down(xin, D_CONV - 1 - k, 0.0)
        xc = xc + sh * cw[:, k][None, :]
    xc = _silu(xc)

    xw = xw_ref[0]
    dbl = jnp.dot(xc, xw, preferred_element_type=jnp.float32)
    dw = dw_ref[0]
    db = db_ref[0, 0]
    dt = _softplus(jnp.dot(dbl[:, :DT_RANK], dw,
                           preferred_element_type=jnp.float32) + db[None, :])
    dt_s[...] = dt
    dtx_s[...] = dt * xc
    bs_s[...] = dbl[:, DT_RANK:DT_RANK + D_STATE]
    cs_s[...] = dbl[:, DT_RANK + D_STATE:]

    A = -jnp.exp(alog_ref[0])

    def chunk_step(c, h):
        base = c * CHUNK
        dt_c = dt_s[pl.ds(base, CHUNK), :]
        dtx_c = dtx_s[pl.ds(base, CHUNK), :]
        bs_c = bs_s[pl.ds(base, CHUNK), :]
        cs_c = cs_s[pl.ds(base, CHUNK), :]
        y_c = jnp.zeros((CHUNK, D_INNER), jnp.float32)
        h_rows = []
        for n in range(D_STATE):
            a = jnp.exp(dt_c * A[:, n][None, :])
            b = dtx_c * bs_c[:, n][:, None]
            k = 1
            while k < CHUNK:
                a_sh = _shift_down(a, k, 1.0)
                b_sh = _shift_down(b, k, 0.0)
                b = a * b_sh + b
                a = a * a_sh
                k *= 2
            hseq = a * h[n, :][None, :] + b
            y_c = y_c + hseq * cs_c[:, n][:, None]
            h_rows.append(hseq[CHUNK - 1:CHUNK, :])
        ys_s[pl.ds(base, CHUNK), :] = y_c
        return jnp.concatenate(h_rows, axis=0)

    ys_s[...] = jnp.zeros((S_LEN, D_INNER), jnp.float32)
    nsel = nsel_ref[0, 0, 0, 0]
    n_chunks = (nsel + CHUNK - 1) // CHUNK
    h0 = jnp.zeros((D_STATE, D_INNER), jnp.float32)
    jax.lax.fori_loop(0, n_chunks, chunk_step, h0)

    dp = dp_ref[0, 0]
    y = ys_s[...] + dp[None, :] * xc
    y = y * _silu(z)
    ow = ow_ref[0]
    gg = gg_ref[0, 0]
    out_ref[0, 0] = jnp.dot(y, ow, preferred_element_type=jnp.float32) * gg


@jax.jit
def _run(x, ln_scale, ln_bias, gamma, gate_w, in_proj_w, conv_w, conv_b,
         x_proj_w, dt_proj_w, dt_proj_b, A_log, Dp, out_proj_w):
    B, C, H, W, Dd = x.shape
    S = H * W * Dd
    xs = x.reshape(B, C, S).transpose(0, 2, 1)
    mu = xs.mean(-1, keepdims=True)
    var = ((xs - mu) ** 2).mean(-1, keepdims=True)
    xn = (xs - mu) / jnp.sqrt(var + 1e-5) * ln_scale + ln_bias

    logits = xn @ gate_w
    probs = jax.nn.softmax(logits, axis=-1)
    _, topi = jax.lax.top_k(probs, TOP_K)
    routed = jax.nn.one_hot(topi, N_EXPERTS, dtype=xn.dtype).sum(-2)
    gate_scores = probs * routed
    me = probs.mean((0, 1))
    ce = routed.mean((0, 1))
    aux = N_EXPERTS * jnp.sum(me * ce)

    mi = routed.transpose(0, 2, 1).astype(jnp.int32)
    c1 = jnp.cumsum(mi, axis=-1)
    c0 = jnp.cumsum(1 - mi, axis=-1)
    nsel = c1[:, :, -1]
    inv = jnp.where(mi == 1, c1 - 1, nsel[:, :, None] + c0 - 1)
    tok = jnp.broadcast_to(jnp.arange(S, dtype=jnp.int32), inv.shape)
    perm = jnp.put_along_axis(jnp.zeros_like(inv), inv, tok, axis=-1,
                              inplace=False)

    bb3 = jnp.arange(B, dtype=jnp.int32)[:, None, None]
    idxf = (bb3 * S + perm).reshape(-1)
    xg = _make_sc_gather(B * N_EXPERTS * S, C)(
        xn.reshape(B * S, C), idxf).reshape(B, N_EXPERTS, S, C)
    gs = gate_scores.transpose(0, 2, 1)
    gg = jnp.take_along_axis(gs, perm, axis=2)[:, :, :, None]

    grid = (B, N_EXPERTS)
    yw = pl.pallas_call(
        _mamba_body,
        grid=grid,
        in_specs=[
            pl.BlockSpec((1, 1, 1, 1), lambda b, e: (b, e, 0, 0),
                         memory_space=pltpu.SMEM),
            pl.BlockSpec((1, 1, S, C), lambda b, e: (b, e, 0, 0)),
            pl.BlockSpec((1, 1, S, 1), lambda b, e: (b, e, 0, 0)),
            pl.BlockSpec((1, D_MODEL, 2 * D_INNER), lambda b, e: (e, 0, 0)),
            pl.BlockSpec((1, D_INNER, D_CONV), lambda b, e: (e, 0, 0)),
            pl.BlockSpec((1, 1, D_INNER), lambda b, e: (e, 0, 0)),
            pl.BlockSpec((1, D_INNER, DT_RANK + 2 * D_STATE),
                         lambda b, e: (e, 0, 0)),
            pl.BlockSpec((1, DT_RANK, D_INNER), lambda b, e: (e, 0, 0)),
            pl.BlockSpec((1, 1, D_INNER), lambda b, e: (e, 0, 0)),
            pl.BlockSpec((1, D_INNER, D_STATE), lambda b, e: (e, 0, 0)),
            pl.BlockSpec((1, 1, D_INNER), lambda b, e: (e, 0, 0)),
            pl.BlockSpec((1, D_INNER, D_MODEL), lambda b, e: (e, 0, 0)),
        ],
        out_specs=pl.BlockSpec((1, 1, S, C), lambda b, e: (b, e, 0, 0)),
        out_shape=jax.ShapeDtypeStruct((B, N_EXPERTS, S, C), jnp.float32),
        scratch_shapes=[
            pltpu.VMEM((S, D_INNER), jnp.float32),
            pltpu.VMEM((S, D_INNER), jnp.float32),
            pltpu.VMEM((S, D_STATE), jnp.float32),
            pltpu.VMEM((S, D_STATE), jnp.float32),
            pltpu.VMEM((S, D_INNER), jnp.float32),
        ],
    )(nsel.reshape(B, N_EXPERTS, 1, 1), xg, gg, in_proj_w, conv_w,
      conv_b.reshape(N_EXPERTS, 1, D_INNER),
      x_proj_w, dt_proj_w, dt_proj_b.reshape(N_EXPERTS, 1, D_INNER), A_log,
      Dp.reshape(N_EXPERTS, 1, D_INNER), out_proj_w)

    c1t = c1.transpose(0, 2, 1)
    rank = jnp.take_along_axis(c1t, topi, axis=-1) - 1
    bb = jnp.arange(B, dtype=jnp.int32)[:, None, None]
    flat = (bb * N_EXPERTS + topi) * S + rank
    rows = _make_sc_gather(B * S * TOP_K, C)(
        yw.reshape(B * N_EXPERTS * S, C), flat.reshape(-1))
    out = rows.reshape(B, S, TOP_K, C).sum(axis=2)

    x_mamba = xs + gamma[None, None, :] * out
    x_out = x_mamba.reshape(B, H, W, Dd, C).transpose(0, 4, 1, 2, 3)
    return x_out, aux


def kernel(x, ln_scale, ln_bias, gamma, gate_w, in_proj_w, conv_w, conv_b,
           x_proj_w, dt_proj_w, dt_proj_b, A_log, Dp, out_proj_w):
    return _run(x, ln_scale, ln_bias, gamma, gate_w, in_proj_w, conv_w, conv_b,
                x_proj_w, dt_proj_w, dt_proj_b, A_log, Dp, out_proj_w)

# --- scband reference (transcript-rebuilt; emitter-appended) ---
"""Pipeline reference for scband-mo-mblock-57672820851086 (READ-ONLY COPY).

The authoritative reference and input builder live on the scoring server;
editing this copy changes nothing except your own understanding.
"""

import jax, jax.numpy as jnp
import numpy as np

D_MODEL = 192
D_INNER = 384
D_STATE = 16
D_CONV = 4
DT_RANK = 12
N_EXPERTS = 8
TOP_K = 2
USE_AUX = True


def _silu(v):
    return v * jax.nn.sigmoid(v)


def _mamba(xp, iw, cw, cb, xw, dw, db, alog, dp, ow):
    # Standard selective-scan Mamba block (d_state=16, d_conv=4, expand=2).
    S = xp.shape[0]
    xz = xp @ iw
    xin = xz[:, :D_INNER]
    z = xz[:, D_INNER:]
    # causal depthwise conv1d (padding=d_conv-1, truncated to first S outputs)
    xpad = jnp.pad(xin, ((D_CONV - 1, 0), (0, 0)))
    xc = jnp.broadcast_to(cb[None, :], (S, D_INNER))
    for k in range(D_CONV):
        xc = xc + xpad[k:k + S, :] * cw[:, k][None, :]
    xc = _silu(xc)
    dbl = xc @ xw
    dt = jax.nn.softplus(dbl[:, :DT_RANK] @ dw + db[None, :])
    Bs = dbl[:, DT_RANK:DT_RANK + D_STATE]
    Cs = dbl[:, DT_RANK + D_STATE:]
    A = -jnp.exp(alog)
    dA = jnp.exp(dt[:, :, None] * A[None, :, :])
    dBx = dt[:, :, None] * Bs[:, None, :] * xc[:, :, None]

    def step(h, t):
        dA_t, dBx_t, C_t = t
        h = dA_t * h + dBx_t
        y = (h * C_t[None, :]).sum(-1)
        return h, y

    h0 = jnp.zeros((D_INNER, D_STATE), xp.dtype)
    _, ys = jax.lax.scan(step, h0, (dA, dBx, Cs))
    y = ys + dp[None, :] * xc
    y = y * _silu(z)
    return y @ ow


def _forward(x, ln_scale, ln_bias, gamma, gate_w, in_proj_w, conv_w, conv_b, x_proj_w, dt_proj_w, dt_proj_b, A_log, Dp, out_proj_w):
    B, C, H, W, Dd = x.shape
    S = H * W * Dd
    xs = x.reshape(B, C, S).transpose(0, 2, 1)
    mu = xs.mean(-1, keepdims=True)
    var = ((xs - mu) ** 2).mean(-1, keepdims=True)
    xn = (xs - mu) / jnp.sqrt(var + 1e-5) * ln_scale + ln_bias
    # MoMGate: softmax gate, top-k one-hot routing mask, load-balance aux loss
    logits = xn @ gate_w
    probs = jax.nn.softmax(logits, axis=-1)
    _, topi = jax.lax.top_k(probs, TOP_K)
    routed = jax.nn.one_hot(topi, N_EXPERTS, dtype=xn.dtype).sum(-2)
    gate_scores = probs * routed
    if USE_AUX:
        me = probs.mean((0, 1))
        ce = routed.mean((0, 1))
        aux = N_EXPERTS * jnp.sum(me * ce)
    else:
        aux = jnp.zeros((), xn.dtype)
    # Per-(batch, expert): compact selected tokens to the front (stable order),
    # run the causal Mamba over the permuted sequence (prefix identical to the
    # torch masked-subsequence computation), then scatter back via inverse perm.
    rows = []
    for b in range(B):
        acc = jnp.zeros((S, C), xn.dtype)
        for i in range(N_EXPERTS):
            mask = routed[b, :, i]
            perm = jnp.argsort(1.0 - mask)  # stable: selected tokens first, in order
            xp = xn[b][perm]
            y = _mamba(xp, in_proj_w[i], conv_w[i], conv_b[i], x_proj_w[i], dt_proj_w[i], dt_proj_b[i], A_log[i], Dp[i], out_proj_w[i])
            inv = jnp.argsort(perm)
            y = y[inv]
            acc = acc + gate_scores[b, :, i][:, None] * y
        rows.append(acc)
    out = jnp.stack(rows, 0)
    x_mamba = xs + gamma[None, None, :] * out
    x_out = x_mamba.reshape(B, H, W, Dd, C).transpose(0, 4, 1, 2, 3)
    return x_out, aux


def setup_inputs(seed: int = 0):
    key = jax.random.key(seed)
    ks = jax.random.split(key, 10)
    return {
        'x': jax.random.normal(ks[0], (2, D_MODEL, 16, 16, 8), dtype=jnp.float32),
        'ln_scale': jnp.ones((D_MODEL,), jnp.float32),
        'ln_bias': jnp.zeros((D_MODEL,), jnp.float32),
        'gamma': jnp.full((D_MODEL,), 1e-6, jnp.float32),
        'gate_w': jax.random.normal(ks[1], (D_MODEL, N_EXPERTS), jnp.float32) * 0.02,
        'in_proj_w': jax.random.normal(ks[2], (N_EXPERTS, D_MODEL, 2 * D_INNER), jnp.float32) / np.sqrt(D_MODEL),
        'conv_w': jax.random.normal(ks[3], (N_EXPERTS, D_INNER, D_CONV), jnp.float32) * 0.2,
        'conv_b': jnp.zeros((N_EXPERTS, D_INNER), jnp.float32),
        'x_proj_w': jax.random.normal(ks[4], (N_EXPERTS, D_INNER, DT_RANK + 2 * D_STATE), jnp.float32) / np.sqrt(D_INNER),
        'dt_proj_w': jax.random.normal(ks[5], (N_EXPERTS, DT_RANK, D_INNER), jnp.float32) / np.sqrt(DT_RANK),
        'dt_proj_b': jnp.log(jnp.expm1(jnp.full((N_EXPERTS, D_INNER), 0.01, jnp.float32))),
        'A_log': jnp.log(jnp.broadcast_to(jnp.arange(1, D_STATE + 1, dtype=jnp.float32), (N_EXPERTS, D_INNER, D_STATE))) + jnp.zeros((N_EXPERTS, D_INNER, D_STATE), jnp.float32),
        'Dp': jnp.ones((N_EXPERTS, D_INNER), jnp.float32),
        'out_proj_w': jax.random.normal(ks[6], (N_EXPERTS, D_INNER, D_MODEL), jnp.float32) / np.sqrt(D_INNER),
    }


def reference(x, ln_scale, ln_bias, gamma, gate_w, in_proj_w, conv_w, conv_b, x_proj_w, dt_proj_w, dt_proj_b, A_log, Dp, out_proj_w):
    return _forward(x, ln_scale, ln_bias, gamma, gate_w, in_proj_w, conv_w, conv_b, x_proj_w, dt_proj_w, dt_proj_b, A_log, Dp, out_proj_w)

if __name__ == "__main__":
    import jax
    _d = setup_inputs()
    print(jax.jit(kernel)(*tuple(_d.values())))

</pallas_src>

<mosaic_0001>
#map = affine_map<(d0, d1) -> (0, 0)>
#map1 = affine_map<(d0, d1) -> (0)>
module attributes {stable_mosaic.version = 14 : i64} {
  func.func @_sc_gather(%arg0: i32, %arg1: i32, %arg2: memref<32768x192xf32, #tpu.memory_space<hbm>>, %arg3: memref<8192xi32, #tpu.memory_space<hbm>>, %arg4: memref<8192x192xf32, #tpu.memory_space<hbm>>, %arg5: memref<128xi32, #tpu.memory_space<vmem>>, %arg6: memref<128x192xf32, #tpu.memory_space<vmem>>, %arg7: memref<!tpu.dma_semaphore, #tpu.memory_space<semaphore_mem>>) attributes {dimension_semantics = [#tpu.dimension_semantics<core_parallel>, #tpu.dimension_semantics<subcore_parallel>], iteration_bounds = array<i64: 2, 16>, scalar_prefetch = 0 : i64, scratch_operands = 3 : i64, tpu.core_type = #tpu.core_type<sc_vector_subcore>, window_params = [{transform_indices = #map}, {transform_indices = #map1}, {transform_indices = #map}]} {
    %mul3A = arith.constant 2 : i32
    %mul3A_0 = arith.muli %arg1, %mul3A : i32
    %add3A = arith.addi %mul3A_0, %arg0 : i32
    %mul3A_1 = arith.constant 256 : i32
    %mul3A_2 = arith.muli %add3A, %mul3A_1 : i32
    %add3A_3 = arith.constant 0 : i32
    %add3A_4 = arith.addi %mul3A_2, %add3A_3 : i32
    "tpu.region"() ({
      %run_scoped3A = tpu.sem_alloc : memref<!tpu.dma_semaphore, #tpu.memory_space<semaphore_mem>>
      %dma_start3A_19 = tpu.memref_slice %arg3[%add3A_4] : memref<8192xi32, #tpu.memory_space<hbm>> -> memref<128xi32, #tpu.memory_space<hbm>>
      %dma_start3A_20 = tpu.memref_slice %arg3[%add3A_4] : memref<8192xi32, #tpu.memory_space<hbm>> -> memref<128xi32, #tpu.memory_space<hbm>>
      tpu.enqueue_dma source(%dma_start3A_20 : memref<128xi32, #tpu.memory_space<hbm>>) target(%arg5 : memref<128xi32, #tpu.memory_space<vmem>>) target_semaphore(%run_scoped3A : memref<!tpu.dma_semaphore, #tpu.memory_space<semaphore_mem>>)
      %dma_wait3A_21 = tpu.memref_slice %arg3[%add3A_4] : memref<8192xi32, #tpu.memory_space<hbm>> -> memref<128xi32, #tpu.memory_space<hbm>>
      %dma_wait3A_22 = tpu.memref_slice %arg3[%add3A_4] : memref<8192xi32, #tpu.memory_space<hbm>> -> memref<128xi32, #tpu.memory_space<hbm>>
      tpu.wait_dma2 semaphore(%run_scoped3A : memref<!tpu.dma_semaphore, #tpu.memory_space<semaphore_mem>>) src(%dma_wait3A_22 : memref<128xi32, #tpu.memory_space<hbm>>) dst(%arg5 : memref<128xi32, #tpu.memory_space<vmem>>)
      tpu.yield
    }) : () -> ()
    %dma_start3A = arith.constant 0 : i32
    %dma_start3A_5 = arith.constant 0 : i32
    %dma_start3A_6 = tpu.memref_slice %arg2[%dma_start3A, %dma_start3A_5] : memref<32768x192xf32, #tpu.memory_space<hbm>> -> memref<32768x192xf32, #tpu.memory_space<hbm>>
    tpu.enqueue_indirect_dma source(%dma_start3A_6 : memref<32768x192xf32, #tpu.memory_space<hbm>>) target(%arg6 : memref<128x192xf32, #tpu.memory_space<vmem>>) offsets(%arg5 : memref<128xi32, #tpu.memory_space<vmem>>) semaphore(%arg7 : memref<!tpu.dma_semaphore, #tpu.memory_space<semaphore_mem>>)
    %dma_wait3A = arith.constant 0 : i32
    %dma_wait3A_7 = arith.constant 0 : i32
    %dma_wait3A_8 = tpu.memref_slice %arg2[%dma_wait3A, %dma_wait3A_7] : memref<32768x192xf32, #tpu.memory_space<hbm>> -> memref<32768x192xf32, #tpu.memory_space<hbm>>
    tpu.wait_indirect_dma semaphore(%arg7 : memref<!tpu.dma_semaphore, #tpu.memory_space<semaphore_mem>>) src(%dma_wait3A_8 : memref<32768x192xf32, #tpu.memory_space<hbm>>) dst(%arg6 : memref<128x192xf32, #tpu.memory_space<vmem>>)
    "tpu.region"() ({
      %run_scoped3A = tpu.sem_alloc : memref<!tpu.dma_semaphore, #tpu.memory_space<semaphore_mem>>
      %dma_start3A_19 = arith.constant 0 : i32
      %dma_start3A_20 = tpu.memref_slice %arg4[%add3A_4, %dma_start3A_19] : memref<8192x192xf32, #tpu.memory_space<hbm>> -> memref<128x192xf32, #tpu.memory_space<hbm>>
      %dma_start3A_21 = arith.constant 0 : i32
      %dma_start3A_22 = tpu.memref_slice %arg4[%add3A_4, %dma_start3A_21] : memref<8192x192xf32, #tpu.memory_space<hbm>> -> memref<128x192xf32, #tpu.memory_space<hbm>>
      tpu.enqueue_dma source(%arg6 : memref<128x192xf32, #tpu.memory_space<vmem>>) target(%dma_start3A_22 : memref<128x192xf32, #tpu.memory_space<hbm>>) target_semaphore(%run_scoped3A : memref<!tpu.dma_semaphore, #tpu.memory_space<semaphore_mem>>)
      %dma_wait3A_23 = arith.constant 0 : i32
      %dma_wait3A_24 = tpu.memref_slice %arg4[%add3A_4, %dma_wait3A_23] : memref<8192x192xf32, #tpu.memory_space<hbm>> -> memref<128x192xf32, #tpu.memory_space<hbm>>
      %dma_wait3A_25 = arith.constant 0 : i32
      %dma_wait3A_26 = tpu.memref_slice %arg4[%add3A_4, %dma_wait3A_25] : memref<8192x192xf32, #tpu.memory_space<hbm>> -> memref<128x192xf32, #tpu.memory_space<hbm>>
      tpu.wait_dma2 semaphore(%run_scoped3A : memref<!tpu.dma_semaphore, #tpu.memory_space<semaphore_mem>>) src(%arg6 : memref<128x192xf32, #tpu.memory_space<vmem>>) dst(%dma_wait3A_26 : memref<128x192xf32, #tpu.memory_space<hbm>>)
      tpu.yield
    }) : () -> ()
    %mul3A_9 = arith.constant 256 : i32
    %mul3A_10 = arith.muli %add3A, %mul3A_9 : i32
    %add3A_11 = arith.constant 128 : i32
    %add3A_12 = arith.addi %mul3A_10, %add3A_11 : i32
    "tpu.region"() ({
      %run_scoped3A = tpu.sem_alloc : memref<!tpu.dma_semaphore, #tpu.memory_space<semaphore_mem>>
      %dma_start3A_19 = tpu.memref_slice %arg3[%add3A_12] : memref<8192xi32, #tpu.memory_space<hbm>> -> memref<128xi32, #tpu.memory_space<hbm>>
      %dma_start3A_20 = tpu.memref_slice %arg3[%add3A_12] : memref<8192xi32, #tpu.memory_space<hbm>> -> memref<128xi32, #tpu.memory_space<hbm>>
      tpu.enqueue_dma source(%dma_start3A_20 : memref<128xi32, #tpu.memory_space<hbm>>) target(%arg5 : memref<128xi32, #tpu.memory_space<vmem>>) target_semaphore(%run_scoped3A : memref<!tpu.dma_semaphore, #tpu.memory_space<semaphore_mem>>)
      %dma_wait3A_21 = tpu.memref_slice %arg3[%add3A_12] : memref<8192xi32, #tpu.memory_space<hbm>> -> memref<128xi32, #tpu.memory_space<hbm>>
      %dma_wait3A_22 = tpu.memref_slice %arg3[%add3A_12] : memref<8192xi32, #tpu.memory_space<hbm>> -> memref<128xi32, #tpu.memory_space<hbm>>
      tpu.wait_dma2 semaphore(%run_scoped3A : memref<!tpu.dma_semaphore, #tpu.memory_space<semaphore_mem>>) src(%dma_wait3A_22 : memref<128xi32, #tpu.memory_space<hbm>>) dst(%arg5 : memref<128xi32, #tpu.memory_space<vmem>>)
      tpu.yield
    }) : () -> ()
    %dma_start3A_13 = arith.constant 0 : i32
    %dma_start3A_14 = arith.constant 0 : i32
    %dma_start3A_15 = tpu.memref_slice %arg2[%dma_start3A_13, %dma_start3A_14] : memref<32768x192xf32, #tpu.memory_space<hbm>> -> memref<32768x192xf32, #tpu.memory_space<hbm>>
    tpu.enqueue_indirect_dma source(%dma_start3A_15 : memref<32768x192xf32, #tpu.memory_space<hbm>>) target(%arg6 : memref<128x192xf32, #tpu.memory_space<vmem>>) offsets(%arg5 : memref<128xi32, #tpu.memory_space<vmem>>) semaphore(%arg7 : memref<!tpu.dma_semaphore, #tpu.memory_space<semaphore_mem>>)
    %dma_wait3A_16 = arith.constant 0 : i32
    %dma_wait3A_17 = arith.constant 0 : i32
    %dma_wait3A_18 = tpu.memref_slice %arg2[%dma_wait3A_16, %dma_wait3A_17] : memref<32768x192xf32, #tpu.memory_space<hbm>> -> memref<32768x192xf32, #tpu.memory_space<hbm>>
    tpu.wait_indirect_dma semaphore(%arg7 : memref<!tpu.dma_semaphore, #tpu.memory_space<semaphore_mem>>) src(%dma_wait3A_18 : memref<32768x192xf32, #tpu.memory_space<hbm>>) dst(%arg6 : memref<128x192xf32, #tpu.memory_space<vmem>>)
    "tpu.region"() ({
      %run_scoped3A = tpu.sem_alloc : memref<!tpu.dma_semaphore, #tpu.memory_space<semaphore_mem>>
      %dma_start3A_19 = arith.constant 0 : i32
      %dma_start3A_20 = tpu.memref_slice %arg4[%add3A_12, %dma_start3A_19] : memref<8192x192xf32, #tpu.memory_space<hbm>> -> memref<128x192xf32, #tpu.memory_space<hbm>>
      %dma_start3A_21 = arith.constant 0 : i32
      %dma_start3A_22 = tpu.memref_slice %arg4[%add3A_12, %dma_start3A_21] : memref<8192x192xf32, #tpu.memory_space<hbm>> -> memref<128x192xf32, #tpu.memory_space<hbm>>
      tpu.enqueue_dma source(%arg6 : memref<128x192xf32, #tpu.memory_space<vmem>>) target(%dma_start3A_22 : memref<128x192xf32, #tpu.memory_space<hbm>>) target_semaphore(%run_scoped3A : memref<!tpu.dma_semaphore, #tpu.memory_space<semaphore_mem>>)
      %dma_wait3A_23 = arith.constant 0 : i32
      %dma_wait3A_24 = tpu.memref_slice %arg4[%add3A_12, %dma_wait3A_23] : memref<8192x192xf32, #tpu.memory_space<hbm>> -> memref<128x192xf32, #tpu.memory_space<hbm>>
      %dma_wait3A_25 = arith.constant 0 : i32
      %dma_wait3A_26 = tpu.memref_slice %arg4[%add3A_12, %dma_wait3A_25] : memref<8192x192xf32, #tpu.memory_space<hbm>> -> memref<128x192xf32, #tpu.memory_space<hbm>>
      tpu.wait_dma2 semaphore(%run_scoped3A : memref<!tpu.dma_semaphore, #tpu.memory_space<semaphore_mem>>) src(%arg6 : memref<128x192xf32, #tpu.memory_space<vmem>>) dst(%dma_wait3A_26 : memref<128x192xf32, #tpu.memory_space<hbm>>)
      tpu.yield
    }) : () -> ()
    return
  }
}

#map = affine_map<(d0, d1) -> (0, 0)>
#map1 = affine_map<(d0, d1) -> (0)>
module attributes {stable_mosaic.version = 14 : i64} {
  func.func @_sc_gather(%arg0: i32, %arg1: i32, %arg2: memref<4096x192xf32, #tpu.memory_space<hbm>>, %arg3: memref<32768xi32, #tpu.memory_space<hbm>>, %arg4: memref<32768x192xf32, #tpu.memory_space<hbm>>, %arg5: memref<128xi32, #tpu.memory_space<vmem>>, %arg6: memref<128x192xf32, #tpu.memory_space<vmem>>, %arg7: memref<!tpu.dma_semaphore, #tpu.memory_space<semaphore_mem>>) attributes {dimension_semantics = [#tpu.dimension_semantics<core_parallel>, #tpu.dimension_semantics<subcore_parallel>], iteration_bounds = array<i64: 2, 16>, scalar_prefetch = 0 : i64, scratch_operands = 3 : i64, tpu.core_type = #tpu.core_type<sc_vector_subcore>, window_params = [{transform_indices = #map}, {transform_indices = #map1}, {transform_indices = #map}]} {
    %mul3A = arith.constant 2 : i32
    %mul3A_0 = arith.muli %arg1, %mul3A : i32
    %add3A = arith.addi %mul3A_0, %arg0 : i32
    %mul3A_1 = arith.constant 1024 : i32
    %mul3A_2 = arith.muli %add3A, %mul3A_1 : i32
    %add3A_3 = arith.constant 0 : i32
    %add3A_4 = arith.addi %mul3A_2, %add3A_3 : i32
    "tpu.region"() ({
      %run_scoped3A = tpu.sem_alloc : memref<!tpu.dma_semaphore, #tpu.memory_space<semaphore_mem>>
      %dma_start3A_79 = tpu.memref_slice %arg3[%add3A_4] : memref<32768xi32, #tpu.memory_space<hbm>> -> memref<128xi32, #tpu.memory_space<hbm>>
      %dma_start3A_80 = tpu.memref_slice %arg3[%add3A_4] : memref<32768xi32, #tpu.memory_space<hbm>> -> memref<128xi32, #tpu.memory_space<hbm>>
      tpu.enqueue_dma source(%dma_start3A_80 : memref<128xi32, #tpu.memory_space<hbm>>) target(%arg5 : memref<128xi32, #tpu.memory_space<vmem>>) target_semaphore(%run_scoped3A : memref<!tpu.dma_semaphore, #tpu.memory_space<semaphore_mem>>)
      %dma_wait3A_81 = tpu.memref_slice %arg3[%add3A_4] : memref<32768xi32, #tpu.memory_space<hbm>> -> memref<128xi32, #tpu.memory_space<hbm>>
      %dma_wait3A_82 = tpu.memref_slice %arg3[%add3A_4] : memref<32768xi32, #tpu.memory_space<hbm>> -> memref<128xi32, #tpu.memory_space<hbm>>
      tpu.wait_dma2 semaphore(%run_scoped3A : memref<!tpu.dma_semaphore, #tpu.memory_space<semaphore_mem>>) src(%dma_wait3A_82 : memref<128xi32, #tpu.memory_space<hbm>>) dst(%arg5 : memref<128xi32, #tpu.memory_space<vmem>>)
      tpu.yield
    }) : () -> ()
    %dma_start3A = arith.constant 0 : i32
    %dma_start3A_5 = arith.constant 0 : i32
    %dma_start3A_6 = tpu.memref_slice %arg2[%dma_start3A, %dma_start3A_5] : memref<4096x192xf32, #tpu.memory_space<hbm>> -> memref<4096x192xf32, #tpu.memory_space<hbm>>
    tpu.enqueue_indirect_dma source(%dma_start3A_6 : memref<4096x192xf32, #tpu.memory_space<hbm>>) target(%arg6 : memref<128x192xf32, #tpu.memory_space<vmem>>) offsets(%arg5 : memref<128xi32, #tpu.memory_space<vmem>>) semaphore(%arg7 : memref<!tpu.dma_semaphore, #tpu.memory_space<semaphore_mem>>)
    %dma_wait3A = arith.constant 0 : i32
    %dma_wait3A_7 = arith.constant 0 : i32
    %dma_wait3A_8 = tpu.memref_slice %arg2[%dma_wait3A, %dma_wait3A_7] : memref<4096x192xf32, #tpu.memory_space<hbm>> -> memref<4096x192xf32, #tpu.memory_space<hbm>>
    tpu.wait_indirect_dma semaphore(%arg7 : memref<!tpu.dma_semaphore, #tpu.memory_space<semaphore_mem>>) src(%dma_wait3A_8 : memref<4096x192xf32, #tpu.memory_space<hbm>>) dst(%arg6 : memref<128x192xf32, #tpu.memory_space<vmem>>)
    "tpu.region"() ({
      %run_scoped3A = tpu.sem_alloc : memref<!tpu.dma_semaphore, #tpu.memory_space<semaphore_mem>>
      %dma_start3A_79 = arith.constant 0 : i32
      %dma_start3A_80 = tpu.memref_slice %arg4[%add3A_4, %dma_start3A_79] : memref<32768x192xf32, #tpu.memory_space<hbm>> -> memref<128x192xf32, #tpu.memory_space<hbm>>
      %dma_start3A_81 = arith.constant 0 : i32
      %dma_start3A_82 = tpu.memref_slice %arg4[%add3A_4, %dma_start3A_81] : memref<32768x192xf32, #tpu.memory_space<hbm>> -> memref<128x192xf32, #tpu.memory_space<hbm>>
      tpu.enqueue_dma source(%arg6 : memref<128x192xf32, #tpu.memory_space<vmem>>) target(%dma_start3A_82 : memref<128x192xf32, #tpu.memory_space<hbm>>) target_semaphore(%run_scoped3A : memref<!tpu.dma_semaphore, #tpu.memory_space<semaphore_mem>>)
      %dma_wait3A_83 = arith.constant 0 : i32
      %dma_wait3A_84 = tpu.memref_slice %arg4[%add3A_4, %dma_wait3A_83] : memref<32768x192xf32, #tpu.memory_space<hbm>> -> memref<128x192xf32, #tpu.memory_space<hbm>>
      %dma_wait3A_85 = arith.constant 0 : i32
      %dma_wait3A_86 = tpu.memref_slice %arg4[%add3A_4, %dma_wait3A_85] : memref<32768x192xf32, #tpu.memory_space<hbm>> -> memref<128x192xf32, #tpu.memory_space<hbm>>
      tpu.wait_dma2 semaphore(%run_scoped3A : memref<!tpu.dma_semaphore, #tpu.memory_space<semaphore_mem>>) src(%arg6 : memref<128x192xf32, #tpu.memory_space<vmem>>) dst(%dma_wait3A_86 : memref<128x192xf32, #tpu.memory_space<hbm>>)
      tpu.yield
    }) : () -> ()
    %mul3A_9 = arith.constant 1024 : i32
    %mul3A_10 = arith.muli %add3A, %mul3A_9 : i32
    %add3A_11 = arith.constant 128 : i32
    %add3A_12 = arith.addi %mul3A_10, %add3A_11 : i32
    "tpu.region"() ({
      %run_scoped3A = tpu.sem_alloc : memref<!tpu.dma_semaphore, #tpu.memory_space<semaphore_mem>>
      %dma_start3A_79 = tpu.memref_slice %arg3[%add3A_12] : memref<32768xi32, #tpu.memory_space<hbm>> -> memref<128xi32, #tpu.memory_space<hbm>>
      %dma_start3A_80 = tpu.memref_slice %arg3[%add3A_12] : memref<32768xi32, #tpu.memory_space<hbm>> -> memref<128xi32, #tpu.memory_space<hbm>>
      tpu.enqueue_dma source(%dma_start3A_80 : memref<128xi32, #tpu.memory_space<hbm>>) target(%arg5 : memref<128xi32, #tpu.memory_space<vmem>>) target_semaphore(%run_scoped3A : memref<!tpu.dma_semaphore, #tpu.memory_space<semaphore_mem>>)
      %dma_wait3A_81 = tpu.memref_slice %arg3[%add3A_12] : memref<32768xi32, #tpu.memory_space<hbm>> -> memref<128xi32, #tpu.memory_space<hbm>>
      %dma_wait3A_82 = tpu.memref_slice %arg3[%add3A_12] : memref<32768xi32, #tpu.memory_space<hbm>> -> memref<128xi32, #tpu.memory_space<hbm>>
      tpu.wait_dma2 semaphore(%run_scoped3A : memref<!tpu.dma_semaphore, #tpu.memory_space<semaphore_mem>>) src(%dma_wait3A_82 : memref<128xi32, #tpu.memory_space<hbm>>) dst(%arg5 : memref<128xi32, #tpu.memory_space<vmem>>)
      tpu.yield
    }) : () -> ()
    %dma_start3A_13 = arith.constant 0 : i32
    %dma_start3A_14 = arith.constant 0 : i32
    %dma_start3A_15 = tpu.memref_slice %arg2[%dma_start3A_13, %dma_start3A_14] : memref<4096x192xf32, #tpu.memory_space<hbm>> -> memref<4096x192xf32, #tpu.memory_space<hbm>>
    tpu.enqueue_indirect_dma source(%dma_start3A_15 : memref<4096x192xf32, #tpu.memory_space<hbm>>) target(%arg6 : memref<128x192xf32, #tpu.memory_space<vmem>>) offsets(%arg5 : memref<128xi32, #tpu.memory_space<vmem>>) semaphore(%arg7 : memref<!tpu.dma_semaphore, #tpu.memory_space<semaphore_mem>>)
    %dma_wait3A_16 = arith.constant 0 : i32
    %dma_wait3A_17 = arith.constant 0 : i32
    %dma_wait3A_18 = tpu.memref_slice %arg2[%dma_wait3A_16, %dma_wait3A_17] : memref<4096x192xf32, #tpu.memory_space<hbm>> -> memref<4096x192xf32, #tpu.memory_space<hbm>>
    tpu.wait_indirect_dma semaphore(%arg7 : memref<!tpu.dma_semaphore, #tpu.memory_space<semaphore_mem>>) src(%dma_wait3A_18 : memref<4096x192xf32, #tpu.memory_space<hbm>>) dst(%arg6 : memref<128x192xf32, #tpu.memory_space<vmem>>)
    "tpu.region"() ({
      %run_scoped3A = tpu.sem_alloc : memref<!tpu.dma_semaphore, #tpu.memory_space<semaphore_mem>>
      %dma_start3A_79 = arith.constant 0 : i32
      %dma_start3A_80 = tpu.memref_slice %arg4[%add3A_12, %dma_start3A_79] : memref<32768x192xf32, #tpu.memory_space<hbm>> -> memref<128x192xf32, #tpu.memory_space<hbm>>
      %dma_start3A_81 = arith.constant 0 : i32
      %dma_start3A_82 = tpu.memref_slice %arg4[%add3A_12, %dma_start3A_81] : memref<32768x192xf32, #tpu.memory_space<hbm>> -> memref<128x192xf32, #tpu.memory_space<hbm>>
      tpu.enqueue_dma source(%arg6 : memref<128x192xf32, #tpu.memory_space<vmem>>) target(%dma_start3A_82 : memref<128x192xf32, #tpu.memory_space<hbm>>) target_semaphore(%run_scoped3A : memref<!tpu.dma_semaphore, #tpu.memory_space<semaphore_mem>>)
      %dma_wait3A_83 = arith.constant 0 : i32
      %dma_wait3A_84 = tpu.memref_slice %arg4[%add3A_12, %dma_wait3A_83] : memref<32768x192xf32, #tpu.memory_space<hbm>> -> memref<128x192xf32, #tpu.memory_space<hbm>>
      %dma_wait3A_85 = arith.constant 0 : i32
      %dma_wait3A_86 = tpu.memref_slice %arg4[%add3A_12, %dma_wait3A_85] : memref<32768x192xf32, #tpu.memory_space<hbm>> -> memref<128x192xf32, #tpu.memory_space<hbm>>
      tpu.wait_dma2 semaphore(%run_scoped3A : memref<!tpu.dma_semaphore, #tpu.memory_space<semaphore_mem>>) src(%arg6 : memref<128x192xf32, #tpu.memory_space<vmem>>) dst(%dma_wait3A_86 : memref<128x192xf32, #tpu.memory_space<hbm>>)
      tpu.yield
    }) : () -> ()
    %mul3A_19 = arith.constant 1024 : i32
    %mul3A_20 = arith.muli %add3A, %mul3A_19 : i32
    %add3A_21 = arith.constant 256 : i32
    %add3A_22 = arith.addi %mul3A_20, %add3A_21 : i32
    "tpu.region"() ({
      %run_scoped3A = tpu.sem_alloc : memref<!tpu.dma_semaphore, #tpu.memory_space<semaphore_mem>>
      %dma_start3A_79 = tpu.memref_slice %arg3[%add3A_22] : memref<32768xi32, #tpu.memory_space<hbm>> -> memref<128xi32, #tpu.memory_space<hbm>>
      %dma_start3A_80 = tpu.memref_slice %arg3[%add3A_22] : memref<32768xi32, #tpu.memory_space<hbm>> -> memref<128xi32, #tpu.memory_space<hbm>>
      tpu.enqueue_dma source(%dma_start3A_80 : memref<128xi32, #tpu.memory_space<hbm>>) target(%arg5 : memref<128xi32, #tpu.memory_space<vmem>>) target_semaphore(%run_scoped3A : memref<!tpu.dma_semaphore, #tpu.memory_space<semaphore_mem>>)
      %dma_wait3A_81 = tpu.memref_slice %arg3[%add3A_22] : memref<32768xi32, #tpu.memory_space<hbm>> -> memref<128xi32, #tpu.memory_space<hbm>>
      %dma_wait3A_82 = tpu.memref_slice %arg3[%add3A_22] : memref<32768xi32, #tpu.memory_space<hbm>> -> memref<128xi32, #tpu.memory_space<hbm>>
      tpu.wait_dma2 semaphore(%run_scoped3A : memref<!tpu.dma_semaphore, #tpu.memory_space<semaphore_mem>>) src(%dma_wait3A_82 : memref<128xi32, #tpu.memory_space<hbm>>) dst(%arg5 : memref<128xi32, #tpu.memory_space<vmem>>)
      tpu.yield
    }) : () -> ()
    %dma_start3A_23 = arith.constant 0 : i32
    %dma_start3A_24 = arith.constant 0 : i32
    %dma_start3A_25 = tpu.memref_slice %arg2[%dma_start3A_23, %dma_start3A_24] : memref<4096x192xf32, #tpu.memory_space<hbm>> -> memref<4096x192xf32, #tpu.memory_space<hbm>>
    tpu.enqueue_indirect_dma source(%dma_start3A_25 : memref<4096x192xf32, #tpu.memory_space<hbm>>) target(%arg6 : memref<128x192xf32, #tpu.memory_space<vmem>>) offsets(%arg5 : memref<128xi32, #tpu.memory_space<vmem>>) semaphore(%arg7 : memref<!tpu.dma_semaphore, #tpu.memory_space<semaphore_mem>>)
    %dma_wait3A_26 = arith.constant 0 : i32
    %dma_wait3A_27 = arith.constant 0 : i32
    %dma_wait3A_28 = tpu.memref_slice %arg2[%dma_wait3A_26, %dma_wait3A_27] : memref<4096x192xf32, #tpu.memory_space<hbm>> -> memref<4096x192xf32, #tpu.memory_space<hbm>>
    tpu.wait_indirect_dma semaphore(%arg7 : memref<!tpu.dma_semaphore, #tpu.memory_space<semaphore_mem>>) src(%dma_wait3A_28 : memref<4096x192xf32, #tpu.memory_space<hbm>>) dst(%arg6 : memref<128x192xf32, #tpu.memory_space<vmem>>)
    "tpu.region"() ({
      %run_scoped3A = tpu.sem_alloc : memref<!tpu.dma_semaphore, #tpu.memory_space<semaphore_mem>>
      %dma_start3A_79 = arith.constant 0 : i32
      %dma_start3A_80 = tpu.memref_slice %arg4[%add3A_22, %dma_start3A_79] : memref<32768x192xf32, #tpu.memory_space<hbm>> -> memref<128x192xf32, #tpu.memory_space<hbm>>
      %dma_start3A_81 = arith.constant 0 : i32
      %dma_start3A_82 = tpu.memref_slice %arg4[%add3A_22, %dma_start3A_81] : memref<32768x192xf32, #tpu.memory_space<hbm>> -> memref<128x192xf32, #tpu.memory_space<hbm>>
      tpu.enqueue_dma source(%arg6 : memref<128x192xf32, #tpu.memory_space<vmem>>) target(%dma_start3A_82 : memref<128x192xf32, #tpu.memory_space<hbm>>) target_semaphore(%run_scoped3A : memref<!tpu.dma_semaphore, #tpu.memory_space<semaphore_mem>>)
      %dma_wait3A_83 = arith.constant 0 : i32
      %dma_wait3A_84 = tpu.memref_slice %arg4[%add3A_22, %dma_wait3A_83] : memref<32768x192xf32, #tpu.memory_space<hbm>> -> memref<128x192xf32, #tpu.memory_space<hbm>>
      %dma_wait3A_85 = arith.constant 0 : i32
      %dma_wait3A_86 = tpu.memref_slice %arg4[%add3A_22, %dma_wait3A_85] : memref<32768x192xf32, #tpu.memory_space<hbm>> -> memref<128x192xf32, #tpu.memory_space<hbm>>
      tpu.wait_dma2 semaphore(%run_scoped3A : memref<!tpu.dma_semaphore, #tpu.memory_space<semaphore_mem>>) src(%arg6 : memref<128x192xf32, #tpu.memory_space<vmem>>) dst(%dma_wait3A_86 : memref<128x192xf32, #tpu.memory_space<hbm>>)
      tpu.yield
    }) : () -> ()
    %mul3A_29 = arith.constant 1024 : i32
    %mul3A_30 = arith.muli %add3A, %mul3A_29 : i32
    %add3A_31 = arith.constant 384 : i32
    %add3A_32 = arith.addi %mul3A_30, %add3A_31 : i32
    "tpu.region"() ({
      %run_scoped3A = tpu.sem_alloc : memref<!tpu.dma_semaphore, #tpu.memory_space<semaphore_mem>>
      %dma_start3A_79 = tpu.memref_slice %arg3[%add3A_32] : memref<32768xi32, #tpu.memory_space<hbm>> -> memref<128xi32, #tpu.memory_space<hbm>>
      %dma_start3A_80 = tpu.memref_slice %arg3[%add3A_32] : memref<32768xi32, #tpu.memory_space<hbm>> -> memref<128xi32, #tpu.memory_space<hbm>>
      tpu.enqueue_dma source(%dma_start3A_80 : memref<128xi32, #tpu.memory_space<hbm>>) target(%arg5 : memref<128xi32, #tpu.memory_space<vmem>>) target_semaphore(%run_scoped3A : memref<!tpu.dma_semaphore, #tpu.memory_space<semaphore_mem>>)
      %dma_wait3A_81 = tpu.memref_slice %arg3[%add3A_32] : memref<32768xi32, #tpu.memory_space<hbm>> -> memref<128xi32, #tpu.memory_space<hbm>>
      %dma_wait3A_82 = tpu.memref_slice %arg3[%add3A_32] : memref<32768xi32, #tpu.memory_space<hbm>> -> memref<128xi32, #tpu.memory_space<hbm>>
      tpu.wait_dma2 semaphore(%run_scoped3A : memref<!tpu.dma_semaphore, #tpu.memory_space<semaphore_mem>>) src(%dma_wait3A_82 : memref<128xi32, #tpu.memory_space<hbm>>) dst(%arg5 : memref<128xi32, #tpu.memory_space<vmem>>)
      tpu.yield
    }) : () -> ()
    %dma_start3A_33 = arith.constant 0 : i32
    %dma_start3A_34 = arith.constant 0 : i32
    %dma_start3A_35 = tpu.memref_slice %arg2[%dma_start3A_33, %dma_start3A_34] : memref<4096x192xf32, #tpu.memory_space<hbm>> -> memref<4096x192xf32, #tpu.memory_space<hbm>>
    tpu.enqueue_indirect_dma source(%dma_start3A_35 : memref<4096x192xf32, #tpu.memory_space<hbm>>) target(%arg6 : memref<128x192xf32, #tpu.memory_space<vmem>>) offsets(%arg5 : memref<128xi32, #tpu.memory_space<vmem>>) semaphore(%arg7 : memref<!tpu.dma_semaphore, #tpu.memory_space<semaphore_mem>>)
    %dma_wait3A_36 = arith.constant 0 : i32
    %dma_wait3A_37 = arith.constant 0 : i32
    %dma_wait3A_38 = tpu.memref_slice %arg2[%dma_wait3A_36, %dma_wait3A_37] : memref<4096x192xf32, #tpu.memory_space<hbm>> -> memref<4096x192xf32, #tpu.memory_space<hbm>>
    tpu.wait_indirect_dma semaphore(%arg7 : memref<!tpu.dma_semaphore, #tpu.memory_space<semaphore_mem>>) src(%dma_wait3A_38 : memref<4096x192xf32, #tpu.memory_space<hbm>>) dst(%arg6 : memref<128x192xf32, #tpu.memory_space<vmem>>)
    "tpu.region"() ({
      %run_scoped3A = tpu.sem_alloc : memref<!tpu.dma_semaphore, #tpu.memory_space<semaphore_mem>>
      %dma_start3A_79 = arith.constant 0 : i32
      %dma_start3A_80 = tpu.memref_slice %arg4[%add3A_32, %dma_start3A_79] : memref<32768x192xf32, #tpu.memory_space<hbm>> -> memref<128x192xf32, #tpu.memory_space<hbm>>
      %dma_start3A_81 = arith.constant 0 : i32
      %dma_start3A_82 = tpu.memref_slice %arg4[%add3A_32, %dma_start3A_81] : memref<32768x192xf32, #tpu.memory_space<hbm>> -> memref<128x192xf32, #tpu.memory_space<hbm>>
      tpu.enqueue_dma source(%arg6 : memref<128x192xf32, #tpu.memory_space<vmem>>) target(%dma_start3A_82 : memref<128x192xf32, #tpu.memory_space<hbm>>) target_semaphore(%run_scoped3A : memref<!tpu.dma_semaphore, #tpu.memory_space<semaphore_mem>>)
      %dma_wait3A_83 = arith.constant 0 : i32
      %dma_wait3A_84 = tpu.memref_slice %arg4[%add3A_32, %dma_wait3A_83] : memref<32768x192xf32, #tpu.memory_space<hbm>> -> memref<128x192xf32, #tpu.memory_space<hbm>>
      %dma_wait3A_85 = arith.constant 0 : i32
      %dma_wait3A_86 = tpu.memref_slice %arg4[%add3A_32, %dma_wait3A_85] : memref<32768x192xf32, #tpu.memory_space<hbm>> -> memref<128x192xf32, #tpu.memory_space<hbm>>
      tpu.wait_dma2 semaphore(%run_scoped3A : memref<!tpu.dma_semaphore, #tpu.memory_space<semaphore_mem>>) src(%arg6 : memref<128x192xf32, #tpu.memory_space<vmem>>) dst(%dma_wait3A_86 : memref<128x192xf32, #tpu.memory_space<hbm>>)
      tpu.yield
    }) : () -> ()
    %mul3A_39 = arith.constant 1024 : i32
    %mul3A_40 = arith.muli %add3A, %mul3A_39 : i32
    %add3A_41 = arith.constant 512 : i32
    %add3A_42 = arith.addi %mul3A_40, %add3A_41 : i32
    "tpu.region"() ({
      %run_scoped3A = tpu.sem_alloc : memref<!tpu.dma_semaphore, #tpu.memory_space<semaphore_mem>>
      %dma_start3A_79 = tpu.memref_slice %arg3[%add3A_42] : memref<32768xi32, #tpu.memory_space<hbm>> -> memref<128xi32, #tpu.memory_space<hbm>>
      %dma_start3A_80 = tpu.memref_slice %arg3[%add3A_42] : memref<32768xi32, #tpu.memory_space<hbm>> -> memref<128xi32, #tpu.memory_space<hbm>>
      tpu.enqueue_dma source(%dma_start3A_80 : memref<128xi32, #tpu.memory_space<hbm>>) target(%arg5 : memref<128xi32, #tpu.memory_space<vmem>>) target_semaphore(%run_scoped3A : memref<!tpu.dma_semaphore, #tpu.memory_space<semaphore_mem>>)
      %dma_wait3A_81 = tpu.memref_slice %arg3[%add3A_42] : memref<32768xi32, #tpu.memory_space<hbm>> -> memref<128xi32, #tpu.memory_space<hbm>>
      %dma_wait3A_82 = tpu.memref_slice %arg3[%add3A_42] : memref<32768xi32, #tpu.memory_space<hbm>> -> memref<128xi32, #tpu.memory_space<hbm>>
      tpu.wait_dma2 semaphore(%run_scoped3A : memref<!tpu.dma_semaphore, #tpu.memory_space<semaphore_mem>>) src(%dma_wait3A_82 : memref<128xi32, #tpu.memory_space<hbm>>) dst(%arg5 : memref<128xi32, #tpu.memory_space<vmem>>)
      tpu.yield
    }) : () -> ()
    %dma_start3A_43 = arith.constant 0 : i32
    %dma_start3A_44 = arith.constant 0 : i32
    %dma_start3A_45 = tpu.memref_slice %arg2[%dma_start3A_43, %dma_start3A_44] : memref<4096x192xf32, #tpu.memory_space<hbm>> -> memref<4096x192xf32, #tpu.memory_space<hbm>>
    tpu.enqueue_indirect_dma source(%dma_start3A_45 : memref<4096x192xf32, #tpu.memory_space<hbm>>) target(%arg6 : memref<128x192xf32, #tpu.memory_space<vmem>>) offsets(%arg5 : memref<128xi32, #tpu.memory_space<vmem>>) semaphore(%arg7 : memref<!tpu.dma_semaphore, #tpu.memory_space<semaphore_mem>>)
    %dma_wait3A_46 = arith.constant 0 : i32
    %dma_wait3A_47 = arith.constant 0 : i32
    %dma_wait3A_48 = tpu.memref_slice %arg2[%dma_wait3A_46, %dma_wait3A_47] : memref<4096x192xf32, #tpu.memory_space<hbm>> -> memref<4096x192xf32, #tpu.memory_space<hbm>>
    tpu.wait_indirect_dma semaphore(%arg7 : memref<!tpu.dma_semaphore, #tpu.memory_space<semaphore_mem>>) src(%dma_wait3A_48 : memref<4096x192xf32, #tpu.memory_space<hbm>>) dst(%arg6 : memref<128x192xf32, #tpu.memory_space<vmem>>)
    "tpu.region"() ({
      %run_scoped3A = tpu.sem_alloc : memref<!tpu.dma_semaphore, #tpu.memory_space<semaphore_mem>>
      %dma_start3A_79 = arith.constant 0 : i32
      %dma_start3A_80 = tpu.memref_slice %arg4[%add3A_42, %dma_start3A_79] : memref<32768x192xf32, #tpu.memory_space<hbm>> -> memref<128x192xf32, #tpu.memory_space<hbm>>
      %dma_start3A_81 = arith.constant 0 : i32
      %dma_start3A_82 = tpu.memref_slice %arg4[%add3A_42, %dma_start3A_81] : memref<32768x192xf32, #tpu.memory_space<hbm>> -> memref<128x192xf32, #tpu.memory_space<hbm>>
      tpu.enqueue_dma source(%arg6 : memref<128x192xf32, #tpu.memory_space<vmem>>) target(%dma_start3A_82 : memref<128x192xf32, #tpu.memory_space<hbm>>) target_semaphore(%run_scoped3A : memref<!tpu.dma_semaphore, #tpu.memory_space<semaphore_mem>>)
      %dma_wait3A_83 = arith.constant 0 : i32
      %dma_wait3A_84 = tpu.memref_slice %arg4[%add3A_42, %dma_wait3A_83] : memref<32768x192xf32, #tpu.memory_space<hbm>> -> memref<128x192xf32, #tpu.memory_space<hbm>>
      %dma_wait3A_85 = arith.constant 0 : i32
      %dma_wait3A_86 = tpu.memref_slice %arg4[%add3A_42, %dma_wait3A_85] : memref<32768x192xf32, #tpu.memory_space<hbm>> -> memref<128x192xf32, #tpu.memory_space<hbm>>
      tpu.wait_dma2 semaphore(%run_scoped3A : memref<!tpu.dma_semaphore, #tpu.memory_space<semaphore_mem>>) src(%arg6 : memref<128x192xf32, #tpu.memory_space<vmem>>) dst(%dma_wait3A_86 : memref<128x192xf32, #tpu.memory_space<hbm>>)
      tpu.yield
    }) : () -> ()
    %mul3A_49 = arith.constant 1024 : i32
    %mul3A_50 = arith.muli %add3A, %mul3A_49 : i32
    %add3A_51 = arith.constant 640 : i32
    %add3A_52 = arith.addi %mul3A_50, %add3A_51 : i32
    "tpu.region"() ({
      %run_scoped3A = tpu.sem_alloc : memref<!tpu.dma_semaphore, #tpu.memory_space<semaphore_mem>>
      %dma_start3A_79 = tpu.memref_slice %arg3[%add3A_52] : memref<32768xi32, #tpu.memory_space<hbm>> -> memref<128xi32, #tpu.memory_space<hbm>>
      %dma_start3A_80 = tpu.memref_slice %arg3[%add3A_52] : memref<32768xi32, #tpu.memory_space<hbm>> -> memref<128xi32, #tpu.memory_space<hbm>>
      tpu.enqueue_dma source(%dma_start3A_80 : memref<128xi32, #tpu.memory_space<hbm>>) target(%arg5 : memref<128xi32, #tpu.memory_space<vmem>>) target_semaphore(%run_scoped3A : memref<!tpu.dma_semaphore, #tpu.memory_space<semaphore_mem>>)
      %dma_wait3A_81 = tpu.memref_slice %arg3[%add3A_52] : memref<32768xi32, #tpu.memory_space<hbm>> -> memref<128xi32, #tpu.memory_space<hbm>>
      %dma_wait3A_82 = tpu.memref_slice %arg3[%add3A_52] : memref<32768xi32, #tpu.memory_space<hbm>> -> memref<128xi32, #tpu.memory_space<hbm>>
      tpu.wait_dma2 semaphore(%run_scoped3A : memref<!tpu.dma_semaphore, #tpu.memory_space<semaphore_mem>>) src(%dma_wait3A_82 : memref<128xi32, #tpu.memory_space<hbm>>) dst(%arg5 : memref<128xi32, #tpu.memory_space<vmem>>)
      tpu.yield
    }) : () -> ()
    %dma_start3A_53 = arith.constant 0 : i32
    %dma_start3A_54 = arith.constant 0 : i32
    %dma_start3A_55 = tpu.memref_slice %arg2[%dma_start3A_53, %dma_start3A_54] : memref<4096x192xf32, #tpu.memory_space<hbm>> -> memref<4096x192xf32, #tpu.memory_space<hbm>>
    tpu.enqueue_indirect_dma source(%dma_start3A_55 : memref<4096x192xf32, #tpu.memory_space<hbm>>) target(%arg6 : memref<128x192xf32, #tpu.memory_space<vmem>>) offsets(%arg5 : memref<128xi32, #tpu.memory_space<vmem>>) semaphore(%arg7 : memref<!tpu.dma_semaphore, #tpu.memory_space<semaphore_mem>>)
    %dma_wait3A_56 = arith.constant 0 : i32
    %dma_wait3A_57 = arith.constant 0 : i32
    %dma_wait3A_58 = tpu.memref_slice %arg2[%dma_wait3A_56, %dma_wait3A_57] : memref<4096x192xf32, #tpu.memory_space<hbm>> -> memref<4096x192xf32, #tpu.memory_space<hbm>>
    tpu.wait_indirect_dma semaphore(%arg7 : memref<!tpu.dma_semaphore, #tpu.memory_space<semaphore_mem>>) src(%dma_wait3A_58 : memref<4096x192xf32, #tpu.memory_space<hbm>>) dst(%arg6 : memref<128x192xf32, #tpu.memory_space<vmem>>)
    "tpu.region"() ({
      %run_scoped3A = tpu.sem_alloc : memref<!tpu.dma_semaphore, #tpu.memory_space<semaphore_mem>>
      %dma_start3A_79 = arith.constant 0 : i32
      %dma_start3A_80 = tpu.memref_slice %arg4[%add3A_52, %dma_start3A_79] : memref<32768x192xf32, #tpu.memory_space<hbm>> -> memref<128x192xf32, #tpu.memory_space<hbm>>
      %dma_start3A_81 = arith.constant 0 : i32
      %dma_start3A_82 = tpu.memref_slice %arg4[%add3A_52, %dma_start3A_81] : memref<32768x192xf32, #tpu.memory_space<hbm>> -> memref<128x192xf32, #tpu.memory_space<hbm>>
      tpu.enqueue_dma source(%arg6 : memref<128x192xf32, #tpu.memory_space<vmem>>) target(%dma_start3A_82 : memref<128x192xf32, #tpu.memory_space<hbm>>) target_semaphore(%run_scoped3A : memref<!tpu.dma_semaphore, #tpu.memory_space<semaphore_mem>>)
      %dma_wait3A_83 = arith.constant 0 : i32
      %dma_wait3A_84 = tpu.memref_slice %arg4[%add3A_52, %dma_wait3A_83] : memref<32768x192xf32, #tpu.memory_space<hbm>> -> memref<128x192xf32, #tpu.memory_space<hbm>>
      %dma_wait3A_85 = arith.constant 0 : i32
      %dma_wait3A_86 = tpu.memref_slice %arg4[%add3A_52, %dma_wait3A_85] : memref<32768x192xf32, #tpu.memory_space<hbm>> -> memref<128x192xf32, #tpu.memory_space<hbm>>
      tpu.wait_dma2 semaphore(%run_scoped3A : memref<!tpu.dma_semaphore, #tpu.memory_space<semaphore_mem>>) src(%arg6 : memref<128x192xf32, #tpu.memory_space<vmem>>) dst(%dma_wait3A_86 : memref<128x192xf32, #tpu.memory_space<hbm>>)
      tpu.yield
    }) : () -> ()
    %mul3A_59 = arith.constant 1024 : i32
    %mul3A_60 = arith.muli %add3A, %mul3A_59 : i32
    %add3A_61 = arith.constant 768 : i32
    %add3A_62 = arith.addi %mul3A_60, %add3A_61 : i32
    "tpu.region"() ({
      %run_scoped3A = tpu.sem_alloc : memref<!tpu.dma_semaphore, #tpu.memory_space<semaphore_mem>>
      %dma_start3A_79 = tpu.memref_slice %arg3[%add3A_62] : memref<32768xi32, #tpu.memory_space<hbm>> -> memref<128xi32, #tpu.memory_space<hbm>>
      %dma_start3A_80 = tpu.memref_slice %arg3[%add3A_62] : memref<32768xi32, #tpu.memory_space<hbm>> -> memref<128xi32, #tpu.memory_space<hbm>>
      tpu.enqueue_dma source(%dma_start3A_80 : memref<128xi32, #tpu.memory_space<hbm>>) target(%arg5 : memref<128xi32, #tpu.memory_space<vmem>>) target_semaphore(%run_scoped3A : memref<!tpu.dma_semaphore, #tpu.memory_space<semaphore_mem>>)
      %dma_wait3A_81 = tpu.memref_slice %arg3[%add3A_62] : memref<32768xi32, #tpu.memory_space<hbm>> -> memref<128xi32, #tpu.memory_space<hbm>>
      %dma_wait3A_82 = tpu.memref_slice %arg3[%add3A_62] : memref<32768xi32, #tpu.memory_space<hbm>> -> memref<128xi32, #tpu.memory_space<hbm>>
      tpu.wait_dma2 semaphore(%run_scoped3A : memref<!tpu.dma_semaphore, #tpu.memory_space<semaphore_mem>>) src(%dma_wait3A_82 : memref<128xi32, #tpu.memory_space<hbm>>) dst(%arg5 : memref<128xi32, #tpu.memory_space<vmem>>)
      tpu.yield
    }) : () -> ()
    %dma_start3A_63 = arith.constant 0 : i32
    %dma_start3A_64 = arith.constant 0 : i32
    %dma_start3A_65 = tpu.memref_slice %arg2[%dma_start3A_63, %dma_start3A_64] : memref<4096x192xf32, #tpu.memory_space<hbm>> -> memref<4096x192xf32, #tpu.memory_space<hbm>>
    tpu.enqueue_indirect_dma source(%dma_start3A_65 : memref<4096x192xf32, #tpu.memory_space<hbm>>) target(%arg6 : memref<128x192xf32, #tpu.memory_space<vmem>>) offsets(%arg5 : memref<128xi32, #tpu.memory_space<vmem>>) semaphore(%arg7 : memref<!tpu.dma_semaphore, #tpu.memory_space<semaphore_mem>>)
    %dma_wait3A_66 = arith.constant 0 : i32
    %dma_wait3A_67 = arith.constant 0 : i32
    %dma_wait3A_68 = tpu.memref_slice %arg2[%dma_wait3A_66, %dma_wait3A_67] : memref<4096x192xf32, #tpu.memory_space<hbm>> -> memref<4096x192xf32, #tpu.memory_space<hbm>>
    tpu.wait_indirect_dma semaphore(%arg7 : memref<!tpu.dma_semaphore, #tpu.memory_space<semaphore_mem>>) src(%dma_wait3A_68 : memref<4096x192xf32, #tpu.memory_space<hbm>>) dst(%arg6 : memref<128x192xf32, #tpu.memory_space<vmem>>)
    "tpu.region"() ({
      %run_scoped3A = tpu.sem_alloc : memref<!tpu.dma_semaphore, #tpu.memory_space<semaphore_mem>>
      %dma_start3A_79 = arith.constant 0 : i32
      %dma_start3A_80 = tpu.memref_slice %arg4[%add3A_62, %dma_start3A_79] : memref<32768x192xf32, #tpu.memory_space<hbm>> -> memref<128x192xf32, #tpu.memory_space<hbm>>
      %dma_start3A_81 = arith.constant 0 : i32
      %dma_start3A_82 = tpu.memref_slice %arg4[%add3A_62, %dma_start3A_81] : memref<32768x192xf32, #tpu.memory_space<hbm>> -> memref<128x192xf32, #tpu.memory_space<hbm>>
      tpu.enqueue_dma source(%arg6 : memref<128x192xf32, #tpu.memory_space<vmem>>) target(%dma_start3A_82 : memref<128x192xf32, #tpu.memory_space<hbm>>) target_semaphore(%run_scoped3A : memref<!tpu.dma_semaphore, #tpu.memory_space<semaphore_mem>>)
      %dma_wait3A_83 = arith.constant 0 : i32
      %dma_wait3A_84 = tpu.memref_slice %arg4[%add3A_62, %dma_wait3A_83] : memref<32768x192xf32, #tpu.memory_space<hbm>> -> memref<128x192xf32, #tpu.memory_space<hbm>>
      %dma_wait3A_85 = arith.constant 0 : i32
      %dma_wait3A_86 = tpu.memref_slice %arg4[%add3A_62, %dma_wait3A_85] : memref<32768x192xf32, #tpu.memory_space<hbm>> -> memref<128x192xf32, #tpu.memory_space<hbm>>
      tpu.wait_dma2 semaphore(%run_scoped3A : memref<!tpu.dma_semaphore, #tpu.memory_space<semaphore_mem>>) src(%arg6 : memref<128x192xf32, #tpu.memory_space<vmem>>) dst(%dma_wait3A_86 : memref<128x192xf32, #tpu.memory_space<hbm>>)
      tpu.yield
    }) : () -> ()
    %mul3A_69 = arith.constant 1024 : i32
    %mul3A_70 = arith.muli %add3A, %mul3A_69 : i32
    %add3A_71 = arith.constant 896 : i32
    %add3A_72 = arith.addi %mul3A_70, %add3A_71 : i32
    "tpu.region"() ({
      %run_scoped3A = tpu.sem_alloc : memref<!tpu.dma_semaphore, #tpu.memory_space<semaphore_mem>>
      %dma_start3A_79 = tpu.memref_slice %arg3[%add3A_72] : memref<32768xi32, #tpu.memory_space<hbm>> -> memref<128xi32, #tpu.memory_space<hbm>>
      %dma_start3A_80 = tpu.memref_slice %arg3[%add3A_72] : memref<32768xi32, #tpu.memory_space<hbm>> -> memref<128xi32, #tpu.memory_space<hbm>>
      tpu.enqueue_dma source(%dma_start3A_80 : memref<128xi32, #tpu.memory_space<hbm>>) target(%arg5 : memref<128xi32, #tpu.memory_space<vmem>>) target_semaphore(%run_scoped3A : memref<!tpu.dma_semaphore, #tpu.memory_space<semaphore_mem>>)
      %dma_wait3A_81 = tpu.memref_slice %arg3[%add3A_72] : memref<32768xi32, #tpu.memory_space<hbm>> -> memref<128xi32, #tpu.memory_space<hbm>>
      %dma_wait3A_82 = tpu.memref_slice %arg3[%add3A_72] : memref<32768xi32, #tpu.memory_space<hbm>> -> memref<128xi32, #tpu.memory_space<hbm>>
      tpu.wait_dma2 semaphore(%run_scoped3A : memref<!tpu.dma_semaphore, #tpu.memory_space<semaphore_mem>>) src(%dma_wait3A_82 : memref<128xi32, #tpu.memory_space<hbm>>) dst(%arg5 : memref<128xi32, #tpu.memory_space<vmem>>)
      tpu.yield
    }) : () -> ()
    %dma_start3A_73 = arith.constant 0 : i32
    %dma_start3A_74 = arith.constant 0 : i32
    %dma_start3A_75 = tpu.memref_slice %arg2[%dma_start3A_73, %dma_start3A_74] : memref<4096x192xf32, #tpu.memory_space<hbm>> -> memref<4096x192xf32, #tpu.memory_space<hbm>>
    tpu.enqueue_indirect_dma source(%dma_start3A_75 : memref<4096x192xf32, #tpu.memory_space<hbm>>) target(%arg6 : memref<128x192xf32, #tpu.memory_space<vmem>>) offsets(%arg5 : memref<128xi32, #tpu.memory_space<vmem>>) semaphore(%arg7 : memref<!tpu.dma_semaphore, #tpu.memory_space<semaphore_mem>>)
    %dma_wait3A_76 = arith.constant 0 : i32
    %dma_wait3A_77 = arith.constant 0 : i32
    %dma_wait3A_78 = tpu.memref_slice %arg2[%dma_wait3A_76, %dma_wait3A_77] : memref<4096x192xf32, #tpu.memory_space<hbm>> -> memref<4096x192xf32, #tpu.memory_space<hbm>>
    tpu.wait_indirect_dma semaphore(%arg7 : memref<!tpu.dma_semaphore, #tpu.memory_space<semaphore_mem>>) src(%dma_wait3A_78 : memref<4096x192xf32, #tpu.memory_space<hbm>>) dst(%arg6 : memref<128x192xf32, #tpu.memory_space<vmem>>)
    "tpu.region"() ({
      %run_scoped3A = tpu.sem_alloc : memref<!tpu.dma_semaphore, #tpu.memory_space<semaphore_mem>>
      %dma_start3A_79 = arith.constant 0 : i32
      %dma_start3A_80 = tpu.memref_slice %arg4[%add3A_72, %dma_start3A_79] : memref<32768x192xf32, #tpu.memory_space<hbm>> -> memref<128x192xf32, #tpu.memory_space<hbm>>
      %dma_start3A_81 = arith.constant 0 : i32
      %dma_start3A_82 = tpu.memref_slice %arg4[%add3A_72, %dma_start3A_81] : memref<32768x192xf32, #tpu.memory_space<hbm>> -> memref<128x192xf32, #tpu.memory_space<hbm>>
      tpu.enqueue_dma source(%arg6 : memref<128x192xf32, #tpu.memory_space<vmem>>) target(%dma_start3A_82 : memref<128x192xf32, #tpu.memory_space<hbm>>) target_semaphore(%run_scoped3A : memref<!tpu.dma_semaphore, #tpu.memory_space<semaphore_mem>>)
      %dma_wait3A_83 = arith.constant 0 : i32
      %dma_wait3A_84 = tpu.memref_slice %arg4[%add3A_72, %dma_wait3A_83] : memref<32768x192xf32, #tpu.memory_space<hbm>> -> memref<128x192xf32, #tpu.memory_space<hbm>>
      %dma_wait3A_85 = arith.constant 0 : i32
      %dma_wait3A_86 = tpu.memref_slice %arg4[%add3A_72, %dma_wait3A_85] : memref<32768x192xf32, #tpu.memory_space<hbm>> -> memref<128x192xf32, #tpu.memory_space<hbm>>
      tpu.wait_dma2 semaphore(%run_scoped3A : memref<!tpu.dma_semaphore, #tpu.memory_space<semaphore_mem>>) src(%arg6 : memref<128x192xf32, #tpu.memory_space<vmem>>) dst(%dma_wait3A_86 : memref<128x192xf32, #tpu.memory_space<hbm>>)
      tpu.yield
    }) : () -> ()
    return
  }
}

module attributes {stable_mosaic.version = 14 : i64} {
  func.func @_mamba_body(%arg0: i32, %arg1: i32, %arg2: memref<1x1x1x1xi32, #tpu.memory_space<smem>>, %arg3: memref<1x1x2048x192xf32, #tpu.memory_space<vmem>>, %arg4: memref<1x1x2048x1xf32, #tpu.memory_space<vmem>>, %arg5: memref<1x192x768xf32, #tpu.memory_space<vmem>>, %arg6: memref<1x384x4xf32, #tpu.memory_space<vmem>>, %arg7: memref<1x1x384xf32, #tpu.memory_space<vmem>>, %arg8: memref<1x384x44xf32, #tpu.memory_space<vmem>>, %arg9: memref<1x12x384xf32, #tpu.memory_space<vmem>>, %arg10: memref<1x1x384xf32, #tpu.memory_space<vmem>>, %arg11: memref<1x384x16xf32, #tpu.memory_space<vmem>>, %arg12: memref<1x1x384xf32, #tpu.memory_space<vmem>>, %arg13: memref<1x384x192xf32, #tpu.memory_space<vmem>>, %arg14: memref<1x1x2048x192xf32, #tpu.memory_space<vmem>>, %arg15: memref<2048x384xf32, #tpu.memory_space<vmem>>, %arg16: memref<2048x384xf32, #tpu.memory_space<vmem>>, %arg17: memref<2048x16xf32, #tpu.memory_space<vmem>>, %arg18: memref<2048x16xf32, #tpu.memory_space<vmem>>, %arg19: memref<2048x384xf32, #tpu.memory_space<vmem>>) attributes {dimension_semantics = [#tpu.dimension_semantics<arbitrary>, #tpu.dimension_semantics<arbitrary>], iteration_bounds = array<i64: 2, 8>, scalar_prefetch = 0 : i64, scratch_operands = 5 : i64, tpu.core_type = #tpu.core_type<tc>, window_params = [{transform_indices = @transform_0, window_bounds = array<i64: 1, 1, 1, 1>}, {transform_indices = @transform_1, window_bounds = array<i64: 1, 1, 2048, 192>}, {transform_indices = @transform_2, window_bounds = array<i64: 1, 1, 2048, 1>}, {transform_indices = @transform_3, window_bounds = array<i64: 1, 192, 768>}, {transform_indices = @transform_4, window_bounds = array<i64: 1, 384, 4>}, {transform_indices = @transform_5, window_bounds = array<i64: 1, 1, 384>}, {transform_indices = @transform_6, window_bounds = array<i64: 1, 384, 44>}, {transform_indices = @transform_7, window_bounds = array<i64: 1, 12, 384>}, {transform_indices = @transform_8, window_bounds = array<i64: 1, 1, 384>}, {transform_indices = @transform_9, window_bounds = array<i64: 1, 384, 16>}, {transform_indices = @transform_10, window_bounds = array<i64: 1, 1, 384>}, {transform_indices = @transform_11, window_bounds = array<i64: 1, 384, 192>}, {transform_indices = @transform_12, window_bounds = array<i64: 1, 1, 2048, 192>}]} {
    %get3A = arith.constant 0 : index
    %get3A_0 = arith.constant 0 : index
    %get3A_1 = arith.constant 0 : index
    %get3A_2 = arith.constant 0 : index
    %get3A_3 = vector.load %arg3[%get3A, %get3A_0, %get3A_1, %get3A_2] : memref<1x1x2048x192xf32, #tpu.memory_space<vmem>>, vector<1x1x2048x192xf32>
    %get3A_4 = vector.shape_cast %get3A_3 : vector<1x1x2048x192xf32> to vector<2048x192xf32>
    %get3A_5 = arith.constant 0 : index
    %get3A_6 = arith.constant 0 : index
    %get3A_7 = arith.constant 0 : index
    %get3A_8 = vector.load %arg5[%get3A_5, %get3A_6, %get3A_7] : memref<1x192x768xf32, #tpu.memory_space<vmem>>, vector<1x192x768xf32>
    %get3A_9 = vector.shape_cast %get3A_8 : vector<1x192x768xf32> to vector<192x768xf32>
    %dot_general3A = arith.constant dense<0.000000e+00> : vector<2048x768xf32>
    %dot_general3A_10 = tpu.matmul %get3A_4, %get3A_9, %dot_general3A {dimension_numbers = #tpu.dot_dimension_numbers<[1], [0], [0], [1], [0, 0, 1, 1], [], []>, transpose_lhs_hint = false} : vector<2048x192xf32>, vector<192x768xf32>, vector<2048x768xf32> -> vector<2048x768xf32>
    %slice3A = vector.extract_strided_slice %dot_general3A_10 {offsets = [0, 0], sizes = [2048, 384], strides = [1, 1]} : vector<2048x768xf32> to vector<2048x384xf32>
    %slice3A_11 = vector.extract_strided_slice %dot_general3A_10 {offsets = [0, 384], sizes = [2048, 384], strides = [1, 1]} : vector<2048x768xf32> to vector<2048x384xf32>
    %get3A_12 = arith.constant 0 : index
    %get3A_13 = arith.constant 0 : index
    %get3A_14 = arith.constant 0 : index
    %get3A_15 = vector.load %arg6[%get3A_12, %get3A_13, %get3A_14] : memref<1x384x4xf32, #tpu.memory_space<vmem>>, vector<1x384x4xf32>
    %get3A_16 = vector.shape_cast %get3A_15 : vector<1x384x4xf32> to vector<384x4xf32>
    %get3A_17 = arith.constant 0 : index
    %get3A_18 = arith.constant 0 : index
    %get3A_19 = arith.constant 0 : index
    %get3A_20 = vector.load %arg7[%get3A_17, %get3A_18, %get3A_19] : memref<1x1x384xf32, #tpu.memory_space<vmem>>, vector<1x1x384xf32>
    %get3A_21 = vector.shape_cast %get3A_20 : vector<1x1x384xf32> to vector<384xf32>
    %broadcast_in_dim3A = vector.shape_cast %get3A_21 : vector<384xf32> to vector<1x384xf32>
    %broadcast_in_dim3A_22 = vector.shape_cast %broadcast_in_dim3A : vector<1x384xf32> to vector<1x384xf32>
    %broadcast_in_dim3A_23 = vector.broadcast %broadcast_in_dim3A_22 : vector<1x384xf32> to vector<2048x384xf32>
    %broadcast_in_dim3A_24 = arith.constant 0.000000e+00 : f32
    %broadcast_in_dim3A_25 = vector.broadcast %broadcast_in_dim3A_24 : f32 to vector<3x384xf32>
    %slice3A_26 = vector.extract_strided_slice %slice3A {offsets = [0, 0], sizes = [2045, 384], strides = [1, 1]} : vector<2048x384xf32> to vector<2045x384xf32>
    %concatenate3A = tpu.concatenate %broadcast_in_dim3A_25, %slice3A_26 in 0 : vector<3x384xf32>, vector<2045x384xf32> -> vector<2048x384xf32>
    %slice3A_27 = vector.extract_strided_slice %get3A_16 {offsets = [0, 0], sizes = [384, 1], strides = [1, 1]} : vector<384x4xf32> to vector<384x1xf32>
    %squeeze3A = vector.shape_cast %slice3A_27 : vector<384x1xf32> to vector<384xf32>
    %broadcast_in_dim3A_28 = vector.shape_cast %squeeze3A : vector<384xf32> to vector<1x384xf32>
    %mul3A = vector.broadcast %broadcast_in_dim3A_28 : vector<1x384xf32> to vector<2048x384xf32>
    %mul3A_29 = arith.mulf %concatenate3A, %mul3A : vector<2048x384xf32>
    %add3A = arith.addf %broadcast_in_dim3A_23, %mul3A_29 : vector<2048x384xf32>
    %broadcast_in_dim3A_30 = arith.constant 0.000000e+00 : f32
    %broadcast_in_dim3A_31 = vector.broadcast %broadcast_in_dim3A_30 : f32 to vector<2x384xf32>
    %slice3A_32 = vector.extract_strided_slice %slice3A {offsets = [0, 0], sizes = [2046, 384], strides = [1, 1]} : vector<2048x384xf32> to vector<2046x384xf32>
    %concatenate3A_33 = tpu.concatenate %broadcast_in_dim3A_31, %slice3A_32 in 0 : vector<2x384xf32>, vector<2046x384xf32> -> vector<2048x384xf32>
    %slice3A_34 = vector.extract_strided_slice %get3A_16 {offsets = [0, 1], sizes = [384, 1], strides = [1, 1]} : vector<384x4xf32> to vector<384x1xf32>
    %squeeze3A_35 = vector.shape_cast %slice3A_34 : vector<384x1xf32> to vector<384xf32>
    %broadcast_in_dim3A_36 = vector.shape_cast %squeeze3A_35 : vector<384xf32> to vector<1x384xf32>
    %mul3A_37 = vector.broadcast %broadcast_in_dim3A_36 : vector<1x384xf32> to vector<2048x384xf32>
    %mul3A_38 = arith.mulf %concatenate3A_33, %mul3A_37 : vector<2048x384xf32>
    %add3A_39 = arith.addf %add3A, %mul3A_38 : vector<2048x384xf32>
    %broadcast_in_dim3A_40 = arith.constant 0.000000e+00 : f32
    %broadcast_in_dim3A_41 = vector.broadcast %broadcast_in_dim3A_40 : f32 to vector<1x384xf32>
    %slice3A_42 = vector.extract_strided_slice %slice3A {offsets = [0, 0], sizes = [2047, 384], strides = [1, 1]} : vector<2048x384xf32> to vector<2047x384xf32>
    %concatenate3A_43 = tpu.concatenate %broadcast_in_dim3A_41, %slice3A_42 in 0 : vector<1x384xf32>, vector<2047x384xf32> -> vector<2048x384xf32>
    %slice3A_44 = vector.extract_strided_slice %get3A_16 {offsets = [0, 2], sizes = [384, 1], strides = [1, 1]} : vector<384x4xf32> to vector<384x1xf32>
    %squeeze3A_45 = vector.shape_cast %slice3A_44 : vector<384x1xf32> to vector<384xf32>
    %broadcast_in_dim3A_46 = vector.shape_cast %squeeze3A_45 : vector<384xf32> to vector<1x384xf32>
    %mul3A_47 = vector.broadcast %broadcast_in_dim3A_46 : vector<1x384xf32> to vector<2048x384xf32>
    %mul3A_48 = arith.mulf %concatenate3A_43, %mul3A_47 : vector<2048x384xf32>
    %add3A_49 = arith.addf %add3A_39, %mul3A_48 : vector<2048x384xf32>
    %slice3A_50 = vector.extract_strided_slice %get3A_16 {offsets = [0, 3], sizes = [384, 1], strides = [1, 1]} : vector<384x4xf32> to vector<384x1xf32>
    %squeeze3A_51 = vector.shape_cast %slice3A_50 : vector<384x1xf32> to vector<384xf32>
    %broadcast_in_dim3A_52 = vector.shape_cast %squeeze3A_51 : vector<384xf32> to vector<1x384xf32>
    %mul3A_53 = vector.broadcast %broadcast_in_dim3A_52 : vector<1x384xf32> to vector<2048x384xf32>
    %mul3A_54 = arith.mulf %slice3A, %mul3A_53 : vector<2048x384xf32>
    %add3A_55 = arith.addf %add3A_49, %mul3A_54 : vector<2048x384xf32>
    %logistic3A = arith.negf %add3A_55 : vector<2048x384xf32>
    %logistic3A_56 = math.exp %logistic3A : vector<2048x384xf32>
    %logistic3A_57 = arith.constant 1.000000e+00 : f32
    %logistic3A_58 = vector.broadcast %logistic3A_57 : f32 to vector<2048x384xf32>
    %logistic3A_59 = arith.addf %logistic3A_58, %logistic3A_56 : vector<2048x384xf32>
    %logistic3A_60 = arith.divf %logistic3A_58, %logistic3A_59 : vector<2048x384xf32>
    %mul3A_61 = arith.mulf %add3A_55, %logistic3A_60 : vector<2048x384xf32>
    %get3A_62 = arith.constant 0 : index
    %get3A_63 = arith.constant 0 : index
    %get3A_64 = arith.constant 0 : index
    %get3A_65 = vector.load %arg8[%get3A_62, %get3A_63, %get3A_64] : memref<1x384x44xf32, #tpu.memory_space<vmem>>, vector<1x384x44xf32>
    %get3A_66 = vector.shape_cast %get3A_65 : vector<1x384x44xf32> to vector<384x44xf32>
    %dot_general3A_67 = arith.constant dense<0.000000e+00> : vector<2048x44xf32>
    %dot_general3A_68 = tpu.matmul %mul3A_61, %get3A_66, %dot_general3A_67 {dimension_numbers = #tpu.dot_dimension_numbers<[1], [0], [0], [1], [0, 0, 1, 1], [], []>, transpose_lhs_hint = false} : vector<2048x384xf32>, vector<384x44xf32>, vector<2048x44xf32> -> vector<2048x44xf32>
    %get3A_69 = arith.constant 0 : index
    %get3A_70 = arith.constant 0 : index
    %get3A_71 = arith.constant 0 : index
    %get3A_72 = vector.load %arg9[%get3A_69, %get3A_70, %get3A_71] : memref<1x12x384xf32, #tpu.memory_space<vmem>>, vector<1x12x384xf32>
    %get3A_73 = vector.shape_cast %get3A_72 : vector<1x12x384xf32> to vector<12x384xf32>
    %get3A_74 = arith.constant 0 : index
    %get3A_75 = arith.constant 0 : index
    %get3A_76 = arith.constant 0 : index
    %get3A_77 = vector.load %arg10[%get3A_74, %get3A_75, %get3A_76] : memref<1x1x384xf32, #tpu.memory_space<vmem>>, vector<1x1x384xf32>
    %get3A_78 = vector.shape_cast %get3A_77 : vector<1x1x384xf32> to vector<384xf32>
    %slice3A_79 = vector.extract_strided_slice %dot_general3A_68 {offsets = [0, 0], sizes = [2048, 12], strides = [1, 1]} : vector<2048x44xf32> to vector<2048x12xf32>
    %dot_general3A_80 = arith.constant dense<0.000000e+00> : vector<2048x384xf32>
    %dot_general3A_81 = tpu.matmul %slice3A_79, %get3A_73, %dot_general3A_80 {dimension_numbers = #tpu.dot_dimension_numbers<[1], [0], [0], [1], [0, 0, 1, 1], [], []>, transpose_lhs_hint = false} : vector<2048x12xf32>, vector<12x384xf32>, vector<2048x384xf32> -> vector<2048x384xf32>
    %broadcast_in_dim3A_82 = vector.shape_cast %get3A_78 : vector<384xf32> to vector<1x384xf32>
    %add3A_83 = vector.broadcast %broadcast_in_dim3A_82 : vector<1x384xf32> to vector<2048x384xf32>
    %add3A_84 = arith.addf %dot_general3A_81, %add3A_83 : vector<2048x384xf32>
    %gt3A = arith.constant 2.000000e+01 : f32
    %gt3A_85 = vector.broadcast %gt3A : f32 to vector<2048x384xf32>
    %gt3A_86 = arith.cmpf ogt, %add3A_84, %gt3A_85 : vector<2048x384xf32>
    %min3A = arith.constant 2.000000e+01 : f32
    %min3A_87 = vector.broadcast %min3A : f32 to vector<2048x384xf32>
    %min3A_88 = arith.minimumf %add3A_84, %min3A_87 : vector<2048x384xf32>
    %exp3A = math.exp %min3A_88 : vector<2048x384xf32>
    %log1p3A = math.log1p %exp3A : vector<2048x384xf32>
    %select_n3A = arith.select %gt3A_86, %add3A_84, %log1p3A : vector<2048x384xi1>, vector<2048x384xf32>
    %swap3A = arith.constant 0 : index
    %swap3A_89 = arith.constant 0 : index
    %swap3A_90 = vector.load %arg15[%swap3A, %swap3A_89] : memref<2048x384xf32, #tpu.memory_space<vmem>>, vector<2048x384xf32>
    tpu.vector_store %arg15[%swap3A, %swap3A_89], %select_n3A {strides = array<i32>} : memref<2048x384xf32, #tpu.memory_space<vmem>>, vector<2048x384xf32>,
    %mul3A_91 = arith.mulf %select_n3A, %mul3A_61 : vector<2048x384xf32>
    %swap3A_92 = arith.constant 0 : index
    %swap3A_93 = arith.constant 0 : index
    %swap3A_94 = vector.load %arg16[%swap3A_92, %swap3A_93] : memref<2048x384xf32, #tpu.memory_space<vmem>>, vector<2048x384xf32>
    tpu.vector_store %arg16[%swap3A_92, %swap3A_93], %mul3A_91 {strides = array<i32>} : memref<2048x384xf32, #tpu.memory_space<vmem>>, vector<2048x384xf32>,
    %slice3A_95 = vector.extract_strided_slice %dot_general3A_68 {offsets = [0, 12], sizes = [2048, 16], strides = [1, 1]} : vector<2048x44xf32> to vector<2048x16xf32>
    %swap3A_96 = arith.constant 0 : index
    %swap3A_97 = arith.constant 0 : index
    %swap3A_98 = vector.load %arg17[%swap3A_96, %swap3A_97] : memref<2048x16xf32, #tpu.memory_space<vmem>>, vector<2048x16xf32>
    tpu.vector_store %arg17[%swap3A_96, %swap3A_97], %slice3A_95 {strides = array<i32>} : memref<2048x16xf32, #tpu.memory_space<vmem>>, vector<2048x16xf32>,
    %slice3A_99 = vector.extract_strided_slice %dot_general3A_68 {offsets = [0, 28], sizes = [2048, 16], strides = [1, 1]} : vector<2048x44xf32> to vector<2048x16xf32>
    %swap3A_100 = arith.constant 0 : index
    %swap3A_101 = arith.constant 0 : index
    %swap3A_102 = vector.load %arg18[%swap3A_100, %swap3A_101] : memref<2048x16xf32, #tpu.memory_space<vmem>>, vector<2048x16xf32>
    tpu.vector_store %arg18[%swap3A_100, %swap3A_101], %slice3A_99 {strides = array<i32>} : memref<2048x16xf32, #tpu.memory_space<vmem>>, vector<2048x16xf32>,
    %get3A_103 = arith.constant 0 : index
    %get3A_104 = arith.constant 0 : index
    %get3A_105 = arith.constant 0 : index
    %get3A_106 = vector.load %arg11[%get3A_103, %get3A_104, %get3A_105] : memref<1x384x16xf32, #tpu.memory_space<vmem>>, vector<1x384x16xf32>
    %get3A_107 = vector.shape_cast %get3A_106 : vector<1x384x16xf32> to vector<384x16xf32>
    %exp3A_108 = math.exp %get3A_107 : vector<384x16xf32>
    %neg3A = arith.constant 0.000000e+00 : f32
    %neg3A_109 = vector.broadcast %neg3A : f32 to vector<384x16xf32>
    %neg3A_110 = arith.subf %neg3A_109, %exp3A_108 : vector<384x16xf32>
    %broadcast_in_dim3A_111 = arith.constant 0.000000e+00 : f32
    %broadcast_in_dim3A_112 = vector.broadcast %broadcast_in_dim3A_111 : f32 to vector<2048x384xf32>
    %swap3A_113 = arith.constant 0 : index
    %swap3A_114 = arith.constant 0 : index
    %swap3A_115 = vector.load %arg19[%swap3A_113, %swap3A_114] : memref<2048x384xf32, #tpu.memory_space<vmem>>, vector<2048x384xf32>
    tpu.vector_store %arg19[%swap3A_113, %swap3A_114], %broadcast_in_dim3A_112 {strides = array<i32>} : memref<2048x384xf32, #tpu.memory_space<vmem>>, vector<2048x384xf32>,
    %get3A_116 = arith.constant 0 : index
    %get3A_117 = arith.constant 0 : index
    %get3A_118 = arith.constant 0 : index
    %get3A_119 = arith.constant 0 : index
    %get3A_120 = memref.load %arg2[%get3A_116, %get3A_117, %get3A_118, %get3A_119] : memref<1x1x1x1xi32, #tpu.memory_space<smem>>
    %add3A_121 = arith.constant 128 : i32
    %add3A_122 = arith.addi %get3A_120, %add3A_121 : i32
    %sub3A = arith.constant 1 : i32
    %sub3A_123 = arith.subi %add3A_122, %sub3A : i32
    %jit3A = arith.constant 128 : i32
    %div3A = arith.divsi %sub3A_123, %jit3A : i32
    %sign3A = arith.constant 0 : i32
    %sign3A_124 = arith.cmpi sgt, %sub3A_123, %sign3A : i32
    %sign3A_125 = arith.extui %sign3A_124 : i1 to i32
    %sign3A_126 = arith.constant 0 : i32
    %sign3A_127 = arith.cmpi slt, %sub3A_123, %sign3A_126 : i32
    %sign3A_128 = arith.extui %sign3A_127 : i1 to i32
    %sign3A_129 = arith.subi %sign3A_125, %sign3A_128 : i32
    %sign3A_130 = arith.constant 0 : i32
    %sign3A_131 = arith.cmpi sgt, %jit3A, %sign3A_130 : i32
    %sign3A_132 = arith.extui %sign3A_131 : i1 to i32
    %sign3A_133 = arith.constant 0 : i32
    %sign3A_134 = arith.cmpi slt, %jit3A, %sign3A_133 : i32
    %sign3A_135 = arith.extui %sign3A_134 : i1 to i32
    %sign3A_136 = arith.subi %sign3A_132, %sign3A_135 : i32
    %ne3A = arith.cmpi ne, %sign3A_129, %sign3A_136 : i32
    %rem3A = arith.remsi %sub3A_123, %jit3A : i32
    %ne3A_137 = arith.constant 0 : i32
    %ne3A_138 = arith.cmpi ne, %rem3A, %ne3A_137 : i32
    %and3A = arith.andi %ne3A, %ne3A_138 : i1
    %sub3A_139 = arith.constant 1 : i32
    %sub3A_140 = arith.subi %div3A, %sub3A_139 : i32
    %select_n3A_141 = arith.select %and3A, %sub3A_140, %div3A : i32
    %broadcast_in_dim3A_142 = arith.constant 0.000000e+00 : f32
    %broadcast_in_dim3A_143 = vector.broadcast %broadcast_in_dim3A_142 : f32 to vector<16x384xf32>
    %while3A = arith.constant 0 : i32
    %while3A_144 = arith.subi %select_n3A_141, %while3A : i32
    %while3A_145 = arith.addi %while3A, %while3A_144 : i32
    %while3A_146 = arith.constant 1 : i32
    %while3A_147 = arith.divsi %while3A_144, %while3A_146 : i32
    %while3A_148 = arith.muli %while3A_147, %while3A_146 : i32
    %while3A_149 = arith.addi %while3A, %while3A_148 : i32
    %while3A_150 = arith.constant 1 : i32
    %while3A_151 = scf.for %while3A_196 = %while3A to %while3A_149 step %while3A_150 iter_args(%while3A_197 = %broadcast_in_dim3A_143) -> (vector<16x384xf32>)  : i32 {
      %mul3A_198 = arith.constant 128 : i32
      %mul3A_199 = arith.muli %while3A_196, %mul3A_198 : i32
      %get3A_200 = arith.index_cast %mul3A_199 : i32 to index
      %get3A_201 = arith.constant 0 : index
      %get3A_202 = vector.load %arg15[%get3A_200, %get3A_201] : memref<2048x384xf32, #tpu.memory_space<vmem>>, vector<128x384xf32>
      %get3A_203 = arith.index_cast %mul3A_199 : i32 to index
      %get3A_204 = arith.constant 0 : index
      %get3A_205 = vector.load %arg16[%get3A_203, %get3A_204] : memref<2048x384xf32, #tpu.memory_space<vmem>>, vector<128x384xf32>
      %get3A_206 = arith.index_cast %mul3A_199 : i32 to index
      %get3A_207 = arith.constant 0 : index
      %get3A_208 = vector.load %arg17[%get3A_206, %get3A_207] : memref<2048x16xf32, #tpu.memory_space<vmem>>, vector<128x16xf32>
      %get3A_209 = arith.index_cast %mul3A_199 : i32 to index
      %get3A_210 = arith.constant 0 : index
      %get3A_211 = vector.load %arg18[%get3A_209, %get3A_210] : memref<2048x16xf32, #tpu.memory_space<vmem>>, vector<128x16xf32>
      %broadcast_in_dim3A_212 = arith.constant 0.000000e+00 : f32
      %broadcast_in_dim3A_213 = vector.broadcast %broadcast_in_dim3A_212 : f32 to vector<128x384xf32>
      %slice3A_214 = vector.extract_strided_slice %neg3A_110 {offsets = [0, 0], sizes = [384, 1], strides = [1, 1]} : vector<384x16xf32> to vector<384x1xf32>
      %squeeze3A_215 = vector.shape_cast %slice3A_214 : vector<384x1xf32> to vector<384xf32>
      %broadcast_in_dim3A_216 = vector.shape_cast %squeeze3A_215 : vector<384xf32> to vector<1x384xf32>
      %mul3A_217 = vector.broadcast %broadcast_in_dim3A_216 : vector<1x384xf32> to vector<128x384xf32>
      %mul3A_218 = arith.mulf %get3A_202, %mul3A_217 : vector<128x384xf32>
      %exp3A_219 = math.exp %mul3A_218 : vector<128x384xf32>
      %slice3A_220 = vector.extract_strided_slice %get3A_208 {offsets = [0, 0], sizes = [128, 1], strides = [1, 1]} : vector<128x16xf32> to vector<128x1xf32>
      %squeeze3A_221 = vector.shape_cast %slice3A_220 : vector<128x1xf32> to vector<128xf32>
      %broadcast_in_dim3A_222 = vector.shape_cast %squeeze3A_221 : vector<128xf32> to vector<128x1xf32>
      %mul3A_223 = vector.broadcast %broadcast_in_dim3A_222 : vector<128x1xf32> to vector<128x384xf32>
      %mul3A_224 = arith.mulf %get3A_205, %mul3A_223 : vector<128x384xf32>
      %broadcast_in_dim3A_225 = arith.constant 1.000000e+00 : f32
      %broadcast_in_dim3A_226 = vector.broadcast %broadcast_in_dim3A_225 : f32 to vector<1x384xf32>
      %slice3A_227 = vector.extract_strided_slice %exp3A_219 {offsets = [0, 0], sizes = [127, 384], strides = [1, 1]} : vector<128x384xf32> to vector<127x384xf32>
      %concatenate3A_228 = tpu.concatenate %broadcast_in_dim3A_226, %slice3A_227 in 0 : vector<1x384xf32>, vector<127x384xf32> -> vector<128x384xf32>
      %broadcast_in_dim3A_229 = arith.constant 0.000000e+00 : f32
      %broadcast_in_dim3A_230 = vector.broadcast %broadcast_in_dim3A_229 : f32 to vector<1x384xf32>
      %slice3A_231 = vector.extract_strided_slice %mul3A_224 {offsets = [0, 0], sizes = [127, 384], strides = [1, 1]} : vector<128x384xf32> to vector<127x384xf32>
      %concatenate3A_232 = tpu.concatenate %broadcast_in_dim3A_230, %slice3A_231 in 0 : vector<1x384xf32>, vector<127x384xf32> -> vector<128x384xf32>
      %mul3A_233 = arith.mulf %exp3A_219, %concatenate3A_232 : vector<128x384xf32>
      %add3A_234 = arith.addf %mul3A_233, %mul3A_224 : vector<128x384xf32>
      %mul3A_235 = arith.mulf %exp3A_219, %concatenate3A_228 : vector<128x384xf32>
      %broadcast_in_dim3A_236 = arith.constant 1.000000e+00 : f32
      %broadcast_in_dim3A_237 = vector.broadcast %broadcast_in_dim3A_236 : f32 to vector<2x384xf32>
      %slice3A_238 = vector.extract_strided_slice %mul3A_235 {offsets = [0, 0], sizes = [126, 384], strides = [1, 1]} : vector<128x384xf32> to vector<126x384xf32>
      %concatenate3A_239 = tpu.concatenate %broadcast_in_dim3A_237, %slice3A_238 in 0 : vector<2x384xf32>, vector<126x384xf32> -> vector<128x384xf32>
      %broadcast_in_dim3A_240 = arith.constant 0.000000e+00 : f32
      %broadcast_in_dim3A_241 = vector.broadcast %broadcast_in_dim3A_240 : f32 to vector<2x384xf32>
      %slice3A_242 = vector.extract_strided_slice %add3A_234 {offsets = [0, 0], sizes = [126, 384], strides = [1, 1]} : vector<128x384xf32> to vector<126x384xf32>
      %concatenate3A_243 = tpu.concatenate %broadcast_in_dim3A_241, %slice3A_242 in 0 : vector<2x384xf32>, vector<126x384xf32> -> vector<128x384xf32>
      %mul3A_244 = arith.mulf %mul3A_235, %concatenate3A_243 : vector<128x384xf32>
      %add3A_245 = arith.addf %mul3A_244, %add3A_234 : vector<128x384xf32>
      %mul3A_246 = arith.mulf %mul3A_235, %concatenate3A_239 : vector<128x384xf32>
      %broadcast_in_dim3A_247 = arith.constant 1.000000e+00 : f32
      %broadcast_in_dim3A_248 = vector.broadcast %broadcast_in_dim3A_247 : f32 to vector<4x384xf32>
      %slice3A_249 = vector.extract_strided_slice %mul3A_246 {offsets = [0, 0], sizes = [124, 384], strides = [1, 1]} : vector<128x384xf32> to vector<124x384xf32>
      %concatenate3A_250 = tpu.concatenate %broadcast_in_dim3A_248, %slice3A_249 in 0 : vector<4x384xf32>, vector<124x384xf32> -> vector<128x384xf32>
      %broadcast_in_dim3A_251 = arith.constant 0.000000e+00 : f32
      %broadcast_in_dim3A_252 = vector.broadcast %broadcast_in_dim3A_251 : f32 to vector<4x384xf32>
      %slice3A_253 = vector.extract_strided_slice %add3A_245 {offsets = [0, 0], sizes = [124, 384], strides = [1, 1]} : vector<128x384xf32> to vector<124x384xf32>
      %concatenate3A_254 = tpu.concatenate %broadcast_in_dim3A_252, %slice3A_253 in 0 : vector<4x384xf32>, vector<124x384xf32> -> vector<128x384xf32>
      %mul3A_255 = arith.mulf %mul3A_246, %concatenate3A_254 : vector<128x384xf32>
      %add3A_256 = arith.addf %mul3A_255, %add3A_245 : vector<128x384xf32>
      %mul3A_257 = arith.mulf %mul3A_246, %concatenate3A_250 : vector<128x384xf32>
      %broadcast_in_dim3A_258 = arith.constant 1.000000e+00 : f32
      %broadcast_in_dim3A_259 = vector.broadcast %broadcast_in_dim3A_258 : f32 to vector<8x384xf32>
      %slice3A_260 = vector.extract_strided_slice %mul3A_257 {offsets = [0, 0], sizes = [120, 384], strides = [1, 1]} : vector<128x384xf32> to vector<120x384xf32>
      %concatenate3A_261 = tpu.concatenate %broadcast_in_dim3A_259, %slice3A_260 in 0 : vector<8x384xf32>, vector<120x384xf32> -> vector<128x384xf32>
      %broadcast_in_dim3A_262 = arith.constant 0.000000e+00 : f32
      %broadcast_in_dim3A_263 = vector.broadcast %broadcast_in_dim3A_262 : f32 to vector<8x384xf32>
      %slice3A_264 = vector.extract_strided_slice %add3A_256 {offsets = [0, 0], sizes = [120, 384], strides = [1, 1]} : vector<128x384xf32> to vector<120x384xf32>
      %concatenate3A_265 = tpu.concatenate %broadcast_in_dim3A_263, %slice3A_264 in 0 : vector<8x384xf32>, vector<120x384xf32> -> vector<128x384xf32>
      %mul3A_266 = arith.mulf %mul3A_257, %concatenate3A_265 : vector<128x384xf32>
      %add3A_267 = arith.addf %mul3A_266, %add3A_256 : vector<128x384xf32>
      %mul3A_268 = arith.mulf %mul3A_257, %concatenate3A_261 : vector<128x384xf32>
      %broadcast_in_dim3A_269 = arith.constant 1.000000e+00 : f32
      %broadcast_in_dim3A_270 = vector.broadcast %broadcast_in_dim3A_269 : f32 to vector<16x384xf32>
      %slice3A_271 = vector.extract_strided_slice %mul3A_268 {offsets = [0, 0], sizes = [112, 384], strides = [1, 1]} : vector<128x384xf32> to vector<112x384xf32>
      %concatenate3A_272 = tpu.concatenate %broadcast_in_dim3A_270, %slice3A_271 in 0 : vector<16x384xf32>, vector<112x384xf32> -> vector<128x384xf32>
      %broadcast_in_dim3A_273 = arith.constant 0.000000e+00 : f32
      %broadcast_in_dim3A_274 = vector.broadcast %broadcast_in_dim3A_273 : f32 to vector<16x384xf32>
      %slice3A_275 = vector.extract_strided_slice %add3A_267 {offsets = [0, 0], sizes = [112, 384], strides = [1, 1]} : vector<128x384xf32> to vector<112x384xf32>
      %concatenate3A_276 = tpu.concatenate %broadcast_in_dim3A_274, %slice3A_275 in 0 : vector<16x384xf32>, vector<112x384xf32> -> vector<128x384xf32>
      %mul3A_277 = arith.mulf %mul3A_268, %concatenate3A_276 : vector<128x384xf32>
      %add3A_278 = arith.addf %mul3A_277, %add3A_267 : vector<128x384xf32>
      %mul3A_279 = arith.mulf %mul3A_268, %concatenate3A_272 : vector<128x384xf32>
      %broadcast_in_dim3A_280 = arith.constant 1.000000e+00 : f32
      %broadcast_in_dim3A_281 = vector.broadcast %broadcast_in_dim3A_280 : f32 to vector<32x384xf32>
      %slice3A_282 = vector.extract_strided_slice %mul3A_279 {offsets = [0, 0], sizes = [96, 384], strides = [1, 1]} : vector<128x384xf32> to vector<96x384xf32>
      %concatenate3A_283 = tpu.concatenate %broadcast_in_dim3A_281, %slice3A_282 in 0 : vector<32x384xf32>, vector<96x384xf32> -> vector<128x384xf32>
      %broadcast_in_dim3A_284 = arith.constant 0.000000e+00 : f32
      %broadcast_in_dim3A_285 = vector.broadcast %broadcast_in_dim3A_284 : f32 to vector<32x384xf32>
      %slice3A_286 = vector.extract_strided_slice %add3A_278 {offsets = [0, 0], sizes = [96, 384], strides = [1, 1]} : vector<128x384xf32> to vector<96x384xf32>
      %concatenate3A_287 = tpu.concatenate %broadcast_in_dim3A_285, %slice3A_286 in 0 : vector<32x384xf32>, vector<96x384xf32> -> vector<128x384xf32>
      %mul3A_288 = arith.mulf %mul3A_279, %concatenate3A_287 : vector<128x384xf32>
      %add3A_289 = arith.addf %mul3A_288, %add3A_278 : vector<128x384xf32>
      %mul3A_290 = arith.mulf %mul3A_279, %concatenate3A_283 : vector<128x384xf32>
      %broadcast_in_dim3A_291 = arith.constant 1.000000e+00 : f32
      %broadcast_in_dim3A_292 = vector.broadcast %broadcast_in_dim3A_291 : f32 to vector<64x384xf32>
      %slice3A_293 = vector.extract_strided_slice %mul3A_290 {offsets = [0, 0], sizes = [64, 384], strides = [1, 1]} : vector<128x384xf32> to vector<64x384xf32>
      %concatenate3A_294 = tpu.concatenate %broadcast_in_dim3A_292, %slice3A_293 in 0 : vector<64x384xf32>, vector<64x384xf32> -> vector<128x384xf32>
      %broadcast_in_dim3A_295 = arith.constant 0.000000e+00 : f32
      %broadcast_in_dim3A_296 = vector.broadcast %broadcast_in_dim3A_295 : f32 to vector<64x384xf32>
      %slice3A_297 = vector.extract_strided_slice %add3A_289 {offsets = [0, 0], sizes = [64, 384], strides = [1, 1]} : vector<128x384xf32> to vector<64x384xf32>
      %concatenate3A_298 = tpu.concatenate %broadcast_in_dim3A_296, %slice3A_297 in 0 : vector<64x384xf32>, vector<64x384xf32> -> vector<128x384xf32>
      %mul3A_299 = arith.mulf %mul3A_290, %concatenate3A_298 : vector<128x384xf32>
      %add3A_300 = arith.addf %mul3A_299, %add3A_289 : vector<128x384xf32>
      %mul3A_301 = arith.mulf %mul3A_290, %concatenate3A_294 : vector<128x384xf32>
      %slice3A_302 = vector.extract_strided_slice %while3A_197 {offsets = [0, 0], sizes = [1, 384], strides = [1, 1]} : vector<16x384xf32> to vector<1x384xf32>
      %squeeze3A_303 = vector.shape_cast %slice3A_302 : vector<1x384xf32> to vector<384xf32>
      %broadcast_in_dim3A_304 = vector.shape_cast %squeeze3A_303 : vector<384xf32> to vector<1x384xf32>
      %mul3A_305 = vector.broadcast %broadcast_in_dim3A_304 : vector<1x384xf32> to vector<128x384xf32>
      %mul3A_306 = arith.mulf %mul3A_301, %mul3A_305 : vector<128x384xf32>
      %add3A_307 = arith.addf %mul3A_306, %add3A_300 : vector<128x384xf32>
      %slice3A_308 = vector.extract_strided_slice %get3A_211 {offsets = [0, 0], sizes = [128, 1], strides = [1, 1]} : vector<128x16xf32> to vector<128x1xf32>
      %squeeze3A_309 = vector.shape_cast %slice3A_308 : vector<128x1xf32> to vector<128xf32>
      %broadcast_in_dim3A_310 = vector.shape_cast %squeeze3A_309 : vector<128xf32> to vector<128x1xf32>
      %mul3A_311 = vector.broadcast %broadcast_in_dim3A_310 : vector<128x1xf32> to vector<128x384xf32>
      %mul3A_312 = arith.mulf %add3A_307, %mul3A_311 : vector<128x384xf32>
      %add3A_313 = arith.addf %broadcast_in_dim3A_213, %mul3A_312 : vector<128x384xf32>
      %slice3A_314 = vector.extract_strided_slice %add3A_307 {offsets = [127, 0], sizes = [1, 384], strides = [1, 1]} : vector<128x384xf32> to vector<1x384xf32>
      %slice3A_315 = vector.extract_strided_slice %neg3A_110 {offsets = [0, 1], sizes = [384, 1], strides = [1, 1]} : vector<384x16xf32> to vector<384x1xf32>
      %squeeze3A_316 = vector.shape_cast %slice3A_315 : vector<384x1xf32> to vector<384xf32>
      %broadcast_in_dim3A_317 = vector.shape_cast %squeeze3A_316 : vector<384xf32> to vector<1x384xf32>
      %mul3A_318 = vector.broadcast %broadcast_in_dim3A_317 : vector<1x384xf32> to vector<128x384xf32>
      %mul3A_319 = arith.mulf %get3A_202, %mul3A_318 : vector<128x384xf32>
      %exp3A_320 = math.exp %mul3A_319 : vector<128x384xf32>
      %slice3A_321 = vector.extract_strided_slice %get3A_208 {offsets = [0, 1], sizes = [128, 1], strides = [1, 1]} : vector<128x16xf32> to vector<128x1xf32>
      %squeeze3A_322 = vector.shape_cast %slice3A_321 : vector<128x1xf32> to vector<128xf32>
      %broadcast_in_dim3A_323 = vector.shape_cast %squeeze3A_322 : vector<128xf32> to vector<128x1xf32>
      %mul3A_324 = vector.broadcast %broadcast_in_dim3A_323 : vector<128x1xf32> to vector<128x384xf32>
      %mul3A_325 = arith.mulf %get3A_205, %mul3A_324 : vector<128x384xf32>
      %broadcast_in_dim3A_326 = arith.constant 1.000000e+00 : f32
      %broadcast_in_dim3A_327 = vector.broadcast %broadcast_in_dim3A_326 : f32 to vector<1x384xf32>
      %slice3A_328 = vector.extract_strided_slice %exp3A_320 {offsets = [0, 0], sizes = [127, 384], strides = [1, 1]} : vector<128x384xf32> to vector<127x384xf32>
      %concatenate3A_329 = tpu.concatenate %broadcast_in_dim3A_327, %slice3A_328 in 0 : vector<1x384xf32>, vector<127x384xf32> -> vector<128x384xf32>
      %broadcast_in_dim3A_330 = arith.constant 0.000000e+00 : f32
      %broadcast_in_dim3A_331 = vector.broadcast %broadcast_in_dim3A_330 : f32 to vector<1x384xf32>
      %slice3A_332 = vector.extract_strided_slice %mul3A_325 {offsets = [0, 0], sizes = [127, 384], strides = [1, 1]} : vector<128x384xf32> to vector<127x384xf32>
      %concatenate3A_333 = tpu.concatenate %broadcast_in_dim3A_331, %slice3A_332 in 0 : vector<1x384xf32>, vector<127x384xf32> -> vector<128x384xf32>
      %mul3A_334 = arith.mulf %exp3A_320, %concatenate3A_333 : vector<128x384xf32>
      %add3A_335 = arith.addf %mul3A_334, %mul3A_325 : vector<128x384xf32>
      %mul3A_336 = arith.mulf %exp3A_320, %concatenate3A_329 : vector<128x384xf32>
      %broadcast_in_dim3A_337 = arith.constant 1.000000e+00 : f32
      %broadcast_in_dim3A_338 = vector.broadcast %broadcast_in_dim3A_337 : f32 to vector<2x384xf32>
      %slice3A_339 = vector.extract_strided_slice %mul3A_336 {offsets = [0, 0], sizes = [126, 384], strides = [1, 1]} : vector<128x384xf32> to vector<126x384xf32>
      %concatenate3A_340 = tpu.concatenate %broadcast_in_dim3A_338, %slice3A_339 in 0 : vector<2x384xf32>, vector<126x384xf32> -> vector<128x384xf32>
      %broadcast_in_dim3A_341 = arith.constant 0.000000e+00 : f32
      %broadcast_in_dim3A_342 = vector.broadcast %broadcast_in_dim3A_341 : f32 to vector<2x384xf32>
      %slice3A_343 = vector.extract_strided_slice %add3A_335 {offsets = [0, 0], sizes = [126, 384], strides = [1, 1]} : vector<128x384xf32> to vector<126x384xf32>
      %concatenate3A_344 = tpu.concatenate %broadcast_in_dim3A_342, %slice3A_343 in 0 : vector<2x384xf32>, vector<126x384xf32> -> vector<128x384xf32>
      %mul3A_345 = arith.mulf %mul3A_336, %concatenate3A_344 : vector<128x384xf32>
      %add3A_346 = arith.addf %mul3A_345, %add3A_335 : vector<128x384xf32>
      %mul3A_347 = arith.mulf %mul3A_336, %concatenate3A_340 : vector<128x384xf32>
      %broadcast_in_dim3A_348 = arith.constant 1.000000e+00 : f32
      %broadcast_in_dim3A_349 = vector.broadcast %broadcast_in_dim3A_348 : f32 to vector<4x384xf32>
      %slice3A_350 = vector.extract_strided_slice %mul3A_347 {offsets = [0, 0], sizes = [124, 384], strides = [1, 1]} : vector<128x384xf32> to vector<124x384xf32>
      %concatenate3A_351 = tpu.concatenate %broadcast_in_dim3A_349, %slice3A_350 in 0 : vector<4x384xf32>, vector<124x384xf32> -> vector<128x384xf32>
      %broadcast_in_dim3A_352 = arith.constant 0.000000e+00 : f32
      %broadcast_in_dim3A_353 = vector.broadcast %broadcast_in_dim3A_352 : f32 to vector<4x384xf32>
      %slice3A_354 = vector.extract_strided_slice %add3A_346 {offsets = [0, 0], sizes = [124, 384], strides = [1, 1]} : vector<128x384xf32> to vector<124x384xf32>
      %concatenate3A_355 = tpu.concatenate %broadcast_in_dim3A_353, %slice3A_354 in 0 : vector<4x384xf32>, vector<124x384xf32> -> vector<128x384xf32>
      %mul3A_356 = arith.mulf %mul3A_347, %concatenate3A_355 : vector<128x384xf32>
      %add3A_357 = arith.addf %mul3A_356, %add3A_346 : vector<128x384xf32>
      %mul3A_358 = arith.mulf %mul3A_347, %concatenate3A_351 : vector<128x384xf32>
      %broadcast_in_dim3A_359 = arith.constant 1.000000e+00 : f32
      %broadcast_in_dim3A_360 = vector.broadcast %broadcast_in_dim3A_359 : f32 to vector<8x384xf32>
      %slice3A_361 = vector.extract_strided_slice %mul3A_358 {offsets = [0, 0], sizes = [120, 384], strides = [1, 1]} : vector<128x384xf32> to vector<120x384xf32>
      %concatenate3A_362 = tpu.concatenate %broadcast_in_dim3A_360, %slice3A_361 in 0 : vector<8x384xf32>, vector<120x384xf32> -> vector<128x384xf32>
      %broadcast_in_dim3A_363 = arith.constant 0.000000e+00 : f32
      %broadcast_in_dim3A_364 = vector.broadcast %broadcast_in_dim3A_363 : f32 to vector<8x384xf32>
      %slice3A_365 = vector.extract_strided_slice %add3A_357 {offsets = [0, 0], sizes = [120, 384], strides = [1, 1]} : vector<128x384xf32> to vector<120x384xf32>
      %concatenate3A_366 = tpu.concatenate %broadcast_in_dim3A_364, %slice3A_365 in 0 : vector<8x384xf32>, vector<120x384xf32> -> vector<128x384xf32>
      %mul3A_367 = arith.mulf %mul3A_358, %concatenate3A_366 : vector<128x384xf32>
      %add3A_368 = arith.addf %mul3A_367, %add3A_357 : vector<128x384xf32>
      %mul3A_369 = arith.mulf %mul3A_358, %concatenate3A_362 : vector<128x384xf32>
      %broadcast_in_dim3A_370 = arith.constant 1.000000e+00 : f32
      %broadcast_in_dim3A_371 = vector.broadcast %broadcast_in_dim3A_370 : f32 to vector<16x384xf32>
      %slice3A_372 = vector.extract_strided_slice %mul3A_369 {offsets = [0, 0], sizes = [112, 384], strides = [1, 1]} : vector<128x384xf32> to vector<112x384xf32>
      %concatenate3A_373 = tpu.concatenate %broadcast_in_dim3A_371, %slice3A_372 in 0 : vector<16x384xf32>, vector<112x384xf32> -> vector<128x384xf32>
      %broadcast_in_dim3A_374 = arith.constant 0.000000e+00 : f32
      %broadcast_in_dim3A_375 = vector.broadcast %broadcast_in_dim3A_374 : f32 to vector<16x384xf32>
      %slice3A_376 = vector.extract_strided_slice %add3A_368 {offsets = [0, 0], sizes = [112, 384], strides = [1, 1]} : vector<128x384xf32> to vector<112x384xf32>
      %concatenate3A_377 = tpu.concatenate %broadcast_in_dim3A_375, %slice3A_376 in 0 : vector<16x384xf32>, vector<112x384xf32> -> vector<128x384xf32>
      %mul3A_378 = arith.mulf %mul3A_369, %concatenate3A_377 : vector<128x384xf32>
      %add3A_379 = arith.addf %mul3A_378, %add3A_368 : vector<128x384xf32>
      %mul3A_380 = arith.mulf %mul3A_369, %concatenate3A_373 : vector<128x384xf32>
      %broadcast_in_dim3A_381 = arith.constant 1.000000e+00 : f32
      %broadcast_in_dim3A_382 = vector.broadcast %broadcast_in_dim3A_381 : f32 to vector<32x384xf32>
      %slice3A_383 = vector.extract_strided_slice %mul3A_380 {offsets = [0, 0], sizes = [96, 384], strides = [1, 1]} : vector<128x384xf32> to vector<96x384xf32>
      %concatenate3A_384 = tpu.concatenate %broadcast_in_dim3A_382, %slice3A_383 in 0 : vector<32x384xf32>, vector<96x384xf32> -> vector<128x384xf32>
      %broadcast_in_dim3A_385 = arith.constant 0.000000e+00 : f32
      %broadcast_in_dim3A_386 = vector.broadcast %broadcast_in_dim3A_385 : f32 to vector<32x384xf32>
      %slice3A_387 = vector.extract_strided_slice %add3A_379 {offsets = [0, 0], sizes = [96, 384], strides = [1, 1]} : vector<128x384xf32> to vector<96x384xf32>
      %concatenate3A_388 = tpu.concatenate %broadcast_in_dim3A_386, %slice3A_387 in 0 : vector<32x384xf32>, vector<96x384xf32> -> vector<128x384xf32>
      %mul3A_389 = arith.mulf %mul3A_380, %concatenate3A_388 : vector<128x384xf32>
      %add3A_390 = arith.addf %mul3A_389, %add3A_379 : vector<128x384xf32>
      %mul3A_391 = arith.mulf %mul3A_380, %concatenate3A_384 : vector<128x384xf32>
      %broadcast_in_dim3A_392 = arith.constant 1.000000e+00 : f32
      %broadcast_in_dim3A_393 = vector.broadcast %broadcast_in_dim3A_392 : f32 to vector<64x384xf32>
      %slice3A_394 = vector.extract_strided_slice %mul3A_391 {offsets = [0, 0], sizes = [64, 384], strides = [1, 1]} : vector<128x384xf32> to vector<64x384xf32>
      %concatenate3A_395 = tpu.concatenate %broadcast_in_dim3A_393, %slice3A_394 in 0 : vector<64x384xf32>, vector<64x384xf32> -> vector<128x384xf32>
      %broadcast_in_dim3A_396 = arith.constant 0.000000e+00 : f32
      %broadcast_in_dim3A_397 = vector.broadcast %broadcast_in_dim3A_396 : f32 to vector<64x384xf32>
      %slice3A_398 = vector.extract_strided_slice %add3A_390 {offsets = [0, 0], sizes = [64, 384], strides = [1, 1]} : vector<128x384xf32> to vector<64x384xf32>
      %concatenate3A_399 = tpu.concatenate %broadcast_in_dim3A_397, %slice3A_398 in 0 : vector<64x384xf32>, vector<64x384xf32> -> vector<128x384xf32>
      %mul3A_400 = arith.mulf %mul3A_391, %concatenate3A_399 : vector<128x384xf32>
      %add3A_401 = arith.addf %mul3A_400, %add3A_390 : vector<128x384xf32>
      %mul3A_402 = arith.mulf %mul3A_391, %concatenate3A_395 : vector<128x384xf32>
      %slice3A_403 = vector.extract_strided_slice %while3A_197 {offsets = [1, 0], sizes = [1, 384], strides = [1, 1]} : vector<16x384xf32> to vector<1x384xf32>
      %squeeze3A_404 = vector.shape_cast %slice3A_403 : vector<1x384xf32> to vector<384xf32>
      %broadcast_in_dim3A_405 = vector.shape_cast %squeeze3A_404 : vector<384xf32> to vector<1x384xf32>
      %mul3A_406 = vector.broadcast %broadcast_in_dim3A_405 : vector<1x384xf32> to vector<128x384xf32>
      %mul3A_407 = arith.mulf %mul3A_402, %mul3A_406 : vector<128x384xf32>
      %add3A_408 = arith.addf %mul3A_407, %add3A_401 : vector<128x384xf32>
      %slice3A_409 = vector.extract_strided_slice %get3A_211 {offsets = [0, 1], sizes = [128, 1], strides = [1, 1]} : vector<128x16xf32> to vector<128x1xf32>
      %squeeze3A_410 = vector.shape_cast %slice3A_409 : vector<128x1xf32> to vector<128xf32>
      %broadcast_in_dim3A_411 = vector.shape_cast %squeeze3A_410 : vector<128xf32> to vector<128x1xf32>
      %mul3A_412 = vector.broadcast %broadcast_in_dim3A_411 : vector<128x1xf32> to vector<128x384xf32>
      %mul3A_413 = arith.mulf %add3A_408, %mul3A_412 : vector<128x384xf32>
      %add3A_414 = arith.addf %add3A_313, %mul3A_413 : vector<128x384xf32>
      %slice3A_415 = vector.extract_strided_slice %add3A_408 {offsets = [127, 0], sizes = [1, 384], strides = [1, 1]} : vector<128x384xf32> to vector<1x384xf32>
      %slice3A_416 = vector.extract_strided_slice %neg3A_110 {offsets = [0, 2], sizes = [384, 1], strides = [1, 1]} : vector<384x16xf32> to vector<384x1xf32>
      %squeeze3A_417 = vector.shape_cast %slice3A_416 : vector<384x1xf32> to vector<384xf32>
      %broadcast_in_dim3A_418 = vector.shape_cast %squeeze3A_417 : vector<384xf32> to vector<1x384xf32>
      %mul3A_419 = vector.broadcast %broadcast_in_dim3A_418 : vector<1x384xf32> to vector<128x384xf32>
      %mul3A_420 = arith.mulf %get3A_202, %mul3A_419 : vector<128x384xf32>
      %exp3A_421 = math.exp %mul3A_420 : vector<128x384xf32>
      %slice3A_422 = vector.extract_strided_slice %get3A_208 {offsets = [0, 2], sizes = [128, 1], strides = [1, 1]} : vector<128x16xf32> to vector<128x1xf32>
      %squeeze3A_423 = vector.shape_cast %slice3A_422 : vector<128x1xf32> to vector<128xf32>
      %broadcast_in_dim3A_424 = vector.shape_cast %squeeze3A_423 : vector<128xf32> to vector<128x1xf32>
      %mul3A_425 = vector.broadcast %broadcast_in_dim3A_424 : vector<128x1xf32> to vector<128x384xf32>
      %mul3A_426 = arith.mulf %get3A_205, %mul3A_425 : vector<128x384xf32>
      %broadcast_in_dim3A_427 = arith.constant 1.000000e+00 : f32
      %broadcast_in_dim3A_428 = vector.broadcast %broadcast_in_dim3A_427 : f32 to vector<1x384xf32>
      %slice3A_429 = vector.extract_strided_slice %exp3A_421 {offsets = [0, 0], sizes = [127, 384], strides = [1, 1]} : vector<128x384xf32> to vector<127x384xf32>
      %concatenate3A_430 = tpu.concatenate %broadcast_in_dim3A_428, %slice3A_429 in 0 : vector<1x384xf32>, vector<127x384xf32> -> vector<128x384xf32>
      %broadcast_in_dim3A_431 = arith.constant 0.000000e+00 : f32
      %broadcast_in_dim3A_432 = vector.broadcast %broadcast_in_dim3A_431 : f32 to vector<1x384xf32>
      %slice3A_433 = vector.extract_strided_slice %mul3A_426 {offsets = [0, 0], sizes = [127, 384], strides = [1, 1]} : vector<128x384xf32> to vector<127x384xf32>
      %concatenate3A_434 = tpu.concatenate %broadcast_in_dim3A_432, %slice3A_433 in 0 : vector<1x384xf32>, vector<127x384xf32> -> vector<128x384xf32>
      %mul3A_435 = arith.mulf %exp3A_421, %concatenate3A_434 : vector<128x384xf32>
      %add3A_436 = arith.addf %mul3A_435, %mul3A_426 : vector<128x384xf32>
      %mul3A_437 = arith.mulf %exp3A_421, %concatenate3A_430 : vector<128x384xf32>
      %broadcast_in_dim3A_438 = arith.constant 1.000000e+00 : f32
      %broadcast_in_dim3A_439 = vector.broadcast %broadcast_in_dim3A_438 : f32 to vector<2x384xf32>
      %slice3A_440 = vector.extract_strided_slice %mul3A_437 {offsets = [0, 0], sizes = [126, 384], strides = [1, 1]} : vector<128x384xf32> to vector<126x384xf32>
      %concatenate3A_441 = tpu.concatenate %broadcast_in_dim3A_439, %slice3A_440 in 0 : vector<2x384xf32>, vector<126x384xf32> -> vector<128x384xf32>
      %broadcast_in_dim3A_442 = arith.constant 0.000000e+00 : f32
      %broadcast_in_dim3A_443 = vector.broadcast %broadcast_in_dim3A_442 : f32 to vector<2x384xf32>
      %slice3A_444 = vector.extract_strided_slice %add3A_436 {offsets = [0, 0], sizes = [126, 384], strides = [1, 1]} : vector<128x384xf32> to vector<126x384xf32>
      %concatenate3A_445 = tpu.concatenate %broadcast_in_dim3A_443, %slice3A_444 in 0 : vector<2x384xf32>, vector<126x384xf32> -> vector<128x384xf32>
      %mul3A_446 = arith.mulf %mul3A_437, %concatenate3A_445 : vector<128x384xf32>
      %add3A_447 = arith.addf %mul3A_446, %add3A_436 : vector<128x384xf32>
      %mul3A_448 = arith.mulf %mul3A_437, %concatenate3A_441 : vector<128x384xf32>
      %broadcast_in_dim3A_449 = arith.constant 1.000000e+00 : f32
      %broadcast_in_dim3A_450 = vector.broadcast %broadcast_in_dim3A_449 : f32 to vector<4x384xf32>
      %slice3A_451 = vector.extract_strided_slice %mul3A_448 {offsets = [0, 0], sizes = [124, 384], strides = [1, 1]} : vector<128x384xf32> to vector<124x384xf32>
      %concatenate3A_452 = tpu.concatenate %broadcast_in_dim3A_450, %slice3A_451 in 0 : vector<4x384xf32>, vector<124x384xf32> -> vector<128x384xf32>
      %broadcast_in_dim3A_453 = arith.constant 0.000000e+00 : f32
      %broadcast_in_dim3A_454 = vector.broadcast %broadcast_in_dim3A_453 : f32 to vector<4x384xf32>
      %slice3A_455 = vector.extract_strided_slice %add3A_447 {offsets = [0, 0], sizes = [124, 384], strides = [1, 1]} : vector<128x384xf32> to vector<124x384xf32>
      %concatenate3A_456 = tpu.concatenate %broadcast_in_dim3A_454, %slice3A_455 in 0 : vector<4x384xf32>, vector<124x384xf32> -> vector<128x384xf32>
      %mul3A_457 = arith.mulf %mul3A_448, %concatenate3A_456 : vector<128x384xf32>
      %add3A_458 = arith.addf %mul3A_457, %add3A_447 : vector<128x384xf32>
      %mul3A_459 = arith.mulf %mul3A_448, %concatenate3A_452 : vector<128x384xf32>
      %broadcast_in_dim3A_460 = arith.constant 1.000000e+00 : f32
      %broadcast_in_dim3A_461 = vector.broadcast %broadcast_in_dim3A_460 : f32 to vector<8x384xf32>
      %slice3A_462 = vector.extract_strided_slice %mul3A_459 {offsets = [0, 0], sizes = [120, 384], strides = [1, 1]} : vector<128x384xf32> to vector<120x384xf32>
      %concatenate3A_463 = tpu.concatenate %broadcast_in_dim3A_461, %slice3A_462 in 0 : vector<8x384xf32>, vector<120x384xf32> -> vector<128x384xf32>
      %broadcast_in_dim3A_464 = arith.constant 0.000000e+00 : f32
      %broadcast_in_dim3A_465 = vector.broadcast %broadcast_in_dim3A_464 : f32 to vector<8x384xf32>
      %slice3A_466 = vector.extract_strided_slice %add3A_458 {offsets = [0, 0], sizes = [120, 384], strides = [1, 1]} : vector<128x384xf32> to vector<120x384xf32>
      %concatenate3A_467 = tpu.concatenate %broadcast_in_dim3A_465, %slice3A_466 in 0 : vector<8x384xf32>, vector<120x384xf32> -> vector<128x384xf32>
      %mul3A_468 = arith.mulf %mul3A_459, %concatenate3A_467 : vector<128x384xf32>
      %add3A_469 = arith.addf %mul3A_468, %add3A_458 : vector<128x384xf32>
      %mul3A_470 = arith.mulf %mul3A_459, %concatenate3A_463 : vector<128x384xf32>
      %broadcast_in_dim3A_471 = arith.constant 1.000000e+00 : f32
      %broadcast_in_dim3A_472 = vector.broadcast %broadcast_in_dim3A_471 : f32 to vector<16x384xf32>
      %slice3A_473 = vector.extract_strided_slice %mul3A_470 {offsets = [0, 0], sizes = [112, 384], strides = [1, 1]} : vector<128x384xf32> to vector<112x384xf32>
      %concatenate3A_474 = tpu.concatenate %broadcast_in_dim3A_472, %slice3A_473 in 0 : vector<16x384xf32>, vector<112x384xf32> -> vector<128x384xf32>
      %broadcast_in_dim3A_475 = arith.constant 0.000000e+00 : f32
      %broadcast_in_dim3A_476 = vector.broadcast %broadcast_in_dim3A_475 : f32 to vector<16x384xf32>
      %slice3A_477 = vector.extract_strided_slice %add3A_469 {offsets = [0, 0], sizes = [112, 384], strides = [1, 1]} : vector<128x384xf32> to vector<112x384xf32>
      %concatenate3A_478 = tpu.concatenate %broadcast_in_dim3A_476, %slice3A_477 in 0 : vector<16x384xf32>, vector<112x384xf32> -> vector<128x384xf32>
      %mul3A_479 = arith.mulf %mul3A_470, %concatenate3A_478 : vector<128x384xf32>
      %add3A_480 = arith.addf %mul3A_479, %add3A_469 : vector<128x384xf32>
      %mul3A_481 = arith.mulf %mul3A_470, %concatenate3A_474 : vector<128x384xf32>
      %broadcast_in_dim3A_482 = arith.constant 1.000000e+00 : f32
      %broadcast_in_dim3A_483 = vector.broadcast %broadcast_in_dim3A_482 : f32 to vector<32x384xf32>
      %slice3A_484 = vector.extract_strided_slice %mul3A_481 {offsets = [0, 0], sizes = [96, 384], strides = [1, 1]} : vector<128x384xf32> to vector<96x384xf32>
      %concatenate3A_485 = tpu.concatenate %broadcast_in_dim3A_483, %slice3A_484 in 0 : vector<32x384xf32>, vector<96x384xf32> -> vector<128x384xf32>
      %broadcast_in_dim3A_486 = arith.constant 0.000000e+00 : f32
      %broadcast_in_dim3A_487 = vector.broadcast %broadcast_in_dim3A_486 : f32 to vector<32x384xf32>
      %slice3A_488 = vector.extract_strided_slice %add3A_480 {offsets = [0, 0], sizes = [96, 384], strides = [1, 1]} : vector<128x384xf32> to vector<96x384xf32>
      %concatenate3A_489 = tpu.concatenate %broadcast_in_dim3A_487, %slice3A_488 in 0 : vector<32x384xf32>, vector<96x384xf32> -> vector<128x384xf32>
      %mul3A_490 = arith.mulf %mul3A_481, %concatenate3A_489 : vector<128x384xf32>
      %add3A_491 = arith.addf %mul3A_490, %add3A_480 : vector<128x384xf32>
      %mul3A_492 = arith.mulf %mul3A_481, %concatenate3A_485 : vector<128x384xf32>
      %broadcast_in_dim3A_493 = arith.constant 1.000000e+00 : f32
      %broadcast_in_dim3A_494 = vector.broadcast %broadcast_in_dim3A_493 : f32 to vector<64x384xf32>
      %slice3A_495 = vector.extract_strided_slice %mul3A_492 {offsets = [0, 0], sizes = [64, 384], strides = [1, 1]} : vector<128x384xf32> to vector<64x384xf32>
      %concatenate3A_496 = tpu.concatenate %broadcast_in_dim3A_494, %slice3A_495 in 0 : vector<64x384xf32>, vector<64x384xf32> -> vector<128x384xf32>
      %broadcast_in_dim3A_497 = arith.constant 0.000000e+00 : f32
      %broadcast_in_dim3A_498 = vector.broadcast %broadcast_in_dim3A_497 : f32 to vector<64x384xf32>
      %slice3A_499 = vector.extract_strided_slice %add3A_491 {offsets = [0, 0], sizes = [64, 384], strides = [1, 1]} : vector<128x384xf32> to vector<64x384xf32>
      %concatenate3A_500 = tpu.concatenate %broadcast_in_dim3A_498, %slice3A_499 in 0 : vector<64x384xf32>, vector<64x384xf32> -> vector<128x384xf32>
      %mul3A_501 = arith.mulf %mul3A_492, %concatenate3A_500 : vector<128x384xf32>
      %add3A_502 = arith.addf %mul3A_501, %add3A_491 : vector<128x384xf32>
      %mul3A_503 = arith.mulf %mul3A_492, %concatenate3A_496 : vector<128x384xf32>
      %slice3A_504 = vector.extract_strided_slice %while3A_197 {offsets = [2, 0], sizes = [1, 384], strides = [1, 1]} : vector<16x384xf32> to vector<1x384xf32>
      %squeeze3A_505 = vector.shape_cast %slice3A_504 : vector<1x384xf32> to vector<384xf32>
      %broadcast_in_dim3A_506 = vector.shape_cast %squeeze3A_505 : vector<384xf32> to vector<1x384xf32>
      %mul3A_507 = vector.broadcast %broadcast_in_dim3A_506 : vector<1x384xf32> to vector<128x384xf32>
      %mul3A_508 = arith.mulf %mul3A_503, %mul3A_507 : vector<128x384xf32>
      %add3A_509 = arith.addf %mul3A_508, %add3A_502 : vector<128x384xf32>
      %slice3A_510 = vector.extract_strided_slice %get3A_211 {offsets = [0, 2], sizes = [128, 1], strides = [1, 1]} : vector<128x16xf32> to vector<128x1xf32>
      %squeeze3A_511 = vector.shape_cast %slice3A_510 : vector<128x1xf32> to vector<128xf32>
      %broadcast_in_dim3A_512 = vector.shape_cast %squeeze3A_511 : vector<128xf32> to vector<128x1xf32>
      %mul3A_513 = vector.broadcast %broadcast_in_dim3A_512 : vector<128x1xf32> to vector<128x384xf32>
      %mul3A_514 = arith.mulf %add3A_509, %mul3A_513 : vector<128x384xf32>
      %add3A_515 = arith.addf %add3A_414, %mul3A_514 : vector<128x384xf32>
      %slice3A_516 = vector.extract_strided_slice %add3A_509 {offsets = [127, 0], sizes = [1, 384], strides = [1, 1]} : vector<128x384xf32> to vector<1x384xf32>
      %slice3A_517 = vector.extract_strided_slice %neg3A_110 {offsets = [0, 3], sizes = [384, 1], strides = [1, 1]} : vector<384x16xf32> to vector<384x1xf32>
      %squeeze3A_518 = vector.shape_cast %slice3A_517 : vector<384x1xf32> to vector<384xf32>
      %broadcast_in_dim3A_519 = vector.shape_cast %squeeze3A_518 : vector<384xf32> to vector<1x384xf32>
      %mul3A_520 = vector.broadcast %broadcast_in_dim3A_519 : vector<1x384xf32> to vector<128x384xf32>
      %mul3A_521 = arith.mulf %get3A_202, %mul3A_520 : vector<128x384xf32>
      %exp3A_522 = math.exp %mul3A_521 : vector<128x384xf32>
      %slice3A_523 = vector.extract_strided_slice %get3A_208 {offsets = [0, 3], sizes = [128, 1], strides = [1, 1]} : vector<128x16xf32> to vector<128x1xf32>
      %squeeze3A_524 = vector.shape_cast %slice3A_523 : vector<128x1xf32> to vector<128xf32>
      %broadcast_in_dim3A_525 = vector.shape_cast %squeeze3A_524 : vector<128xf32> to vector<128x1xf32>
      %mul3A_526 = vector.broadcast %broadcast_in_dim3A_525 : vector<128x1xf32> to vector<128x384xf32>
      %mul3A_527 = arith.mulf %get3A_205, %mul3A_526 : vector<128x384xf32>
      %broadcast_in_dim3A_528 = arith.constant 1.000000e+00 : f32
      %broadcast_in_dim3A_529 = vector.broadcast %broadcast_in_dim3A_528 : f32 to vector<1x384xf32>
      %slice3A_530 = vector.extract_strided_slice %exp3A_522 {offsets = [0, 0], sizes = [127, 384], strides = [1, 1]} : vector<128x384xf32> to vector<127x384xf32>
      %concatenate3A_531 = tpu.concatenate %broadcast_in_dim3A_529, %slice3A_530 in 0 : vector<1x384xf32>, vector<127x384xf32> -> vector<128x384xf32>
      %broadcast_in_dim3A_532 = arith.constant 0.000000e+00 : f32
      %broadcast_in_dim3A_533 = vector.broadcast %broadcast_in_dim3A_532 : f32 to vector<1x384xf32>
      %slice3A_534 = vector.extract_strided_slice %mul3A_527 {offsets = [0, 0], sizes = [127, 384], strides = [1, 1]} : vector<128x384xf32> to vector<127x384xf32>
      %concatenate3A_535 = tpu.concatenate %broadcast_in_dim3A_533, %slice3A_534 in 0 : vector<1x384xf32>, vector<127x384xf32> -> vector<128x384xf32>
      %mul3A_536 = arith.mulf %exp3A_522, %concatenate3A_535 : vector<128x384xf32>
      %add3A_537 = arith.addf %mul3A_536, %mul3A_527 : vector<128x384xf32>
      %mul3A_538 = arith.mulf %exp3A_522, %concatenate3A_531 : vector<128x384xf32>
      %broadcast_in_dim3A_539 = arith.constant 1.000000e+00 : f32
      %broadcast_in_dim3A_540 = vector.broadcast %broadcast_in_dim3A_539 : f32 to vector<2x384xf32>
      %slice3A_541 = vector.extract_strided_slice %mul3A_538 {offsets = [0, 0], sizes = [126, 384], strides = [1, 1]} : vector<128x384xf32> to vector<126x384xf32>
      %concatenate3A_542 = tpu.concatenate %broadcast_in_dim3A_540, %slice3A_541 in 0 : vector<2x384xf32>, vector<126x384xf32> -> vector<128x384xf32>
      %broadcast_in_dim3A_543 = arith.constant 0.000000e+00 : f32
      %broadcast_in_dim3A_544 = vector.broadcast %broadcast_in_dim3A_543 : f32 to vector<2x384xf32>
      %slice3A_545 = vector.extract_strided_slice %add3A_537 {offsets = [0, 0], sizes = [126, 384], strides = [1, 1]} : vector<128x384xf32> to vector<126x384xf32>
      %concatenate3A_546 = tpu.concatenate %broadcast_in_dim3A_544, %slice3A_545 in 0 : vector<2x384xf32>, vector<126x384xf32> -> vector<128x384xf32>
      %mul3A_547 = arith.mulf %mul3A_538, %concatenate3A_546 : vector<128x384xf32>
      %add3A_548 = arith.addf %mul3A_547, %add3A_537 : vector<128x384xf32>
      %mul3A_549 = arith.mulf %mul3A_538, %concatenate3A_542 : vector<128x384xf32>
      %broadcast_in_dim3A_550 = arith.constant 1.000000e+00 : f32
      %broadcast_in_dim3A_551 = vector.broadcast %broadcast_in_dim3A_550 : f32 to vector<4x384xf32>
      %slice3A_552 = vector.extract_strided_slice %mul3A_549 {offsets = [0, 0], sizes = [124, 384], strides = [1, 1]} : vector<128x384xf32> to vector<124x384xf32>
      %concatenate3A_553 = tpu.concatenate %broadcast_in_dim3A_551, %slice3A_552 in 0 : vector<4x384xf32>, vector<124x384xf32> -> vector<128x384xf32>
      %broadcast_in_dim3A_554 = arith.constant 0.000000e+00 : f32
      %broadcast_in_dim3A_555 = vector.broadcast %broadcast_in_dim3A_554 : f32 to vector<4x384xf32>
      %slice3A_556 = vector.extract_strided_slice %add3A_548 {offsets = [0, 0], sizes = [124, 384], strides = [1, 1]} : vector<128x384xf32> to vector<124x384xf32>
      %concatenate3A_557 = tpu.concatenate %broadcast_in_dim3A_555, %slice3A_556 in 0 : vector<4x384xf32>, vector<124x384xf32> -> vector<128x384xf32>
      %mul3A_558 = arith.mulf %mul3A_549, %concatenate3A_557 : vector<128x384xf32>
      %add3A_559 = arith.addf %mul3A_558, %add3A_548 : vector<128x384xf32>
      %mul3A_560 = arith.mulf %mul3A_549, %concatenate3A_553 : vector<128x384xf32>
      %broadcast_in_dim3A_561 = arith.constant 1.000000e+00 : f32
      %broadcast_in_dim3A_562 = vector.broadcast %broadcast_in_dim3A_561 : f32 to vector<8x384xf32>
      %slice3A_563 = vector.extract_strided_slice %mul3A_560 {offsets = [0, 0], sizes = [120, 384], strides = [1, 1]} : vector<128x384xf32> to vector<120x384xf32>
      %concatenate3A_564 = tpu.concatenate %broadcast_in_dim3A_562, %slice3A_563 in 0 : vector<8x384xf32>, vector<120x384xf32> -> vector<128x384xf32>
      %broadcast_in_dim3A_565 = arith.constant 0.000000e+00 : f32
      %broadcast_in_dim3A_566 = vector.broadcast %broadcast_in_dim3A_565 : f32 to vector<8x384xf32>
      %slice3A_567 = vector.extract_strided_slice %add3A_559 {offsets = [0, 0], sizes = [120, 384], strides = [1, 1]} : vector<128x384xf32> to vector<120x384xf32>
      %concatenate3A_568 = tpu.concatenate %broadcast_in_dim3A_566, %slice3A_567 in 0 : vector<8x384xf32>, vector<120x384xf32> -> vector<128x384xf32>
      %mul3A_569 = arith.mulf %mul3A_560, %concatenate3A_568 : vector<128x384xf32>
      %add3A_570 = arith.addf %mul3A_569, %add3A_559 : vector<128x384xf32>
      %mul3A_571 = arith.mulf %mul3A_560, %concatenate3A_564 : vector<128x384xf32>
      %broadcast_in_dim3A_572 = arith.constant 1.000000e+00 : f32
      %broadcast_in_dim3A_573 = vector.broadcast %broadcast_in_dim3A_572 : f32 to vector<16x384xf32>
      %slice3A_574 = vector.extract_strided_slice %mul3A_571 {offsets = [0, 0], sizes = [112, 384], strides = [1, 1]} : vector<128x384xf32> to vector<112x384xf32>
      %concatenate3A_575 = tpu.concatenate %broadcast_in_dim3A_573, %slice3A_574 in 0 : vector<16x384xf32>, vector<112x384xf32> -> vector<128x384xf32>
      %broadcast_in_dim3A_576 = arith.constant 0.000000e+00 : f32
      %broadcast_in_dim3A_577 = vector.broadcast %broadcast_in_dim3A_576 : f32 to vector<16x384xf32>
      %slice3A_578 = vector.extract_strided_slice %add3A_570 {offsets = [0, 0], sizes = [112, 384], strides = [1, 1]} : vector<128x384xf32> to vector<112x384xf32>
      %concatenate3A_579 = tpu.concatenate %broadcast_in_dim3A_577, %slice3A_578 in 0 : vector<16x384xf32>, vector<112x384xf32> -> vector<128x384xf32>
      %mul3A_580 = arith.mulf %mul3A_571, %concatenate3A_579 : vector<128x384xf32>
      %add3A_581 = arith.addf %mul3A_580, %add3A_570 : vector<128x384xf32>
      %mul3A_582 = arith.mulf %mul3A_571, %concatenate3A_575 : vector<128x384xf32>
      %broadcast_in_dim3A_583 = arith.constant 1.000000e+00 : f32
      %broadcast_in_dim3A_584 = vector.broadcast %broadcast_in_dim3A_583 : f32 to vector<32x384xf32>
      %slice3A_585 = vector.extract_strided_slice %mul3A_582 {offsets = [0, 0], sizes = [96, 384], strides = [1, 1]} : vector<128x384xf32> to vector<96x384xf32>
      %concatenate3A_586 = tpu.concatenate %broadcast_in_dim3A_584, %slice3A_585 in 0 : vector<32x384xf32>, vector<96x384xf32> -> vector<128x384xf32>
      %broadcast_in_dim3A_587 = arith.constant 0.000000e+00 : f32
      %broadcast_in_dim3A_588 = vector.broadcast %broadcast_in_dim3A_587 : f32 to vector<32x384xf32>
      %slice3A_589 = vector.extract_strided_slice %add3A_581 {offsets = [0, 0], sizes = [96, 384], strides = [1, 1]} : vector<128x384xf32> to vector<96x384xf32>
      %concatenate3A_590 = tpu.concatenate %broadcast_in_dim3A_588, %slice3A_589 in 0 : vector<32x384xf32>, vector<96x384xf32> -> vector<128x384xf32>
      %mul3A_591 = arith.mulf %mul3A_582, %concatenate3A_590 : vector<128x384xf32>
      %add3A_592 = arith.addf %mul3A_591, %add3A_581 : vector<128x384xf32>
      %mul3A_593 = arith.mulf %mul3A_582, %concatenate3A_586 : vector<128x384xf32>
      %broadcast_in_dim3A_594 = arith.constant 1.000000e+00 : f32
      %broadcast_in_dim3A_595 = vector.broadcast %broadcast_in_dim3A_594 : f32 to vector<64x384xf32>
      %slice3A_596 = vector.extract_strided_slice %mul3A_593 {offsets = [0, 0], sizes = [64, 384], strides = [1, 1]} : vector<128x384xf32> to vector<64x384xf32>
      %concatenate3A_597 = tpu.concatenate %broadcast_in_dim3A_595, %slice3A_596 in 0 : vector<64x384xf32>, vector<64x384xf32> -> vector<128x384xf32>
      %broadcast_in_dim3A_598 = arith.constant 0.000000e+00 : f32
      %broadcast_in_dim3A_599 = vector.broadcast %broadcast_in_dim3A_598 : f32 to vector<64x384xf32>
      %slice3A_600 = vector.extract_strided_slice %add3A_592 {offsets = [0, 0], sizes = [64, 384], strides = [1, 1]} : vector<128x384xf32> to vector<64x384xf32>
      %concatenate3A_601 = tpu.concatenate %broadcast_in_dim3A_599, %slice3A_600 in 0 : vector<64x384xf32>, vector<64x384xf32> -> vector<128x384xf32>
      %mul3A_602 = arith.mulf %mul3A_593, %concatenate3A_601 : vector<128x384xf32>
      %add3A_603 = arith.addf %mul3A_602, %add3A_592 : vector<128x384xf32>
      %mul3A_604 = arith.mulf %mul3A_593, %concatenate3A_597 : vector<128x384xf32>
      %slice3A_605 = vector.extract_strided_slice %while3A_197 {offsets = [3, 0], sizes = [1, 384], strides = [1, 1]} : vector<16x384xf32> to vector<1x384xf32>
      %squeeze3A_606 = vector.shape_cast %slice3A_605 : vector<1x384xf32> to vector<384xf32>
      %broadcast_in_dim3A_607 = vector.shape_cast %squeeze3A_606 : vector<384xf32> to vector<1x384xf32>
      %mul3A_608 = vector.broadcast %broadcast_in_dim3A_607 : vector<1x384xf32> to vector<128x384xf32>
      %mul3A_609 = arith.mulf %mul3A_604, %mul3A_608 : vector<128x384xf32>
      %add3A_610 = arith.addf %mul3A_609, %add3A_603 : vector<128x384xf32>
      %slice3A_611 = vector.extract_strided_slice %get3A_211 {offsets = [0, 3], sizes = [128, 1], strides = [1, 1]} : vector<128x16xf32> to vector<128x1xf32>
      %squeeze3A_612 = vector.shape_cast %slice3A_611 : vector<128x1xf32> to vector<128xf32>
      %broadcast_in_dim3A_613 = vector.shape_cast %squeeze3A_612 : vector<128xf32> to vector<128x1xf32>
      %mul3A_614 = vector.broadcast %broadcast_in_dim3A_613 : vector<128x1xf32> to vector<128x384xf32>
      %mul3A_615 = arith.mulf %add3A_610, %mul3A_614 : vector<128x384xf32>
      %add3A_616 = arith.addf %add3A_515, %mul3A_615 : vector<128x384xf32>
      %slice3A_617 = vector.extract_strided_slice %add3A_610 {offsets = [127, 0], sizes = [1, 384], strides = [1, 1]} : vector<128x384xf32> to vector<1x384xf32>
      %slice3A_618 = vector.extract_strided_slice %neg3A_110 {offsets = [0, 4], sizes = [384, 1], strides = [1, 1]} : vector<384x16xf32> to vector<384x1xf32>
      %squeeze3A_619 = vector.shape_cast %slice3A_618 : vector<384x1xf32> to vector<384xf32>
      %broadcast_in_dim3A_620 = vector.shape_cast %squeeze3A_619 : vector<384xf32> to vector<1x384xf32>
      %mul3A_621 = vector.broadcast %broadcast_in_dim3A_620 : vector<1x384xf32> to vector<128x384xf32>
      %mul3A_622 = arith.mulf %get3A_202, %mul3A_621 : vector<128x384xf32>
      %exp3A_623 = math.exp %mul3A_622 : vector<128x384xf32>
      %slice3A_624 = vector.extract_strided_slice %get3A_208 {offsets = [0, 4], sizes = [128, 1], strides = [1, 1]} : vector<128x16xf32> to vector<128x1xf32>
      %squeeze3A_625 = vector.shape_cast %slice3A_624 : vector<128x1xf32> to vector<128xf32>
      %broadcast_in_dim3A_626 = vector.shape_cast %squeeze3A_625 : vector<128xf32> to vector<128x1xf32>
      %mul3A_627 = vector.broadcast %broadcast_in_dim3A_626 : vector<128x1xf32> to vector<128x384xf32>
      %mul3A_628 = arith.mulf %get3A_205, %mul3A_627 : vector<128x384xf32>
      %broadcast_in_dim3A_629 = arith.constant 1.000000e+00 : f32
      %broadcast_in_dim3A_630 = vector.broadcast %broadcast_in_dim3A_629 : f32 to vector<1x384xf32>
      %slice3A_631 = vector.extract_strided_slice %exp3A_623 {offsets = [0, 0], sizes = [127, 384], strides = [1, 1]} : vector<128x384xf32> to vector<127x384xf32>
      %concatenate3A_632 = tpu.concatenate %broadcast_in_dim3A_630, %slice3A_631 in 0 : vector<1x384xf32>, vector<127x384xf32> -> vector<128x384xf32>
      %broadcast_in_dim3A_633 = arith.constant 0.000000e+00 : f32
      %broadcast_in_dim3A_634 = vector.broadcast %broadcast_in_dim3A_633 : f32 to vector<1x384xf32>
      %slice3A_635 = vector.extract_strided_slice %mul3A_628 {offsets = [0, 0], sizes = [127, 384], strides = [1, 1]} : vector<128x384xf32> to vector<127x384xf32>
      %concatenate3A_636 = tpu.concatenate %broadcast_in_dim3A_634, %slice3A_635 in 0 : vector<1x384xf32>, vector<127x384xf32> -> vector<128x384xf32>
      %mul3A_637 = arith.mulf %exp3A_623, %concatenate3A_636 : vector<128x384xf32>
      %add3A_638 = arith.addf %mul3A_637, %mul3A_628 : vector<128x384xf32>
      %mul3A_639 = arith.mulf %exp3A_623, %concatenate3A_632 : vector<128x384xf32>
      %broadcast_in_dim3A_640 = arith.constant 1.000000e+00 : f32
      %broadcast_in_dim3A_641 = vector.broadcast %broadcast_in_dim3A_640 : f32 to vector<2x384xf32>
      %slice3A_642 = vector.extract_strided_slice %mul3A_639 {offsets = [0, 0], sizes = [126, 384], strides = [1, 1]} : vector<128x384xf32> to vector<126x384xf32>
      %concatenate3A_643 = tpu.concatenate %broadcast_in_dim3A_641, %slice3A_642 in 0 : vector<2x384xf32>, vector<126x384xf32> -> vector<128x384xf32>
      %broadcast_in_dim3A_644 = arith.constant 0.000000e+00 : f32
      %broadcast_in_dim3A_645 = vector.broadcast %broadcast_in_dim3A_644 : f32 to vector<2x384xf32>
      %slice3A_646 = vector.extract_strided_slice %add3A_638 {offsets = [0, 0], sizes = [126, 384], strides = [1, 1]} : vector<128x384xf32> to vector<126x384xf32>
      %concatenate3A_647 = tpu.concatenate %broadcast_in_dim3A_645, %slice3A_646 in 0 : vector<2x384xf32>, vector<126x384xf32> -> vector<128x384xf32>
      %mul3A_648 = arith.mulf %mul3A_639, %concatenate3A_647 : vector<128x384xf32>
      %add3A_649 = arith.addf %mul3A_648, %add3A_638 : vector<128x384xf32>
      %mul3A_650 = arith.mulf %mul3A_639, %concatenate3A_643 : vector<128x384xf32>
      %broadcast_in_dim3A_651 = arith.constant 1.000000e+00 : f32
      %broadcast_in_dim3A_652 = vector.broadcast %broadcast_in_dim3A_651 : f32 to vector<4x384xf32>
      %slice3A_653 = vector.extract_strided_slice %mul3A_650 {offsets = [0, 0], sizes = [124, 384], strides = [1, 1]} : vector<128x384xf32> to vector<124x384xf32>
      %concatenate3A_654 = tpu.concatenate %broadcast_in_dim3A_652, %slice3A_653 in 0 : vector<4x384xf32>, vector<124x384xf32> -> vector<128x384xf32>
      %broadcast_in_dim3A_655 = arith.constant 0.000000e+00 : f32
      %broadcast_in_dim3A_656 = vector.broadcast %broadcast_in_dim3A_655 : f32 to vector<4x384xf32>
      %slice3A_657 = vector.extract_strided_slice %add3A_649 {offsets = [0, 0], sizes = [124, 384], strides = [1, 1]} : vector<128x384xf32> to vector<124x384xf32>
      %concatenate3A_658 = tpu.concatenate %broadcast_in_dim3A_656, %slice3A_657 in 0 : vector<4x384xf32>, vector<124x384xf32> -> vector<128x384xf32>
      %mul3A_659 = arith.mulf %mul3A_650, %concatenate3A_658 : vector<128x384xf32>
      %add3A_660 = arith.addf %mul3A_659, %add3A_649 : vector<128x384xf32>
      %mul3A_661 = arith.mulf %mul3A_650, %concatenate3A_654 : vector<128x384xf32>
      %broadcast_in_dim3A_662 = arith.constant 1.000000e+00 : f32
      %broadcast_in_dim3A_663 = vector.broadcast %broadcast_in_dim3A_662 : f32 to vector<8x384xf32>
      %slice3A_664 = vector.extract_strided_slice %mul3A_661 {offsets = [0, 0], sizes = [120, 384], strides = [1, 1]} : vector<128x384xf32> to vector<120x384xf32>
      %concatenate3A_665 = tpu.concatenate %broadcast_in_dim3A_663, %slice3A_664 in 0 : vector<8x384xf32>, vector<120x384xf32> -> vector<128x384xf32>
      %broadcast_in_dim3A_666 = arith.constant 0.000000e+00 : f32
      %broadcast_in_dim3A_667 = vector.broadcast %broadcast_in_dim3A_666 : f32 to vector<8x384xf32>
      %slice3A_668 = vector.extract_strided_slice %add3A_660 {offsets = [0, 0], sizes = [120, 384], strides = [1, 1]} : vector<128x384xf32> to vector<120x384xf32>
      %concatenate3A_669 = tpu.concatenate %broadcast_in_dim3A_667, %slice3A_668 in 0 : vector<8x384xf32>, vector<120x384xf32> -> vector<128x384xf32>
      %mul3A_670 = arith.mulf %mul3A_661, %concatenate3A_669 : vector<128x384xf32>
      %add3A_671 = arith.addf %mul3A_670, %add3A_660 : vector<128x384xf32>
      %mul3A_672 = arith.mulf %mul3A_661, %concatenate3A_665 : vector<128x384xf32>
      %broadcast_in_dim3A_673 = arith.constant 1.000000e+00 : f32
      %broadcast_in_dim3A_674 = vector.broadcast %broadcast_in_dim3A_673 : f32 to vector<16x384xf32>
      %slice3A_675 = vector.extract_strided_slice %mul3A_672 {offsets = [0, 0], sizes = [112, 384], strides = [1, 1]} : vector<128x384xf32> to vector<112x384xf32>
      %concatenate3A_676 = tpu.concatenate %broadcast_in_dim3A_674, %slice3A_675 in 0 : vector<16x384xf32>, vector<112x384xf32> -> vector<128x384xf32>
      %broadcast_in_dim3A_677 = arith.constant 0.000000e+00 : f32
      %broadcast_in_dim3A_678 = vector.broadcast %broadcast_in_dim3A_677 : f32 to vector<16x384xf32>
      %slice3A_679 = vector.extract_strided_slice %add3A_671 {offsets = [0, 0], sizes = [112, 384], strides = [1, 1]} : vector<128x384xf32> to vector<112x384xf32>
      %concatenate3A_680 = tpu.concatenate %broadcast_in_dim3A_678, %slice3A_679 in 0 : vector<16x384xf32>, vector<112x384xf32> -> vector<128x384xf32>
      %mul3A_681 = arith.mulf %mul3A_672, %concatenate3A_680 : vector<128x384xf32>
      %add3A_682 = arith.addf %mul3A_681, %add3A_671 : vector<128x384xf32>
      %mul3A_683 = arith.mulf %mul3A_672, %concatenate3A_676 : vector<128x384xf32>
      %broadcast_in_dim3A_684 = arith.constant 1.000000e+00 : f32
      %broadcast_in_dim3A_685 = vector.broadcast %broadcast_in_dim3A_684 : f32 to vector<32x384xf32>
      %slice3A_686 = vector.extract_strided_slice %mul3A_683 {offsets = [0, 0], sizes = [96, 384], strides = [1, 1]} : vector<128x384xf32> to vector<96x384xf32>
      %concatenate3A_687 = tpu.concatenate %broadcast_in_dim3A_685, %slice3A_686 in 0 : vector<32x384xf32>, vector<96x384xf32> -> vector<128x384xf32>
      %broadcast_in_dim3A_688 = arith.constant 0.000000e+00 : f32
      %broadcast_in_dim3A_689 = vector.broadcast %broadcast_in_dim3A_688 : f32 to vector<32x384xf32>
      %slice3A_690 = vector.extract_strided_slice %add3A_682 {offsets = [0, 0], sizes = [96, 384], strides = [1, 1]} : vector<128x384xf32> to vector<96x384xf32>
      %concatenate3A_691 = tpu.concatenate %broadcast_in_dim3A_689, %slice3A_690 in 0 : vector<32x384xf32>, vector<96x384xf32> -> vector<128x384xf32>
      %mul3A_692 = arith.mulf %mul3A_683, %concatenate3A_691 : vector<128x384xf32>
      %add3A_693 = arith.addf %mul3A_692, %add3A_682 : vector<128x384xf32>
      %mul3A_694 = arith.mulf %mul3A_683, %concatenate3A_687 : vector<128x384xf32>
      %broadcast_in_dim3A_695 = arith.constant 1.000000e+00 : f32
      %broadcast_in_dim3A_696 = vector.broadcast %broadcast_in_dim3A_695 : f32 to vector<64x384xf32>
      %slice3A_697 = vector.extract_strided_slice %mul3A_694 {offsets = [0, 0], sizes = [64, 384], strides = [1, 1]} : vector<128x384xf32> to vector<64x384xf32>
      %concatenate3A_698 = tpu.concatenate %broadcast_in_dim3A_696, %slice3A_697 in 0 : vector<64x384xf32>, vector<64x384xf32> -> vector<128x384xf32>
      %broadcast_in_dim3A_699 = arith.constant 0.000000e+00 : f32
      %broadcast_in_dim3A_700 = vector.broadcast %broadcast_in_dim3A_699 : f32 to vector<64x384xf32>
      %slice3A_701 = vector.extract_strided_slice %add3A_693 {offsets = [0, 0], sizes = [64, 384], strides = [1, 1]} : vector<128x384xf32> to vector<64x384xf32>
      %concatenate3A_702 = tpu.concatenate %broadcast_in_dim3A_700, %slice3A_701 in 0 : vector<64x384xf32>, vector<64x384xf32> -> vector<128x384xf32>
      %mul3A_703 = arith.mulf %mul3A_694, %concatenate3A_702 : vector<128x384xf32>
      %add3A_704 = arith.addf %mul3A_703, %add3A_693 : vector<128x384xf32>
      %mul3A_705 = arith.mulf %mul3A_694, %concatenate3A_698 : vector<128x384xf32>
      %slice3A_706 = vector.extract_strided_slice %while3A_197 {offsets = [4, 0], sizes = [1, 384], strides = [1, 1]} : vector<16x384xf32> to vector<1x384xf32>
      %squeeze3A_707 = vector.shape_cast %slice3A_706 : vector<1x384xf32> to vector<384xf32>
      %broadcast_in_dim3A_708 = vector.shape_cast %squeeze3A_707 : vector<384xf32> to vector<1x384xf32>
      %mul3A_709 = vector.broadcast %broadcast_in_dim3A_708 : vector<1x384xf32> to vector<128x384xf32>
      %mul3A_710 = arith.mulf %mul3A_705, %mul3A_709 : vector<128x384xf32>
      %add3A_711 = arith.addf %mul3A_710, %add3A_704 : vector<128x384xf32>
      %slice3A_712 = vector.extract_strided_slice %get3A_211 {offsets = [0, 4], sizes = [128, 1], strides = [1, 1]} : vector<128x16xf32> to vector<128x1xf32>
      %squeeze3A_713 = vector.shape_cast %slice3A_712 : vector<128x1xf32> to vector<128xf32>
      %broadcast_in_dim3A_714 = vector.shape_cast %squeeze3A_713 : vector<128xf32> to vector<128x1xf32>
      %mul3A_715 = vector.broadcast %broadcast_in_dim3A_714 : vector<128x1xf32> to vector<128x384xf32>
      %mul3A_716 = arith.mulf %add3A_711, %mul3A_715 : vector<128x384xf32>
      %add3A_717 = arith.addf %add3A_616, %mul3A_716 : vector<128x384xf32>
      %slice3A_718 = vector.extract_strided_slice %add3A_711 {offsets = [127, 0], sizes = [1, 384], strides = [1, 1]} : vector<128x384xf32> to vector<1x384xf32>
      %slice3A_719 = vector.extract_strided_slice %neg3A_110 {offsets = [0, 5], sizes = [384, 1], strides = [1, 1]} : vector<384x16xf32> to vector<384x1xf32>
      %squeeze3A_720 = vector.shape_cast %slice3A_719 : vector<384x1xf32> to vector<384xf32>
      %broadcast_in_dim3A_721 = vector.shape_cast %squeeze3A_720 : vector<384xf32> to vector<1x384xf32>
      %mul3A_722 = vector.broadcast %broadcast_in_dim3A_721 : vector<1x384xf32> to vector<128x384xf32>
      %mul3A_723 = arith.mulf %get3A_202, %mul3A_722 : vector<128x384xf32>
      %exp3A_724 = math.exp %mul3A_723 : vector<128x384xf32>
      %slice3A_725 = vector.extract_strided_slice %get3A_208 {offsets = [0, 5], sizes = [128, 1], strides = [1, 1]} : vector<128x16xf32> to vector<128x1xf32>
      %squeeze3A_726 = vector.shape_cast %slice3A_725 : vector<128x1xf32> to vector<128xf32>
      %broadcast_in_dim3A_727 = vector.shape_cast %squeeze3A_726 : vector<128xf32> to vector<128x1xf32>
      %mul3A_728 = vector.broadcast %broadcast_in_dim3A_727 : vector<128x1xf32> to vector<128x384xf32>
      %mul3A_729 = arith.mulf %get3A_205, %mul3A_728 : vector<128x384xf32>
      %broadcast_in_dim3A_730 = arith.constant 1.000000e+00 : f32
      %broadcast_in_dim3A_731 = vector.broadcast %broadcast_in_dim3A_730 : f32 to vector<1x384xf32>
      %slice3A_732 = vector.extract_strided_slice %exp3A_724 {offsets = [0, 0], sizes = [127, 384], strides = [1, 1]} : vector<128x384xf32> to vector<127x384xf32>
      %concatenate3A_733 = tpu.concatenate %broadcast_in_dim3A_731, %slice3A_732 in 0 : vector<1x384xf32>, vector<127x384xf32> -> vector<128x384xf32>
      %broadcast_in_dim3A_734 = arith.constant 0.000000e+00 : f32
      %broadcast_in_dim3A_735 = vector.broadcast %broadcast_in_dim3A_734 : f32 to vector<1x384xf32>
      %slice3A_736 = vector.extract_strided_slice %mul3A_729 {offsets = [0, 0], sizes = [127, 384], strides = [1, 1]} : vector<128x384xf32> to vector<127x384xf32>
      %concatenate3A_737 = tpu.concatenate %broadcast_in_dim3A_735, %slice3A_736 in 0 : vector<1x384xf32>, vector<127x384xf32> -> vector<128x384xf32>
      %mul3A_738 = arith.mulf %exp3A_724, %concatenate3A_737 : vector<128x384xf32>
      %add3A_739 = arith.addf %mul3A_738, %mul3A_729 : vector<128x384xf32>
      %mul3A_740 = arith.mulf %exp3A_724, %concatenate3A_733 : vector<128x384xf32>
      %broadcast_in_dim3A_741 = arith.constant 1.000000e+00 : f32
      %broadcast_in_dim3A_742 = vector.broadcast %broadcast_in_dim3A_741 : f32 to vector<2x384xf32>
      %slice3A_743 = vector.extract_strided_slice %mul3A_740 {offsets = [0, 0], sizes = [126, 384], strides = [1, 1]} : vector<128x384xf32> to vector<126x384xf32>
      %concatenate3A_744 = tpu.concatenate %broadcast_in_dim3A_742, %slice3A_743 in 0 : vector<2x384xf32>, vector<126x384xf32> -> vector<128x384xf32>
      %broadcast_in_dim3A_745 = arith.constant 0.000000e+00 : f32
      %broadcast_in_dim3A_746 = vector.broadcast %broadcast_in_dim3A_745 : f32 to vector<2x384xf32>
      %slice3A_747 = vector.extract_strided_slice %add3A_739 {offsets = [0, 0], sizes = [126, 384], strides = [1, 1]} : vector<128x384xf32> to vector<126x384xf32>
      %concatenate3A_748 = tpu.concatenate %broadcast_in_dim3A_746, %slice3A_747 in 0 : vector<2x384xf32>, vector<126x384xf32> -> vector<128x384xf32>
      %mul3A_749 = arith.mulf %mul3A_740, %concatenate3A_748 : vector<128x384xf32>
      %add3A_750 = arith.addf %mul3A_749, %add3A_739 : vector<128x384xf32>
      %mul3A_751 = arith.mulf %mul3A_740, %concatenate3A_744 : vector<128x384xf32>
      %broadcast_in_dim3A_752 = arith.constant 1.000000e+00 : f32
      %broadcast_in_dim3A_753 = vector.broadcast %broadcast_in_dim3A_752 : f32 to vector<4x384xf32>
      %slice3A_754 = vector.extract_strided_slice %mul3A_751 {offsets = [0, 0], sizes = [124, 384], strides = [1, 1]} : vector<128x384xf32> to vector<124x384xf32>
      %concatenate3A_755 = tpu.concatenate %broadcast_in_dim3A_753, %slice3A_754 in 0 : vector<4x384xf32>, vector<124x384xf32> -> vector<128x384xf32>
      %broadcast_in_dim3A_756 = arith.constant 0.000000e+00 : f32
      %broadcast_in_dim3A_757 = vector.broadcast %broadcast_in_dim3A_756 : f32 to vector<4x384xf32>
      %slice3A_758 = vector.extract_strided_slice %add3A_750 {offsets = [0, 0], sizes = [124, 384], strides = [1, 1]} : vector<128x384xf32> to vector<124x384xf32>
      %concatenate3A_759 = tpu.concatenate %broadcast_in_dim3A_757, %slice3A_758 in 0 : vector<4x384xf32>, vector<124x384xf32> -> vector<128x384xf32>
      %mul3A_760 = arith.mulf %mul3A_751, %concatenate3A_759 : vector<128x384xf32>
      %add3A_761 = arith.addf %mul3A_760, %add3A_750 : vector<128x384xf32>
      %mul3A_762 = arith.mulf %mul3A_751, %concatenate3A_755 : vector<128x384xf32>
      %broadcast_in_dim3A_763 = arith.constant 1.000000e+00 : f32
      %broadcast_in_dim3A_764 = vector.broadcast %broadcast_in_dim3A_763 : f32 to vector<8x384xf32>
      %slice3A_765 = vector.extract_strided_slice %mul3A_762 {offsets = [0, 0], sizes = [120, 384], strides = [1, 1]} : vector<128x384xf32> to vector<120x384xf32>
      %concatenate3A_766 = tpu.concatenate %broadcast_in_dim3A_764, %slice3A_765 in 0 : vector<8x384xf32>, vector<120x384xf32> -> vector<128x384xf32>
      %broadcast_in_dim3A_767 = arith.constant 0.000000e+00 : f32
      %broadcast_in_dim3A_768 = vector.broadcast %broadcast_in_dim3A_767 : f32 to vector<8x384xf32>
      %slice3A_769 = vector.extract_strided_slice %add3A_761 {offsets = [0, 0], sizes = [120, 384], strides = [1, 1]} : vector<128x384xf32> to vector<120x384xf32>
      %concatenate3A_770 = tpu.concatenate %broadcast_in_dim3A_768, %slice3A_769 in 0 : vector<8x384xf32>, vector<120x384xf32> -> vector<128x384xf32>
      %mul3A_771 = arith.mulf %mul3A_762, %concatenate3A_770 : vector<128x384xf32>
      %add3A_772 = arith.addf %mul3A_771, %add3A_761 : vector<128x384xf32>
      %mul3A_773 = arith.mulf %mul3A_762, %concatenate3A_766 : vector<128x384xf32>
      %broadcast_in_dim3A_774 = arith.constant 1.000000e+00 : f32
      %broadcast_in_dim3A_775 = vector.broadcast %broadcast_in_dim3A_774 : f32 to vector<16x384xf32>
      %slice3A_776 = vector.extract_strided_slice %mul3A_773 {offsets = [0, 0], sizes = [112, 384], strides = [1, 1]} : vector<128x384xf32> to vector<112x384xf32>
      %concatenate3A_777 = tpu.concatenate %broadcast_in_dim3A_775, %slice3A_776 in 0 : vector<16x384xf32>, vector<112x384xf32> -> vector<128x384xf32>
      %broadcast_in_dim3A_778 = arith.constant 0.000000e+00 : f32
      %broadcast_in_dim3A_779 = vector.broadcast %broadcast_in_dim3A_778 : f32 to vector<16x384xf32>
      %slice3A_780 = vector.extract_strided_slice %add3A_772 {offsets = [0, 0], sizes = [112, 384], strides = [1, 1]} : vector<128x384xf32> to vector<112x384xf32>
      %concatenate3A_781 = tpu.concatenate %broadcast_in_dim3A_779, %slice3A_780 in 0 : vector<16x384xf32>, vector<112x384xf32> -> vector<128x384xf32>
      %mul3A_782 = arith.mulf %mul3A_773, %concatenate3A_781 : vector<128x384xf32>
      %add3A_783 = arith.addf %mul3A_782, %add3A_772 : vector<128x384xf32>
      %mul3A_784 = arith.mulf %mul3A_773, %concatenate3A_777 : vector<128x384xf32>
      %broadcast_in_dim3A_785 = arith.constant 1.000000e+00 : f32
      %broadcast_in_dim3A_786 = vector.broadcast %broadcast_in_dim3A_785 : f32 to vector<32x384xf32>
      %slice3A_787 = vector.extract_strided_slice %mul3A_784 {offsets = [0, 0], sizes = [96, 384], strides = [1, 1]} : vector<128x384xf32> to vector<96x384xf32>
      %concatenate3A_788 = tpu.concatenate %broadcast_in_dim3A_786, %slice3A_787 in 0 : vector<32x384xf32>, vector<96x384xf32> -> vector<128x384xf32>
      %broadcast_in_dim3A_789 = arith.constant 0.000000e+00 : f32
      %broadcast_in_dim3A_790 = vector.broadcast %broadcast_in_dim3A_789 : f32 to vector<32x384xf32>
      %slice3A_791 = vector.extract_strided_slice %add3A_783 {offsets = [0, 0], sizes = [96, 384], strides = [1, 1]} : vector<128x384xf32> to vector<96x384xf32>
      %concatenate3A_792 = tpu.concatenate %broadcast_in_dim3A_790, %slice3A_791 in 0 : vector<32x384xf32>, vector<96x384xf32> -> vector<128x384xf32>
      %mul3A_793 = arith.mulf %mul3A_784, %concatenate3A_792 : vector<128x384xf32>
      %add3A_794 = arith.addf %mul3A_793, %add3A_783 : vector<128x384xf32>
      %mul3A_795 = arith.mulf %mul3A_784, %concatenate3A_788 : vector<128x384xf32>
      %broadcast_in_dim3A_796 = arith.constant 1.000000e+00 : f32
      %broadcast_in_dim3A_797 = vector.broadcast %broadcast_in_dim3A_796 : f32 to vector<64x384xf32>
      %slice3A_798 = vector.extract_strided_slice %mul3A_795 {offsets = [0, 0], sizes = [64, 384], strides = [1, 1]} : vector<128x384xf32> to vector<64x384xf32>
      %concatenate3A_799 = tpu.concatenate %broadcast_in_dim3A_797, %slice3A_798 in 0 : vector<64x384xf32>, vector<64x384xf32> -> vector<128x384xf32>
      %broadcast_in_dim3A_800 = arith.constant 0.000000e+00 : f32
      %broadcast_in_dim3A_801 = vector.broadcast %broadcast_in_dim3A_800 : f32 to vector<64x384xf32>
      %slice3A_802 = vector.extract_strided_slice %add3A_794 {offsets = [0, 0], sizes = [64, 384], strides = [1, 1]} : vector<128x384xf32> to vector<64x384xf32>
      %concatenate3A_803 = tpu.concatenate %broadcast_in_dim3A_801, %slice3A_802 in 0 : vector<64x384xf32>, vector<64x384xf32> -> vector<128x384xf32>
      %mul3A_804 = arith.mulf %mul3A_795, %concatenate3A_803 : vector<128x384xf32>
      %add3A_805 = arith.addf %mul3A_804, %add3A_794 : vector<128x384xf32>
      %mul3A_806 = arith.mulf %mul3A_795, %concatenate3A_799 : vector<128x384xf32>
      %slice3A_807 = vector.extract_strided_slice %while3A_197 {offsets = [5, 0], sizes = [1, 384], strides = [1, 1]} : vector<16x384xf32> to vector<1x384xf32>
      %squeeze3A_808 = vector.shape_cast %slice3A_807 : vector<1x384xf32> to vector<384xf32>
      %broadcast_in_dim3A_809 = vector.shape_cast %squeeze3A_808 : vector<384xf32> to vector<1x384xf32>
      %mul3A_810 = vector.broadcast %broadcast_in_dim3A_809 : vector<1x384xf32> to vector<128x384xf32>
      %mul3A_811 = arith.mulf %mul3A_806, %mul3A_810 : vector<128x384xf32>
      %add3A_812 = arith.addf %mul3A_811, %add3A_805 : vector<128x384xf32>
      %slice3A_813 = vector.extract_strided_slice %get3A_211 {offsets = [0, 5], sizes = [128, 1], strides = [1, 1]} : vector<128x16xf32> to vector<128x1xf32>
      %squeeze3A_814 = vector.shape_cast %slice3A_813 : vector<128x1xf32> to vector<128xf32>
      %broadcast_in_dim3A_815 = vector.shape_cast %squeeze3A_814 : vector<128xf32> to vector<128x1xf32>
      %mul3A_816 = vector.broadcast %broadcast_in_dim3A_815 : vector<128x1xf32> to vector<128x384xf32>
      %mul3A_817 = arith.mulf %add3A_812, %mul3A_816 : vector<128x384xf32>
      %add3A_818 = arith.addf %add3A_717, %mul3A_817 : vector<128x384xf32>
      %slice3A_819 = vector.extract_strided_slice %add3A_812 {offsets = [127, 0], sizes = [1, 384], strides = [1, 1]} : vector<128x384xf32> to vector<1x384xf32>
      %slice3A_820 = vector.extract_strided_slice %neg3A_110 {offsets = [0, 6], sizes = [384, 1], strides = [1, 1]} : vector<384x16xf32> to vector<384x1xf32>
      %squeeze3A_821 = vector.shape_cast %slice3A_820 : vector<384x1xf32> to vector<384xf32>
      %broadcast_in_dim3A_822 = vector.shape_cast %squeeze3A_821 : vector<384xf32> to vector<1x384xf32>
      %mul3A_823 = vector.broadcast %broadcast_in_dim3A_822 : vector<1x384xf32> to vector<128x384xf32>
      %mul3A_824 = arith.mulf %get3A_202, %mul3A_823 : vector<128x384xf32>
      %exp3A_825 = math.exp %mul3A_824 : vector<128x384xf32>
      %slice3A_826 = vector.extract_strided_slice %get3A_208 {offsets = [0, 6], sizes = [128, 1], strides = [1, 1]} : vector<128x16xf32> to vector<128x1xf32>
      %squeeze3A_827 = vector.shape_cast %slice3A_826 : vector<128x1xf32> to vector<128xf32>
      %broadcast_in_dim3A_828 = vector.shape_cast %squeeze3A_827 : vector<128xf32> to vector<128x1xf32>
      %mul3A_829 = vector.broadcast %broadcast_in_dim3A_828 : vector<128x1xf32> to vector<128x384xf32>
      %mul3A_830 = arith.mulf %get3A_205, %mul3A_829 : vector<128x384xf32>
      %broadcast_in_dim3A_831 = arith.constant 1.000000e+00 : f32
      %broadcast_in_dim3A_832 = vector.broadcast %broadcast_in_dim3A_831 : f32 to vector<1x384xf32>
      %slice3A_833 = vector.extract_strided_slice %exp3A_825 {offsets = [0, 0], sizes = [127, 384], strides = [1, 1]} : vector<128x384xf32> to vector<127x384xf32>
      %concatenate3A_834 = tpu.concatenate %broadcast_in_dim3A_832, %slice3A_833 in 0 : vector<1x384xf32>, vector<127x384xf32> -> vector<128x384xf32>
      %broadcast_in_dim3A_835 = arith.constant 0.000000e+00 : f32
      %broadcast_in_dim3A_836 = vector.broadcast %broadcast_in_dim3A_835 : f32 to vector<1x384xf32>
      %slice3A_837 = vector.extract_strided_slice %mul3A_830 {offsets = [0, 0], sizes = [127, 384], strides = [1, 1]} : vector<128x384xf32> to vector<127x384xf32>
      %concatenate3A_838 = tpu.concatenate %broadcast_in_dim3A_836, %slice3A_837 in 0 : vector<1x384xf32>, vector<127x384xf32> -> vector<128x384xf32>
      %mul3A_839 = arith.mulf %exp3A_825, %concatenate3A_838 : vector<128x384xf32>
      %add3A_840 = arith.addf %mul3A_839, %mul3A_830 : vector<128x384xf32>
      %mul3A_841 = arith.mulf %exp3A_825, %concatenate3A_834 : vector<128x384xf32>
      %broadcast_in_dim3A_842 = arith.constant 1.000000e+00 : f32
      %broadcast_in_dim3A_843 = vector.broadcast %broadcast_in_dim3A_842 : f32 to vector<2x384xf32>
      %slice3A_844 = vector.extract_strided_slice %mul3A_841 {offsets = [0, 0], sizes = [126, 384], strides = [1, 1]} : vector<128x384xf32> to vector<126x384xf32>
      %concatenate3A_845 = tpu.concatenate %broadcast_in_dim3A_843, %slice3A_844 in 0 : vector<2x384xf32>, vector<126x384xf32> -> vector<128x384xf32>
      %broadcast_in_dim3A_846 = arith.constant 0.000000e+00 : f32
      %broadcast_in_dim3A_847 = vector.broadcast %broadcast_in_dim3A_846 : f32 to vector<2x384xf32>
      %slice3A_848 = vector.extract_strided_slice %add3A_840 {offsets = [0, 0], sizes = [126, 384], strides = [1, 1]} : vector<128x384xf32> to vector<126x384xf32>
      %concatenate3A_849 = tpu.concatenate %broadcast_in_dim3A_847, %slice3A_848 in 0 : vector<2x384xf32>, vector<126x384xf32> -> vector<128x384xf32>
      %mul3A_850 = arith.mulf %mul3A_841, %concatenate3A_849 : vector<128x384xf32>
      %add3A_851 = arith.addf %mul3A_850, %add3A_840 : vector<128x384xf32>
      %mul3A_852 = arith.mulf %mul3A_841, %concatenate3A_845 : vector<128x384xf32>
      %broadcast_in_dim3A_853 = arith.constant 1.000000e+00 : f32
      %broadcast_in_dim3A_854 = vector.broadcast %broadcast_in_dim3A_853 : f32 to vector<4x384xf32>
      %slice3A_855 = vector.extract_strided_slice %mul3A_852 {offsets = [0, 0], sizes = [124, 384], strides = [1, 1]} : vector<128x384xf32> to vector<124x384xf32>
      %concatenate3A_856 = tpu.concatenate %broadcast_in_dim3A_854, %slice3A_855 in 0 : vector<4x384xf32>, vector<124x384xf32> -> vector<128x384xf32>
      %broadcast_in_dim3A_857 = arith.constant 0.000000e+00 : f32
      %broadcast_in_dim3A_858 = vector.broadcast %broadcast_in_dim3A_857 : f32 to vector<4x384xf32>
      %slice3A_859 = vector.extract_strided_slice %add3A_851 {offsets = [0, 0], sizes = [124, 384], strides = [1, 1]} : vector<128x384xf32> to vector<124x384xf32>
      %concatenate3A_860 = tpu.concatenate %broadcast_in_dim3A_858, %slice3A_859 in 0 : vector<4x384xf32>, vector<124x384xf32> -> vector<128x384xf32>
      %mul3A_861 = arith.mulf %mul3A_852, %concatenate3A_860 : vector<128x384xf32>
      %add3A_862 = arith.addf %mul3A_861, %add3A_851 : vector<128x384xf32>
      %mul3A_863 = arith.mulf %mul3A_852, %concatenate3A_856 : vector<128x384xf32>
      %broadcast_in_dim3A_864 = arith.constant 1.000000e+00 : f32
      %broadcast_in_dim3A_865 = vector.broadcast %broadcast_in_dim3A_864 : f32 to vector<8x384xf32>
      %slice3A_866 = vector.extract_strided_slice %mul3A_863 {offsets = [0, 0], sizes = [120, 384], strides = [1, 1]} : vector<128x384xf32> to vector<120x384xf32>
      %concatenate3A_867 = tpu.concatenate %broadcast_in_dim3A_865, %slice3A_866 in 0 : vector<8x384xf32>, vector<120x384xf32> -> vector<128x384xf32>
      %broadcast_in_dim3A_868 = arith.constant 0.000000e+00 : f32
      %broadcast_in_dim3A_869 = vector.broadcast %broadcast_in_dim3A_868 : f32 to vector<8x384xf32>
      %slice3A_870 = vector.extract_strided_slice %add3A_862 {offsets = [0, 0], sizes = [120, 384], strides = [1, 1]} : vector<128x384xf32> to vector<120x384xf32>
      %concatenate3A_871 = tpu.concatenate %broadcast_in_dim3A_869, %slice3A_870 in 0 : vector<8x384xf32>, vector<120x384xf32> -> vector<128x384xf32>
      %mul3A_872 = arith.mulf %mul3A_863, %concatenate3A_871 : vector<128x384xf32>
      %add3A_873 = arith.addf %mul3A_872, %add3A_862 : vector<128x384xf32>
      %mul3A_874 = arith.mulf %mul3A_863, %concatenate3A_867 : vector<128x384xf32>
      %broadcast_in_dim3A_875 = arith.constant 1.000000e+00 : f32
      %broadcast_in_dim3A_876 = vector.broadcast %broadcast_in_dim3A_875 : f32 to vector<16x384xf32>
      %slice3A_877 = vector.extract_strided_slice %mul3A_874 {offsets = [0, 0], sizes = [112, 384], strides = [1, 1]} : vector<128x384xf32> to vector<112x384xf32>
      %concatenate3A_878 = tpu.concatenate %broadcast_in_dim3A_876, %slice3A_877 in 0 : vector<16x384xf32>, vector<112x384xf32> -> vector<128x384xf32>
      %broadcast_in_dim3A_879 = arith.constant 0.000000e+00 : f32
      %broadcast_in_dim3A_880 = vector.broadcast %broadcast_in_dim3A_879 : f32 to vector<16x384xf32>
      %slice3A_881 = vector.extract_strided_slice %add3A_873 {offsets = [0, 0], sizes = [112, 384], strides = [1, 1]} : vector<128x384xf32> to vector<112x384xf32>
      %concatenate3A_882 = tpu.concatenate %broadcast_in_dim3A_880, %slice3A_881 in 0 : vector<16x384xf32>, vector<112x384xf32> -> vector<128x384xf32>
      %mul3A_883 = arith.mulf %mul3A_874, %concatenate3A_882 : vector<128x384xf32>
      %add3A_884 = arith.addf %mul3A_883, %add3A_873 : vector<128x384xf32>
      %mul3A_885 = arith.mulf %mul3A_874, %concatenate3A_878 : vector<128x384xf32>
      %broadcast_in_dim3A_886 = arith.constant 1.000000e+00 : f32
      %broadcast_in_dim3A_887 = vector.broadcast %broadcast_in_dim3A_886 : f32 to vector<32x384xf32>
      %slice3A_888 = vector.extract_strided_slice %mul3A_885 {offsets = [0, 0], sizes = [96, 384], strides = [1, 1]} : vector<128x384xf32> to vector<96x384xf32>
      %concatenate3A_889 = tpu.concatenate %broadcast_in_dim3A_887, %slice3A_888 in 0 : vector<32x384xf32>, vector<96x384xf32> -> vector<128x384xf32>
      %broadcast_in_dim3A_890 = arith.constant 0.000000e+00 : f32
      %broadcast_in_dim3A_891 = vector.broadcast %broadcast_in_dim3A_890 : f32 to vector<32x384xf32>
      %slice3A_892 = vector.extract_strided_slice %add3A_884 {offsets = [0, 0], sizes = [96, 384], strides = [1, 1]} : vector<128x384xf32> to vector<96x384xf32>
      %concatenate3A_893 = tpu.concatenate %broadcast_in_dim3A_891, %slice3A_892 in 0 : vector<32x384xf32>, vector<96x384xf32> -> vector<128x384xf32>
      %mul3A_894 = arith.mulf %mul3A_885, %concatenate3A_893 : vector<128x384xf32>
      %add3A_895 = arith.addf %mul3A_894, %add3A_884 : vector<128x384xf32>
      %mul3A_896 = arith.mulf %mul3A_885, %concatenate3A_889 : vector<128x384xf32>
      %broadcast_in_dim3A_897 = arith.constant 1.000000e+00 : f32
      %broadcast_in_dim3A_898 = vector.broadcast %broadcast_in_dim3A_897 : f32 to vector<64x384xf32>
      %slice3A_899 = vector.extract_strided_slice %mul3A_896 {offsets = [0, 0], sizes = [64, 384], strides = [1, 1]} : vector<128x384xf32> to vector<64x384xf32>
      %concatenate3A_900 = tpu.concatenate %broadcast_in_dim3A_898, %slice3A_899 in 0 : vector<64x384xf32>, vector<64x384xf32> -> vector<128x384xf32>
      %broadcast_in_dim3A_901 = arith.constant 0.000000e+00 : f32
      %broadcast_in_dim3A_902 = vector.broadcast %broadcast_in_dim3A_901 : f32 to vector<64x384xf32>
      %slice3A_903 = vector.extract_strided_slice %add3A_895 {offsets = [0, 0], sizes = [64, 384], strides = [1, 1]} : vector<128x384xf32> to vector<64x384xf32>
      %concatenate3A_904 = tpu.concatenate %broadcast_in_dim3A_902, %slice3A_903 in 0 : vector<64x384xf32>, vector<64x384xf32> -> vector<128x384xf32>
      %mul3A_905 = arith.mulf %mul3A_896, %concatenate3A_904 : vector<128x384xf32>
      %add3A_906 = arith.addf %mul3A_905, %add3A_895 : vector<128x384xf32>
      %mul3A_907 = arith.mulf %mul3A_896, %concatenate3A_900 : vector<128x384xf32>
      %slice3A_908 = vector.extract_strided_slice %while3A_197 {offsets = [6, 0], sizes = [1, 384], strides = [1, 1]} : vector<16x384xf32> to vector<1x384xf32>
      %squeeze3A_909 = vector.shape_cast %slice3A_908 : vector<1x384xf32> to vector<384xf32>
      %broadcast_in_dim3A_910 = vector.shape_cast %squeeze3A_909 : vector<384xf32> to vector<1x384xf32>
      %mul3A_911 = vector.broadcast %broadcast_in_dim3A_910 : vector<1x384xf32> to vector<128x384xf32>
      %mul3A_912 = arith.mulf %mul3A_907, %mul3A_911 : vector<128x384xf32>
      %add3A_913 = arith.addf %mul3A_912, %add3A_906 : vector<128x384xf32>
      %slice3A_914 = vector.extract_strided_slice %get3A_211 {offsets = [0, 6], sizes = [128, 1], strides = [1, 1]} : vector<128x16xf32> to vector<128x1xf32>
      %squeeze3A_915 = vector.shape_cast %slice3A_914 : vector<128x1xf32> to vector<128xf32>
      %broadcast_in_dim3A_916 = vector.shape_cast %squeeze3A_915 : vector<128xf32> to vector<128x1xf32>
      %mul3A_917 = vector.broadcast %broadcast_in_dim3A_916 : vector<128x1xf32> to vector<128x384xf32>
      %mul3A_918 = arith.mulf %add3A_913, %mul3A_917 : vector<128x384xf32>
      %add3A_919 = arith.addf %add3A_818, %mul3A_918 : vector<128x384xf32>
      %slice3A_920 = vector.extract_strided_slice %add3A_913 {offsets = [127, 0], sizes = [1, 384], strides = [1, 1]} : vector<128x384xf32> to vector<1x384xf32>
      %slice3A_921 = vector.extract_strided_slice %neg3A_110 {offsets = [0, 7], sizes = [384, 1], strides = [1, 1]} : vector<384x16xf32> to vector<384x1xf32>
      %squeeze3A_922 = vector.shape_cast %slice3A_921 : vector<384x1xf32> to vector<384xf32>
      %broadcast_in_dim3A_923 = vector.shape_cast %squeeze3A_922 : vector<384xf32> to vector<1x384xf32>
      %mul3A_924 = vector.broadcast %broadcast_in_dim3A_923 : vector<1x384xf32> to vector<128x384xf32>
      %mul3A_925 = arith.mulf %get3A_202, %mul3A_924 : vector<128x384xf32>
      %exp3A_926 = math.exp %mul3A_925 : vector<128x384xf32>
      %slice3A_927 = vector.extract_strided_slice %get3A_208 {offsets = [0, 7], sizes = [128, 1], strides = [1, 1]} : vector<128x16xf32> to vector<128x1xf32>
      %squeeze3A_928 = vector.shape_cast %slice3A_927 : vector<128x1xf32> to vector<128xf32>
      %broadcast_in_dim3A_929 = vector.shape_cast %squeeze3A_928 : vector<128xf32> to vector<128x1xf32>
      %mul3A_930 = vector.broadcast %broadcast_in_dim3A_929 : vector<128x1xf32> to vector<128x384xf32>
      %mul3A_931 = arith.mulf %get3A_205, %mul3A_930 : vector<128x384xf32>
      %broadcast_in_dim3A_932 = arith.constant 1.000000e+00 : f32
      %broadcast_in_dim3A_933 = vector.broadcast %broadcast_in_dim3A_932 : f32 to vector<1x384xf32>
      %slice3A_934 = vector.extract_strided_slice %exp3A_926 {offsets = [0, 0], sizes = [127, 384], strides = [1, 1]} : vector<128x384xf32> to vector<127x384xf32>
      %concatenate3A_935 = tpu.concatenate %broadcast_in_dim3A_933, %slice3A_934 in 0 : vector<1x384xf32>, vector<127x384xf32> -> vector<128x384xf32>
      %broadcast_in_dim3A_936 = arith.constant 0.000000e+00 : f32
      %broadcast_in_dim3A_937 = vector.broadcast %broadcast_in_dim3A_936 : f32 to vector<1x384xf32>
      %slice3A_938 = vector.extract_strided_slice %mul3A_931 {offsets = [0, 0], sizes = [127, 384], strides = [1, 1]} : vector<128x384xf32> to vector<127x384xf32>
      %concatenate3A_939 = tpu.concatenate %broadcast_in_dim3A_937, %slice3A_938 in 0 : vector<1x384xf32>, vector<127x384xf32> -> vector<128x384xf32>
      %mul3A_940 = arith.mulf %exp3A_926, %concatenate3A_939 : vector<128x384xf32>
      %add3A_941 = arith.addf %mul3A_940, %mul3A_931 : vector<128x384xf32>
      %mul3A_942 = arith.mulf %exp3A_926, %concatenate3A_935 : vector<128x384xf32>
      %broadcast_in_dim3A_943 = arith.constant 1.000000e+00 : f32
      %broadcast_in_dim3A_944 = vector.broadcast %broadcast_in_dim3A_943 : f32 to vector<2x384xf32>
      %slice3A_945 = vector.extract_strided_slice %mul3A_942 {offsets = [0, 0], sizes = [126, 384], strides = [1, 1]} : vector<128x384xf32> to vector<126x384xf32>
      %concatenate3A_946 = tpu.concatenate %broadcast_in_dim3A_944, %slice3A_945 in 0 : vector<2x384xf32>, vector<126x384xf32> -> vector<128x384xf32>
      %broadcast_in_dim3A_947 = arith.constant 0.000000e+00 : f32
      %broadcast_in_dim3A_948 = vector.broadcast %broadcast_in_dim3A_947 : f32 to vector<2x384xf32>
      %slice3A_949 = vector.extract_strided_slice %add3A_941 {offsets = [0, 0], sizes = [126, 384], strides = [1, 1]} : vector<128x384xf32> to vector<126x384xf32>
      %concatenate3A_950 = tpu.concatenate %broadcast_in_dim3A_948, %slice3A_949 in 0 : vector<2x384xf32>, vector<126x384xf32> -> vector<128x384xf32>
      %mul3A_951 = arith.mulf %mul3A_942, %concatenate3A_950 : vector<128x384xf32>
      %add3A_952 = arith.addf %mul3A_951, %add3A_941 : vector<128x384xf32>
      %mul3A_953 = arith.mulf %mul3A_942, %concatenate3A_946 : vector<128x384xf32>
      %broadcast_in_dim3A_954 = arith.constant 1.000000e+00 : f32
      %broadcast_in_dim3A_955 = vector.broadcast %broadcast_in_dim3A_954 : f32 to vector<4x384xf32>
      %slice3A_956 = vector.extract_strided_slice %mul3A_953 {offsets = [0, 0], sizes = [124, 384], strides = [1, 1]} : vector<128x384xf32> to vector<124x384xf32>
      %concatenate3A_957 = tpu.concatenate %broadcast_in_dim3A_955, %slice3A_956 in 0 : vector<4x384xf32>, vector<124x384xf32> -> vector<128x384xf32>
      %broadcast_in_dim3A_958 = arith.constant 0.000000e+00 : f32
      %broadcast_in_dim3A_959 = vector.broadcast %broadcast_in_dim3A_958 : f32 to vector<4x384xf32>
      %slice3A_960 = vector.extract_strided_slice %add3A_952 {offsets = [0, 0], sizes = [124, 384], strides = [1, 1]} : vector<128x384xf32> to vector<124x384xf32>
      %concatenate3A_961 = tpu.concatenate %broadcast_in_dim3A_959, %slice3A_960 in 0 : vector<4x384xf32>, vector<124x384xf32> -> vector<128x384xf32>
      %mul3A_962 = arith.mulf %mul3A_953, %concatenate3A_961 : vector<128x384xf32>
      %add3A_963 = arith.addf %mul3A_962, %add3A_952 : vector<128x384xf32>
      %mul3A_964 = arith.mulf %mul3A_953, %concatenate3A_957 : vector<128x384xf32>
      %broadcast_in_dim3A_965 = arith.constant 1.000000e+00 : f32
      %broadcast_in_dim3A_966 = vector.broadcast %broadcast_in_dim3A_965 : f32 to vector<8x384xf32>
      %slice3A_967 = vector.extract_strided_slice %mul3A_964 {offsets = [0, 0], sizes = [120, 384], strides = [1, 1]} : vector<128x384xf32> to vector<120x384xf32>
      %concatenate3A_968 = tpu.concatenate %broadcast_in_dim3A_966, %slice3A_967 in 0 : vector<8x384xf32>, vector<120x384xf32> -> vector<128x384xf32>
      %broadcast_in_dim3A_969 = arith.constant 0.000000e+00 : f32
      %broadcast_in_dim3A_970 = vector.broadcast %broadcast_in_dim3A_969 : f32 to vector<8x384xf32>
      %slice3A_971 = vector.extract_strided_slice %add3A_963 {offsets = [0, 0], sizes = [120, 384], strides = [1, 1]} : vector<128x384xf32> to vector<120x384xf32>
      %concatenate3A_972 = tpu.concatenate %broadcast_in_dim3A_970, %slice3A_971 in 0 : vector<8x384xf32>, vector<120x384xf32> -> vector<128x384xf32>
      %mul3A_973 = arith.mulf %mul3A_964, %concatenate3A_972 : vector<128x384xf32>
      %add3A_974 = arith.addf %mul3A_973, %add3A_963 : vector<128x384xf32>
      %mul3A_975 = arith.mulf %mul3A_964, %concatenate3A_968 : vector<128x384xf32>
      %broadcast_in_dim3A_976 = arith.constant 1.000000e+00 : f32
      %broadcast_in_dim3A_977 = vector.broadcast %broadcast_in_dim3A_976 : f32 to vector<16x384xf32>
      %slice3A_978 = vector.extract_strided_slice %mul3A_975 {offsets = [0, 0], sizes = [112, 384], strides = [1, 1]} : vector<128x384xf32> to vector<112x384xf32>
      %concatenate3A_979 = tpu.concatenate %broadcast_in_dim3A_977, %slice3A_978 in 0 : vector<16x384xf32>, vector<112x384xf32> -> vector<128x384xf32>
      %broadcast_in_dim3A_980 = arith.constant 0.000000e+00 : f32
      %broadcast_in_dim3A_981 = vector.broadcast %broadcast_in_dim3A_980 : f32 to vector<16x384xf32>
      %slice3A_982 = vector.extract_strided_slice %add3A_974 {offsets = [0, 0], sizes = [112, 384], strides = [1, 1]} : vector<128x384xf32> to vector<112x384xf32>
      %concatenate3A_983 = tpu.concatenate %broadcast_in_dim3A_981, %slice3A_982 in 0 : vector<16x384xf32>, vector<112x384xf32> -> vector<128x384xf32>
      %mul3A_984 = arith.mulf %mul3A_975, %concatenate3A_983 : vector<128x384xf32>
      %add3A_985 = arith.addf %mul3A_984, %add3A_974 : vector<128x384xf32>
      %mul3A_986 = arith.mulf %mul3A_975, %concatenate3A_979 : vector<128x384xf32>
      %broadcast_in_dim3A_987 = arith.constant 1.000000e+00 : f32
      %broadcast_in_dim3A_988 = vector.broadcast %broadcast_in_dim3A_987 : f32 to vector<32x384xf32>
      %slice3A_989 = vector.extract_strided_slice %mul3A_986 {offsets = [0, 0], sizes = [96, 384], strides = [1, 1]} : vector<128x384xf32> to vector<96x384xf32>
      %concatenate3A_990 = tpu.concatenate %broadcast_in_dim3A_988, %slice3A_989 in 0 : vector<32x384xf32>, vector<96x384xf32> -> vector<128x384xf32>
      %broadcast_in_dim3A_991 = arith.constant 0.000000e+00 : f32
      %broadcast_in_dim3A_992 = vector.broadcast %broadcast_in_dim3A_991 : f32 to vector<32x384xf32>
      %slice3A_993 = vector.extract_strided_slice %add3A_985 {offsets = [0, 0], sizes = [96, 384], strides = [1, 1]} : vector<128x384xf32> to vector<96x384xf32>
      %concatenate3A_994 = tpu.concatenate %broadcast_in_dim3A_992, %slice3A_993 in 0 : vector<32x384xf32>, vector<96x384xf32> -> vector<128x384xf32>
      %mul3A_995 = arith.mulf %mul3A_986, %concatenate3A_994 : vector<128x384xf32>
      %add3A_996 = arith.addf %mul3A_995, %add3A_985 : vector<128x384xf32>
      %mul3A_997 = arith.mulf %mul3A_986, %concatenate3A_990 : vector<128x384xf32>
      %broadcast_in_dim3A_998 = arith.constant 1.000000e+00 : f32
      %broadcast_in_dim3A_999 = vector.broadcast %broadcast_in_dim3A_998 : f32 to vector<64x384xf32>
      %slice3A_1000 = vector.extract_strided_slice %mul3A_997 {offsets = [0, 0], sizes = [64, 384], strides = [1, 1]} : vector<128x384xf32> to vector<64x384xf32>
      %concatenate3A_1001 = tpu.concatenate %broadcast_in_dim3A_999, %slice3A_1000 in 0 : vector<64x384xf32>, vector<64x384xf32> -> vector<128x384xf32>
      %broadcast_in_dim3A_1002 = arith.constant 0.000000e+00 : f32
      %broadcast_in_dim3A_1003 = vector.broadcast %broadcast_in_dim3A_1002 : f32 to vector<64x384xf32>
      %slice3A_1004 = vector.extract_strided_slice %add3A_996 {offsets = [0, 0], sizes = [64, 384], strides = [1, 1]} : vector<128x384xf32> to vector<64x384xf32>
      %concatenate3A_1005 = tpu.concatenate %broadcast_in_dim3A_1003, %slice3A_1004 in 0 : vector<64x384xf32>, vector<64x384xf32> -> vector<128x384xf32>
      %mul3A_1006 = arith.mulf %mul3A_997, %concatenate3A_1005 : vector<128x384xf32>
      %add3A_1007 = arith.addf %mul3A_1006, %add3A_996 : vector<128x384xf32>
      %mul3A_1008 = arith.mulf %mul3A_997, %concatenate3A_1001 : vector<128x384xf32>
      %slice3A_1009 = vector.extract_strided_slice %while3A_197 {offsets = [7, 0], sizes = [1, 384], strides = [1, 1]} : vector<16x384xf32> to vector<1x384xf32>
      %squeeze3A_1010 = vector.shape_cast %slice3A_1009 : vector<1x384xf32> to vector<384xf32>
      %broadcast_in_dim3A_1011 = vector.shape_cast %squeeze3A_1010 : vector<384xf32> to vector<1x384xf32>
      %mul3A_1012 = vector.broadcast %broadcast_in_dim3A_1011 : vector<1x384xf32> to vector<128x384xf32>
      %mul3A_1013 = arith.mulf %mul3A_1008, %mul3A_1012 : vector<128x384xf32>
      %add3A_1014 = arith.addf %mul3A_1013, %add3A_1007 : vector<128x384xf32>
      %slice3A_1015 = vector.extract_strided_slice %get3A_211 {offsets = [0, 7], sizes = [128, 1], strides = [1, 1]} : vector<128x16xf32> to vector<128x1xf32>
      %squeeze3A_1016 = vector.shape_cast %slice3A_1015 : vector<128x1xf32> to vector<128xf32>
      %broadcast_in_dim3A_1017 = vector.shape_cast %squeeze3A_1016 : vector<128xf32> to vector<128x1xf32>
      %mul3A_1018 = vector.broadcast %broadcast_in_dim3A_1017 : vector<128x1xf32> to vector<128x384xf32>
      %mul3A_1019 = arith.mulf %add3A_1014, %mul3A_1018 : vector<128x384xf32>
      %add3A_1020 = arith.addf %add3A_919, %mul3A_1019 : vector<128x384xf32>
      %slice3A_1021 = vector.extract_strided_slice %add3A_1014 {offsets = [127, 0], sizes = [1, 384], strides = [1, 1]} : vector<128x384xf32> to vector<1x384xf32>
      %slice3A_1022 = vector.extract_strided_slice %neg3A_110 {offsets = [0, 8], sizes = [384, 1], strides = [1, 1]} : vector<384x16xf32> to vector<384x1xf32>
      %squeeze3A_1023 = vector.shape_cast %slice3A_1022 : vector<384x1xf32> to vector<384xf32>
      %broadcast_in_dim3A_1024 = vector.shape_cast %squeeze3A_1023 : vector<384xf32> to vector<1x384xf32>
      %mul3A_1025 = vector.broadcast %broadcast_in_dim3A_1024 : vector<1x384xf32> to vector<128x384xf32>
      %mul3A_1026 = arith.mulf %get3A_202, %mul3A_1025 : vector<128x384xf32>
      %exp3A_1027 = math.exp %mul3A_1026 : vector<128x384xf32>
      %slice3A_1028 = vector.extract_strided_slice %get3A_208 {offsets = [0, 8], sizes = [128, 1], strides = [1, 1]} : vector<128x16xf32> to vector<128x1xf32>
      %squeeze3A_1029 = vector.shape_cast %slice3A_1028 : vector<128x1xf32> to vector<128xf32>
      %broadcast_in_dim3A_1030 = vector.shape_cast %squeeze3A_1029 : vector<128xf32> to vector<128x1xf32>
      %mul3A_1031 = vector.broadcast %broadcast_in_dim3A_1030 : vector<128x1xf32> to vector<128x384xf32>
      %mul3A_1032 = arith.mulf %get3A_205, %mul3A_1031 : vector<128x384xf32>
      %broadcast_in_dim3A_1033 = arith.constant 1.000000e+00 : f32
      %broadcast_in_dim3A_1034 = vector.broadcast %broadcast_in_dim3A_1033 : f32 to vector<1x384xf32>
      %slice3A_1035 = vector.extract_strided_slice %exp3A_1027 {offsets = [0, 0], sizes = [127, 384], strides = [1, 1]} : vector<128x384xf32> to vector<127x384xf32>
      %concatenate3A_1036 = tpu.concatenate %broadcast_in_dim3A_1034, %slice3A_1035 in 0 : vector<1x384xf32>, vector<127x384xf32> -> vector<128x384xf32>
      %broadcast_in_dim3A_1037 = arith.constant 0.000000e+00 : f32
      %broadcast_in_dim3A_1038 = vector.broadcast %broadcast_in_dim3A_1037 : f32 to vector<1x384xf32>
      %slice3A_1039 = vector.extract_strided_slice %mul3A_1032 {offsets = [0, 0], sizes = [127, 384], strides = [1, 1]} : vector<128x384xf32> to vector<127x384xf32>
      %concatenate3A_1040 = tpu.concatenate %broadcast_in_dim3A_1038, %slice3A_1039 in 0 : vector<1x384xf32>, vector<127x384xf32> -> vector<128x384xf32>
      %mul3A_1041 = arith.mulf %exp3A_1027, %concatenate3A_1040 : vector<128x384xf32>
      %add3A_1042 = arith.addf %mul3A_1041, %mul3A_1032 : vector<128x384xf32>
      %mul3A_1043 = arith.mulf %exp3A_1027, %concatenate3A_1036 : vector<128x384xf32>
      %broadcast_in_dim3A_1044 = arith.constant 1.000000e+00 : f32
      %broadcast_in_dim3A_1045 = vector.broadcast %broadcast_in_dim3A_1044 : f32 to vector<2x384xf32>
      %slice3A_1046 = vector.extract_strided_slice %mul3A_1043 {offsets = [0, 0], sizes = [126, 384], strides = [1, 1]} : vector<128x384xf32> to vector<126x384xf32>
      %concatenate3A_1047 = tpu.concatenate %broadcast_in_dim3A_1045, %slice3A_1046 in 0 : vector<2x384xf32>, vector<126x384xf32> -> vector<128x384xf32>
      %broadcast_in_dim3A_1048 = arith.constant 0.000000e+00 : f32
      %broadcast_in_dim3A_1049 = vector.broadcast %broadcast_in_dim3A_1048 : f32 to vector<2x384xf32>
      %slice3A_1050 = vector.extract_strided_slice %add3A_1042 {offsets = [0, 0], sizes = [126, 384], strides = [1, 1]} : vector<128x384xf32> to vector<126x384xf32>
      %concatenate3A_1051 = tpu.concatenate %broadcast_in_dim3A_1049, %slice3A_1050 in 0 : vector<2x384xf32>, vector<126x384xf32> -> vector<128x384xf32>
      %mul3A_1052 = arith.mulf %mul3A_1043, %concatenate3A_1051 : vector<128x384xf32>
      %add3A_1053 = arith.addf %mul3A_1052, %add3A_1042 : vector<128x384xf32>
      %mul3A_1054 = arith.mulf %mul3A_1043, %concatenate3A_1047 : vector<128x384xf32>
      %broadcast_in_dim3A_1055 = arith.constant 1.000000e+00 : f32
      %broadcast_in_dim3A_1056 = vector.broadcast %broadcast_in_dim3A_1055 : f32 to vector<4x384xf32>
      %slice3A_1057 = vector.extract_strided_slice %mul3A_1054 {offsets = [0, 0], sizes = [124, 384], strides = [1, 1]} : vector<128x384xf32> to vector<124x384xf32>
      %concatenate3A_1058 = tpu.concatenate %broadcast_in_dim3A_1056, %slice3A_1057 in 0 : vector<4x384xf32>, vector<124x384xf32> -> vector<128x384xf32>
      %broadcast_in_dim3A_1059 = arith.constant 0.000000e+00 : f32
      %broadcast_in_dim3A_1060 = vector.broadcast %broadcast_in_dim3A_1059 : f32 to vector<4x384xf32>
      %slice3A_1061 = vector.extract_strided_slice %add3A_1053 {offsets = [0, 0], sizes = [124, 384], strides = [1, 1]} : vector<128x384xf32> to vector<124x384xf32>
      %concatenate3A_1062 = tpu.concatenate %broadcast_in_dim3A_1060, %slice3A_1061 in 0 : vector<4x384xf32>, vector<124x384xf32> -> vector<128x384xf32>
      %mul3A_1063 = arith.mulf %mul3A_1054, %concatenate3A_1062 : vector<128x384xf32>
      %add3A_1064 = arith.addf %mul3A_1063, %add3A_1053 : vector<128x384xf32>
      %mul3A_1065 = arith.mulf %mul3A_1054, %concatenate3A_1058 : vector<128x384xf32>
      %broadcast_in_dim3A_1066 = arith.constant 1.000000e+00 : f32
      %broadcast_in_dim3A_1067 = vector.broadcast %broadcast_in_dim3A_1066 : f32 to vector<8x384xf32>
      %slice3A_1068 = vector.extract_strided_slice %mul3A_1065 {offsets = [0, 0], sizes = [120, 384], strides = [1, 1]} : vector<128x384xf32> to vector<120x384xf32>
      %concatenate3A_1069 = tpu.concatenate %broadcast_in_dim3A_1067, %slice3A_1068 in 0 : vector<8x384xf32>, vector<120x384xf32> -> vector<128x384xf32>
      %broadcast_in_dim3A_1070 = arith.constant 0.000000e+00 : f32
      %broadcast_in_dim3A_1071 = vector.broadcast %broadcast_in_dim3A_1070 : f32 to vector<8x384xf32>
      %slice3A_1072 = vector.extract_strided_slice %add3A_1064 {offsets = [0, 0], sizes = [120, 384], strides = [1, 1]} : vector<128x384xf32> to vector<120x384xf32>
      %concatenate3A_1073 = tpu.concatenate %broadcast_in_dim3A_1071, %slice3A_1072 in 0 : vector<8x384xf32>, vector<120x384xf32> -> vector<128x384xf32>
      %mul3A_1074 = arith.mulf %mul3A_1065, %concatenate3A_1073 : vector<128x384xf32>
      %add3A_1075 = arith.addf %mul3A_1074, %add3A_1064 : vector<128x384xf32>
      %mul3A_1076 = arith.mulf %mul3A_1065, %concatenate3A_1069 : vector<128x384xf32>
      %broadcast_in_dim3A_1077 = arith.constant 1.000000e+00 : f32
      %broadcast_in_dim3A_1078 = vector.broadcast %broadcast_in_dim3A_1077 : f32 to vector<16x384xf32>
      %slice3A_1079 = vector.extract_strided_slice %mul3A_1076 {offsets = [0, 0], sizes = [112, 384], strides = [1, 1]} : vector<128x384xf32> to vector<112x384xf32>
      %concatenate3A_1080 = tpu.concatenate %broadcast_in_dim3A_1078, %slice3A_1079 in 0 : vector<16x384xf32>, vector<112x384xf32> -> vector<128x384xf32>
      %broadcast_in_dim3A_1081 = arith.constant 0.000000e+00 : f32
      %broadcast_in_dim3A_1082 = vector.broadcast %broadcast_in_dim3A_1081 : f32 to vector<16x384xf32>
      %slice3A_1083 = vector.extract_strided_slice %add3A_1075 {offsets = [0, 0], sizes = [112, 384], strides = [1, 1]} : vector<128x384xf32> to vector<112x384xf32>
      %concatenate3A_1084 = tpu.concatenate %broadcast_in_dim3A_1082, %slice3A_1083 in 0 : vector<16x384xf32>, vector<112x384xf32> -> vector<128x384xf32>
      %mul3A_1085 = arith.mulf %mul3A_1076, %concatenate3A_1084 : vector<128x384xf32>
      %add3A_1086 = arith.addf %mul3A_1085, %add3A_1075 : vector<128x384xf32>
      %mul3A_1087 = arith.mulf %mul3A_1076, %concatenate3A_1080 : vector<128x384xf32>
      %broadcast_in_dim3A_1088 = arith.constant 1.000000e+00 : f32
      %broadcast_in_dim3A_1089 = vector.broadcast %broadcast_in_dim3A_1088 : f32 to vector<32x384xf32>
      %slice3A_1090 = vector.extract_strided_slice %mul3A_1087 {offsets = [0, 0], sizes = [96, 384], strides = [1, 1]} : vector<128x384xf32> to vector<96x384xf32>
      %concatenate3A_1091 = tpu.concatenate %broadcast_in_dim3A_1089, %slice3A_1090 in 0 : vector<32x384xf32>, vector<96x384xf32> -> vector<128x384xf32>
      %broadcast_in_dim3A_1092 = arith.constant 0.000000e+00 : f32
      %broadcast_in_dim3A_1093 = vector.broadcast %broadcast_in_dim3A_1092 : f32 to vector<32x384xf32>
      %slice3A_1094 = vector.extract_strided_slice %add3A_1086 {offsets = [0, 0], sizes = [96, 384], strides = [1, 1]} : vector<128x384xf32> to vector<96x384xf32>
      %concatenate3A_1095 = tpu.concatenate %broadcast_in_dim3A_1093, %slice3A_1094 in 0 : vector<32x384xf32>, vector<96x384xf32> -> vector<128x384xf32>
      %mul3A_1096 = arith.mulf %mul3A_1087, %concatenate3A_1095 : vector<128x384xf32>
      %add3A_1097 = arith.addf %mul3A_1096, %add3A_1086 : vector<128x384xf32>
      %mul3A_1098 = arith.mulf %mul3A_1087, %concatenate3A_1091 : vector<128x384xf32>
      %broadcast_in_dim3A_1099 = arith.constant 1.000000e+00 : f32
      %broadcast_in_dim3A_1100 = vector.broadcast %broadcast_in_dim3A_1099 : f32 to vector<64x384xf32>
      %slice3A_1101 = vector.extract_strided_slice %mul3A_1098 {offsets = [0, 0], sizes = [64, 384], strides = [1, 1]} : vector<128x384xf32> to vector<64x384xf32>
      %concatenate3A_1102 = tpu.concatenate %broadcast_in_dim3A_1100, %slice3A_1101 in 0 : vector<64x384xf32>, vector<64x384xf32> -> vector<128x384xf32>
      %broadcast_in_dim3A_1103 = arith.constant 0.000000e+00 : f32
      %broadcast_in_dim3A_1104 = vector.broadcast %broadcast_in_dim3A_1103 : f32 to vector<64x384xf32>
      %slice3A_1105 = vector.extract_strided_slice %add3A_1097 {offsets = [0, 0], sizes = [64, 384], strides = [1, 1]} : vector<128x384xf32> to vector<64x384xf32>
      %concatenate3A_1106 = tpu.concatenate %broadcast_in_dim3A_1104, %slice3A_1105 in 0 : vector<64x384xf32>, vector<64x384xf32> -> vector<128x384xf32>
      %mul3A_1107 = arith.mulf %mul3A_1098, %concatenate3A_1106 : vector<128x384xf32>
      %add3A_1108 = arith.addf %mul3A_1107, %add3A_1097 : vector<128x384xf32>
      %mul3A_1109 = arith.mulf %mul3A_1098, %concatenate3A_1102 : vector<128x384xf32>
      %slice3A_1110 = vector.extract_strided_slice %while3A_197 {offsets = [8, 0], sizes = [1, 384], strides = [1, 1]} : vector<16x384xf32> to vector<1x384xf32>
      %squeeze3A_1111 = vector.shape_cast %slice3A_1110 : vector<1x384xf32> to vector<384xf32>
      %broadcast_in_dim3A_1112 = vector.shape_cast %squeeze3A_1111 : vector<384xf32> to vector<1x384xf32>
      %mul3A_1113 = vector.broadcast %broadcast_in_dim3A_1112 : vector<1x384xf32> to vector<128x384xf32>
      %mul3A_1114 = arith.mulf %mul3A_1109, %mul3A_1113 : vector<128x384xf32>
      %add3A_1115 = arith.addf %mul3A_1114, %add3A_1108 : vector<128x384xf32>
      %slice3A_1116 = vector.extract_strided_slice %get3A_211 {offsets = [0, 8], sizes = [128, 1], strides = [1, 1]} : vector<128x16xf32> to vector<128x1xf32>
      %squeeze3A_1117 = vector.shape_cast %slice3A_1116 : vector<128x1xf32> to vector<128xf32>
      %broadcast_in_dim3A_1118 = vector.shape_cast %squeeze3A_1117 : vector<128xf32> to vector<128x1xf32>
      %mul3A_1119 = vector.broadcast %broadcast_in_dim3A_1118 : vector<128x1xf32> to vector<128x384xf32>
      %mul3A_1120 = arith.mulf %add3A_1115, %mul3A_1119 : vector<128x384xf32>
      %add3A_1121 = arith.addf %add3A_1020, %mul3A_1120 : vector<128x384xf32>
      %slice3A_1122 = vector.extract_strided_slice %add3A_1115 {offsets = [127, 0], sizes = [1, 384], strides = [1, 1]} : vector<128x384xf32> to vector<1x384xf32>
      %slice3A_1123 = vector.extract_strided_slice %neg3A_110 {offsets = [0, 9], sizes = [384, 1], strides = [1, 1]} : vector<384x16xf32> to vector<384x1xf32>
      %squeeze3A_1124 = vector.shape_cast %slice3A_1123 : vector<384x1xf32> to vector<384xf32>
      %broadcast_in_dim3A_1125 = vector.shape_cast %squeeze3A_1124 : vector<384xf32> to vector<1x384xf32>
      %mul3A_1126 = vector.broadcast %broadcast_in_dim3A_1125 : vector<1x384xf32> to vector<128x384xf32>
      %mul3A_1127 = arith.mulf %get3A_202, %mul3A_1126 : vector<128x384xf32>
      %exp3A_1128 = math.exp %mul3A_1127 : vector<128x384xf32>
      %slice3A_1129 = vector.extract_strided_slice %get3A_208 {offsets = [0, 9], sizes = [128, 1], strides = [1, 1]} : vector<128x16xf32> to vector<128x1xf32>
      %squeeze3A_1130 = vector.shape_cast %slice3A_1129 : vector<128x1xf32> to vector<128xf32>
      %broadcast_in_dim3A_1131 = vector.shape_cast %squeeze3A_1130 : vector<128xf32> to vector<128x1xf32>
      %mul3A_1132 = vector.broadcast %broadcast_in_dim3A_1131 : vector<128x1xf32> to vector<128x384xf32>
      %mul3A_1133 = arith.mulf %get3A_205, %mul3A_1132 : vector<128x384xf32>
      %broadcast_in_dim3A_1134 = arith.constant 1.000000e+00 : f32
      %broadcast_in_dim3A_1135 = vector.broadcast %broadcast_in_dim3A_1134 : f32 to vector<1x384xf32>
      %slice3A_1136 = vector.extract_strided_slice %exp3A_1128 {offsets = [0, 0], sizes = [127, 384], strides = [1, 1]} : vector<128x384xf32> to vector<127x384xf32>
      %concatenate3A_1137 = tpu.concatenate %broadcast_in_dim3A_1135, %slice3A_1136 in 0 : vector<1x384xf32>, vector<127x384xf32> -> vector<128x384xf32>
      %broadcast_in_dim3A_1138 = arith.constant 0.000000e+00 : f32
      %broadcast_in_dim3A_1139 = vector.broadcast %broadcast_in_dim3A_1138 : f32 to vector<1x384xf32>
      %slice3A_1140 = vector.extract_strided_slice %mul3A_1133 {offsets = [0, 0], sizes = [127, 384], strides = [1, 1]} : vector<128x384xf32> to vector<127x384xf32>
      %concatenate3A_1141 = tpu.concatenate %broadcast_in_dim3A_1139, %slice3A_1140 in 0 : vector<1x384xf32>, vector<127x384xf32> -> vector<128x384xf32>
      %mul3A_1142 = arith.mulf %exp3A_1128, %concatenate3A_1141 : vector<128x384xf32>
      %add3A_1143 = arith.addf %mul3A_1142, %mul3A_1133 : vector<128x384xf32>
      %mul3A_1144 = arith.mulf %exp3A_1128, %concatenate3A_1137 : vector<128x384xf32>
      %broadcast_in_dim3A_1145 = arith.constant 1.000000e+00 : f32
      %broadcast_in_dim3A_1146 = vector.broadcast %broadcast_in_dim3A_1145 : f32 to vector<2x384xf32>
      %slice3A_1147 = vector.extract_strided_slice %mul3A_1144 {offsets = [0, 0], sizes = [126, 384], strides = [1, 1]} : vector<128x384xf32> to vector<126x384xf32>
      %concatenate3A_1148 = tpu.concatenate %broadcast_in_dim3A_1146, %slice3A_1147 in 0 : vector<2x384xf32>, vector<126x384xf32> -> vector<128x384xf32>
      %broadcast_in_dim3A_1149 = arith.constant 0.000000e+00 : f32
      %broadcast_in_dim3A_1150 = vector.broadcast %broadcast_in_dim3A_1149 : f32 to vector<2x384xf32>
      %slice3A_1151 = vector.extract_strided_slice %add3A_1143 {offsets = [0, 0], sizes = [126, 384], strides = [1, 1]} : vector<128x384xf32> to vector<126x384xf32>
      %concatenate3A_1152 = tpu.concatenate %broadcast_in_dim3A_1150, %slice3A_1151 in 0 : vector<2x384xf32>, vector<126x384xf32> -> vector<128x384xf32>
      %mul3A_1153 = arith.mulf %mul3A_1144, %concatenate3A_1152 : vector<128x384xf32>
      %add3A_1154 = arith.addf %mul3A_1153, %add3A_1143 : vector<128x384xf32>
      %mul3A_1155 = arith.mulf %mul3A_1144, %concatenate3A_1148 : vector<128x384xf32>
      %broadcast_in_dim3A_1156 = arith.constant 1.000000e+00 : f32
      %broadcast_in_dim3A_1157 = vector.broadcast %broadcast_in_dim3A_1156 : f32 to vector<4x384xf32>
      %slice3A_1158 = vector.extract_strided_slice %mul3A_1155 {offsets = [0, 0], sizes = [124, 384], strides = [1, 1]} : vector<128x384xf32> to vector<124x384xf32>
      %concatenate3A_1159 = tpu.concatenate %broadcast_in_dim3A_1157, %slice3A_1158 in 0 : vector<4x384xf32>, vector<124x384xf32> -> vector<128x384xf32>
      %broadcast_in_dim3A_1160 = arith.constant 0.000000e+00 : f32
      %broadcast_in_dim3A_1161 = vector.broadcast %broadcast_in_dim3A_1160 : f32 to vector<4x384xf32>
      %slice3A_1162 = vector.extract_strided_slice %add3A_1154 {offsets = [0, 0], sizes = [124, 384], strides = [1, 1]} : vector<128x384xf32> to vector<124x384xf32>
      %concatenate3A_1163 = tpu.concatenate %broadcast_in_dim3A_1161, %slice3A_1162 in 0 : vector<4x384xf32>, vector<124x384xf32> -> vector<128x384xf32>
      %mul3A_1164 = arith.mulf %mul3A_1155, %concatenate3A_1163 : vector<128x384xf32>
      %add3A_1165 = arith.addf %mul3A_1164, %add3A_1154 : vector<128x384xf32>
      %mul3A_1166 = arith.mulf %mul3A_1155, %concatenate3A_1159 : vector<128x384xf32>
      %broadcast_in_dim3A_1167 = arith.constant 1.000000e+00 : f32
      %broadcast_in_dim3A_1168 = vector.broadcast %broadcast_in_dim3A_1167 : f32 to vector<8x384xf32>
      %slice3A_1169 = vector.extract_strided_slice %mul3A_1166 {offsets = [0, 0], sizes = [120, 384], strides = [1, 1]} : vector<128x384xf32> to vector<120x384xf32>
      %concatenate3A_1170 = tpu.concatenate %broadcast_in_dim3A_1168, %slice3A_1169 in 0 : vector<8x384xf32>, vector<120x384xf32> -> vector<128x384xf32>
      %broadcast_in_dim3A_1171 = arith.constant 0.000000e+00 : f32
      %broadcast_in_dim3A_1172 = vector.broadcast %broadcast_in_dim3A_1171 : f32 to vector<8x384xf32>
      %slice3A_1173 = vector.extract_strided_slice %add3A_1165 {offsets = [0, 0], sizes = [120, 384], strides = [1, 1]} : vector<128x384xf32> to vector<120x384xf32>
      %concatenate3A_1174 = tpu.concatenate %broadcast_in_dim3A_1172, %slice3A_1173 in 0 : vector<8x384xf32>, vector<120x384xf32> -> vector<128x384xf32>
      %mul3A_1175 = arith.mulf %mul3A_1166, %concatenate3A_1174 : vector<128x384xf32>
      %add3A_1176 = arith.addf %mul3A_1175, %add3A_1165 : vector<128x384xf32>
      %mul3A_1177 = arith.mulf %mul3A_1166, %concatenate3A_1170 : vector<128x384xf32>
      %broadcast_in_dim3A_1178 = arith.constant 1.000000e+00 : f32
      %broadcast_in_dim3A_1179 = vector.broadcast %broadcast_in_dim3A_1178 : f32 to vector<16x384xf32>
      %slice3A_1180 = vector.extract_strided_slice %mul3A_1177 {offsets = [0, 0], sizes = [112, 384], strides = [1, 1]} : vector<128x384xf32> to vector<112x384xf32>
      %concatenate3A_1181 = tpu.concatenate %broadcast_in_dim3A_1179, %slice3A_1180 in 0 : vector<16x384xf32>, vector<112x384xf32> -> vector<128x384xf32>
      %broadcast_in_dim3A_1182 = arith.constant 0.000000e+00 : f32
      %broadcast_in_dim3A_1183 = vector.broadcast %broadcast_in_dim3A_1182 : f32 to vector<16x384xf32>
      %slice3A_1184 = vector.extract_strided_slice %add3A_1176 {offsets = [0, 0], sizes = [112, 384], strides = [1, 1]} : vector<128x384xf32> to vector<112x384xf32>
      %concatenate3A_1185 = tpu.concatenate %broadcast_in_dim3A_1183, %slice3A_1184 in 0 : vector<16x384xf32>, vector<112x384xf32> -> vector<128x384xf32>
      %mul3A_1186 = arith.mulf %mul3A_1177, %concatenate3A_1185 : vector<128x384xf32>
      %add3A_1187 = arith.addf %mul3A_1186, %add3A_1176 : vector<128x384xf32>
      %mul3A_1188 = arith.mulf %mul3A_1177, %concatenate3A_1181 : vector<128x384xf32>
      %broadcast_in_dim3A_1189 = arith.constant 1.000000e+00 : f32
      %broadcast_in_dim3A_1190 = vector.broadcast %broadcast_in_dim3A_1189 : f32 to vector<32x384xf32>
      %slice3A_1191 = vector.extract_strided_slice %mul3A_1188 {offsets = [0, 0], sizes = [96, 384], strides = [1, 1]} : vector<128x384xf32> to vector<96x384xf32>
      %concatenate3A_1192 = tpu.concatenate %broadcast_in_dim3A_1190, %slice3A_1191 in 0 : vector<32x384xf32>, vector<96x384xf32> -> vector<128x384xf32>
      %broadcast_in_dim3A_1193 = arith.constant 0.000000e+00 : f32
      %broadcast_in_dim3A_1194 = vector.broadcast %broadcast_in_dim3A_1193 : f32 to vector<32x384xf32>
      %slice3A_1195 = vector.extract_strided_slice %add3A_1187 {offsets = [0, 0], sizes = [96, 384], strides = [1, 1]} : vector<128x384xf32> to vector<96x384xf32>
      %concatenate3A_1196 = tpu.concatenate %broadcast_in_dim3A_1194, %slice3A_1195 in 0 : vector<32x384xf32>, vector<96x384xf32> -> vector<128x384xf32>
      %mul3A_1197 = arith.mulf %mul3A_1188, %concatenate3A_1196 : vector<128x384xf32>
      %add3A_1198 = arith.addf %mul3A_1197, %add3A_1187 : vector<128x384xf32>
      %mul3A_1199 = arith.mulf %mul3A_1188, %concatenate3A_1192 : vector<128x384xf32>
      %broadcast_in_dim3A_1200 = arith.constant 1.000000e+00 : f32
      %broadcast_in_dim3A_1201 = vector.broadcast %broadcast_in_dim3A_1200 : f32 to vector<64x384xf32>
      %slice3A_1202 = vector.extract_strided_slice %mul3A_1199 {offsets = [0, 0], sizes = [64, 384], strides = [1, 1]} : vector<128x384xf32> to vector<64x384xf32>
      %concatenate3A_1203 = tpu.concatenate %broadcast_in_dim3A_1201, %slice3A_1202 in 0 : vector<64x384xf32>, vector<64x384xf32> -> vector<128x384xf32>
      %broadcast_in_dim3A_1204 = arith.constant 0.000000e+00 : f32
      %broadcast_in_dim3A_1205 = vector.broadcast %broadcast_in_dim3A_1204 : f32 to vector<64x384xf32>
      %slice3A_1206 = vector.extract_strided_slice %add3A_1198 {offsets = [0, 0], sizes = [64, 384], strides = [1, 1]} : vector<128x384xf32> to vector<64x384xf32>
      %concatenate3A_1207 = tpu.concatenate %broadcast_in_dim3A_1205, %slice3A_1206 in 0 : vector<64x384xf32>, vector<64x384xf32> -> vector<128x384xf32>
      %mul3A_1208 = arith.mulf %mul3A_1199, %concatenate3A_1207 : vector<128x384xf32>
      %add3A_1209 = arith.addf %mul3A_1208, %add3A_1198 : vector<128x384xf32>
      %mul3A_1210 = arith.mulf %mul3A_1199, %concatenate3A_1203 : vector<128x384xf32>
      %slice3A_1211 = vector.extract_strided_slice %while3A_197 {offsets = [9, 0], sizes = [1, 384], strides = [1, 1]} : vector<16x384xf32> to vector<1x384xf32>
      %squeeze3A_1212 = vector.shape_cast %slice3A_1211 : vector<1x384xf32> to vector<384xf32>
      %broadcast_in_dim3A_1213 = vector.shape_cast %squeeze3A_1212 : vector<384xf32> to vector<1x384xf32>
      %mul3A_1214 = vector.broadcast %broadcast_in_dim3A_1213 : vector<1x384xf32> to vector<128x384xf32>
      %mul3A_1215 = arith.mulf %mul3A_1210, %mul3A_1214 : vector<128x384xf32>
      %add3A_1216 = arith.addf %mul3A_1215, %add3A_1209 : vector<128x384xf32>
      %slice3A_1217 = vector.extract_strided_slice %get3A_211 {offsets = [0, 9], sizes = [128, 1], strides = [1, 1]} : vector<128x16xf32> to vector<128x1xf32>
      %squeeze3A_1218 = vector.shape_cast %slice3A_1217 : vector<128x1xf32> to vector<128xf32>
      %broadcast_in_dim3A_1219 = vector.shape_cast %squeeze3A_1218 : vector<128xf32> to vector<128x1xf32>
      %mul3A_1220 = vector.broadcast %broadcast_in_dim3A_1219 : vector<128x1xf32> to vector<128x384xf32>
      %mul3A_1221 = arith.mulf %add3A_1216, %mul3A_1220 : vector<128x384xf32>
      %add3A_1222 = arith.addf %add3A_1121, %mul3A_1221 : vector<128x384xf32>
      %slice3A_1223 = vector.extract_strided_slice %add3A_1216 {offsets = [127, 0], sizes = [1, 384], strides = [1, 1]} : vector<128x384xf32> to vector<1x384xf32>
      %slice3A_1224 = vector.extract_strided_slice %neg3A_110 {offsets = [0, 10], sizes = [384, 1], strides = [1, 1]} : vector<384x16xf32> to vector<384x1xf32>
      %squeeze3A_1225 = vector.shape_cast %slice3A_1224 : vector<384x1xf32> to vector<384xf32>
      %broadcast_in_dim3A_1226 = vector.shape_cast %squeeze3A_1225 : vector<384xf32> to vector<1x384xf32>
      %mul3A_1227 = vector.broadcast %broadcast_in_dim3A_1226 : vector<1x384xf32> to vector<128x384xf32>
      %mul3A_1228 = arith.mulf %get3A_202, %mul3A_1227 : vector<128x384xf32>
      %exp3A_1229 = math.exp %mul3A_1228 : vector<128x384xf32>
      %slice3A_1230 = vector.extract_strided_slice %get3A_208 {offsets = [0, 10], sizes = [128, 1], strides = [1, 1]} : vector<128x16xf32> to vector<128x1xf32>
      %squeeze3A_1231 = vector.shape_cast %slice3A_1230 : vector<128x1xf32> to vector<128xf32>
      %broadcast_in_dim3A_1232 = vector.shape_cast %squeeze3A_1231 : vector<128xf32> to vector<128x1xf32>
      %mul3A_1233 = vector.broadcast %broadcast_in_dim3A_1232 : vector<128x1xf32> to vector<128x384xf32>
      %mul3A_1234 = arith.mulf %get3A_205, %mul3A_1233 : vector<128x384xf32>
      %broadcast_in_dim3A_1235 = arith.constant 1.000000e+00 : f32
      %broadcast_in_dim3A_1236 = vector.broadcast %broadcast_in_dim3A_1235 : f32 to vector<1x384xf32>
      %slice3A_1237 = vector.extract_strided_slice %exp3A_1229 {offsets = [0, 0], sizes = [127, 384], strides = [1, 1]} : vector<128x384xf32> to vector<127x384xf32>
      %concatenate3A_1238 = tpu.concatenate %broadcast_in_dim3A_1236, %slice3A_1237 in 0 : vector<1x384xf32>, vector<127x384xf32> -> vector<128x384xf32>
      %broadcast_in_dim3A_1239 = arith.constant 0.000000e+00 : f32
      %broadcast_in_dim3A_1240 = vector.broadcast %broadcast_in_dim3A_1239 : f32 to vector<1x384xf32>
      %slice3A_1241 = vector.extract_strided_slice %mul3A_1234 {offsets = [0, 0], sizes = [127, 384], strides = [1, 1]} : vector<128x384xf32> to vector<127x384xf32>
      %concatenate3A_1242 = tpu.concatenate %broadcast_in_dim3A_1240, %slice3A_1241 in 0 : vector<1x384xf32>, vector<127x384xf32> -> vector<128x384xf32>
      %mul3A_1243 = arith.mulf %exp3A_1229, %concatenate3A_1242 : vector<128x384xf32>
      %add3A_1244 = arith.addf %mul3A_1243, %mul3A_1234 : vector<128x384xf32>
      %mul3A_1245 = arith.mulf %exp3A_1229, %concatenate3A_1238 : vector<128x384xf32>
      %broadcast_in_dim3A_1246 = arith.constant 1.000000e+00 : f32
      %broadcast_in_dim3A_1247 = vector.broadcast %broadcast_in_dim3A_1246 : f32 to vector<2x384xf32>
      %slice3A_1248 = vector.extract_strided_slice %mul3A_1245 {offsets = [0, 0], sizes = [126, 384], strides = [1, 1]} : vector<128x384xf32> to vector<126x384xf32>
      %concatenate3A_1249 = tpu.concatenate %broadcast_in_dim3A_1247, %slice3A_1248 in 0 : vector<2x384xf32>, vector<126x384xf32> -> vector<128x384xf32>
      %broadcast_in_dim3A_1250 = arith.constant 0.000000e+00 : f32
      %broadcast_in_dim3A_1251 = vector.broadcast %broadcast_in_dim3A_1250 : f32 to vector<2x384xf32>
      %slice3A_1252 = vector.extract_strided_slice %add3A_1244 {offsets = [0, 0], sizes = [126, 384], strides = [1, 1]} : vector<128x384xf32> to vector<126x384xf32>
      %concatenate3A_1253 = tpu.concatenate %broadcast_in_dim3A_1251, %slice3A_1252 in 0 : vector<2x384xf32>, vector<126x384xf32> -> vector<128x384xf32>
      %mul3A_1254 = arith.mulf %mul3A_1245, %concatenate3A_1253 : vector<128x384xf32>
      %add3A_1255 = arith.addf %mul3A_1254, %add3A_1244 : vector<128x384xf32>
      %mul3A_1256 = arith.mulf %mul3A_1245, %concatenate3A_1249 : vector<128x384xf32>
      %broadcast_in_dim3A_1257 = arith.constant 1.000000e+00 : f32
      %broadcast_in_dim3A_1258 = vector.broadcast %broadcast_in_dim3A_1257 : f32 to vector<4x384xf32>
      %slice3A_1259 = vector.extract_strided_slice %mul3A_1256 {offsets = [0, 0], sizes = [124, 384], strides = [1, 1]} : vector<128x384xf32> to vector<124x384xf32>
      %concatenate3A_1260 = tpu.concatenate %broadcast_in_dim3A_1258, %slice3A_1259 in 0 : vector<4x384xf32>, vector<124x384xf32> -> vector<128x384xf32>
      %broadcast_in_dim3A_1261 = arith.constant 0.000000e+00 : f32
      %broadcast_in_dim3A_1262 = vector.broadcast %broadcast_in_dim3A_1261 : f32 to vector<4x384xf32>
      %slice3A_1263 = vector.extract_strided_slice %add3A_1255 {offsets = [0, 0], sizes = [124, 384], strides = [1, 1]} : vector<128x384xf32> to vector<124x384xf32>
      %concatenate3A_1264 = tpu.concatenate %broadcast_in_dim3A_1262, %slice3A_1263 in 0 : vector<4x384xf32>, vector<124x384xf32> -> vector<128x384xf32>
      %mul3A_1265 = arith.mulf %mul3A_1256, %concatenate3A_1264 : vector<128x384xf32>
      %add3A_1266 = arith.addf %mul3A_1265, %add3A_1255 : vector<128x384xf32>
      %mul3A_1267 = arith.mulf %mul3A_1256, %concatenate3A_1260 : vector<128x384xf32>
      %broadcast_in_dim3A_1268 = arith.constant 1.000000e+00 : f32
      %broadcast_in_dim3A_1269 = vector.broadcast %broadcast_in_dim3A_1268 : f32 to vector<8x384xf32>
      %slice3A_1270 = vector.extract_strided_slice %mul3A_1267 {offsets = [0, 0], sizes = [120, 384], strides = [1, 1]} : vector<128x384xf32> to vector<120x384xf32>
      %concatenate3A_1271 = tpu.concatenate %broadcast_in_dim3A_1269, %slice3A_1270 in 0 : vector<8x384xf32>, vector<120x384xf32> -> vector<128x384xf32>
      %broadcast_in_dim3A_1272 = arith.constant 0.000000e+00 : f32
      %broadcast_in_dim3A_1273 = vector.broadcast %broadcast_in_dim3A_1272 : f32 to vector<8x384xf32>
      %slice3A_1274 = vector.extract_strided_slice %add3A_1266 {offsets = [0, 0], sizes = [120, 384], strides = [1, 1]} : vector<128x384xf32> to vector<120x384xf32>
      %concatenate3A_1275 = tpu.concatenate %broadcast_in_dim3A_1273, %slice3A_1274 in 0 : vector<8x384xf32>, vector<120x384xf32> -> vector<128x384xf32>
      %mul3A_1276 = arith.mulf %mul3A_1267, %concatenate3A_1275 : vector<128x384xf32>
      %add3A_1277 = arith.addf %mul3A_1276, %add3A_1266 : vector<128x384xf32>
      %mul3A_1278 = arith.mulf %mul3A_1267, %concatenate3A_1271 : vector<128x384xf32>
      %broadcast_in_dim3A_1279 = arith.constant 1.000000e+00 : f32
      %broadcast_in_dim3A_1280 = vector.broadcast %broadcast_in_dim3A_1279 : f32 to vector<16x384xf32>
      %slice3A_1281 = vector.extract_strided_slice %mul3A_1278 {offsets = [0, 0], sizes = [112, 384], strides = [1, 1]} : vector<128x384xf32> to vector<112x384xf32>
      %concatenate3A_1282 = tpu.concatenate %broadcast_in_dim3A_1280, %slice3A_1281 in 0 : vector<16x384xf32>, vector<112x384xf32> -> vector<128x384xf32>
      %broadcast_in_dim3A_1283 = arith.constant 0.000000e+00 : f32
      %broadcast_in_dim3A_1284 = vector.broadcast %broadcast_in_dim3A_1283 : f32 to vector<16x384xf32>
      %slice3A_1285 = vector.extract_strided_slice %add3A_1277 {offsets = [0, 0], sizes = [112, 384], strides = [1, 1]} : vector<128x384xf32> to vector<112x384xf32>
      %concatenate3A_1286 = tpu.concatenate %broadcast_in_dim3A_1284, %slice3A_1285 in 0 : vector<16x384xf32>, vector<112x384xf32> -> vector<128x384xf32>
      %mul3A_1287 = arith.mulf %mul3A_1278, %concatenate3A_1286 : vector<128x384xf32>
      %add3A_1288 = arith.addf %mul3A_1287, %add3A_1277 : vector<128x384xf32>
      %mul3A_1289 = arith.mulf %mul3A_1278, %concatenate3A_1282 : vector<128x384xf32>
      %broadcast_in_dim3A_1290 = arith.constant 1.000000e+00 : f32
      %broadcast_in_dim3A_1291 = vector.broadcast %broadcast_in_dim3A_1290 : f32 to vector<32x384xf32>
      %slice3A_1292 = vector.extract_strided_slice %mul3A_1289 {offsets = [0, 0], sizes = [96, 384], strides = [1, 1]} : vector<128x384xf32> to vector<96x384xf32>
      %concatenate3A_1293 = tpu.concatenate %broadcast_in_dim3A_1291, %slice3A_1292 in 0 : vector<32x384xf32>, vector<96x384xf32> -> vector<128x384xf32>
      %broadcast_in_dim3A_1294 = arith.constant 0.000000e+00 : f32
      %broadcast_in_dim3A_1295 = vector.broadcast %broadcast_in_dim3A_1294 : f32 to vector<32x384xf32>
      %slice3A_1296 = vector.extract_strided_slice %add3A_1288 {offsets = [0, 0], sizes = [96, 384], strides = [1, 1]} : vector<128x384xf32> to vector<96x384xf32>
      %concatenate3A_1297 = tpu.concatenate %broadcast_in_dim3A_1295, %slice3A_1296 in 0 : vector<32x384xf32>, vector<96x384xf32> -> vector<128x384xf32>
      %mul3A_1298 = arith.mulf %mul3A_1289, %concatenate3A_1297 : vector<128x384xf32>
      %add3A_1299 = arith.addf %mul3A_1298, %add3A_1288 : vector<128x384xf32>
      %mul3A_1300 = arith.mulf %mul3A_1289, %concatenate3A_1293 : vector<128x384xf32>
      %broadcast_in_dim3A_1301 = arith.constant 1.000000e+00 : f32
      %broadcast_in_dim3A_1302 = vector.broadcast %broadcast_in_dim3A_1301 : f32 to vector<64x384xf32>
      %slice3A_1303 = vector.extract_strided_slice %mul3A_1300 {offsets = [0, 0], sizes = [64, 384], strides = [1, 1]} : vector<128x384xf32> to vector<64x384xf32>
      %concatenate3A_1304 = tpu.concatenate %broadcast_in_dim3A_1302, %slice3A_1303 in 0 : vector<64x384xf32>, vector<64x384xf32> -> vector<128x384xf32>
      %broadcast_in_dim3A_1305 = arith.constant 0.000000e+00 : f32
      %broadcast_in_dim3A_1306 = vector.broadcast %broadcast_in_dim3A_1305 : f32 to vector<64x384xf32>
      %slice3A_1307 = vector.extract_strided_slice %add3A_1299 {offsets = [0, 0], sizes = [64, 384], strides = [1, 1]} : vector<128x384xf32> to vector<64x384xf32>
      %concatenate3A_1308 = tpu.concatenate %broadcast_in_dim3A_1306, %slice3A_1307 in 0 : vector<64x384xf32>, vector<64x384xf32> -> vector<128x384xf32>
      %mul3A_1309 = arith.mulf %mul3A_1300, %concatenate3A_1308 : vector<128x384xf32>
      %add3A_1310 = arith.addf %mul3A_1309, %add3A_1299 : vector<128x384xf32>
      %mul3A_1311 = arith.mulf %mul3A_1300, %concatenate3A_1304 : vector<128x384xf32>
      %slice3A_1312 = vector.extract_strided_slice %while3A_197 {offsets = [10, 0], sizes = [1, 384], strides = [1, 1]} : vector<16x384xf32> to vector<1x384xf32>
      %squeeze3A_1313 = vector.shape_cast %slice3A_1312 : vector<1x384xf32> to vector<384xf32>
      %broadcast_in_dim3A_1314 = vector.shape_cast %squeeze3A_1313 : vector<384xf32> to vector<1x384xf32>
      %mul3A_1315 = vector.broadcast %broadcast_in_dim3A_1314 : vector<1x384xf32> to vector<128x384xf32>
      %mul3A_1316 = arith.mulf %mul3A_1311, %mul3A_1315 : vector<128x384xf32>
      %add3A_1317 = arith.addf %mul3A_1316, %add3A_1310 : vector<128x384xf32>
      %slice3A_1318 = vector.extract_strided_slice %get3A_211 {offsets = [0, 10], sizes = [128, 1], strides = [1, 1]} : vector<128x16xf32> to vector<128x1xf32>
      %squeeze3A_1319 = vector.shape_cast %slice3A_1318 : vector<128x1xf32> to vector<128xf32>
      %broadcast_in_dim3A_1320 = vector.shape_cast %squeeze3A_1319 : vector<128xf32> to vector<128x1xf32>
      %mul3A_1321 = vector.broadcast %broadcast_in_dim3A_1320 : vector<128x1xf32> to vector<128x384xf32>
      %mul3A_1322 = arith.mulf %add3A_1317, %mul3A_1321 : vector<128x384xf32>
      %add3A_1323 = arith.addf %add3A_1222, %mul3A_1322 : vector<128x384xf32>
      %slice3A_1324 = vector.extract_strided_slice %add3A_1317 {offsets = [127, 0], sizes = [1, 384], strides = [1, 1]} : vector<128x384xf32> to vector<1x384xf32>
      %slice3A_1325 = vector.extract_strided_slice %neg3A_110 {offsets = [0, 11], sizes = [384, 1], strides = [1, 1]} : vector<384x16xf32> to vector<384x1xf32>
      %squeeze3A_1326 = vector.shape_cast %slice3A_1325 : vector<384x1xf32> to vector<384xf32>
      %broadcast_in_dim3A_1327 = vector.shape_cast %squeeze3A_1326 : vector<384xf32> to vector<1x384xf32>
      %mul3A_1328 = vector.broadcast %broadcast_in_dim3A_1327 : vector<1x384xf32> to vector<128x384xf32>
      %mul3A_1329 = arith.mulf %get3A_202, %mul3A_1328 : vector<128x384xf32>
      %exp3A_1330 = math.exp %mul3A_1329 : vector<128x384xf32>
      %slice3A_1331 = vector.extract_strided_slice %get3A_208 {offsets = [0, 11], sizes = [128, 1], strides = [1, 1]} : vector<128x16xf32> to vector<128x1xf32>
      %squeeze3A_1332 = vector.shape_cast %slice3A_1331 : vector<128x1xf32> to vector<128xf32>
      %broadcast_in_dim3A_1333 = vector.shape_cast %squeeze3A_1332 : vector<128xf32> to vector<128x1xf32>
      %mul3A_1334 = vector.broadcast %broadcast_in_dim3A_1333 : vector<128x1xf32> to vector<128x384xf32>
      %mul3A_1335 = arith.mulf %get3A_205, %mul3A_1334 : vector<128x384xf32>
      %broadcast_in_dim3A_1336 = arith.constant 1.000000e+00 : f32
      %broadcast_in_dim3A_1337 = vector.broadcast %broadcast_in_dim3A_1336 : f32 to vector<1x384xf32>
      %slice3A_1338 = vector.extract_strided_slice %exp3A_1330 {offsets = [0, 0], sizes = [127, 384], strides = [1, 1]} : vector<128x384xf32> to vector<127x384xf32>
      %concatenate3A_1339 = tpu.concatenate %broadcast_in_dim3A_1337, %slice3A_1338 in 0 : vector<1x384xf32>, vector<127x384xf32> -> vector<128x384xf32>
      %broadcast_in_dim3A_1340 = arith.constant 0.000000e+00 : f32
      %broadcast_in_dim3A_1341 = vector.broadcast %broadcast_in_dim3A_1340 : f32 to vector<1x384xf32>
      %slice3A_1342 = vector.extract_strided_slice %mul3A_1335 {offsets = [0, 0], sizes = [127, 384], strides = [1, 1]} : vector<128x384xf32> to vector<127x384xf32>
      %concatenate3A_1343 = tpu.concatenate %broadcast_in_dim3A_1341, %slice3A_1342 in 0 : vector<1x384xf32>, vector<127x384xf32> -> vector<128x384xf32>
      %mul3A_1344 = arith.mulf %exp3A_1330, %concatenate3A_1343 : vector<128x384xf32>
      %add3A_1345 = arith.addf %mul3A_1344, %mul3A_1335 : vector<128x384xf32>
      %mul3A_1346 = arith.mulf %exp3A_1330, %concatenate3A_1339 : vector<128x384xf32>
      %broadcast_in_dim3A_1347 = arith.constant 1.000000e+00 : f32
      %broadcast_in_dim3A_1348 = vector.broadcast %broadcast_in_dim3A_1347 : f32 to vector<2x384xf32>
      %slice3A_1349 = vector.extract_strided_slice %mul3A_1346 {offsets = [0, 0], sizes = [126, 384], strides = [1, 1]} : vector<128x384xf32> to vector<126x384xf32>
      %concatenate3A_1350 = tpu.concatenate %broadcast_in_dim3A_1348, %slice3A_1349 in 0 : vector<2x384xf32>, vector<126x384xf32> -> vector<128x384xf32>
      %broadcast_in_dim3A_1351 = arith.constant 0.000000e+00 : f32
      %broadcast_in_dim3A_1352 = vector.broadcast %broadcast_in_dim3A_1351 : f32 to vector<2x384xf32>
      %slice3A_1353 = vector.extract_strided_slice %add3A_1345 {offsets = [0, 0], sizes = [126, 384], strides = [1, 1]} : vector<128x384xf32> to vector<126x384xf32>
      %concatenate3A_1354 = tpu.concatenate %broadcast_in_dim3A_1352, %slice3A_1353 in 0 : vector<2x384xf32>, vector<126x384xf32> -> vector<128x384xf32>
      %mul3A_1355 = arith.mulf %mul3A_1346, %concatenate3A_1354 : vector<128x384xf32>
      %add3A_1356 = arith.addf %mul3A_1355, %add3A_1345 : vector<128x384xf32>
      %mul3A_1357 = arith.mulf %mul3A_1346, %concatenate3A_1350 : vector<128x384xf32>
      %broadcast_in_dim3A_1358 = arith.constant 1.000000e+00 : f32
      %broadcast_in_dim3A_1359 = vector.broadcast %broadcast_in_dim3A_1358 : f32 to vector<4x384xf32>
      %slice3A_1360 = vector.extract_strided_slice %mul3A_1357 {offsets = [0, 0], sizes = [124, 384], strides = [1, 1]} : vector<128x384xf32> to vector<124x384xf32>
      %concatenate3A_1361 = tpu.concatenate %broadcast_in_dim3A_1359, %slice3A_1360 in 0 : vector<4x384xf32>, vector<124x384xf32> -> vector<128x384xf32>
      %broadcast_in_dim3A_1362 = arith.constant 0.000000e+00 : f32
      %broadcast_in_dim3A_1363 = vector.broadcast %broadcast_in_dim3A_1362 : f32 to vector<4x384xf32>
      %slice3A_1364 = vector.extract_strided_slice %add3A_1356 {offsets = [0, 0], sizes = [124, 384], strides = [1, 1]} : vector<128x384xf32> to vector<124x384xf32>
      %concatenate3A_1365 = tpu.concatenate %broadcast_in_dim3A_1363, %slice3A_1364 in 0 : vector<4x384xf32>, vector<124x384xf32> -> vector<128x384xf32>
      %mul3A_1366 = arith.mulf %mul3A_1357, %concatenate3A_1365 : vector<128x384xf32>
      %add3A_1367 = arith.addf %mul3A_1366, %add3A_1356 : vector<128x384xf32>
      %mul3A_1368 = arith.mulf %mul3A_1357, %concatenate3A_1361 : vector<128x384xf32>
      %broadcast_in_dim3A_1369 = arith.constant 1.000000e+00 : f32
      %broadcast_in_dim3A_1370 = vector.broadcast %broadcast_in_dim3A_1369 : f32 to vector<8x384xf32>
      %slice3A_1371 = vector.extract_strided_slice %mul3A_1368 {offsets = [0, 0], sizes = [120, 384], strides = [1, 1]} : vector<128x384xf32> to vector<120x384xf32>
      %concatenate3A_1372 = tpu.concatenate %broadcast_in_dim3A_1370, %slice3A_1371 in 0 : vector<8x384xf32>, vector<120x384xf32> -> vector<128x384xf32>
      %broadcast_in_dim3A_1373 = arith.constant 0.000000e+00 : f32
      %broadcast_in_dim3A_1374 = vector.broadcast %broadcast_in_dim3A_1373 : f32 to vector<8x384xf32>
      %slice3A_1375 = vector.extract_strided_slice %add3A_1367 {offsets = [0, 0], sizes = [120, 384], strides = [1, 1]} : vector<128x384xf32> to vector<120x384xf32>
      %concatenate3A_1376 = tpu.concatenate %broadcast_in_dim3A_1374, %slice3A_1375 in 0 : vector<8x384xf32>, vector<120x384xf32> -> vector<128x384xf32>
      %mul3A_1377 = arith.mulf %mul3A_1368, %concatenate3A_1376 : vector<128x384xf32>
      %add3A_1378 = arith.addf %mul3A_1377, %add3A_1367 : vector<128x384xf32>
      %mul3A_1379 = arith.mulf %mul3A_1368, %concatenate3A_1372 : vector<128x384xf32>
      %broadcast_in_dim3A_1380 = arith.constant 1.000000e+00 : f32
      %broadcast_in_dim3A_1381 = vector.broadcast %broadcast_in_dim3A_1380 : f32 to vector<16x384xf32>
      %slice3A_1382 = vector.extract_strided_slice %mul3A_1379 {offsets = [0, 0], sizes = [112, 384], strides = [1, 1]} : vector<128x384xf32> to vector<112x384xf32>
      %concatenate3A_1383 = tpu.concatenate %broadcast_in_dim3A_1381, %slice3A_1382 in 0 : vector<16x384xf32>, vector<112x384xf32> -> vector<128x384xf32>
      %broadcast_in_dim3A_1384 = arith.constant 0.000000e+00 : f32
      %broadcast_in_dim3A_1385 = vector.broadcast %broadcast_in_dim3A_1384 : f32 to vector<16x384xf32>
      %slice3A_1386 = vector.extract_strided_slice %add3A_1378 {offsets = [0, 0], sizes = [112, 384], strides = [1, 1]} : vector<128x384xf32> to vector<112x384xf32>
      %concatenate3A_1387 = tpu.concatenate %broadcast_in_dim3A_1385, %slice3A_1386 in 0 : vector<16x384xf32>, vector<112x384xf32> -> vector<128x384xf32>
      %mul3A_1388 = arith.mulf %mul3A_1379, %concatenate3A_1387 : vector<128x384xf32>
      %add3A_1389 = arith.addf %mul3A_1388, %add3A_1378 : vector<128x384xf32>
      %mul3A_1390 = arith.mulf %mul3A_1379, %concatenate3A_1383 : vector<128x384xf32>
      %broadcast_in_dim3A_1391 = arith.constant 1.000000e+00 : f32
      %broadcast_in_dim3A_1392 = vector.broadcast %broadcast_in_dim3A_1391 : f32 to vector<32x384xf32>
      %slice3A_1393 = vector.extract_strided_slice %mul3A_1390 {offsets = [0, 0], sizes = [96, 384], strides = [1, 1]} : vector<128x384xf32> to vector<96x384xf32>
      %concatenate3A_1394 = tpu.concatenate %broadcast_in_dim3A_1392, %slice3A_1393 in 0 : vector<32x384xf32>, vector<96x384xf32> -> vector<128x384xf32>
      %broadcast_in_dim3A_1395 = arith.constant 0.000000e+00 : f32
      %broadcast_in_dim3A_1396 = vector.broadcast %broadcast_in_dim3A_1395 : f32 to vector<32x384xf32>
      %slice3A_1397 = vector.extract_strided_slice %add3A_1389 {offsets = [0, 0], sizes = [96, 384], strides = [1, 1]} : vector<128x384xf32> to vector<96x384xf32>
      %concatenate3A_1398 = tpu.concatenate %broadcast_in_dim3A_1396, %slice3A_1397 in 0 : vector<32x384xf32>, vector<96x384xf32> -> vector<128x384xf32>
      %mul3A_1399 = arith.mulf %mul3A_1390, %concatenate3A_1398 : vector<128x384xf32>
      %add3A_1400 = arith.addf %mul3A_1399, %add3A_1389 : vector<128x384xf32>
      %mul3A_1401 = arith.mulf %mul3A_1390, %concatenate3A_1394 : vector<128x384xf32>
      %broadcast_in_dim3A_1402 = arith.constant 1.000000e+00 : f32
      %broadcast_in_dim3A_1403 = vector.broadcast %broadcast_in_dim3A_1402 : f32 to vector<64x384xf32>
      %slice3A_1404 = vector.extract_strided_slice %mul3A_1401 {offsets = [0, 0], sizes = [64, 384], strides = [1, 1]} : vector<128x384xf32> to vector<64x384xf32>
      %concatenate3A_1405 = tpu.concatenate %broadcast_in_dim3A_1403, %slice3A_1404 in 0 : vector<64x384xf32>, vector<64x384xf32> -> vector<128x384xf32>
      %broadcast_in_dim3A_1406 = arith.constant 0.000000e+00 : f32
      %broadcast_in_dim3A_1407 = vector.broadcast %broadcast_in_dim3A_1406 : f32 to vector<64x384xf32>
      %slice3A_1408 = vector.extract_strided_slice %add3A_1400 {offsets = [0, 0], sizes = [64, 384], strides = [1, 1]} : vector<128x384xf32> to vector<64x384xf32>
      %concatenate3A_1409 = tpu.concatenate %broadcast_in_dim3A_1407, %slice3A_1408 in 0 : vector<64x384xf32>, vector<64x384xf32> -> vector<128x384xf32>
      %mul3A_1410 = arith.mulf %mul3A_1401, %concatenate3A_1409 : vector<128x384xf32>
      %add3A_1411 = arith.addf %mul3A_1410, %add3A_1400 : vector<128x384xf32>
      %mul3A_1412 = arith.mulf %mul3A_1401, %concatenate3A_1405 : vector<128x384xf32>
      %slice3A_1413 = vector.extract_strided_slice %while3A_197 {offsets = [11, 0], sizes = [1, 384], strides = [1, 1]} : vector<16x384xf32> to vector<1x384xf32>
      %squeeze3A_1414 = vector.shape_cast %slice3A_1413 : vector<1x384xf32> to vector<384xf32>
      %broadcast_in_dim3A_1415 = vector.shape_cast %squeeze3A_1414 : vector<384xf32> to vector<1x384xf32>
      %mul3A_1416 = vector.broadcast %broadcast_in_dim3A_1415 : vector<1x384xf32> to vector<128x384xf32>
      %mul3A_1417 = arith.mulf %mul3A_1412, %mul3A_1416 : vector<128x384xf32>
      %add3A_1418 = arith.addf %mul3A_1417, %add3A_1411 : vector<128x384xf32>
      %slice3A_1419 = vector.extract_strided_slice %get3A_211 {offsets = [0, 11], sizes = [128, 1], strides = [1, 1]} : vector<128x16xf32> to vector<128x1xf32>
      %squeeze3A_1420 = vector.shape_cast %slice3A_1419 : vector<128x1xf32> to vector<128xf32>
      %broadcast_in_dim3A_1421 = vector.shape_cast %squeeze3A_1420 : vector<128xf32> to vector<128x1xf32>
      %mul3A_1422 = vector.broadcast %broadcast_in_dim3A_1421 : vector<128x1xf32> to vector<128x384xf32>
      %mul3A_1423 = arith.mulf %add3A_1418, %mul3A_1422 : vector<128x384xf32>
      %add3A_1424 = arith.addf %add3A_1323, %mul3A_1423 : vector<128x384xf32>
      %slice3A_1425 = vector.extract_strided_slice %add3A_1418 {offsets = [127, 0], sizes = [1, 384], strides = [1, 1]} : vector<128x384xf32> to vector<1x384xf32>
      %slice3A_1426 = vector.extract_strided_slice %neg3A_110 {offsets = [0, 12], sizes = [384, 1], strides = [1, 1]} : vector<384x16xf32> to vector<384x1xf32>
      %squeeze3A_1427 = vector.shape_cast %slice3A_1426 : vector<384x1xf32> to vector<384xf32>
      %broadcast_in_dim3A_1428 = vector.shape_cast %squeeze3A_1427 : vector<384xf32> to vector<1x384xf32>
      %mul3A_1429 = vector.broadcast %broadcast_in_dim3A_1428 : vector<1x384xf32> to vector<128x384xf32>
      %mul3A_1430 = arith.mulf %get3A_202, %mul3A_1429 : vector<128x384xf32>
      %exp3A_1431 = math.exp %mul3A_1430 : vector<128x384xf32>
      %slice3A_1432 = vector.extract_strided_slice %get3A_208 {offsets = [0, 12], sizes = [128, 1], strides = [1, 1]} : vector<128x16xf32> to vector<128x1xf32>
      %squeeze3A_1433 = vector.shape_cast %slice3A_1432 : vector<128x1xf32> to vector<128xf32>
      %broadcast_in_dim3A_1434 = vector.shape_cast %squeeze3A_1433 : vector<128xf32> to vector<128x1xf32>
      %mul3A_1435 = vector.broadcast %broadcast_in_dim3A_1434 : vector<128x1xf32> to vector<128x384xf32>
      %mul3A_1436 = arith.mulf %get3A_205, %mul3A_1435 : vector<128x384xf32>
      %broadcast_in_dim3A_1437 = arith.constant 1.000000e+00 : f32
      %broadcast_in_dim3A_1438 = vector.broadcast %broadcast_in_dim3A_1437 : f32 to vector<1x384xf32>
      %slice3A_1439 = vector.extract_strided_slice %exp3A_1431 {offsets = [0, 0], sizes = [127, 384], strides = [1, 1]} : vector<128x384xf32> to vector<127x384xf32>
      %concatenate3A_1440 = tpu.concatenate %broadcast_in_dim3A_1438, %slice3A_1439 in 0 : vector<1x384xf32>, vector<127x384xf32> -> vector<128x384xf32>
      %broadcast_in_dim3A_1441 = arith.constant 0.000000e+00 : f32
      %broadcast_in_dim3A_1442 = vector.broadcast %broadcast_in_dim3A_1441 : f32 to vector<1x384xf32>
      %slice3A_1443 = vector.extract_strided_slice %mul3A_1436 {offsets = [0, 0], sizes = [127, 384], strides = [1, 1]} : vector<128x384xf32> to vector<127x384xf32>
      %concatenate3A_1444 = tpu.concatenate %broadcast_in_dim3A_1442, %slice3A_1443 in 0 : vector<1x384xf32>, vector<127x384xf32> -> vector<128x384xf32>
      %mul3A_1445 = arith.mulf %exp3A_1431, %concatenate3A_1444 : vector<128x384xf32>
      %add3A_1446 = arith.addf %mul3A_1445, %mul3A_1436 : vector<128x384xf32>
      %mul3A_1447 = arith.mulf %exp3A_1431, %concatenate3A_1440 : vector<128x384xf32>
      %broadcast_in_dim3A_1448 = arith.constant 1.000000e+00 : f32
      %broadcast_in_dim3A_1449 = vector.broadcast %broadcast_in_dim3A_1448 : f32 to vector<2x384xf32>
      %slice3A_1450 = vector.extract_strided_slice %mul3A_1447 {offsets = [0, 0], sizes = [126, 384], strides = [1, 1]} : vector<128x384xf32> to vector<126x384xf32>
      %concatenate3A_1451 = tpu.concatenate %broadcast_in_dim3A_1449, %slice3A_1450 in 0 : vector<2x384xf32>, vector<126x384xf32> -> vector<128x384xf32>
      %broadcast_in_dim3A_1452 = arith.constant 0.000000e+00 : f32
      %broadcast_in_dim3A_1453 = vector.broadcast %broadcast_in_dim3A_1452 : f32 to vector<2x384xf32>
      %slice3A_1454 = vector.extract_strided_slice %add3A_1446 {offsets = [0, 0], sizes = [126, 384], strides = [1, 1]} : vector<128x384xf32> to vector<126x384xf32>
      %concatenate3A_1455 = tpu.concatenate %broadcast_in_dim3A_1453, %slice3A_1454 in 0 : vector<2x384xf32>, vector<126x384xf32> -> vector<128x384xf32>
      %mul3A_1456 = arith.mulf %mul3A_1447, %concatenate3A_1455 : vector<128x384xf32>
      %add3A_1457 = arith.addf %mul3A_1456, %add3A_1446 : vector<128x384xf32>
      %mul3A_1458 = arith.mulf %mul3A_1447, %concatenate3A_1451 : vector<128x384xf32>
      %broadcast_in_dim3A_1459 = arith.constant 1.000000e+00 : f32
      %broadcast_in_dim3A_1460 = vector.broadcast %broadcast_in_dim3A_1459 : f32 to vector<4x384xf32>
      %slice3A_1461 = vector.extract_strided_slice %mul3A_1458 {offsets = [0, 0], sizes = [124, 384], strides = [1, 1]} : vector<128x384xf32> to vector<124x384xf32>
      %concatenate3A_1462 = tpu.concatenate %broadcast_in_dim3A_1460, %slice3A_1461 in 0 : vector<4x384xf32>, vector<124x384xf32> -> vector<128x384xf32>
      %broadcast_in_dim3A_1463 = arith.constant 0.000000e+00 : f32
      %broadcast_in_dim3A_1464 = vector.broadcast %broadcast_in_dim3A_1463 : f32 to vector<4x384xf32>
      %slice3A_1465 = vector.extract_strided_slice %add3A_1457 {offsets = [0, 0], sizes = [124, 384], strides = [1, 1]} : vector<128x384xf32> to vector<124x384xf32>
      %concatenate3A_1466 = tpu.concatenate %broadcast_in_dim3A_1464, %slice3A_1465 in 0 : vector<4x384xf32>, vector<124x384xf32> -> vector<128x384xf32>
      %mul3A_1467 = arith.mulf %mul3A_1458, %concatenate3A_1466 : vector<128x384xf32>
      %add3A_1468 = arith.addf %mul3A_1467, %add3A_1457 : vector<128x384xf32>
      %mul3A_1469 = arith.mulf %mul3A_1458, %concatenate3A_1462 : vector<128x384xf32>
      %broadcast_in_dim3A_1470 = arith.constant 1.000000e+00 : f32
      %broadcast_in_dim3A_1471 = vector.broadcast %broadcast_in_dim3A_1470 : f32 to vector<8x384xf32>
      %slice3A_1472 = vector.extract_strided_slice %mul3A_1469 {offsets = [0, 0], sizes = [120, 384], strides = [1, 1]} : vector<128x384xf32> to vector<120x384xf32>
      %concatenate3A_1473 = tpu.concatenate %broadcast_in_dim3A_1471, %slice3A_1472 in 0 : vector<8x384xf32>, vector<120x384xf32> -> vector<128x384xf32>
      %broadcast_in_dim3A_1474 = arith.constant 0.000000e+00 : f32
      %broadcast_in_dim3A_1475 = vector.broadcast %broadcast_in_dim3A_1474 : f32 to vector<8x384xf32>
      %slice3A_1476 = vector.extract_strided_slice %add3A_1468 {offsets = [0, 0], sizes = [120, 384], strides = [1, 1]} : vector<128x384xf32> to vector<120x384xf32>
      %concatenate3A_1477 = tpu.concatenate %broadcast_in_dim3A_1475, %slice3A_1476 in 0 : vector<8x384xf32>, vector<120x384xf32> -> vector<128x384xf32>
      %mul3A_1478 = arith.mulf %mul3A_1469, %concatenate3A_1477 : vector<128x384xf32>
      %add3A_1479 = arith.addf %mul3A_1478, %add3A_1468 : vector<128x384xf32>
      %mul3A_1480 = arith.mulf %mul3A_1469, %concatenate3A_1473 : vector<128x384xf32>
      %broadcast_in_dim3A_1481 = arith.constant 1.000000e+00 : f32
      %broadcast_in_dim3A_1482 = vector.broadcast %broadcast_in_dim3A_1481 : f32 to vector<16x384xf32>
      %slice3A_1483 = vector.extract_strided_slice %mul3A_1480 {offsets = [0, 0], sizes = [112, 384], strides = [1, 1]} : vector<128x384xf32> to vector<112x384xf32>
      %concatenate3A_1484 = tpu.concatenate %broadcast_in_dim3A_1482, %slice3A_1483 in 0 : vector<16x384xf32>, vector<112x384xf32> -> vector<128x384xf32>
      %broadcast_in_dim3A_1485 = arith.constant 0.000000e+00 : f32
      %broadcast_in_dim3A_1486 = vector.broadcast %broadcast_in_dim3A_1485 : f32 to vector<16x384xf32>
      %slice3A_1487 = vector.extract_strided_slice %add3A_1479 {offsets = [0, 0], sizes = [112, 384], strides = [1, 1]} : vector<128x384xf32> to vector<112x384xf32>
      %concatenate3A_1488 = tpu.concatenate %broadcast_in_dim3A_1486, %slice3A_1487 in 0 : vector<16x384xf32>, vector<112x384xf32> -> vector<128x384xf32>
      %mul3A_1489 = arith.mulf %mul3A_1480, %concatenate3A_1488 : vector<128x384xf32>
      %add3A_1490 = arith.addf %mul3A_1489, %add3A_1479 : vector<128x384xf32>
      %mul3A_1491 = arith.mulf %mul3A_1480, %concatenate3A_1484 : vector<128x384xf32>
      %broadcast_in_dim3A_1492 = arith.constant 1.000000e+00 : f32
      %broadcast_in_dim3A_1493 = vector.broadcast %broadcast_in_dim3A_1492 : f32 to vector<32x384xf32>
      %slice3A_1494 = vector.extract_strided_slice %mul3A_1491 {offsets = [0, 0], sizes = [96, 384], strides = [1, 1]} : vector<128x384xf32> to vector<96x384xf32>
      %concatenate3A_1495 = tpu.concatenate %broadcast_in_dim3A_1493, %slice3A_1494 in 0 : vector<32x384xf32>, vector<96x384xf32> -> vector<128x384xf32>
      %broadcast_in_dim3A_1496 = arith.constant 0.000000e+00 : f32
      %broadcast_in_dim3A_1497 = vector.broadcast %broadcast_in_dim3A_1496 : f32 to vector<32x384xf32>
      %slice3A_1498 = vector.extract_strided_slice %add3A_1490 {offsets = [0, 0], sizes = [96, 384], strides = [1, 1]} : vector<128x384xf32> to vector<96x384xf32>
      %concatenate3A_1499 = tpu.concatenate %broadcast_in_dim3A_1497, %slice3A_1498 in 0 : vector<32x384xf32>, vector<96x384xf32> -> vector<128x384xf32>
      %mul3A_1500 = arith.mulf %mul3A_1491, %concatenate3A_1499 : vector<128x384xf32>
      %add3A_1501 = arith.addf %mul3A_1500, %add3A_1490 : vector<128x384xf32>
      %mul3A_1502 = arith.mulf %mul3A_1491, %concatenate3A_1495 : vector<128x384xf32>
      %broadcast_in_dim3A_1503 = arith.constant 1.000000e+00 : f32
      %broadcast_in_dim3A_1504 = vector.broadcast %broadcast_in_dim3A_1503 : f32 to vector<64x384xf32>
      %slice3A_1505 = vector.extract_strided_slice %mul3A_1502 {offsets = [0, 0], sizes = [64, 384], strides = [1, 1]} : vector<128x384xf32> to vector<64x384xf32>
      %concatenate3A_1506 = tpu.concatenate %broadcast_in_dim3A_1504, %slice3A_1505 in 0 : vector<64x384xf32>, vector<64x384xf32> -> vector<128x384xf32>
      %broadcast_in_dim3A_1507 = arith.constant 0.000000e+00 : f32
      %broadcast_in_dim3A_1508 = vector.broadcast %broadcast_in_dim3A_1507 : f32 to vector<64x384xf32>
      %slice3A_1509 = vector.extract_strided_slice %add3A_1501 {offsets = [0, 0], sizes = [64, 384], strides = [1, 1]} : vector<128x384xf32> to vector<64x384xf32>
      %concatenate3A_1510 = tpu.concatenate %broadcast_in_dim3A_1508, %slice3A_1509 in 0 : vector<64x384xf32>, vector<64x384xf32> -> vector<128x384xf32>
      %mul3A_1511 = arith.mulf %mul3A_1502, %concatenate3A_1510 : vector<128x384xf32>
      %add3A_1512 = arith.addf %mul3A_1511, %add3A_1501 : vector<128x384xf32>
      %mul3A_1513 = arith.mulf %mul3A_1502, %concatenate3A_1506 : vector<128x384xf32>
      %slice3A_1514 = vector.extract_strided_slice %while3A_197 {offsets = [12, 0], sizes = [1, 384], strides = [1, 1]} : vector<16x384xf32> to vector<1x384xf32>
      %squeeze3A_1515 = vector.shape_cast %slice3A_1514 : vector<1x384xf32> to vector<384xf32>
      %broadcast_in_dim3A_1516 = vector.shape_cast %squeeze3A_1515 : vector<384xf32> to vector<1x384xf32>
      %mul3A_1517 = vector.broadcast %broadcast_in_dim3A_1516 : vector<1x384xf32> to vector<128x384xf32>
      %mul3A_1518 = arith.mulf %mul3A_1513, %mul3A_1517 : vector<128x384xf32>
      %add3A_1519 = arith.addf %mul3A_1518, %add3A_1512 : vector<128x384xf32>
      %slice3A_1520 = vector.extract_strided_slice %get3A_211 {offsets = [0, 12], sizes = [128, 1], strides = [1, 1]} : vector<128x16xf32> to vector<128x1xf32>
      %squeeze3A_1521 = vector.shape_cast %slice3A_1520 : vector<128x1xf32> to vector<128xf32>
      %broadcast_in_dim3A_1522 = vector.shape_cast %squeeze3A_1521 : vector<128xf32> to vector<128x1xf32>
      %mul3A_1523 = vector.broadcast %broadcast_in_dim3A_1522 : vector<128x1xf32> to vector<128x384xf32>
      %mul3A_1524 = arith.mulf %add3A_1519, %mul3A_1523 : vector<128x384xf32>
      %add3A_1525 = arith.addf %add3A_1424, %mul3A_1524 : vector<128x384xf32>
      %slice3A_1526 = vector.extract_strided_slice %add3A_1519 {offsets = [127, 0], sizes = [1, 384], strides = [1, 1]} : vector<128x384xf32> to vector<1x384xf32>
      %slice3A_1527 = vector.extract_strided_slice %neg3A_110 {offsets = [0, 13], sizes = [384, 1], strides = [1, 1]} : vector<384x16xf32> to vector<384x1xf32>
      %squeeze3A_1528 = vector.shape_cast %slice3A_1527 : vector<384x1xf32> to vector<384xf32>
      %broadcast_in_dim3A_1529 = vector.shape_cast %squeeze3A_1528 : vector<384xf32> to vector<1x384xf32>
      %mul3A_1530 = vector.broadcast %broadcast_in_dim3A_1529 : vector<1x384xf32> to vector<128x384xf32>
      %mul3A_1531 = arith.mulf %get3A_202, %mul3A_1530 : vector<128x384xf32>
      %exp3A_1532 = math.exp %mul3A_1531 : vector<128x384xf32>
      %slice3A_1533 = vector.extract_strided_slice %get3A_208 {offsets = [0, 13], sizes = [128, 1], strides = [1, 1]} : vector<128x16xf32> to vector<128x1xf32>
      %squeeze3A_1534 = vector.shape_cast %slice3A_1533 : vector<128x1xf32> to vector<128xf32>
      %broadcast_in_dim3A_1535 = vector.shape_cast %squeeze3A_1534 : vector<128xf32> to vector<128x1xf32>
      %mul3A_1536 = vector.broadcast %broadcast_in_dim3A_1535 : vector<128x1xf32> to vector<128x384xf32>
      %mul3A_1537 = arith.mulf %get3A_205, %mul3A_1536 : vector<128x384xf32>
      %broadcast_in_dim3A_1538 = arith.constant 1.000000e+00 : f32
      %broadcast_in_dim3A_1539 = vector.broadcast %broadcast_in_dim3A_1538 : f32 to vector<1x384xf32>
      %slice3A_1540 = vector.extract_strided_slice %exp3A_1532 {offsets = [0, 0], sizes = [127, 384], strides = [1, 1]} : vector<128x384xf32> to vector<127x384xf32>
      %concatenate3A_1541 = tpu.concatenate %broadcast_in_dim3A_1539, %slice3A_1540 in 0 : vector<1x384xf32>, vector<127x384xf32> -> vector<128x384xf32>
      %broadcast_in_dim3A_1542 = arith.constant 0.000000e+00 : f32
      %broadcast_in_dim3A_1543 = vector.broadcast %broadcast_in_dim3A_1542 : f32 to vector<1x384xf32>
      %slice3A_1544 = vector.extract_strided_slice %mul3A_1537 {offsets = [0, 0], sizes = [127, 384], strides = [1, 1]} : vector<128x384xf32> to vector<127x384xf32>
      %concatenate3A_1545 = tpu.concatenate %broadcast_in_dim3A_1543, %slice3A_1544 in 0 : vector<1x384xf32>, vector<127x384xf32> -> vector<128x384xf32>
      %mul3A_1546 = arith.mulf %exp3A_1532, %concatenate3A_1545 : vector<128x384xf32>
      %add3A_1547 = arith.addf %mul3A_1546, %mul3A_1537 : vector<128x384xf32>
      %mul3A_1548 = arith.mulf %exp3A_1532, %concatenate3A_1541 : vector<128x384xf32>
      %broadcast_in_dim3A_1549 = arith.constant 1.000000e+00 : f32
      %broadcast_in_dim3A_1550 = vector.broadcast %broadcast_in_dim3A_1549 : f32 to vector<2x384xf32>
      %slice3A_1551 = vector.extract_strided_slice %mul3A_1548 {offsets = [0, 0], sizes = [126, 384], strides = [1, 1]} : vector<128x384xf32> to vector<126x384xf32>
      %concatenate3A_1552 = tpu.concatenate %broadcast_in_dim3A_1550, %slice3A_1551 in 0 : vector<2x384xf32>, vector<126x384xf32> -> vector<128x384xf32>
      %broadcast_in_dim3A_1553 = arith.constant 0.000000e+00 : f32
      %broadcast_in_dim3A_1554 = vector.broadcast %broadcast_in_dim3A_1553 : f32 to vector<2x384xf32>
      %slice3A_1555 = vector.extract_strided_slice %add3A_1547 {offsets = [0, 0], sizes = [126, 384], strides = [1, 1]} : vector<128x384xf32> to vector<126x384xf32>
      %concatenate3A_1556 = tpu.concatenate %broadcast_in_dim3A_1554, %slice3A_1555 in 0 : vector<2x384xf32>, vector<126x384xf32> -> vector<128x384xf32>
      %mul3A_1557 = arith.mulf %mul3A_1548, %concatenate3A_1556 : vector<128x384xf32>
      %add3A_1558 = arith.addf %mul3A_1557, %add3A_1547 : vector<128x384xf32>
      %mul3A_1559 = arith.mulf %mul3A_1548, %concatenate3A_1552 : vector<128x384xf32>
      %broadcast_in_dim3A_1560 = arith.constant 1.000000e+00 : f32
      %broadcast_in_dim3A_1561 = vector.broadcast %broadcast_in_dim3A_1560 : f32 to vector<4x384xf32>
      %slice3A_1562 = vector.extract_strided_slice %mul3A_1559 {offsets = [0, 0], sizes = [124, 384], strides = [1, 1]} : vector<128x384xf32> to vector<124x384xf32>
      %concatenate3A_1563 = tpu.concatenate %broadcast_in_dim3A_1561, %slice3A_1562 in 0 : vector<4x384xf32>, vector<124x384xf32> -> vector<128x384xf32>
      %broadcast_in_dim3A_1564 = arith.constant 0.000000e+00 : f32
      %broadcast_in_dim3A_1565 = vector.broadcast %broadcast_in_dim3A_1564 : f32 to vector<4x384xf32>
      %slice3A_1566 = vector.extract_strided_slice %add3A_1558 {offsets = [0, 0], sizes = [124, 384], strides = [1, 1]} : vector<128x384xf32> to vector<124x384xf32>
      %concatenate3A_1567 = tpu.concatenate %broadcast_in_dim3A_1565, %slice3A_1566 in 0 : vector<4x384xf32>, vector<124x384xf32> -> vector<128x384xf32>
      %mul3A_1568 = arith.mulf %mul3A_1559, %concatenate3A_1567 : vector<128x384xf32>
      %add3A_1569 = arith.addf %mul3A_1568, %add3A_1558 : vector<128x384xf32>
      %mul3A_1570 = arith.mulf %mul3A_1559, %concatenate3A_1563 : vector<128x384xf32>
      %broadcast_in_dim3A_1571 = arith.constant 1.000000e+00 : f32
      %broadcast_in_dim3A_1572 = vector.broadcast %broadcast_in_dim3A_1571 : f32 to vector<8x384xf32>
      %slice3A_1573 = vector.extract_strided_slice %mul3A_1570 {offsets = [0, 0], sizes = [120, 384], strides = [1, 1]} : vector<128x384xf32> to vector<120x384xf32>
      %concatenate3A_1574 = tpu.concatenate %broadcast_in_dim3A_1572, %slice3A_1573 in 0 : vector<8x384xf32>, vector<120x384xf32> -> vector<128x384xf32>
      %broadcast_in_dim3A_1575 = arith.constant 0.000000e+00 : f32
      %broadcast_in_dim3A_1576 = vector.broadcast %broadcast_in_dim3A_1575 : f32 to vector<8x384xf32>
      %slice3A_1577 = vector.extract_strided_slice %add3A_1569 {offsets = [0, 0], sizes = [120, 384], strides = [1, 1]} : vector<128x384xf32> to vector<120x384xf32>
      %concatenate3A_1578 = tpu.concatenate %broadcast_in_dim3A_1576, %slice3A_1577 in 0 : vector<8x384xf32>, vector<120x384xf32> -> vector<128x384xf32>
      %mul3A_1579 = arith.mulf %mul3A_1570, %concatenate3A_1578 : vector<128x384xf32>
      %add3A_1580 = arith.addf %mul3A_1579, %add3A_1569 : vector<128x384xf32>
      %mul3A_1581 = arith.mulf %mul3A_1570, %concatenate3A_1574 : vector<128x384xf32>
      %broadcast_in_dim3A_1582 = arith.constant 1.000000e+00 : f32
      %broadcast_in_dim3A_1583 = vector.broadcast %broadcast_in_dim3A_1582 : f32 to vector<16x384xf32>
      %slice3A_1584 = vector.extract_strided_slice %mul3A_1581 {offsets = [0, 0], sizes = [112, 384], strides = [1, 1]} : vector<128x384xf32> to vector<112x384xf32>
      %concatenate3A_1585 = tpu.concatenate %broadcast_in_dim3A_1583, %slice3A_1584 in 0 : vector<16x384xf32>, vector<112x384xf32> -> vector<128x384xf32>
      %broadcast_in_dim3A_1586 = arith.constant 0.000000e+00 : f32
      %broadcast_in_dim3A_1587 = vector.broadcast %broadcast_in_dim3A_1586 : f32 to vector<16x384xf32>
      %slice3A_1588 = vector.extract_strided_slice %add3A_1580 {offsets = [0, 0], sizes = [112, 384], strides = [1, 1]} : vector<128x384xf32> to vector<112x384xf32>
      %concatenate3A_1589 = tpu.concatenate %broadcast_in_dim3A_1587, %slice3A_1588 in 0 : vector<16x384xf32>, vector<112x384xf32> -> vector<128x384xf32>
      %mul3A_1590 = arith.mulf %mul3A_1581, %concatenate3A_1589 : vector<128x384xf32>
      %add3A_1591 = arith.addf %mul3A_1590, %add3A_1580 : vector<128x384xf32>
      %mul3A_1592 = arith.mulf %mul3A_1581, %concatenate3A_1585 : vector<128x384xf32>
      %broadcast_in_dim3A_1593 = arith.constant 1.000000e+00 : f32
      %broadcast_in_dim3A_1594 = vector.broadcast %broadcast_in_dim3A_1593 : f32 to vector<32x384xf32>
      %slice3A_1595 = vector.extract_strided_slice %mul3A_1592 {offsets = [0, 0], sizes = [96, 384], strides = [1, 1]} : vector<128x384xf32> to vector<96x384xf32>
      %concatenate3A_1596 = tpu.concatenate %broadcast_in_dim3A_1594, %slice3A_1595 in 0 : vector<32x384xf32>, vector<96x384xf32> -> vector<128x384xf32>
      %broadcast_in_dim3A_1597 = arith.constant 0.000000e+00 : f32
      %broadcast_in_dim3A_1598 = vector.broadcast %broadcast_in_dim3A_1597 : f32 to vector<32x384xf32>
      %slice3A_1599 = vector.extract_strided_slice %add3A_1591 {offsets = [0, 0], sizes = [96, 384], strides = [1, 1]} : vector<128x384xf32> to vector<96x384xf32>
      %concatenate3A_1600 = tpu.concatenate %broadcast_in_dim3A_1598, %slice3A_1599 in 0 : vector<32x384xf32>, vector<96x384xf32> -> vector<128x384xf32>
      %mul3A_1601 = arith.mulf %mul3A_1592, %concatenate3A_1600 : vector<128x384xf32>
      %add3A_1602 = arith.addf %mul3A_1601, %add3A_1591 : vector<128x384xf32>
      %mul3A_1603 = arith.mulf %mul3A_1592, %concatenate3A_1596 : vector<128x384xf32>
      %broadcast_in_dim3A_1604 = arith.constant 1.000000e+00 : f32
      %broadcast_in_dim3A_1605 = vector.broadcast %broadcast_in_dim3A_1604 : f32 to vector<64x384xf32>
      %slice3A_1606 = vector.extract_strided_slice %mul3A_1603 {offsets = [0, 0], sizes = [64, 384], strides = [1, 1]} : vector<128x384xf32> to vector<64x384xf32>
      %concatenate3A_1607 = tpu.concatenate %broadcast_in_dim3A_1605, %slice3A_1606 in 0 : vector<64x384xf32>, vector<64x384xf32> -> vector<128x384xf32>
      %broadcast_in_dim3A_1608 = arith.constant 0.000000e+00 : f32
      %broadcast_in_dim3A_1609 = vector.broadcast %broadcast_in_dim3A_1608 : f32 to vector<64x384xf32>
      %slice3A_1610 = vector.extract_strided_slice %add3A_1602 {offsets = [0, 0], sizes = [64, 384], strides = [1, 1]} : vector<128x384xf32> to vector<64x384xf32>
      %concatenate3A_1611 = tpu.concatenate %broadcast_in_dim3A_1609, %slice3A_1610 in 0 : vector<64x384xf32>, vector<64x384xf32> -> vector<128x384xf32>
      %mul3A_1612 = arith.mulf %mul3A_1603, %concatenate3A_1611 : vector<128x384xf32>
      %add3A_1613 = arith.addf %mul3A_1612, %add3A_1602 : vector<128x384xf32>
      %mul3A_1614 = arith.mulf %mul3A_1603, %concatenate3A_1607 : vector<128x384xf32>
      %slice3A_1615 = vector.extract_strided_slice %while3A_197 {offsets = [13, 0], sizes = [1, 384], strides = [1, 1]} : vector<16x384xf32> to vector<1x384xf32>
      %squeeze3A_1616 = vector.shape_cast %slice3A_1615 : vector<1x384xf32> to vector<384xf32>
      %broadcast_in_dim3A_1617 = vector.shape_cast %squeeze3A_1616 : vector<384xf32> to vector<1x384xf32>
      %mul3A_1618 = vector.broadcast %broadcast_in_dim3A_1617 : vector<1x384xf32> to vector<128x384xf32>
      %mul3A_1619 = arith.mulf %mul3A_1614, %mul3A_1618 : vector<128x384xf32>
      %add3A_1620 = arith.addf %mul3A_1619, %add3A_1613 : vector<128x384xf32>
      %slice3A_1621 = vector.extract_strided_slice %get3A_211 {offsets = [0, 13], sizes = [128, 1], strides = [1, 1]} : vector<128x16xf32> to vector<128x1xf32>
      %squeeze3A_1622 = vector.shape_cast %slice3A_1621 : vector<128x1xf32> to vector<128xf32>
      %broadcast_in_dim3A_1623 = vector.shape_cast %squeeze3A_1622 : vector<128xf32> to vector<128x1xf32>
      %mul3A_1624 = vector.broadcast %broadcast_in_dim3A_1623 : vector<128x1xf32> to vector<128x384xf32>
      %mul3A_1625 = arith.mulf %add3A_1620, %mul3A_1624 : vector<128x384xf32>
      %add3A_1626 = arith.addf %add3A_1525, %mul3A_1625 : vector<128x384xf32>
      %slice3A_1627 = vector.extract_strided_slice %add3A_1620 {offsets = [127, 0], sizes = [1, 384], strides = [1, 1]} : vector<128x384xf32> to vector<1x384xf32>
      %slice3A_1628 = vector.extract_strided_slice %neg3A_110 {offsets = [0, 14], sizes = [384, 1], strides = [1, 1]} : vector<384x16xf32> to vector<384x1xf32>
      %squeeze3A_1629 = vector.shape_cast %slice3A_1628 : vector<384x1xf32> to vector<384xf32>
      %broadcast_in_dim3A_1630 = vector.shape_cast %squeeze3A_1629 : vector<384xf32> to vector<1x384xf32>
      %mul3A_1631 = vector.broadcast %broadcast_in_dim3A_1630 : vector<1x384xf32> to vector<128x384xf32>
      %mul3A_1632 = arith.mulf %get3A_202, %mul3A_1631 : vector<128x384xf32>
      %exp3A_1633 = math.exp %mul3A_1632 : vector<128x384xf32>
      %slice3A_1634 = vector.extract_strided_slice %get3A_208 {offsets = [0, 14], sizes = [128, 1], strides = [1, 1]} : vector<128x16xf32> to vector<128x1xf32>
      %squeeze3A_1635 = vector.shape_cast %slice3A_1634 : vector<128x1xf32> to vector<128xf32>
      %broadcast_in_dim3A_1636 = vector.shape_cast %squeeze3A_1635 : vector<128xf32> to vector<128x1xf32>
      %mul3A_1637 = vector.broadcast %broadcast_in_dim3A_1636 : vector<128x1xf32> to vector<128x384xf32>
      %mul3A_1638 = arith.mulf %get3A_205, %mul3A_1637 : vector<128x384xf32>
      %broadcast_in_dim3A_1639 = arith.constant 1.000000e+00 : f32
      %broadcast_in_dim3A_1640 = vector.broadcast %broadcast_in_dim3A_1639 : f32 to vector<1x384xf32>
      %slice3A_1641 = vector.extract_strided_slice %exp3A_1633 {offsets = [0, 0], sizes = [127, 384], strides = [1, 1]} : vector<128x384xf32> to vector<127x384xf32>
      %concatenate3A_1642 = tpu.concatenate %broadcast_in_dim3A_1640, %slice3A_1641 in 0 : vector<1x384xf32>, vector<127x384xf32> -> vector<128x384xf32>
      %broadcast_in_dim3A_1643 = arith.constant 0.000000e+00 : f32
      %broadcast_in_dim3A_1644 = vector.broadcast %broadcast_in_dim3A_1643 : f32 to vector<1x384xf32>
      %slice3A_1645 = vector.extract_strided_slice %mul3A_1638 {offsets = [0, 0], sizes = [127, 384], strides = [1, 1]} : vector<128x384xf32> to vector<127x384xf32>
      %concatenate3A_1646 = tpu.concatenate %broadcast_in_dim3A_1644, %slice3A_1645 in 0 : vector<1x384xf32>, vector<127x384xf32> -> vector<128x384xf32>
      %mul3A_1647 = arith.mulf %exp3A_1633, %concatenate3A_1646 : vector<128x384xf32>
      %add3A_1648 = arith.addf %mul3A_1647, %mul3A_1638 : vector<128x384xf32>
      %mul3A_1649 = arith.mulf %exp3A_1633, %concatenate3A_1642 : vector<128x384xf32>
      %broadcast_in_dim3A_1650 = arith.constant 1.000000e+00 : f32
      %broadcast_in_dim3A_1651 = vector.broadcast %broadcast_in_dim3A_1650 : f32 to vector<2x384xf32>
      %slice3A_1652 = vector.extract_strided_slice %mul3A_1649 {offsets = [0, 0], sizes = [126, 384], strides = [1, 1]} : vector<128x384xf32> to vector<126x384xf32>
      %concatenate3A_1653 = tpu.concatenate %broadcast_in_dim3A_1651, %slice3A_1652 in 0 : vector<2x384xf32>, vector<126x384xf32> -> vector<128x384xf32>
      %broadcast_in_dim3A_1654 = arith.constant 0.000000e+00 : f32
      %broadcast_in_dim3A_1655 = vector.broadcast %broadcast_in_dim3A_1654 : f32 to vector<2x384xf32>
      %slice3A_1656 = vector.extract_strided_slice %add3A_1648 {offsets = [0, 0], sizes = [126, 384], strides = [1, 1]} : vector<128x384xf32> to vector<126x384xf32>
      %concatenate3A_1657 = tpu.concatenate %broadcast_in_dim3A_1655, %slice3A_1656 in 0 : vector<2x384xf32>, vector<126x384xf32> -> vector<128x384xf32>
      %mul3A_1658 = arith.mulf %mul3A_1649, %concatenate3A_1657 : vector<128x384xf32>
      %add3A_1659 = arith.addf %mul3A_1658, %add3A_1648 : vector<128x384xf32>
      %mul3A_1660 = arith.mulf %mul3A_1649, %concatenate3A_1653 : vector<128x384xf32>
      %broadcast_in_dim3A_1661 = arith.constant 1.000000e+00 : f32
      %broadcast_in_dim3A_1662 = vector.broadcast %broadcast_in_dim3A_1661 : f32 to vector<4x384xf32>
      %slice3A_1663 = vector.extract_strided_slice %mul3A_1660 {offsets = [0, 0], sizes = [124, 384], strides = [1, 1]} : vector<128x384xf32> to vector<124x384xf32>
      %concatenate3A_1664 = tpu.concatenate %broadcast_in_dim3A_1662, %slice3A_1663 in 0 : vector<4x384xf32>, vector<124x384xf32> -> vector<128x384xf32>
      %broadcast_in_dim3A_1665 = arith.constant 0.000000e+00 : f32
      %broadcast_in_dim3A_1666 = vector.broadcast %broadcast_in_dim3A_1665 : f32 to vector<4x384xf32>
      %slice3A_1667 = vector.extract_strided_slice %add3A_1659 {offsets = [0, 0], sizes = [124, 384], strides = [1, 1]} : vector<128x384xf32> to vector<124x384xf32>
      %concatenate3A_1668 = tpu.concatenate %broadcast_in_dim3A_1666, %slice3A_1667 in 0 : vector<4x384xf32>, vector<124x384xf32> -> vector<128x384xf32>
      %mul3A_1669 = arith.mulf %mul3A_1660, %concatenate3A_1668 : vector<128x384xf32>
      %add3A_1670 = arith.addf %mul3A_1669, %add3A_1659 : vector<128x384xf32>
      %mul3A_1671 = arith.mulf %mul3A_1660, %concatenate3A_1664 : vector<128x384xf32>
      %broadcast_in_dim3A_1672 = arith.constant 1.000000e+00 : f32
      %broadcast_in_dim3A_1673 = vector.broadcast %broadcast_in_dim3A_1672 : f32 to vector<8x384xf32>
      %slice3A_1674 = vector.extract_strided_slice %mul3A_1671 {offsets = [0, 0], sizes = [120, 384], strides = [1, 1]} : vector<128x384xf32> to vector<120x384xf32>
      %concatenate3A_1675 = tpu.concatenate %broadcast_in_dim3A_1673, %slice3A_1674 in 0 : vector<8x384xf32>, vector<120x384xf32> -> vector<128x384xf32>
      %broadcast_in_dim3A_1676 = arith.constant 0.000000e+00 : f32
      %broadcast_in_dim3A_1677 = vector.broadcast %broadcast_in_dim3A_1676 : f32 to vector<8x384xf32>
      %slice3A_1678 = vector.extract_strided_slice %add3A_1670 {offsets = [0, 0], sizes = [120, 384], strides = [1, 1]} : vector<128x384xf32> to vector<120x384xf32>
      %concatenate3A_1679 = tpu.concatenate %broadcast_in_dim3A_1677, %slice3A_1678 in 0 : vector<8x384xf32>, vector<120x384xf32> -> vector<128x384xf32>
      %mul3A_1680 = arith.mulf %mul3A_1671, %concatenate3A_1679 : vector<128x384xf32>
      %add3A_1681 = arith.addf %mul3A_1680, %add3A_1670 : vector<128x384xf32>
      %mul3A_1682 = arith.mulf %mul3A_1671, %concatenate3A_1675 : vector<128x384xf32>
      %broadcast_in_dim3A_1683 = arith.constant 1.000000e+00 : f32
      %broadcast_in_dim3A_1684 = vector.broadcast %broadcast_in_dim3A_1683 : f32 to vector<16x384xf32>
      %slice3A_1685 = vector.extract_strided_slice %mul3A_1682 {offsets = [0, 0], sizes = [112, 384], strides = [1, 1]} : vector<128x384xf32> to vector<112x384xf32>
      %concatenate3A_1686 = tpu.concatenate %broadcast_in_dim3A_1684, %slice3A_1685 in 0 : vector<16x384xf32>, vector<112x384xf32> -> vector<128x384xf32>
      %broadcast_in_dim3A_1687 = arith.constant 0.000000e+00 : f32
      %broadcast_in_dim3A_1688 = vector.broadcast %broadcast_in_dim3A_1687 : f32 to vector<16x384xf32>
      %slice3A_1689 = vector.extract_strided_slice %add3A_1681 {offsets = [0, 0], sizes = [112, 384], strides = [1, 1]} : vector<128x384xf32> to vector<112x384xf32>
      %concatenate3A_1690 = tpu.concatenate %broadcast_in_dim3A_1688, %slice3A_1689 in 0 : vector<16x384xf32>, vector<112x384xf32> -> vector<128x384xf32>
      %mul3A_1691 = arith.mulf %mul3A_1682, %concatenate3A_1690 : vector<128x384xf32>
      %add3A_1692 = arith.addf %mul3A_1691, %add3A_1681 : vector<128x384xf32>
      %mul3A_1693 = arith.mulf %mul3A_1682, %concatenate3A_1686 : vector<128x384xf32>
      %broadcast_in_dim3A_1694 = arith.constant 1.000000e+00 : f32
      %broadcast_in_dim3A_1695 = vector.broadcast %broadcast_in_dim3A_1694 : f32 to vector<32x384xf32>
      %slice3A_1696 = vector.extract_strided_slice %mul3A_1693 {offsets = [0, 0], sizes = [96, 384], strides = [1, 1]} : vector<128x384xf32> to vector<96x384xf32>
      %concatenate3A_1697 = tpu.concatenate %broadcast_in_dim3A_1695, %slice3A_1696 in 0 : vector<32x384xf32>, vector<96x384xf32> -> vector<128x384xf32>
      %broadcast_in_dim3A_1698 = arith.constant 0.000000e+00 : f32
      %broadcast_in_dim3A_1699 = vector.broadcast %broadcast_in_dim3A_1698 : f32 to vector<32x384xf32>
      %slice3A_1700 = vector.extract_strided_slice %add3A_1692 {offsets = [0, 0], sizes = [96, 384], strides = [1, 1]} : vector<128x384xf32> to vector<96x384xf32>
      %concatenate3A_1701 = tpu.concatenate %broadcast_in_dim3A_1699, %slice3A_1700 in 0 : vector<32x384xf32>, vector<96x384xf32> -> vector<128x384xf32>
      %mul3A_1702 = arith.mulf %mul3A_1693, %concatenate3A_1701 : vector<128x384xf32>
      %add3A_1703 = arith.addf %mul3A_1702, %add3A_1692 : vector<128x384xf32>
      %mul3A_1704 = arith.mulf %mul3A_1693, %concatenate3A_1697 : vector<128x384xf32>
      %broadcast_in_dim3A_1705 = arith.constant 1.000000e+00 : f32
      %broadcast_in_dim3A_1706 = vector.broadcast %broadcast_in_dim3A_1705 : f32 to vector<64x384xf32>
      %slice3A_1707 = vector.extract_strided_slice %mul3A_1704 {offsets = [0, 0], sizes = [64, 384], strides = [1, 1]} : vector<128x384xf32> to vector<64x384xf32>
      %concatenate3A_1708 = tpu.concatenate %broadcast_in_dim3A_1706, %slice3A_1707 in 0 : vector<64x384xf32>, vector<64x384xf32> -> vector<128x384xf32>
      %broadcast_in_dim3A_1709 = arith.constant 0.000000e+00 : f32
      %broadcast_in_dim3A_1710 = vector.broadcast %broadcast_in_dim3A_1709 : f32 to vector<64x384xf32>
      %slice3A_1711 = vector.extract_strided_slice %add3A_1703 {offsets = [0, 0], sizes = [64, 384], strides = [1, 1]} : vector<128x384xf32> to vector<64x384xf32>
      %concatenate3A_1712 = tpu.concatenate %broadcast_in_dim3A_1710, %slice3A_1711 in 0 : vector<64x384xf32>, vector<64x384xf32> -> vector<128x384xf32>
      %mul3A_1713 = arith.mulf %mul3A_1704, %concatenate3A_1712 : vector<128x384xf32>
      %add3A_1714 = arith.addf %mul3A_1713, %add3A_1703 : vector<128x384xf32>
      %mul3A_1715 = arith.mulf %mul3A_1704, %concatenate3A_1708 : vector<128x384xf32>
      %slice3A_1716 = vector.extract_strided_slice %while3A_197 {offsets = [14, 0], sizes = [1, 384], strides = [1, 1]} : vector<16x384xf32> to vector<1x384xf32>
      %squeeze3A_1717 = vector.shape_cast %slice3A_1716 : vector<1x384xf32> to vector<384xf32>
      %broadcast_in_dim3A_1718 = vector.shape_cast %squeeze3A_1717 : vector<384xf32> to vector<1x384xf32>
      %mul3A_1719 = vector.broadcast %broadcast_in_dim3A_1718 : vector<1x384xf32> to vector<128x384xf32>
      %mul3A_1720 = arith.mulf %mul3A_1715, %mul3A_1719 : vector<128x384xf32>
      %add3A_1721 = arith.addf %mul3A_1720, %add3A_1714 : vector<128x384xf32>
      %slice3A_1722 = vector.extract_strided_slice %get3A_211 {offsets = [0, 14], sizes = [128, 1], strides = [1, 1]} : vector<128x16xf32> to vector<128x1xf32>
      %squeeze3A_1723 = vector.shape_cast %slice3A_1722 : vector<128x1xf32> to vector<128xf32>
      %broadcast_in_dim3A_1724 = vector.shape_cast %squeeze3A_1723 : vector<128xf32> to vector<128x1xf32>
      %mul3A_1725 = vector.broadcast %broadcast_in_dim3A_1724 : vector<128x1xf32> to vector<128x384xf32>
      %mul3A_1726 = arith.mulf %add3A_1721, %mul3A_1725 : vector<128x384xf32>
      %add3A_1727 = arith.addf %add3A_1626, %mul3A_1726 : vector<128x384xf32>
      %slice3A_1728 = vector.extract_strided_slice %add3A_1721 {offsets = [127, 0], sizes = [1, 384], strides = [1, 1]} : vector<128x384xf32> to vector<1x384xf32>
      %slice3A_1729 = vector.extract_strided_slice %neg3A_110 {offsets = [0, 15], sizes = [384, 1], strides = [1, 1]} : vector<384x16xf32> to vector<384x1xf32>
      %squeeze3A_1730 = vector.shape_cast %slice3A_1729 : vector<384x1xf32> to vector<384xf32>
      %broadcast_in_dim3A_1731 = vector.shape_cast %squeeze3A_1730 : vector<384xf32> to vector<1x384xf32>
      %mul3A_1732 = vector.broadcast %broadcast_in_dim3A_1731 : vector<1x384xf32> to vector<128x384xf32>
      %mul3A_1733 = arith.mulf %get3A_202, %mul3A_1732 : vector<128x384xf32>
      %exp3A_1734 = math.exp %mul3A_1733 : vector<128x384xf32>
      %slice3A_1735 = vector.extract_strided_slice %get3A_208 {offsets = [0, 15], sizes = [128, 1], strides = [1, 1]} : vector<128x16xf32> to vector<128x1xf32>
      %squeeze3A_1736 = vector.shape_cast %slice3A_1735 : vector<128x1xf32> to vector<128xf32>
      %broadcast_in_dim3A_1737 = vector.shape_cast %squeeze3A_1736 : vector<128xf32> to vector<128x1xf32>
      %mul3A_1738 = vector.broadcast %broadcast_in_dim3A_1737 : vector<128x1xf32> to vector<128x384xf32>
      %mul3A_1739 = arith.mulf %get3A_205, %mul3A_1738 : vector<128x384xf32>
      %broadcast_in_dim3A_1740 = arith.constant 1.000000e+00 : f32
      %broadcast_in_dim3A_1741 = vector.broadcast %broadcast_in_dim3A_1740 : f32 to vector<1x384xf32>
      %slice3A_1742 = vector.extract_strided_slice %exp3A_1734 {offsets = [0, 0], sizes = [127, 384], strides = [1, 1]} : vector<128x384xf32> to vector<127x384xf32>
      %concatenate3A_1743 = tpu.concatenate %broadcast_in_dim3A_1741, %slice3A_1742 in 0 : vector<1x384xf32>, vector<127x384xf32> -> vector<128x384xf32>
      %broadcast_in_dim3A_1744 = arith.constant 0.000000e+00 : f32
      %broadcast_in_dim3A_1745 = vector.broadcast %broadcast_in_dim3A_1744 : f32 to vector<1x384xf32>
      %slice3A_1746 = vector.extract_strided_slice %mul3A_1739 {offsets = [0, 0], sizes = [127, 384], strides = [1, 1]} : vector<128x384xf32> to vector<127x384xf32>
      %concatenate3A_1747 = tpu.concatenate %broadcast_in_dim3A_1745, %slice3A_1746 in 0 : vector<1x384xf32>, vector<127x384xf32> -> vector<128x384xf32>
      %mul3A_1748 = arith.mulf %exp3A_1734, %concatenate3A_1747 : vector<128x384xf32>
      %add3A_1749 = arith.addf %mul3A_1748, %mul3A_1739 : vector<128x384xf32>
      %mul3A_1750 = arith.mulf %exp3A_1734, %concatenate3A_1743 : vector<128x384xf32>
      %broadcast_in_dim3A_1751 = arith.constant 1.000000e+00 : f32
      %broadcast_in_dim3A_1752 = vector.broadcast %broadcast_in_dim3A_1751 : f32 to vector<2x384xf32>
      %slice3A_1753 = vector.extract_strided_slice %mul3A_1750 {offsets = [0, 0], sizes = [126, 384], strides = [1, 1]} : vector<128x384xf32> to vector<126x384xf32>
      %concatenate3A_1754 = tpu.concatenate %broadcast_in_dim3A_1752, %slice3A_1753 in 0 : vector<2x384xf32>, vector<126x384xf32> -> vector<128x384xf32>
      %broadcast_in_dim3A_1755 = arith.constant 0.000000e+00 : f32
      %broadcast_in_dim3A_1756 = vector.broadcast %broadcast_in_dim3A_1755 : f32 to vector<2x384xf32>
      %slice3A_1757 = vector.extract_strided_slice %add3A_1749 {offsets = [0, 0], sizes = [126, 384], strides = [1, 1]} : vector<128x384xf32> to vector<126x384xf32>
      %concatenate3A_1758 = tpu.concatenate %broadcast_in_dim3A_1756, %slice3A_1757 in 0 : vector<2x384xf32>, vector<126x384xf32> -> vector<128x384xf32>
      %mul3A_1759 = arith.mulf %mul3A_1750, %concatenate3A_1758 : vector<128x384xf32>
      %add3A_1760 = arith.addf %mul3A_1759, %add3A_1749 : vector<128x384xf32>
      %mul3A_1761 = arith.mulf %mul3A_1750, %concatenate3A_1754 : vector<128x384xf32>
      %broadcast_in_dim3A_1762 = arith.constant 1.000000e+00 : f32
      %broadcast_in_dim3A_1763 = vector.broadcast %broadcast_in_dim3A_1762 : f32 to vector<4x384xf32>
      %slice3A_1764 = vector.extract_strided_slice %mul3A_1761 {offsets = [0, 0], sizes = [124, 384], strides = [1, 1]} : vector<128x384xf32> to vector<124x384xf32>
      %concatenate3A_1765 = tpu.concatenate %broadcast_in_dim3A_1763, %slice3A_1764 in 0 : vector<4x384xf32>, vector<124x384xf32> -> vector<128x384xf32>
      %broadcast_in_dim3A_1766 = arith.constant 0.000000e+00 : f32
      %broadcast_in_dim3A_1767 = vector.broadcast %broadcast_in_dim3A_1766 : f32 to vector<4x384xf32>
      %slice3A_1768 = vector.extract_strided_slice %add3A_1760 {offsets = [0, 0], sizes = [124, 384], strides = [1, 1]} : vector<128x384xf32> to vector<124x384xf32>
      %concatenate3A_1769 = tpu.concatenate %broadcast_in_dim3A_1767, %slice3A_1768 in 0 : vector<4x384xf32>, vector<124x384xf32> -> vector<128x384xf32>
      %mul3A_1770 = arith.mulf %mul3A_1761, %concatenate3A_1769 : vector<128x384xf32>
      %add3A_1771 = arith.addf %mul3A_1770, %add3A_1760 : vector<128x384xf32>
      %mul3A_1772 = arith.mulf %mul3A_1761, %concatenate3A_1765 : vector<128x384xf32>
      %broadcast_in_dim3A_1773 = arith.constant 1.000000e+00 : f32
      %broadcast_in_dim3A_1774 = vector.broadcast %broadcast_in_dim3A_1773 : f32 to vector<8x384xf32>
      %slice3A_1775 = vector.extract_strided_slice %mul3A_1772 {offsets = [0, 0], sizes = [120, 384], strides = [1, 1]} : vector<128x384xf32> to vector<120x384xf32>
      %concatenate3A_1776 = tpu.concatenate %broadcast_in_dim3A_1774, %slice3A_1775 in 0 : vector<8x384xf32>, vector<120x384xf32> -> vector<128x384xf32>
      %broadcast_in_dim3A_1777 = arith.constant 0.000000e+00 : f32
      %broadcast_in_dim3A_1778 = vector.broadcast %broadcast_in_dim3A_1777 : f32 to vector<8x384xf32>
      %slice3A_1779 = vector.extract_strided_slice %add3A_1771 {offsets = [0, 0], sizes = [120, 384], strides = [1, 1]} : vector<128x384xf32> to vector<120x384xf32>
      %concatenate3A_1780 = tpu.concatenate %broadcast_in_dim3A_1778, %slice3A_1779 in 0 : vector<8x384xf32>, vector<120x384xf32> -> vector<128x384xf32>
      %mul3A_1781 = arith.mulf %mul3A_1772, %concatenate3A_1780 : vector<128x384xf32>
      %add3A_1782 = arith.addf %mul3A_1781, %add3A_1771 : vector<128x384xf32>
      %mul3A_1783 = arith.mulf %mul3A_1772, %concatenate3A_1776 : vector<128x384xf32>
      %broadcast_in_dim3A_1784 = arith.constant 1.000000e+00 : f32
      %broadcast_in_dim3A_1785 = vector.broadcast %broadcast_in_dim3A_1784 : f32 to vector<16x384xf32>
      %slice3A_1786 = vector.extract_strided_slice %mul3A_1783 {offsets = [0, 0], sizes = [112, 384], strides = [1, 1]} : vector<128x384xf32> to vector<112x384xf32>
      %concatenate3A_1787 = tpu.concatenate %broadcast_in_dim3A_1785, %slice3A_1786 in 0 : vector<16x384xf32>, vector<112x384xf32> -> vector<128x384xf32>
      %broadcast_in_dim3A_1788 = arith.constant 0.000000e+00 : f32
      %broadcast_in_dim3A_1789 = vector.broadcast %broadcast_in_dim3A_1788 : f32 to vector<16x384xf32>
      %slice3A_1790 = vector.extract_strided_slice %add3A_1782 {offsets = [0, 0], sizes = [112, 384], strides = [1, 1]} : vector<128x384xf32> to vector<112x384xf32>
      %concatenate3A_1791 = tpu.concatenate %broadcast_in_dim3A_1789, %slice3A_1790 in 0 : vector<16x384xf32>, vector<112x384xf32> -> vector<128x384xf32>
      %mul3A_1792 = arith.mulf %mul3A_1783, %concatenate3A_1791 : vector<128x384xf32>
      %add3A_1793 = arith.addf %mul3A_1792, %add3A_1782 : vector<128x384xf32>
      %mul3A_1794 = arith.mulf %mul3A_1783, %concatenate3A_1787 : vector<128x384xf32>
      %broadcast_in_dim3A_1795 = arith.constant 1.000000e+00 : f32
      %broadcast_in_dim3A_1796 = vector.broadcast %broadcast_in_dim3A_1795 : f32 to vector<32x384xf32>
      %slice3A_1797 = vector.extract_strided_slice %mul3A_1794 {offsets = [0, 0], sizes = [96, 384], strides = [1, 1]} : vector<128x384xf32> to vector<96x384xf32>
      %concatenate3A_1798 = tpu.concatenate %broadcast_in_dim3A_1796, %slice3A_1797 in 0 : vector<32x384xf32>, vector<96x384xf32> -> vector<128x384xf32>
      %broadcast_in_dim3A_1799 = arith.constant 0.000000e+00 : f32
      %broadcast_in_dim3A_1800 = vector.broadcast %broadcast_in_dim3A_1799 : f32 to vector<32x384xf32>
      %slice3A_1801 = vector.extract_strided_slice %add3A_1793 {offsets = [0, 0], sizes = [96, 384], strides = [1, 1]} : vector<128x384xf32> to vector<96x384xf32>
      %concatenate3A_1802 = tpu.concatenate %broadcast_in_dim3A_1800, %slice3A_1801 in 0 : vector<32x384xf32>, vector<96x384xf32> -> vector<128x384xf32>
      %mul3A_1803 = arith.mulf %mul3A_1794, %concatenate3A_1802 : vector<128x384xf32>
      %add3A_1804 = arith.addf %mul3A_1803, %add3A_1793 : vector<128x384xf32>
      %mul3A_1805 = arith.mulf %mul3A_1794, %concatenate3A_1798 : vector<128x384xf32>
      %broadcast_in_dim3A_1806 = arith.constant 1.000000e+00 : f32
      %broadcast_in_dim3A_1807 = vector.broadcast %broadcast_in_dim3A_1806 : f32 to vector<64x384xf32>
      %slice3A_1808 = vector.extract_strided_slice %mul3A_1805 {offsets = [0, 0], sizes = [64, 384], strides = [1, 1]} : vector<128x384xf32> to vector<64x384xf32>
      %concatenate3A_1809 = tpu.concatenate %broadcast_in_dim3A_1807, %slice3A_1808 in 0 : vector<64x384xf32>, vector<64x384xf32> -> vector<128x384xf32>
      %broadcast_in_dim3A_1810 = arith.constant 0.000000e+00 : f32
      %broadcast_in_dim3A_1811 = vector.broadcast %broadcast_in_dim3A_1810 : f32 to vector<64x384xf32>
      %slice3A_1812 = vector.extract_strided_slice %add3A_1804 {offsets = [0, 0], sizes = [64, 384], strides = [1, 1]} : vector<128x384xf32> to vector<64x384xf32>
      %concatenate3A_1813 = tpu.concatenate %broadcast_in_dim3A_1811, %slice3A_1812 in 0 : vector<64x384xf32>, vector<64x384xf32> -> vector<128x384xf32>
      %mul3A_1814 = arith.mulf %mul3A_1805, %concatenate3A_1813 : vector<128x384xf32>
      %add3A_1815 = arith.addf %mul3A_1814, %add3A_1804 : vector<128x384xf32>
      %mul3A_1816 = arith.mulf %mul3A_1805, %concatenate3A_1809 : vector<128x384xf32>
      %slice3A_1817 = vector.extract_strided_slice %while3A_197 {offsets = [15, 0], sizes = [1, 384], strides = [1, 1]} : vector<16x384xf32> to vector<1x384xf32>
      %squeeze3A_1818 = vector.shape_cast %slice3A_1817 : vector<1x384xf32> to vector<384xf32>
      %broadcast_in_dim3A_1819 = vector.shape_cast %squeeze3A_1818 : vector<384xf32> to vector<1x384xf32>
      %mul3A_1820 = vector.broadcast %broadcast_in_dim3A_1819 : vector<1x384xf32> to vector<128x384xf32>
      %mul3A_1821 = arith.mulf %mul3A_1816, %mul3A_1820 : vector<128x384xf32>
      %add3A_1822 = arith.addf %mul3A_1821, %add3A_1815 : vector<128x384xf32>
      %slice3A_1823 = vector.extract_strided_slice %get3A_211 {offsets = [0, 15], sizes = [128, 1], strides = [1, 1]} : vector<128x16xf32> to vector<128x1xf32>
      %squeeze3A_1824 = vector.shape_cast %slice3A_1823 : vector<128x1xf32> to vector<128xf32>
      %broadcast_in_dim3A_1825 = vector.shape_cast %squeeze3A_1824 : vector<128xf32> to vector<128x1xf32>
      %mul3A_1826 = vector.broadcast %broadcast_in_dim3A_1825 : vector<128x1xf32> to vector<128x384xf32>
      %mul3A_1827 = arith.mulf %add3A_1822, %mul3A_1826 : vector<128x384xf32>
      %add3A_1828 = arith.addf %add3A_1727, %mul3A_1827 : vector<128x384xf32>
      %slice3A_1829 = vector.extract_strided_slice %add3A_1822 {offsets = [127, 0], sizes = [1, 384], strides = [1, 1]} : vector<128x384xf32> to vector<1x384xf32>
      %swap3A_1830 = arith.index_cast %mul3A_199 : i32 to index
      %swap3A_1831 = arith.constant 0 : index
      %swap3A_1832 = vector.load %arg19[%swap3A_1830, %swap3A_1831] : memref<2048x384xf32, #tpu.memory_space<vmem>>, vector<128x384xf32>
      tpu.vector_store %arg19[%swap3A_1830, %swap3A_1831], %add3A_1828 {strides = array<i32>} : memref<2048x384xf32, #tpu.memory_space<vmem>>, vector<128x384xf32>,
      %concatenate3A_1833 = tpu.concatenate %slice3A_314, %slice3A_415, %slice3A_516, %slice3A_617, %slice3A_718, %slice3A_819, %slice3A_920, %slice3A_1021, %slice3A_1122, %slice3A_1223, %slice3A_1324, %slice3A_1425, %slice3A_1526, %slice3A_1627, %slice3A_1728, %slice3A_1829 in 0 : vector<1x384xf32>, vector<1x384xf32>, vector<1x384xf32>, vector<1x384xf32>, vector<1x384xf32>, vector<1x384xf32>, vector<1x384xf32>, vector<1x384xf32>, vector<1x384xf32>, vector<1x384xf32>, vector<1x384xf32>, vector<1x384xf32>, vector<1x384xf32>, vector<1x384xf32>, vector<1x384xf32>, vector<1x384xf32> -> vector<16x384xf32>
      scf.yield %concatenate3A_1833 : vector<16x384xf32>
    }
    %while3A_152 = arith.constant 1 : i32
    %while3A_153 = scf.for %while3A_196 = %while3A_149 to %while3A_145 step %while3A_152 iter_args(%while3A_197 = %while3A_151) -> (vector<16x384xf32>)  : i32 {
      %mul3A_198 = arith.constant 128 : i32
      %mul3A_199 = arith.muli %while3A_196, %mul3A_198 : i32
      %get3A_200 = arith.index_cast %mul3A_199 : i32 to index
      %get3A_201 = arith.constant 0 : index
      %get3A_202 = vector.load %arg15[%get3A_200, %get3A_201] : memref<2048x384xf32, #tpu.memory_space<vmem>>, vector<128x384xf32>
      %get3A_203 = arith.index_cast %mul3A_199 : i32 to index
      %get3A_204 = arith.constant 0 : index
      %get3A_205 = vector.load %arg16[%get3A_203, %get3A_204] : memref<2048x384xf32, #tpu.memory_space<vmem>>, vector<128x384xf32>
      %get3A_206 = arith.index_cast %mul3A_199 : i32 to index
      %get3A_207 = arith.constant 0 : index
      %get3A_208 = vector.load %arg17[%get3A_206, %get3A_207] : memref<2048x16xf32, #tpu.memory_space<vmem>>, vector<128x16xf32>
      %get3A_209 = arith.index_cast %mul3A_199 : i32 to index
      %get3A_210 = arith.constant 0 : index
      %get3A_211 = vector.load %arg18[%get3A_209, %get3A_210] : memref<2048x16xf32, #tpu.memory_space<vmem>>, vector<128x16xf32>
      %broadcast_in_dim3A_212 = arith.constant 0.000000e+00 : f32
      %broadcast_in_dim3A_213 = vector.broadcast %broadcast_in_dim3A_212 : f32 to vector<128x384xf32>
      %slice3A_214 = vector.extract_strided_slice %neg3A_110 {offsets = [0, 0], sizes = [384, 1], strides = [1, 1]} : vector<384x16xf32> to vector<384x1xf32>
      %squeeze3A_215 = vector.shape_cast %slice3A_214 : vector<384x1xf32> to vector<384xf32>
      %broadcast_in_dim3A_216 = vector.shape_cast %squeeze3A_215 : vector<384xf32> to vector<1x384xf32>
      %mul3A_217 = vector.broadcast %broadcast_in_dim3A_216 : vector<1x384xf32> to vector<128x384xf32>
      %mul3A_218 = arith.mulf %get3A_202, %mul3A_217 : vector<128x384xf32>
      %exp3A_219 = math.exp %mul3A_218 : vector<128x384xf32>
      %slice3A_220 = vector.extract_strided_slice %get3A_208 {offsets = [0, 0], sizes = [128, 1], strides = [1, 1]} : vector<128x16xf32> to vector<128x1xf32>
      %squeeze3A_221 = vector.shape_cast %slice3A_220 : vector<128x1xf32> to vector<128xf32>
      %broadcast_in_dim3A_222 = vector.shape_cast %squeeze3A_221 : vector<128xf32> to vector<128x1xf32>
      %mul3A_223 = vector.broadcast %broadcast_in_dim3A_222 : vector<128x1xf32> to vector<128x384xf32>
      %mul3A_224 = arith.mulf %get3A_205, %mul3A_223 : vector<128x384xf32>
      %broadcast_in_dim3A_225 = arith.constant 1.000000e+00 : f32
      %broadcast_in_dim3A_226 = vector.broadcast %broadcast_in_dim3A_225 : f32 to vector<1x384xf32>
      %slice3A_227 = vector.extract_strided_slice %exp3A_219 {offsets = [0, 0], sizes = [127, 384], strides = [1, 1]} : vector<128x384xf32> to vector<127x384xf32>
      %concatenate3A_228 = tpu.concatenate %broadcast_in_dim3A_226, %slice3A_227 in 0 : vector<1x384xf32>, vector<127x384xf32> -> vector<128x384xf32>
      %broadcast_in_dim3A_229 = arith.constant 0.000000e+00 : f32
      %broadcast_in_dim3A_230 = vector.broadcast %broadcast_in_dim3A_229 : f32 to vector<1x384xf32>
      %slice3A_231 = vector.extract_strided_slice %mul3A_224 {offsets = [0, 0], sizes = [127, 384], strides = [1, 1]} : vector<128x384xf32> to vector<127x384xf32>
      %concatenate3A_232 = tpu.concatenate %broadcast_in_dim3A_230, %slice3A_231 in 0 : vector<1x384xf32>, vector<127x384xf32> -> vector<128x384xf32>
      %mul3A_233 = arith.mulf %exp3A_219, %concatenate3A_232 : vector<128x384xf32>
      %add3A_234 = arith.addf %mul3A_233, %mul3A_224 : vector<128x384xf32>
      %mul3A_235 = arith.mulf %exp3A_219, %concatenate3A_228 : vector<128x384xf32>
      %broadcast_in_dim3A_236 = arith.constant 1.000000e+00 : f32
      %broadcast_in_dim3A_237 = vector.broadcast %broadcast_in_dim3A_236 : f32 to vector<2x384xf32>
      %slice3A_238 = vector.extract_strided_slice %mul3A_235 {offsets = [0, 0], sizes = [126, 384], strides = [1, 1]} : vector<128x384xf32> to vector<126x384xf32>
      %concatenate3A_239 = tpu.concatenate %broadcast_in_dim3A_237, %slice3A_238 in 0 : vector<2x384xf32>, vector<126x384xf32> -> vector<128x384xf32>
      %broadcast_in_dim3A_240 = arith.constant 0.000000e+00 : f32
      %broadcast_in_dim3A_241 = vector.broadcast %broadcast_in_dim3A_240 : f32 to vector<2x384xf32>
      %slice3A_242 = vector.extract_strided_slice %add3A_234 {offsets = [0, 0], sizes = [126, 384], strides = [1, 1]} : vector<128x384xf32> to vector<126x384xf32>
      %concatenate3A_243 = tpu.concatenate %broadcast_in_dim3A_241, %slice3A_242 in 0 : vector<2x384xf32>, vector<126x384xf32> -> vector<128x384xf32>
      %mul3A_244 = arith.mulf %mul3A_235, %concatenate3A_243 : vector<128x384xf32>
      %add3A_245 = arith.addf %mul3A_244, %add3A_234 : vector<128x384xf32>
      %mul3A_246 = arith.mulf %mul3A_235, %concatenate3A_239 : vector<128x384xf32>
      %broadcast_in_dim3A_247 = arith.constant 1.000000e+00 : f32
      %broadcast_in_dim3A_248 = vector.broadcast %broadcast_in_dim3A_247 : f32 to vector<4x384xf32>
      %slice3A_249 = vector.extract_strided_slice %mul3A_246 {offsets = [0, 0], sizes = [124, 384], strides = [1, 1]} : vector<128x384xf32> to vector<124x384xf32>
      %concatenate3A_250 = tpu.concatenate %broadcast_in_dim3A_248, %slice3A_249 in 0 : vector<4x384xf32>, vector<124x384xf32> -> vector<128x384xf32>
      %broadcast_in_dim3A_251 = arith.constant 0.000000e+00 : f32
      %broadcast_in_dim3A_252 = vector.broadcast %broadcast_in_dim3A_251 : f32 to vector<4x384xf32>
      %slice3A_253 = vector.extract_strided_slice %add3A_245 {offsets = [0, 0], sizes = [124, 384], strides = [1, 1]} : vector<128x384xf32> to vector<124x384xf32>
      %concatenate3A_254 = tpu.concatenate %broadcast_in_dim3A_252, %slice3A_253 in 0 : vector<4x384xf32>, vector<124x384xf32> -> vector<128x384xf32>
      %mul3A_255 = arith.mulf %mul3A_246, %concatenate3A_254 : vector<128x384xf32>
      %add3A_256 = arith.addf %mul3A_255, %add3A_245 : vector<128x384xf32>
      %mul3A_257 = arith.mulf %mul3A_246, %concatenate3A_250 : vector<128x384xf32>
      %broadcast_in_dim3A_258 = arith.constant 1.000000e+00 : f32
      %broadcast_in_dim3A_259 = vector.broadcast %broadcast_in_dim3A_258 : f32 to vector<8x384xf32>
      %slice3A_260 = vector.extract_strided_slice %mul3A_257 {offsets = [0, 0], sizes = [120, 384], strides = [1, 1]} : vector<128x384xf32> to vector<120x384xf32>
      %concatenate3A_261 = tpu.concatenate %broadcast_in_dim3A_259, %slice3A_260 in 0 : vector<8x384xf32>, vector<120x384xf32> -> vector<128x384xf32>
      %broadcast_in_dim3A_262 = arith.constant 0.000000e+00 : f32
      %broadcast_in_dim3A_263 = vector.broadcast %broadcast_in_dim3A_262 : f32 to vector<8x384xf32>
      %slice3A_264 = vector.extract_strided_slice %add3A_256 {offsets = [0, 0], sizes = [120, 384], strides = [1, 1]} : vector<128x384xf32> to vector<120x384xf32>
      %concatenate3A_265 = tpu.concatenate %broadcast_in_dim3A_263, %slice3A_264 in 0 : vector<8x384xf32>, vector<120x384xf32> -> vector<128x384xf32>
      %mul3A_266 = arith.mulf %mul3A_257, %concatenate3A_265 : vector<128x384xf32>
      %add3A_267 = arith.addf %mul3A_266, %add3A_256 : vector<128x384xf32>
      %mul3A_268 = arith.mulf %mul3A_257, %concatenate3A_261 : vector<128x384xf32>
      %broadcast_in_dim3A_269 = arith.constant 1.000000e+00 : f32
      %broadcast_in_dim3A_270 = vector.broadcast %broadcast_in_dim3A_269 : f32 to vector<16x384xf32>
      %slice3A_271 = vector.extract_strided_slice %mul3A_268 {offsets = [0, 0], sizes = [112, 384], strides = [1, 1]} : vector<128x384xf32> to vector<112x384xf32>
      %concatenate3A_272 = tpu.concatenate %broadcast_in_dim3A_270, %slice3A_271 in 0 : vector<16x384xf32>, vector<112x384xf32> -> vector<128x384xf32>
      %broadcast_in_dim3A_273 = arith.constant 0.000000e+00 : f32
      %broadcast_in_dim3A_274 = vector.broadcast %broadcast_in_dim3A_273 : f32 to vector<16x384xf32>
      %slice3A_275 = vector.extract_strided_slice %add3A_267 {offsets = [0, 0], sizes = [112, 384], strides = [1, 1]} : vector<128x384xf32> to vector<112x384xf32>
      %concatenate3A_276 = tpu.concatenate %broadcast_in_dim3A_274, %slice3A_275 in 0 : vector<16x384xf32>, vector<112x384xf32> -> vector<128x384xf32>
      %mul3A_277 = arith.mulf %mul3A_268, %concatenate3A_276 : vector<128x384xf32>
      %add3A_278 = arith.addf %mul3A_277, %add3A_267 : vector<128x384xf32>
      %mul3A_279 = arith.mulf %mul3A_268, %concatenate3A_272 : vector<128x384xf32>
      %broadcast_in_dim3A_280 = arith.constant 1.000000e+00 : f32
      %broadcast_in_dim3A_281 = vector.broadcast %broadcast_in_dim3A_280 : f32 to vector<32x384xf32>
      %slice3A_282 = vector.extract_strided_slice %mul3A_279 {offsets = [0, 0], sizes = [96, 384], strides = [1, 1]} : vector<128x384xf32> to vector<96x384xf32>
      %concatenate3A_283 = tpu.concatenate %broadcast_in_dim3A_281, %slice3A_282 in 0 : vector<32x384xf32>, vector<96x384xf32> -> vector<128x384xf32>
      %broadcast_in_dim3A_284 = arith.constant 0.000000e+00 : f32
      %broadcast_in_dim3A_285 = vector.broadcast %broadcast_in_dim3A_284 : f32 to vector<32x384xf32>
      %slice3A_286 = vector.extract_strided_slice %add3A_278 {offsets = [0, 0], sizes = [96, 384], strides = [1, 1]} : vector<128x384xf32> to vector<96x384xf32>
      %concatenate3A_287 = tpu.concatenate %broadcast_in_dim3A_285, %slice3A_286 in 0 : vector<32x384xf32>, vector<96x384xf32> -> vector<128x384xf32>
      %mul3A_288 = arith.mulf %mul3A_279, %concatenate3A_287 : vector<128x384xf32>
      %add3A_289 = arith.addf %mul3A_288, %add3A_278 : vector<128x384xf32>
      %mul3A_290 = arith.mulf %mul3A_279, %concatenate3A_283 : vector<128x384xf32>
      %broadcast_in_dim3A_291 = arith.constant 1.000000e+00 : f32
      %broadcast_in_dim3A_292 = vector.broadcast %broadcast_in_dim3A_291 : f32 to vector<64x384xf32>
      %slice3A_293 = vector.extract_strided_slice %mul3A_290 {offsets = [0, 0], sizes = [64, 384], strides = [1, 1]} : vector<128x384xf32> to vector<64x384xf32>
      %concatenate3A_294 = tpu.concatenate %broadcast_in_dim3A_292, %slice3A_293 in 0 : vector<64x384xf32>, vector<64x384xf32> -> vector<128x384xf32>
      %broadcast_in_dim3A_295 = arith.constant 0.000000e+00 : f32
      %broadcast_in_dim3A_296 = vector.broadcast %broadcast_in_dim3A_295 : f32 to vector<64x384xf32>
      %slice3A_297 = vector.extract_strided_slice %add3A_289 {offsets = [0, 0], sizes = [64, 384], strides = [1, 1]} : vector<128x384xf32> to vector<64x384xf32>
      %concatenate3A_298 = tpu.concatenate %broadcast_in_dim3A_296, %slice3A_297 in 0 : vector<64x384xf32>, vector<64x384xf32> -> vector<128x384xf32>
      %mul3A_299 = arith.mulf %mul3A_290, %concatenate3A_298 : vector<128x384xf32>
      %add3A_300 = arith.addf %mul3A_299, %add3A_289 : vector<128x384xf32>
      %mul3A_301 = arith.mulf %mul3A_290, %concatenate3A_294 : vector<128x384xf32>
      %slice3A_302 = vector.extract_strided_slice %while3A_197 {offsets = [0, 0], sizes = [1, 384], strides = [1, 1]} : vector<16x384xf32> to vector<1x384xf32>
      %squeeze3A_303 = vector.shape_cast %slice3A_302 : vector<1x384xf32> to vector<384xf32>
      %broadcast_in_dim3A_304 = vector.shape_cast %squeeze3A_303 : vector<384xf32> to vector<1x384xf32>
      %mul3A_305 = vector.broadcast %broadcast_in_dim3A_304 : vector<1x384xf32> to vector<128x384xf32>
      %mul3A_306 = arith.mulf %mul3A_301, %mul3A_305 : vector<128x384xf32>
      %add3A_307 = arith.addf %mul3A_306, %add3A_300 : vector<128x384xf32>
      %slice3A_308 = vector.extract_strided_slice %get3A_211 {offsets = [0, 0], sizes = [128, 1], strides = [1, 1]} : vector<128x16xf32> to vector<128x1xf32>
      %squeeze3A_309 = vector.shape_cast %slice3A_308 : vector<128x1xf32> to vector<128xf32>
      %broadcast_in_dim3A_310 = vector.shape_cast %squeeze3A_309 : vector<128xf32> to vector<128x1xf32>
      %mul3A_311 = vector.broadcast %broadcast_in_dim3A_310 : vector<128x1xf32> to vector<128x384xf32>
      %mul3A_312 = arith.mulf %add3A_307, %mul3A_311 : vector<128x384xf32>
      %add3A_313 = arith.addf %broadcast_in_dim3A_213, %mul3A_312 : vector<128x384xf32>
      %slice3A_314 = vector.extract_strided_slice %add3A_307 {offsets = [127, 0], sizes = [1, 384], strides = [1, 1]} : vector<128x384xf32> to vector<1x384xf32>
      %slice3A_315 = vector.extract_strided_slice %neg3A_110 {offsets = [0, 1], sizes = [384, 1], strides = [1, 1]} : vector<384x16xf32> to vector<384x1xf32>
      %squeeze3A_316 = vector.shape_cast %slice3A_315 : vector<384x1xf32> to vector<384xf32>
      %broadcast_in_dim3A_317 = vector.shape_cast %squeeze3A_316 : vector<384xf32> to vector<1x384xf32>
      %mul3A_318 = vector.broadcast %broadcast_in_dim3A_317 : vector<1x384xf32> to vector<128x384xf32>
      %mul3A_319 = arith.mulf %get3A_202, %mul3A_318 : vector<128x384xf32>
      %exp3A_320 = math.exp %mul3A_319 : vector<128x384xf32>
      %slice3A_321 = vector.extract_strided_slice %get3A_208 {offsets = [0, 1], sizes = [128, 1], strides = [1, 1]} : vector<128x16xf32> to vector<128x1xf32>
      %squeeze3A_322 = vector.shape_cast %slice3A_321 : vector<128x1xf32> to vector<128xf32>
      %broadcast_in_dim3A_323 = vector.shape_cast %squeeze3A_322 : vector<128xf32> to vector<128x1xf32>
      %mul3A_324 = vector.broadcast %broadcast_in_dim3A_323 : vector<128x1xf32> to vector<128x384xf32>
      %mul3A_325 = arith.mulf %get3A_205, %mul3A_324 : vector<128x384xf32>
      %broadcast_in_dim3A_326 = arith.constant 1.000000e+00 : f32
      %broadcast_in_dim3A_327 = vector.broadcast %broadcast_in_dim3A_326 : f32 to vector<1x384xf32>
      %slice3A_328 = vector.extract_strided_slice %exp3A_320 {offsets = [0, 0], sizes = [127, 384], strides = [1, 1]} : vector<128x384xf32> to vector<127x384xf32>
      %concatenate3A_329 = tpu.concatenate %broadcast_in_dim3A_327, %slice3A_328 in 0 : vector<1x384xf32>, vector<127x384xf32> -> vector<128x384xf32>
      %broadcast_in_dim3A_330 = arith.constant 0.000000e+00 : f32
      %broadcast_in_dim3A_331 = vector.broadcast %broadcast_in_dim3A_330 : f32 to vector<1x384xf32>
      %slice3A_332 = vector.extract_strided_slice %mul3A_325 {offsets = [0, 0], sizes = [127, 384], strides = [1, 1]} : vector<128x384xf32> to vector<127x384xf32>
      %concatenate3A_333 = tpu.concatenate %broadcast_in_dim3A_331, %slice3A_332 in 0 : vector<1x384xf32>, vector<127x384xf32> -> vector<128x384xf32>
      %mul3A_334 = arith.mulf %exp3A_320, %concatenate3A_333 : vector<128x384xf32>
      %add3A_335 = arith.addf %mul3A_334, %mul3A_325 : vector<128x384xf32>
      %mul3A_336 = arith.mulf %exp3A_320, %concatenate3A_329 : vector<128x384xf32>
      %broadcast_in_dim3A_337 = arith.constant 1.000000e+00 : f32
      %broadcast_in_dim3A_338 = vector.broadcast %broadcast_in_dim3A_337 : f32 to vector<2x384xf32>
      %slice3A_339 = vector.extract_strided_slice %mul3A_336 {offsets = [0, 0], sizes = [126, 384], strides = [1, 1]} : vector<128x384xf32> to vector<126x384xf32>
      %concatenate3A_340 = tpu.concatenate %broadcast_in_dim3A_338, %slice3A_339 in 0 : vector<2x384xf32>, vector<126x384xf32> -> vector<128x384xf32>
      %broadcast_in_dim3A_341 = arith.constant 0.000000e+00 : f32
      %broadcast_in_dim3A_342 = vector.broadcast %broadcast_in_dim3A_341 : f32 to vector<2x384xf32>
      %slice3A_343 = vector.extract_strided_slice %add3A_335 {offsets = [0, 0], sizes = [126, 384], strides = [1, 1]} : vector<128x384xf32> to vector<126x384xf32>
      %concatenate3A_344 = tpu.concatenate %broadcast_in_dim3A_342, %slice3A_343 in 0 : vector<2x384xf32>, vector<126x384xf32> -> vector<128x384xf32>
      %mul3A_345 = arith.mulf %mul3A_336, %concatenate3A_344 : vector<128x384xf32>
      %add3A_346 = arith.addf %mul3A_345, %add3A_335 : vector<128x384xf32>
      %mul3A_347 = arith.mulf %mul3A_336, %concatenate3A_340 : vector<128x384xf32>
      %broadcast_in_dim3A_348 = arith.constant 1.000000e+00 : f32
      %broadcast_in_dim3A_349 = vector.broadcast %broadcast_in_dim3A_348 : f32 to vector<4x384xf32>
      %slice3A_350 = vector.extract_strided_slice %mul3A_347 {offsets = [0, 0], sizes = [124, 384], strides = [1, 1]} : vector<128x384xf32> to vector<124x384xf32>
      %concatenate3A_351 = tpu.concatenate %broadcast_in_dim3A_349, %slice3A_350 in 0 : vector<4x384xf32>, vector<124x384xf32> -> vector<128x384xf32>
      %broadcast_in_dim3A_352 = arith.constant 0.000000e+00 : f32
      %broadcast_in_dim3A_353 = vector.broadcast %broadcast_in_dim3A_352 : f32 to vector<4x384xf32>
      %slice3A_354 = vector.extract_strided_slice %add3A_346 {offsets = [0, 0], sizes = [124, 384], strides = [1, 1]} : vector<128x384xf32> to vector<124x384xf32>
      %concatenate3A_355 = tpu.concatenate %broadcast_in_dim3A_353, %slice3A_354 in 0 : vector<4x384xf32>, vector<124x384xf32> -> vector<128x384xf32>
      %mul3A_356 = arith.mulf %mul3A_347, %concatenate3A_355 : vector<128x384xf32>
      %add3A_357 = arith.addf %mul3A_356, %add3A_346 : vector<128x384xf32>
      %mul3A_358 = arith.mulf %mul3A_347, %concatenate3A_351 : vector<128x384xf32>
      %broadcast_in_dim3A_359 = arith.constant 1.000000e+00 : f32
      %broadcast_in_dim3A_360 = vector.broadcast %broadcast_in_dim3A_359 : f32 to vector<8x384xf32>
      %slice3A_361 = vector.extract_strided_slice %mul3A_358 {offsets = [0, 0], sizes = [120, 384], strides = [1, 1]} : vector<128x384xf32> to vector<120x384xf32>
      %concatenate3A_362 = tpu.concatenate %broadcast_in_dim3A_360, %slice3A_361 in 0 : vector<8x384xf32>, vector<120x384xf32> -> vector<128x384xf32>
      %broadcast_in_dim3A_363 = arith.constant 0.000000e+00 : f32
      %broadcast_in_dim3A_364 = vector.broadcast %broadcast_in_dim3A_363 : f32 to vector<8x384xf32>
      %slice3A_365 = vector.extract_strided_slice %add3A_357 {offsets = [0, 0], sizes = [120, 384], strides = [1, 1]} : vector<128x384xf32> to vector<120x384xf32>
      %concatenate3A_366 = tpu.concatenate %broadcast_in_dim3A_364, %slice3A_365 in 0 : vector<8x384xf32>, vector<120x384xf32> -> vector<128x384xf32>
      %mul3A_367 = arith.mulf %mul3A_358, %concatenate3A_366 : vector<128x384xf32>
      %add3A_368 = arith.addf %mul3A_367, %add3A_357 : vector<128x384xf32>
      %mul3A_369 = arith.mulf %mul3A_358, %concatenate3A_362 : vector<128x384xf32>
      %broadcast_in_dim3A_370 = arith.constant 1.000000e+00 : f32
      %broadcast_in_dim3A_371 = vector.broadcast %broadcast_in_dim3A_370 : f32 to vector<16x384xf32>
      %slice3A_372 = vector.extract_strided_slice %mul3A_369 {offsets = [0, 0], sizes = [112, 384], strides = [1, 1]} : vector<128x384xf32> to vector<112x384xf32>
      %concatenate3A_373 = tpu.concatenate %broadcast_in_dim3A_371, %slice3A_372 in 0 : vector<16x384xf32>, vector<112x384xf32> -> vector<128x384xf32>
      %broadcast_in_dim3A_374 = arith.constant 0.000000e+00 : f32
      %broadcast_in_dim3A_375 = vector.broadcast %broadcast_in_dim3A_374 : f32 to vector<16x384xf32>
      %slice3A_376 = vector.extract_strided_slice %add3A_368 {offsets = [0, 0], sizes = [112, 384], strides = [1, 1]} : vector<128x384xf32> to vector<112x384xf32>
      %concatenate3A_377 = tpu.concatenate %broadcast_in_dim3A_375, %slice3A_376 in 0 : vector<16x384xf32>, vector<112x384xf32> -> vector<128x384xf32>
      %mul3A_378 = arith.mulf %mul3A_369, %concatenate3A_377 : vector<128x384xf32>
      %add3A_379 = arith.addf %mul3A_378, %add3A_368 : vector<128x384xf32>
      %mul3A_380 = arith.mulf %mul3A_369, %concatenate3A_373 : vector<128x384xf32>
      %broadcast_in_dim3A_381 = arith.constant 1.000000e+00 : f32
      %broadcast_in_dim3A_382 = vector.broadcast %broadcast_in_dim3A_381 : f32 to vector<32x384xf32>
      %slice3A_383 = vector.extract_strided_slice %mul3A_380 {offsets = [0, 0], sizes = [96, 384], strides = [1, 1]} : vector<128x384xf32> to vector<96x384xf32>
      %concatenate3A_384 = tpu.concatenate %broadcast_in_dim3A_382, %slice3A_383 in 0 : vector<32x384xf32>, vector<96x384xf32> -> vector<128x384xf32>
      %broadcast_in_dim3A_385 = arith.constant 0.000000e+00 : f32
      %broadcast_in_dim3A_386 = vector.broadcast %broadcast_in_dim3A_385 : f32 to vector<32x384xf32>
      %slice3A_387 = vector.extract_strided_slice %add3A_379 {offsets = [0, 0], sizes = [96, 384], strides = [1, 1]} : vector<128x384xf32> to vector<96x384xf32>
      %concatenate3A_388 = tpu.concatenate %broadcast_in_dim3A_386, %slice3A_387 in 0 : vector<32x384xf32>, vector<96x384xf32> -> vector<128x384xf32>
      %mul3A_389 = arith.mulf %mul3A_380, %concatenate3A_388 : vector<128x384xf32>
      %add3A_390 = arith.addf %mul3A_389, %add3A_379 : vector<128x384xf32>
      %mul3A_391 = arith.mulf %mul3A_380, %concatenate3A_384 : vector<128x384xf32>
      %broadcast_in_dim3A_392 = arith.constant 1.000000e+00 : f32
      %broadcast_in_dim3A_393 = vector.broadcast %broadcast_in_dim3A_392 : f32 to vector<64x384xf32>
      %slice3A_394 = vector.extract_strided_slice %mul3A_391 {offsets = [0, 0], sizes = [64, 384], strides = [1, 1]} : vector<128x384xf32> to vector<64x384xf32>
      %concatenate3A_395 = tpu.concatenate %broadcast_in_dim3A_393, %slice3A_394 in 0 : vector<64x384xf32>, vector<64x384xf32> -> vector<128x384xf32>
      %broadcast_in_dim3A_396 = arith.constant 0.000000e+00 : f32
      %broadcast_in_dim3A_397 = vector.broadcast %broadcast_in_dim3A_396 : f32 to vector<64x384xf32>
      %slice3A_398 = vector.extract_strided_slice %add3A_390 {offsets = [0, 0], sizes = [64, 384], strides = [1, 1]} : vector<128x384xf32> to vector<64x384xf32>
      %concatenate3A_399 = tpu.concatenate %broadcast_in_dim3A_397, %slice3A_398 in 0 : vector<64x384xf32>, vector<64x384xf32> -> vector<128x384xf32>
      %mul3A_400 = arith.mulf %mul3A_391, %concatenate3A_399 : vector<128x384xf32>
      %add3A_401 = arith.addf %mul3A_400, %add3A_390 : vector<128x384xf32>
      %mul3A_402 = arith.mulf %mul3A_391, %concatenate3A_395 : vector<128x384xf32>
      %slice3A_403 = vector.extract_strided_slice %while3A_197 {offsets = [1, 0], sizes = [1, 384], strides = [1, 1]} : vector<16x384xf32> to vector<1x384xf32>
      %squeeze3A_404 = vector.shape_cast %slice3A_403 : vector<1x384xf32> to vector<384xf32>
      %broadcast_in_dim3A_405 = vector.shape_cast %squeeze3A_404 : vector<384xf32> to vector<1x384xf32>
      %mul3A_406 = vector.broadcast %broadcast_in_dim3A_405 : vector<1x384xf32> to vector<128x384xf32>
      %mul3A_407 = arith.mulf %mul3A_402, %mul3A_406 : vector<128x384xf32>
      %add3A_408 = arith.addf %mul3A_407, %add3A_401 : vector<128x384xf32>
      %slice3A_409 = vector.extract_strided_slice %get3A_211 {offsets = [0, 1], sizes = [128, 1], strides = [1, 1]} : vector<128x16xf32> to vector<128x1xf32>
      %squeeze3A_410 = vector.shape_cast %slice3A_409 : vector<128x1xf32> to vector<128xf32>
      %broadcast_in_dim3A_411 = vector.shape_cast %squeeze3A_410 : vector<128xf32> to vector<128x1xf32>
      %mul3A_412 = vector.broadcast %broadcast_in_dim3A_411 : vector<128x1xf32> to vector<128x384xf32>
      %mul3A_413 = arith.mulf %add3A_408, %mul3A_412 : vector<128x384xf32>
      %add3A_414 = arith.addf %add3A_313, %mul3A_413 : vector<128x384xf32>
      %slice3A_415 = vector.extract_strided_slice %add3A_408 {offsets = [127, 0], sizes = [1, 384], strides = [1, 1]} : vector<128x384xf32> to vector<1x384xf32>
      %slice3A_416 = vector.extract_strided_slice %neg3A_110 {offsets = [0, 2], sizes = [384, 1], strides = [1, 1]} : vector<384x16xf32> to vector<384x1xf32>
      %squeeze3A_417 = vector.shape_cast %slice3A_416 : vector<384x1xf32> to vector<384xf32>
      %broadcast_in_dim3A_418 = vector.shape_cast %squeeze3A_417 : vector<384xf32> to vector<1x384xf32>
      %mul3A_419 = vector.broadcast %broadcast_in_dim3A_418 : vector<1x384xf32> to vector<128x384xf32>
      %mul3A_420 = arith.mulf %get3A_202, %mul3A_419 : vector<128x384xf32>
      %exp3A_421 = math.exp %mul3A_420 : vector<128x384xf32>
      %slice3A_422 = vector.extract_strided_slice %get3A_208 {offsets = [0, 2], sizes = [128, 1], strides = [1, 1]} : vector<128x16xf32> to vector<128x1xf32>
      %squeeze3A_423 = vector.shape_cast %slice3A_422 : vector<128x1xf32> to vector<128xf32>
      %broadcast_in_dim3A_424 = vector.shape_cast %squeeze3A_423 : vector<128xf32> to vector<128x1xf32>
      %mul3A_425 = vector.broadcast %broadcast_in_dim3A_424 : vector<128x1xf32> to vector<128x384xf32>
      %mul3A_426 = arith.mulf %get3A_205, %mul3A_425 : vector<128x384xf32>
      %broadcast_in_dim3A_427 = arith.constant 1.000000e+00 : f32
      %broadcast_in_dim3A_428 = vector.broadcast %broadcast_in_dim3A_427 : f32 to vector<1x384xf32>
      %slice3A_429 = vector.extract_strided_slice %exp3A_421 {offsets = [0, 0], sizes = [127, 384], strides = [1, 1]} : vector<128x384xf32> to vector<127x384xf32>
      %concatenate3A_430 = tpu.concatenate %broadcast_in_dim3A_428, %slice3A_429 in 0 : vector<1x384xf32>, vector<127x384xf32> -> vector<128x384xf32>
      %broadcast_in_dim3A_431 = arith.constant 0.000000e+00 : f32
      %broadcast_in_dim3A_432 = vector.broadcast %broadcast_in_dim3A_431 : f32 to vector<1x384xf32>
      %slice3A_433 = vector.extract_strided_slice %mul3A_426 {offsets = [0, 0], sizes = [127, 384], strides = [1, 1]} : vector<128x384xf32> to vector<127x384xf32>
      %concatenate3A_434 = tpu.concatenate %broadcast_in_dim3A_432, %slice3A_433 in 0 : vector<1x384xf32>, vector<127x384xf32> -> vector<128x384xf32>
      %mul3A_435 = arith.mulf %exp3A_421, %concatenate3A_434 : vector<128x384xf32>
      %add3A_436 = arith.addf %mul3A_435, %mul3A_426 : vector<128x384xf32>
      %mul3A_437 = arith.mulf %exp3A_421, %concatenate3A_430 : vector<128x384xf32>
      %broadcast_in_dim3A_438 = arith.constant 1.000000e+00 : f32
      %broadcast_in_dim3A_439 = vector.broadcast %broadcast_in_dim3A_438 : f32 to vector<2x384xf32>
      %slice3A_440 = vector.extract_strided_slice %mul3A_437 {offsets = [0, 0], sizes = [126, 384], strides = [1, 1]} : vector<128x384xf32> to vector<126x384xf32>
      %concatenate3A_441 = tpu.concatenate %broadcast_in_dim3A_439, %slice3A_440 in 0 : vector<2x384xf32>, vector<126x384xf32> -> vector<128x384xf32>
      %broadcast_in_dim3A_442 = arith.constant 0.000000e+00 : f32
      %broadcast_in_dim3A_443 = vector.broadcast %broadcast_in_dim3A_442 : f32 to vector<2x384xf32>
      %slice3A_444 = vector.extract_strided_slice %add3A_436 {offsets = [0, 0], sizes = [126, 384], strides = [1, 1]} : vector<128x384xf32> to vector<126x384xf32>
      %concatenate3A_445 = tpu.concatenate %broadcast_in_dim3A_443, %slice3A_444 in 0 : vector<2x384xf32>, vector<126x384xf32> -> vector<128x384xf32>
      %mul3A_446 = arith.mulf %mul3A_437, %concatenate3A_445 : vector<128x384xf32>
      %add3A_447 = arith.addf %mul3A_446, %add3A_436 : vector<128x384xf32>
      %mul3A_448 = arith.mulf %mul3A_437, %concatenate3A_441 : vector<128x384xf32>
      %broadcast_in_dim3A_449 = arith.constant 1.000000e+00 : f32
      %broadcast_in_dim3A_450 = vector.broadcast %broadcast_in_dim3A_449 : f32 to vector<4x384xf32>
      %slice3A_451 = vector.extract_strided_slice %mul3A_448 {offsets = [0, 0], sizes = [124, 384], strides = [1, 1]} : vector<128x384xf32> to vector<124x384xf32>
      %concatenate3A_452 = tpu.concatenate %broadcast_in_dim3A_450, %slice3A_451 in 0 : vector<4x384xf32>, vector<124x384xf32> -> vector<128x384xf32>
      %broadcast_in_dim3A_453 = arith.constant 0.000000e+00 : f32
      %broadcast_in_dim3A_454 = vector.broadcast %broadcast_in_dim3A_453 : f32 to vector<4x384xf32>
      %slice3A_455 = vector.extract_strided_slice %add3A_447 {offsets = [0, 0], sizes = [124, 384], strides = [1, 1]} : vector<128x384xf32> to vector<124x384xf32>
      %concatenate3A_456 = tpu.concatenate %broadcast_in_dim3A_454, %slice3A_455 in 0 : vector<4x384xf32>, vector<124x384xf32> -> vector<128x384xf32>
      %mul3A_457 = arith.mulf %mul3A_448, %concatenate3A_456 : vector<128x384xf32>
      %add3A_458 = arith.addf %mul3A_457, %add3A_447 : vector<128x384xf32>
      %mul3A_459 = arith.mulf %mul3A_448, %concatenate3A_452 : vector<128x384xf32>
      %broadcast_in_dim3A_460 = arith.constant 1.000000e+00 : f32
      %broadcast_in_dim3A_461 = vector.broadcast %broadcast_in_dim3A_460 : f32 to vector<8x384xf32>
      %slice3A_462 = vector.extract_strided_slice %mul3A_459 {offsets = [0, 0], sizes = [120, 384], strides = [1, 1]} : vector<128x384xf32> to vector<120x384xf32>
      %concatenate3A_463 = tpu.concatenate %broadcast_in_dim3A_461, %slice3A_462 in 0 : vector<8x384xf32>, vector<120x384xf32> -> vector<128x384xf32>
      %broadcast_in_dim3A_464 = arith.constant 0.000000e+00 : f32
      %broadcast_in_dim3A_465 = vector.broadcast %broadcast_in_dim3A_464 : f32 to vector<8x384xf32>
      %slice3A_466 = vector.extract_strided_slice %add3A_458 {offsets = [0, 0], sizes = [120, 384], strides = [1, 1]} : vector<128x384xf32> to vector<120x384xf32>
      %concatenate3A_467 = tpu.concatenate %broadcast_in_dim3A_465, %slice3A_466 in 0 : vector<8x384xf32>, vector<120x384xf32> -> vector<128x384xf32>
      %mul3A_468 = arith.mulf %mul3A_459, %concatenate3A_467 : vector<128x384xf32>
      %add3A_469 = arith.addf %mul3A_468, %add3A_458 : vector<128x384xf32>
      %mul3A_470 = arith.mulf %mul3A_459, %concatenate3A_463 : vector<128x384xf32>
      %broadcast_in_dim3A_471 = arith.constant 1.000000e+00 : f32
      %broadcast_in_dim3A_472 = vector.broadcast %broadcast_in_dim3A_471 : f32 to vector<16x384xf32>
      %slice3A_473 = vector.extract_strided_slice %mul3A_470 {offsets = [0, 0], sizes = [112, 384], strides = [1, 1]} : vector<128x384xf32> to vector<112x384xf32>
      %concatenate3A_474 = tpu.concatenate %broadcast_in_dim3A_472, %slice3A_473 in 0 : vector<16x384xf32>, vector<112x384xf32> -> vector<128x384xf32>
      %broadcast_in_dim3A_475 = arith.constant 0.000000e+00 : f32
      %broadcast_in_dim3A_476 = vector.broadcast %broadcast_in_dim3A_475 : f32 to vector<16x384xf32>
      %slice3A_477 = vector.extract_strided_slice %add3A_469 {offsets = [0, 0], sizes = [112, 384], strides = [1, 1]} : vector<128x384xf32> to vector<112x384xf32>
      %concatenate3A_478 = tpu.concatenate %broadcast_in_dim3A_476, %slice3A_477 in 0 : vector<16x384xf32>, vector<112x384xf32> -> vector<128x384xf32>
      %mul3A_479 = arith.mulf %mul3A_470, %concatenate3A_478 : vector<128x384xf32>
      %add3A_480 = arith.addf %mul3A_479, %add3A_469 : vector<128x384xf32>
      %mul3A_481 = arith.mulf %mul3A_470, %concatenate3A_474 : vector<128x384xf32>
      %broadcast_in_dim3A_482 = arith.constant 1.000000e+00 : f32
      %broadcast_in_dim3A_483 = vector.broadcast %broadcast_in_dim3A_482 : f32 to vector<32x384xf32>
      %slice3A_484 = vector.extract_strided_slice %mul3A_481 {offsets = [0, 0], sizes = [96, 384], strides = [1, 1]} : vector<128x384xf32> to vector<96x384xf32>
      %concatenate3A_485 = tpu.concatenate %broadcast_in_dim3A_483, %slice3A_484 in 0 : vector<32x384xf32>, vector<96x384xf32> -> vector<128x384xf32>
      %broadcast_in_dim3A_486 = arith.constant 0.000000e+00 : f32
      %broadcast_in_dim3A_487 = vector.broadcast %broadcast_in_dim3A_486 : f32 to vector<32x384xf32>
      %slice3A_488 = vector.extract_strided_slice %add3A_480 {offsets = [0, 0], sizes = [96, 384], strides = [1, 1]} : vector<128x384xf32> to vector<96x384xf32>
      %concatenate3A_489 = tpu.concatenate %broadcast_in_dim3A_487, %slice3A_488 in 0 : vector<32x384xf32>, vector<96x384xf32> -> vector<128x384xf32>
      %mul3A_490 = arith.mulf %mul3A_481, %concatenate3A_489 : vector<128x384xf32>
      %add3A_491 = arith.addf %mul3A_490, %add3A_480 : vector<128x384xf32>
      %mul3A_492 = arith.mulf %mul3A_481, %concatenate3A_485 : vector<128x384xf32>
      %broadcast_in_dim3A_493 = arith.constant 1.000000e+00 : f32
      %broadcast_in_dim3A_494 = vector.broadcast %broadcast_in_dim3A_493 : f32 to vector<64x384xf32>
      %slice3A_495 = vector.extract_strided_slice %mul3A_492 {offsets = [0, 0], sizes = [64, 384], strides = [1, 1]} : vector<128x384xf32> to vector<64x384xf32>
      %concatenate3A_496 = tpu.concatenate %broadcast_in_dim3A_494, %slice3A_495 in 0 : vector<64x384xf32>, vector<64x384xf32> -> vector<128x384xf32>
      %broadcast_in_dim3A_497 = arith.constant 0.000000e+00 : f32
      %broadcast_in_dim3A_498 = vector.broadcast %broadcast_in_dim3A_497 : f32 to vector<64x384xf32>
      %slice3A_499 = vector.extract_strided_slice %add3A_491 {offsets = [0, 0], sizes = [64, 384], strides = [1, 1]} : vector<128x384xf32> to vector<64x384xf32>
      %concatenate3A_500 = tpu.concatenate %broadcast_in_dim3A_498, %slice3A_499 in 0 : vector<64x384xf32>, vector<64x384xf32> -> vector<128x384xf32>
      %mul3A_501 = arith.mulf %mul3A_492, %concatenate3A_500 : vector<128x384xf32>
      %add3A_502 = arith.addf %mul3A_501, %add3A_491 : vector<128x384xf32>
      %mul3A_503 = arith.mulf %mul3A_492, %concatenate3A_496 : vector<128x384xf32>
      %slice3A_504 = vector.extract_strided_slice %while3A_197 {offsets = [2, 0], sizes = [1, 384], strides = [1, 1]} : vector<16x384xf32> to vector<1x384xf32>
      %squeeze3A_505 = vector.shape_cast %slice3A_504 : vector<1x384xf32> to vector<384xf32>
      %broadcast_in_dim3A_506 = vector.shape_cast %squeeze3A_505 : vector<384xf32> to vector<1x384xf32>
      %mul3A_507 = vector.broadcast %broadcast_in_dim3A_506 : vector<1x384xf32> to vector<128x384xf32>
      %mul3A_508 = arith.mulf %mul3A_503, %mul3A_507 : vector<128x384xf32>
      %add3A_509 = arith.addf %mul3A_508, %add3A_502 : vector<128x384xf32>
      %slice3A_510 = vector.extract_strided_slice %get3A_211 {offsets = [0, 2], sizes = [128, 1], strides = [1, 1]} : vector<128x16xf32> to vector<128x1xf32>
      %squeeze3A_511 = vector.shape_cast %slice3A_510 : vector<128x1xf32> to vector<128xf32>
      %broadcast_in_dim3A_512 = vector.shape_cast %squeeze3A_511 : vector<128xf32> to vector<128x1xf32>
      %mul3A_513 = vector.broadcast %broadcast_in_dim3A_512 : vector<128x1xf32> to vector<128x384xf32>
      %mul3A_514 = arith.mulf %add3A_509, %mul3A_513 : vector<128x384xf32>
      %add3A_515 = arith.addf %add3A_414, %mul3A_514 : vector<128x384xf32>
      %slice3A_516 = vector.extract_strided_slice %add3A_509 {offsets = [127, 0], sizes = [1, 384], strides = [1, 1]} : vector<128x384xf32> to vector<1x384xf32>
      %slice3A_517 = vector.extract_strided_slice %neg3A_110 {offsets = [0, 3], sizes = [384, 1], strides = [1, 1]} : vector<384x16xf32> to vector<384x1xf32>
      %squeeze3A_518 = vector.shape_cast %slice3A_517 : vector<384x1xf32> to vector<384xf32>
      %broadcast_in_dim3A_519 = vector.shape_cast %squeeze3A_518 : vector<384xf32> to vector<1x384xf32>
      %mul3A_520 = vector.broadcast %broadcast_in_dim3A_519 : vector<1x384xf32> to vector<128x384xf32>
      %mul3A_521 = arith.mulf %get3A_202, %mul3A_520 : vector<128x384xf32>
      %exp3A_522 = math.exp %mul3A_521 : vector<128x384xf32>
      %slice3A_523 = vector.extract_strided_slice %get3A_208 {offsets = [0, 3], sizes = [128, 1], strides = [1, 1]} : vector<128x16xf32> to vector<128x1xf32>
      %squeeze3A_524 = vector.shape_cast %slice3A_523 : vector<128x1xf32> to vector<128xf32>
      %broadcast_in_dim3A_525 = vector.shape_cast %squeeze3A_524 : vector<128xf32> to vector<128x1xf32>
      %mul3A_526 = vector.broadcast %broadcast_in_dim3A_525 : vector<128x1xf32> to vector<128x384xf32>
      %mul3A_527 = arith.mulf %get3A_205, %mul3A_526 : vector<128x384xf32>
      %broadcast_in_dim3A_528 = arith.constant 1.000000e+00 : f32
      %broadcast_in_dim3A_529 = vector.broadcast %broadcast_in_dim3A_528 : f32 to vector<1x384xf32>
      %slice3A_530 = vector.extract_strided_slice %exp3A_522 {offsets = [0, 0], sizes = [127, 384], strides = [1, 1]} : vector<128x384xf32> to vector<127x384xf32>
      %concatenate3A_531 = tpu.concatenate %broadcast_in_dim3A_529, %slice3A_530 in 0 : vector<1x384xf32>, vector<127x384xf32> -> vector<128x384xf32>
      %broadcast_in_dim3A_532 = arith.constant 0.000000e+00 : f32
      %broadcast_in_dim3A_533 = vector.broadcast %broadcast_in_dim3A_532 : f32 to vector<1x384xf32>
      %slice3A_534 = vector.extract_strided_slice %mul3A_527 {offsets = [0, 0], sizes = [127, 384], strides = [1, 1]} : vector<128x384xf32> to vector<127x384xf32>
      %concatenate3A_535 = tpu.concatenate %broadcast_in_dim3A_533, %slice3A_534 in 0 : vector<1x384xf32>, vector<127x384xf32> -> vector<128x384xf32>
      %mul3A_536 = arith.mulf %exp3A_522, %concatenate3A_535 : vector<128x384xf32>
      %add3A_537 = arith.addf %mul3A_536, %mul3A_527 : vector<128x384xf32>
      %mul3A_538 = arith.mulf %exp3A_522, %concatenate3A_531 : vector<128x384xf32>
      %broadcast_in_dim3A_539 = arith.constant 1.000000e+00 : f32
      %broadcast_in_dim3A_540 = vector.broadcast %broadcast_in_dim3A_539 : f32 to vector<2x384xf32>
      %slice3A_541 = vector.extract_strided_slice %mul3A_538 {offsets = [0, 0], sizes = [126, 384], strides = [1, 1]} : vector<128x384xf32> to vector<126x384xf32>
      %concatenate3A_542 = tpu.concatenate %broadcast_in_dim3A_540, %slice3A_541 in 0 : vector<2x384xf32>, vector<126x384xf32> -> vector<128x384xf32>
      %broadcast_in_dim3A_543 = arith.constant 0.000000e+00 : f32
      %broadcast_in_dim3A_544 = vector.broadcast %broadcast_in_dim3A_543 : f32 to vector<2x384xf32>
      %slice3A_545 = vector.extract_strided_slice %add3A_537 {offsets = [0, 0], sizes = [126, 384], strides = [1, 1]} : vector<128x384xf32> to vector<126x384xf32>
      %concatenate3A_546 = tpu.concatenate %broadcast_in_dim3A_544, %slice3A_545 in 0 : vector<2x384xf32>, vector<126x384xf32> -> vector<128x384xf32>
      %mul3A_547 = arith.mulf %mul3A_538, %concatenate3A_546 : vector<128x384xf32>
      %add3A_548 = arith.addf %mul3A_547, %add3A_537 : vector<128x384xf32>
      %mul3A_549 = arith.mulf %mul3A_538, %concatenate3A_542 : vector<128x384xf32>
      %broadcast_in_dim3A_550 = arith.constant 1.000000e+00 : f32
      %broadcast_in_dim3A_551 = vector.broadcast %broadcast_in_dim3A_550 : f32 to vector<4x384xf32>
      %slice3A_552 = vector.extract_strided_slice %mul3A_549 {offsets = [0, 0], sizes = [124, 384], strides = [1, 1]} : vector<128x384xf32> to vector<124x384xf32>
      %concatenate3A_553 = tpu.concatenate %broadcast_in_dim3A_551, %slice3A_552 in 0 : vector<4x384xf32>, vector<124x384xf32> -> vector<128x384xf32>
      %broadcast_in_dim3A_554 = arith.constant 0.000000e+00 : f32
      %broadcast_in_dim3A_555 = vector.broadcast %broadcast_in_dim3A_554 : f32 to vector<4x384xf32>
      %slice3A_556 = vector.extract_strided_slice %add3A_548 {offsets = [0, 0], sizes = [124, 384], strides = [1, 1]} : vector<128x384xf32> to vector<124x384xf32>
      %concatenate3A_557 = tpu.concatenate %broadcast_in_dim3A_555, %slice3A_556 in 0 : vector<4x384xf32>, vector<124x384xf32> -> vector<128x384xf32>
      %mul3A_558 = arith.mulf %mul3A_549, %concatenate3A_557 : vector<128x384xf32>
      %add3A_559 = arith.addf %mul3A_558, %add3A_548 : vector<128x384xf32>
      %mul3A_560 = arith.mulf %mul3A_549, %concatenate3A_553 : vector<128x384xf32>
      %broadcast_in_dim3A_561 = arith.constant 1.000000e+00 : f32
      %broadcast_in_dim3A_562 = vector.broadcast %broadcast_in_dim3A_561 : f32 to vector<8x384xf32>
      %slice3A_563 = vector.extract_strided_slice %mul3A_560 {offsets = [0, 0], sizes = [120, 384], strides = [1, 1]} : vector<128x384xf32> to vector<120x384xf32>
      %concatenate3A_564 = tpu.concatenate %broadcast_in_dim3A_562, %slice3A_563 in 0 : vector<8x384xf32>, vector<120x384xf32> -> vector<128x384xf32>
      %broadcast_in_dim3A_565 = arith.constant 0.000000e+00 : f32
      %broadcast_in_dim3A_566 = vector.broadcast %broadcast_in_dim3A_565 : f32 to vector<8x384xf32>
      %slice3A_567 = vector.extract_strided_slice %add3A_559 {offsets = [0, 0], sizes = [120, 384], strides = [1, 1]} : vector<128x384xf32> to vector<120x384xf32>
      %concatenate3A_568 = tpu.concatenate %broadcast_in_dim3A_566, %slice3A_567 in 0 : vector<8x384xf32>, vector<120x384xf32> -> vector<128x384xf32>
      %mul3A_569 = arith.mulf %mul3A_560, %concatenate3A_568 : vector<128x384xf32>
      %add3A_570 = arith.addf %mul3A_569, %add3A_559 : vector<128x384xf32>
      %mul3A_571 = arith.mulf %mul3A_560, %concatenate3A_564 : vector<128x384xf32>
      %broadcast_in_dim3A_572 = arith.constant 1.000000e+00 : f32
      %broadcast_in_dim3A_573 = vector.broadcast %broadcast_in_dim3A_572 : f32 to vector<16x384xf32>
      %slice3A_574 = vector.extract_strided_slice %mul3A_571 {offsets = [0, 0], sizes = [112, 384], strides = [1, 1]} : vector<128x384xf32> to vector<112x384xf32>
      %concatenate3A_575 = tpu.concatenate %broadcast_in_dim3A_573, %slice3A_574 in 0 : vector<16x384xf32>, vector<112x384xf32> -> vector<128x384xf32>
      %broadcast_in_dim3A_576 = arith.constant 0.000000e+00 : f32
      %broadcast_in_dim3A_577 = vector.broadcast %broadcast_in_dim3A_576 : f32 to vector<16x384xf32>
      %slice3A_578 = vector.extract_strided_slice %add3A_570 {offsets = [0, 0], sizes = [112, 384], strides = [1, 1]} : vector<128x384xf32> to vector<112x384xf32>
      %concatenate3A_579 = tpu.concatenate %broadcast_in_dim3A_577, %slice3A_578 in 0 : vector<16x384xf32>, vector<112x384xf32> -> vector<128x384xf32>
      %mul3A_580 = arith.mulf %mul3A_571, %concatenate3A_579 : vector<128x384xf32>
      %add3A_581 = arith.addf %mul3A_580, %add3A_570 : vector<128x384xf32>
      %mul3A_582 = arith.mulf %mul3A_571, %concatenate3A_575 : vector<128x384xf32>
      %broadcast_in_dim3A_583 = arith.constant 1.000000e+00 : f32
      %broadcast_in_dim3A_584 = vector.broadcast %broadcast_in_dim3A_583 : f32 to vector<32x384xf32>
      %slice3A_585 = vector.extract_strided_slice %mul3A_582 {offsets = [0, 0], sizes = [96, 384], strides = [1, 1]} : vector<128x384xf32> to vector<96x384xf32>
      %concatenate3A_586 = tpu.concatenate %broadcast_in_dim3A_584, %slice3A_585 in 0 : vector<32x384xf32>, vector<96x384xf32> -> vector<128x384xf32>
      %broadcast_in_dim3A_587 = arith.constant 0.000000e+00 : f32
      %broadcast_in_dim3A_588 = vector.broadcast %broadcast_in_dim3A_587 : f32 to vector<32x384xf32>
      %slice3A_589 = vector.extract_strided_slice %add3A_581 {offsets = [0, 0], sizes = [96, 384], strides = [1, 1]} : vector<128x384xf32> to vector<96x384xf32>
      %concatenate3A_590 = tpu.concatenate %broadcast_in_dim3A_588, %slice3A_589 in 0 : vector<32x384xf32>, vector<96x384xf32> -> vector<128x384xf32>
      %mul3A_591 = arith.mulf %mul3A_582, %concatenate3A_590 : vector<128x384xf32>
      %add3A_592 = arith.addf %mul3A_591, %add3A_581 : vector<128x384xf32>
      %mul3A_593 = arith.mulf %mul3A_582, %concatenate3A_586 : vector<128x384xf32>
      %broadcast_in_dim3A_594 = arith.constant 1.000000e+00 : f32
      %broadcast_in_dim3A_595 = vector.broadcast %broadcast_in_dim3A_594 : f32 to vector<64x384xf32>
      %slice3A_596 = vector.extract_strided_slice %mul3A_593 {offsets = [0, 0], sizes = [64, 384], strides = [1, 1]} : vector<128x384xf32> to vector<64x384xf32>
      %concatenate3A_597 = tpu.concatenate %broadcast_in_dim3A_595, %slice3A_596 in 0 : vector<64x384xf32>, vector<64x384xf32> -> vector<128x384xf32>
      %broadcast_in_dim3A_598 = arith.constant 0.000000e+00 : f32
      %broadcast_in_dim3A_599 = vector.broadcast %broadcast_in_dim3A_598 : f32 to vector<64x384xf32>
      %slice3A_600 = vector.extract_strided_slice %add3A_592 {offsets = [0, 0], sizes = [64, 384], strides = [1, 1]} : vector<128x384xf32> to vector<64x384xf32>
      %concatenate3A_601 = tpu.concatenate %broadcast_in_dim3A_599, %slice3A_600 in 0 : vector<64x384xf32>, vector<64x384xf32> -> vector<128x384xf32>
      %mul3A_602 = arith.mulf %mul3A_593, %concatenate3A_601 : vector<128x384xf32>
      %add3A_603 = arith.addf %mul3A_602, %add3A_592 : vector<128x384xf32>
      %mul3A_604 = arith.mulf %mul3A_593, %concatenate3A_597 : vector<128x384xf32>
      %slice3A_605 = vector.extract_strided_slice %while3A_197 {offsets = [3, 0], sizes = [1, 384], strides = [1, 1]} : vector<16x384xf32> to vector<1x384xf32>
      %squeeze3A_606 = vector.shape_cast %slice3A_605 : vector<1x384xf32> to vector<384xf32>
      %broadcast_in_dim3A_607 = vector.shape_cast %squeeze3A_606 : vector<384xf32> to vector<1x384xf32>
      %mul3A_608 = vector.broadcast %broadcast_in_dim3A_607 : vector<1x384xf32> to vector<128x384xf32>
      %mul3A_609 = arith.mulf %mul3A_604, %mul3A_608 : vector<128x384xf32>
      %add3A_610 = arith.addf %mul3A_609, %add3A_603 : vector<128x384xf32>
      %slice3A_611 = vector.extract_strided_slice %get3A_211 {offsets = [0, 3], sizes = [128, 1], strides = [1, 1]} : vector<128x16xf32> to vector<128x1xf32>
      %squeeze3A_612 = vector.shape_cast %slice3A_611 : vector<128x1xf32> to vector<128xf32>
      %broadcast_in_dim3A_613 = vector.shape_cast %squeeze3A_612 : vector<128xf32> to vector<128x1xf32>
      %mul3A_614 = vector.broadcast %broadcast_in_dim3A_613 : vector<128x1xf32> to vector<128x384xf32>
      %mul3A_615 = arith.mulf %add3A_610, %mul3A_614 : vector<128x384xf32>
      %add3A_616 = arith.addf %add3A_515, %mul3A_615 : vector<128x384xf32>
      %slice3A_617 = vector.extract_strided_slice %add3A_610 {offsets = [127, 0], sizes = [1, 384], strides = [1, 1]} : vector<128x384xf32> to vector<1x384xf32>
      %slice3A_618 = vector.extract_strided_slice %neg3A_110 {offsets = [0, 4], sizes = [384, 1], strides = [1, 1]} : vector<384x16xf32> to vector<384x1xf32>
      %squeeze3A_619 = vector.shape_cast %slice3A_618 : vector<384x1xf32> to vector<384xf32>
      %broadcast_in_dim3A_620 = vector.shape_cast %squeeze3A_619 : vector<384xf32> to vector<1x384xf32>
      %mul3A_621 = vector.broadcast %broadcast_in_dim3A_620 : vector<1x384xf32> to vector<128x384xf32>
      %mul3A_622 = arith.mulf %get3A_202, %mul3A_621 : vector<128x384xf32>
      %exp3A_623 = math.exp %mul3A_622 : vector<128x384xf32>
      %slice3A_624 = vector.extract_strided_slice %get3A_208 {offsets = [0, 4], sizes = [128, 1], strides = [1, 1]} : vector<128x16xf32> to vector<128x1xf32>
      %squeeze3A_625 = vector.shape_cast %slice3A_624 : vector<128x1xf32> to vector<128xf32>
      %broadcast_in_dim3A_626 = vector.shape_cast %squeeze3A_625 : vector<128xf32> to vector<128x1xf32>
      %mul3A_627 = vector.broadcast %broadcast_in_dim3A_626 : vector<128x1xf32> to vector<128x384xf32>
      %mul3A_628 = arith.mulf %get3A_205, %mul3A_627 : vector<128x384xf32>
      %broadcast_in_dim3A_629 = arith.constant 1.000000e+00 : f32
      %broadcast_in_dim3A_630 = vector.broadcast %broadcast_in_dim3A_629 : f32 to vector<1x384xf32>
      %slice3A_631 = vector.extract_strided_slice %exp3A_623 {offsets = [0, 0], sizes = [127, 384], strides = [1, 1]} : vector<128x384xf32> to vector<127x384xf32>
      %concatenate3A_632 = tpu.concatenate %broadcast_in_dim3A_630, %slice3A_631 in 0 : vector<1x384xf32>, vector<127x384xf32> -> vector<128x384xf32>
      %broadcast_in_dim3A_633 = arith.constant 0.000000e+00 : f32
      %broadcast_in_dim3A_634 = vector.broadcast %broadcast_in_dim3A_633 : f32 to vector<1x384xf32>
      %slice3A_635 = vector.extract_strided_slice %mul3A_628 {offsets = [0, 0], sizes = [127, 384], strides = [1, 1]} : vector<128x384xf32> to vector<127x384xf32>
      %concatenate3A_636 = tpu.concatenate %broadcast_in_dim3A_634, %slice3A_635 in 0 : vector<1x384xf32>, vector<127x384xf32> -> vector<128x384xf32>
      %mul3A_637 = arith.mulf %exp3A_623, %concatenate3A_636 : vector<128x384xf32>
      %add3A_638 = arith.addf %mul3A_637, %mul3A_628 : vector<128x384xf32>
      %mul3A_639 = arith.mulf %exp3A_623, %concatenate3A_632 : vector<128x384xf32>
      %broadcast_in_dim3A_640 = arith.constant 1.000000e+00 : f32
      %broadcast_in_dim3A_641 = vector.broadcast %broadcast_in_dim3A_640 : f32 to vector<2x384xf32>
      %slice3A_642 = vector.extract_strided_slice %mul3A_639 {offsets = [0, 0], sizes = [126, 384], strides = [1, 1]} : vector<128x384xf32> to vector<126x384xf32>
      %concatenate3A_643 = tpu.concatenate %broadcast_in_dim3A_641, %slice3A_642 in 0 : vector<2x384xf32>, vector<126x384xf32> -> vector<128x384xf32>
      %broadcast_in_dim3A_644 = arith.constant 0.000000e+00 : f32
      %broadcast_in_dim3A_645 = vector.broadcast %broadcast_in_dim3A_644 : f32 to vector<2x384xf32>
      %slice3A_646 = vector.extract_strided_slice %add3A_638 {offsets = [0, 0], sizes = [126, 384], strides = [1, 1]} : vector<128x384xf32> to vector<126x384xf32>
      %concatenate3A_647 = tpu.concatenate %broadcast_in_dim3A_645, %slice3A_646 in 0 : vector<2x384xf32>, vector<126x384xf32> -> vector<128x384xf32>
      %mul3A_648 = arith.mulf %mul3A_639, %concatenate3A_647 : vector<128x384xf32>
      %add3A_649 = arith.addf %mul3A_648, %add3A_638 : vector<128x384xf32>
      %mul3A_650 = arith.mulf %mul3A_639, %concatenate3A_643 : vector<128x384xf32>
      %broadcast_in_dim3A_651 = arith.constant 1.000000e+00 : f32
      %broadcast_in_dim3A_652 = vector.broadcast %broadcast_in_dim3A_651 : f32 to vector<4x384xf32>
      %slice3A_653 = vector.extract_strided_slice %mul3A_650 {offsets = [0, 0], sizes = [124, 384], strides = [1, 1]} : vector<128x384xf32> to vector<124x384xf32>
      %concatenate3A_654 = tpu.concatenate %broadcast_in_dim3A_652, %slice3A_653 in 0 : vector<4x384xf32>, vector<124x384xf32> -> vector<128x384xf32>
      %broadcast_in_dim3A_655 = arith.constant 0.000000e+00 : f32
      %broadcast_in_dim3A_656 = vector.broadcast %broadcast_in_dim3A_655 : f32 to vector<4x384xf32>
      %slice3A_657 = vector.extract_strided_slice %add3A_649 {offsets = [0, 0], sizes = [124, 384], strides = [1, 1]} : vector<128x384xf32> to vector<124x384xf32>
      %concatenate3A_658 = tpu.concatenate %broadcast_in_dim3A_656, %slice3A_657 in 0 : vector<4x384xf32>, vector<124x384xf32> -> vector<128x384xf32>
      %mul3A_659 = arith.mulf %mul3A_650, %concatenate3A_658 : vector<128x384xf32>
      %add3A_660 = arith.addf %mul3A_659, %add3A_649 : vector<128x384xf32>
      %mul3A_661 = arith.mulf %mul3A_650, %concatenate3A_654 : vector<128x384xf32>
      %broadcast_in_dim3A_662 = arith.constant 1.000000e+00 : f32
      %broadcast_in_dim3A_663 = vector.broadcast %broadcast_in_dim3A_662 : f32 to vector<8x384xf32>
      %slice3A_664 = vector.extract_strided_slice %mul3A_661 {offsets = [0, 0], sizes = [120, 384], strides = [1, 1]} : vector<128x384xf32> to vector<120x384xf32>
      %concatenate3A_665 = tpu.concatenate %broadcast_in_dim3A_663, %slice3A_664 in 0 : vector<8x384xf32>, vector<120x384xf32> -> vector<128x384xf32>
      %broadcast_in_dim3A_666 = arith.constant 0.000000e+00 : f32
      %broadcast_in_dim3A_667 = vector.broadcast %broadcast_in_dim3A_666 : f32 to vector<8x384xf32>
      %slice3A_668 = vector.extract_strided_slice %add3A_660 {offsets = [0, 0], sizes = [120, 384], strides = [1, 1]} : vector<128x384xf32> to vector<120x384xf32>
      %concatenate3A_669 = tpu.concatenate %broadcast_in_dim3A_667, %slice3A_668 in 0 : vector<8x384xf32>, vector<120x384xf32> -> vector<128x384xf32>
      %mul3A_670 = arith.mulf %mul3A_661, %concatenate3A_669 : vector<128x384xf32>
      %add3A_671 = arith.addf %mul3A_670, %add3A_660 : vector<128x384xf32>
      %mul3A_672 = arith.mulf %mul3A_661, %concatenate3A_665 : vector<128x384xf32>
      %broadcast_in_dim3A_673 = arith.constant 1.000000e+00 : f32
      %broadcast_in_dim3A_674 = vector.broadcast %broadcast_in_dim3A_673 : f32 to vector<16x384xf32>
      %slice3A_675 = vector.extract_strided_slice %mul3A_672 {offsets = [0, 0], sizes = [112, 384], strides = [1, 1]} : vector<128x384xf32> to vector<112x384xf32>
      %concatenate3A_676 = tpu.concatenate %broadcast_in_dim3A_674, %slice3A_675 in 0 : vector<16x384xf32>, vector<112x384xf32> -> vector<128x384xf32>
      %broadcast_in_dim3A_677 = arith.constant 0.000000e+00 : f32
      %broadcast_in_dim3A_678 = vector.broadcast %broadcast_in_dim3A_677 : f32 to vector<16x384xf32>
      %slice3A_679 = vector.extract_strided_slice %add3A_671 {offsets = [0, 0], sizes = [112, 384], strides = [1, 1]} : vector<128x384xf32> to vector<112x384xf32>
      %concatenate3A_680 = tpu.concatenate %broadcast_in_dim3A_678, %slice3A_679 in 0 : vector<16x384xf32>, vector<112x384xf32> -> vector<128x384xf32>
      %mul3A_681 = arith.mulf %mul3A_672, %concatenate3A_680 : vector<128x384xf32>
      %add3A_682 = arith.addf %mul3A_681, %add3A_671 : vector<128x384xf32>
      %mul3A_683 = arith.mulf %mul3A_672, %concatenate3A_676 : vector<128x384xf32>
      %broadcast_in_dim3A_684 = arith.constant 1.000000e+00 : f32
      %broadcast_in_dim3A_685 = vector.broadcast %broadcast_in_dim3A_684 : f32 to vector<32x384xf32>
      %slice3A_686 = vector.extract_strided_slice %mul3A_683 {offsets = [0, 0], sizes = [96, 384], strides = [1, 1]} : vector<128x384xf32> to vector<96x384xf32>
      %concatenate3A_687 = tpu.concatenate %broadcast_in_dim3A_685, %slice3A_686 in 0 : vector<32x384xf32>, vector<96x384xf32> -> vector<128x384xf32>
      %broadcast_in_dim3A_688 = arith.constant 0.000000e+00 : f32
      %broadcast_in_dim3A_689 = vector.broadcast %broadcast_in_dim3A_688 : f32 to vector<32x384xf32>
      %slice3A_690 = vector.extract_strided_slice %add3A_682 {offsets = [0, 0], sizes = [96, 384], strides = [1, 1]} : vector<128x384xf32> to vector<96x384xf32>
      %concatenate3A_691 = tpu.concatenate %broadcast_in_dim3A_689, %slice3A_690 in 0 : vector<32x384xf32>, vector<96x384xf32> -> vector<128x384xf32>
      %mul3A_692 = arith.mulf %mul3A_683, %concatenate3A_691 : vector<128x384xf32>
      %add3A_693 = arith.addf %mul3A_692, %add3A_682 : vector<128x384xf32>
      %mul3A_694 = arith.mulf %mul3A_683, %concatenate3A_687 : vector<128x384xf32>
      %broadcast_in_dim3A_695 = arith.constant 1.000000e+00 : f32
      %broadcast_in_dim3A_696 = vector.broadcast %broadcast_in_dim3A_695 : f32 to vector<64x384xf32>
      %slice3A_697 = vector.extract_strided_slice %mul3A_694 {offsets = [0, 0], sizes = [64, 384], strides = [1, 1]} : vector<128x384xf32> to vector<64x384xf32>
      %concatenate3A_698 = tpu.concatenate %broadcast_in_dim3A_696, %slice3A_697 in 0 : vector<64x384xf32>, vector<64x384xf32> -> vector<128x384xf32>
      %broadcast_in_dim3A_699 = arith.constant 0.000000e+00 : f32
      %broadcast_in_dim3A_700 = vector.broadcast %broadcast_in_dim3A_699 : f32 to vector<64x384xf32>
      %slice3A_701 = vector.extract_strided_slice %add3A_693 {offsets = [0, 0], sizes = [64, 384], strides = [1, 1]} : vector<128x384xf32> to vector<64x384xf32>
      %concatenate3A_702 = tpu.concatenate %broadcast_in_dim3A_700, %slice3A_701 in 0 : vector<64x384xf32>, vector<64x384xf32> -> vector<128x384xf32>
      %mul3A_703 = arith.mulf %mul3A_694, %concatenate3A_702 : vector<128x384xf32>
      %add3A_704 = arith.addf %mul3A_703, %add3A_693 : vector<128x384xf32>
      %mul3A_705 = arith.mulf %mul3A_694, %concatenate3A_698 : vector<128x384xf32>
      %slice3A_706 = vector.extract_strided_slice %while3A_197 {offsets = [4, 0], sizes = [1, 384], strides = [1, 1]} : vector<16x384xf32> to vector<1x384xf32>
      %squeeze3A_707 = vector.shape_cast %slice3A_706 : vector<1x384xf32> to vector<384xf32>
      %broadcast_in_dim3A_708 = vector.shape_cast %squeeze3A_707 : vector<384xf32> to vector<1x384xf32>
      %mul3A_709 = vector.broadcast %broadcast_in_dim3A_708 : vector<1x384xf32> to vector<128x384xf32>
      %mul3A_710 = arith.mulf %mul3A_705, %mul3A_709 : vector<128x384xf32>
      %add3A_711 = arith.addf %mul3A_710, %add3A_704 : vector<128x384xf32>
      %slice3A_712 = vector.extract_strided_slice %get3A_211 {offsets = [0, 4], sizes = [128, 1], strides = [1, 1]} : vector<128x16xf32> to vector<128x1xf32>
      %squeeze3A_713 = vector.shape_cast %slice3A_712 : vector<128x1xf32> to vector<128xf32>
      %broadcast_in_dim3A_714 = vector.shape_cast %squeeze3A_713 : vector<128xf32> to vector<128x1xf32>
      %mul3A_715 = vector.broadcast %broadcast_in_dim3A_714 : vector<128x1xf32> to vector<128x384xf32>
      %mul3A_716 = arith.mulf %add3A_711, %mul3A_715 : vector<128x384xf32>
      %add3A_717 = arith.addf %add3A_616, %mul3A_716 : vector<128x384xf32>
      %slice3A_718 = vector.extract_strided_slice %add3A_711 {offsets = [127, 0], sizes = [1, 384], strides = [1, 1]} : vector<128x384xf32> to vector<1x384xf32>
      %slice3A_719 = vector.extract_strided_slice %neg3A_110 {offsets = [0, 5], sizes = [384, 1], strides = [1, 1]} : vector<384x16xf32> to vector<384x1xf32>
      %squeeze3A_720 = vector.shape_cast %slice3A_719 : vector<384x1xf32> to vector<384xf32>
      %broadcast_in_dim3A_721 = vector.shape_cast %squeeze3A_720 : vector<384xf32> to vector<1x384xf32>
      %mul3A_722 = vector.broadcast %broadcast_in_dim3A_721 : vector<1x384xf32> to vector<128x384xf32>
      %mul3A_723 = arith.mulf %get3A_202, %mul3A_722 : vector<128x384xf32>
      %exp3A_724 = math.exp %mul3A_723 : vector<128x384xf32>
      %slice3A_725 = vector.extract_strided_slice %get3A_208 {offsets = [0, 5], sizes = [128, 1], strides = [1, 1]} : vector<128x16xf32> to vector<128x1xf32>
      %squeeze3A_726 = vector.shape_cast %slice3A_725 : vector<128x1xf32> to vector<128xf32>
      %broadcast_in_dim3A_727 = vector.shape_cast %squeeze3A_726 : vector<128xf32> to vector<128x1xf32>
      %mul3A_728 = vector.broadcast %broadcast_in_dim3A_727 : vector<128x1xf32> to vector<128x384xf32>
      %mul3A_729 = arith.mulf %get3A_205, %mul3A_728 : vector<128x384xf32>
      %broadcast_in_dim3A_730 = arith.constant 1.000000e+00 : f32
      %broadcast_in_dim3A_731 = vector.broadcast %broadcast_in_dim3A_730 : f32 to vector<1x384xf32>
      %slice3A_732 = vector.extract_strided_slice %exp3A_724 {offsets = [0, 0], sizes = [127, 384], strides = [1, 1]} : vector<128x384xf32> to vector<127x384xf32>
      %concatenate3A_733 = tpu.concatenate %broadcast_in_dim3A_731, %slice3A_732 in 0 : vector<1x384xf32>, vector<127x384xf32> -> vector<128x384xf32>
      %broadcast_in_dim3A_734 = arith.constant 0.000000e+00 : f32
      %broadcast_in_dim3A_735 = vector.broadcast %broadcast_in_dim3A_734 : f32 to vector<1x384xf32>
      %slice3A_736 = vector.extract_strided_slice %mul3A_729 {offsets = [0, 0], sizes = [127, 384], strides = [1, 1]} : vector<128x384xf32> to vector<127x384xf32>
      %concatenate3A_737 = tpu.concatenate %broadcast_in_dim3A_735, %slice3A_736 in 0 : vector<1x384xf32>, vector<127x384xf32> -> vector<128x384xf32>
      %mul3A_738 = arith.mulf %exp3A_724, %concatenate3A_737 : vector<128x384xf32>
      %add3A_739 = arith.addf %mul3A_738, %mul3A_729 : vector<128x384xf32>
      %mul3A_740 = arith.mulf %exp3A_724, %concatenate3A_733 : vector<128x384xf32>
      %broadcast_in_dim3A_741 = arith.constant 1.000000e+00 : f32
      %broadcast_in_dim3A_742 = vector.broadcast %broadcast_in_dim3A_741 : f32 to vector<2x384xf32>
      %slice3A_743 = vector.extract_strided_slice %mul3A_740 {offsets = [0, 0], sizes = [126, 384], strides = [1, 1]} : vector<128x384xf32> to vector<126x384xf32>
      %concatenate3A_744 = tpu.concatenate %broadcast_in_dim3A_742, %slice3A_743 in 0 : vector<2x384xf32>, vector<126x384xf32> -> vector<128x384xf32>
      %broadcast_in_dim3A_745 = arith.constant 0.000000e+00 : f32
      %broadcast_in_dim3A_746 = vector.broadcast %broadcast_in_dim3A_745 : f32 to vector<2x384xf32>
      %slice3A_747 = vector.extract_strided_slice %add3A_739 {offsets = [0, 0], sizes = [126, 384], strides = [1, 1]} : vector<128x384xf32> to vector<126x384xf32>
      %concatenate3A_748 = tpu.concatenate %broadcast_in_dim3A_746, %slice3A_747 in 0 : vector<2x384xf32>, vector<126x384xf32> -> vector<128x384xf32>
      %mul3A_749 = arith.mulf %mul3A_740, %concatenate3A_748 : vector<128x384xf32>
      %add3A_750 = arith.addf %mul3A_749, %add3A_739 : vector<128x384xf32>
      %mul3A_751 = arith.mulf %mul3A_740, %concatenate3A_744 : vector<128x384xf32>
      %broadcast_in_dim3A_752 = arith.constant 1.000000e+00 : f32
      %broadcast_in_dim3A_753 = vector.broadcast %broadcast_in_dim3A_752 : f32 to vector<4x384xf32>
      %slice3A_754 = vector.extract_strided_slice %mul3A_751 {offsets = [0, 0], sizes = [124, 384], strides = [1, 1]} : vector<128x384xf32> to vector<124x384xf32>
      %concatenate3A_755 = tpu.concatenate %broadcast_in_dim3A_753, %slice3A_754 in 0 : vector<4x384xf32>, vector<124x384xf32> -> vector<128x384xf32>
      %broadcast_in_dim3A_756 = arith.constant 0.000000e+00 : f32
      %broadcast_in_dim3A_757 = vector.broadcast %broadcast_in_dim3A_756 : f32 to vector<4x384xf32>
      %slice3A_758 = vector.extract_strided_slice %add3A_750 {offsets = [0, 0], sizes = [124, 384], strides = [1, 1]} : vector<128x384xf32> to vector<124x384xf32>
      %concatenate3A_759 = tpu.concatenate %broadcast_in_dim3A_757, %slice3A_758 in 0 : vector<4x384xf32>, vector<124x384xf32> -> vector<128x384xf32>
      %mul3A_760 = arith.mulf %mul3A_751, %concatenate3A_759 : vector<128x384xf32>
      %add3A_761 = arith.addf %mul3A_760, %add3A_750 : vector<128x384xf32>
      %mul3A_762 = arith.mulf %mul3A_751, %concatenate3A_755 : vector<128x384xf32>
      %broadcast_in_dim3A_763 = arith.constant 1.000000e+00 : f32
      %broadcast_in_dim3A_764 = vector.broadcast %broadcast_in_dim3A_763 : f32 to vector<8x384xf32>
      %slice3A_765 = vector.extract_strided_slice %mul3A_762 {offsets = [0, 0], sizes = [120, 384], strides = [1, 1]} : vector<128x384xf32> to vector<120x384xf32>
      %concatenate3A_766 = tpu.concatenate %broadcast_in_dim3A_764, %slice3A_765 in 0 : vector<8x384xf32>, vector<120x384xf32> -> vector<128x384xf32>
      %broadcast_in_dim3A_767 = arith.constant 0.000000e+00 : f32
      %broadcast_in_dim3A_768 = vector.broadcast %broadcast_in_dim3A_767 : f32 to vector<8x384xf32>
      %slice3A_769 = vector.extract_strided_slice %add3A_761 {offsets = [0, 0], sizes = [120, 384], strides = [1, 1]} : vector<128x384xf32> to vector<120x384xf32>
      %concatenate3A_770 = tpu.concatenate %broadcast_in_dim3A_768, %slice3A_769 in 0 : vector<8x384xf32>, vector<120x384xf32> -> vector<128x384xf32>
      %mul3A_771 = arith.mulf %mul3A_762, %concatenate3A_770 : vector<128x384xf32>
      %add3A_772 = arith.addf %mul3A_771, %add3A_761 : vector<128x384xf32>
      %mul3A_773 = arith.mulf %mul3A_762, %concatenate3A_766 : vector<128x384xf32>
      %broadcast_in_dim3A_774 = arith.constant 1.000000e+00 : f32
      %broadcast_in_dim3A_775 = vector.broadcast %broadcast_in_dim3A_774 : f32 to vector<16x384xf32>
      %slice3A_776 = vector.extract_strided_slice %mul3A_773 {offsets = [0, 0], sizes = [112, 384], strides = [1, 1]} : vector<128x384xf32> to vector<112x384xf32>
      %concatenate3A_777 = tpu.concatenate %broadcast_in_dim3A_775, %slice3A_776 in 0 : vector<16x384xf32>, vector<112x384xf32> -> vector<128x384xf32>
      %broadcast_in_dim3A_778 = arith.constant 0.000000e+00 : f32
      %broadcast_in_dim3A_779 = vector.broadcast %broadcast_in_dim3A_778 : f32 to vector<16x384xf32>
      %slice3A_780 = vector.extract_strided_slice %add3A_772 {offsets = [0, 0], sizes = [112, 384], strides = [1, 1]} : vector<128x384xf32> to vector<112x384xf32>
      %concatenate3A_781 = tpu.concatenate %broadcast_in_dim3A_779, %slice3A_780 in 0 : vector<16x384xf32>, vector<112x384xf32> -> vector<128x384xf32>
      %mul3A_782 = arith.mulf %mul3A_773, %concatenate3A_781 : vector<128x384xf32>
      %add3A_783 = arith.addf %mul3A_782, %add3A_772 : vector<128x384xf32>
      %mul3A_784 = arith.mulf %mul3A_773, %concatenate3A_777 : vector<128x384xf32>
      %broadcast_in_dim3A_785 = arith.constant 1.000000e+00 : f32
      %broadcast_in_dim3A_786 = vector.broadcast %broadcast_in_dim3A_785 : f32 to vector<32x384xf32>
      %slice3A_787 = vector.extract_strided_slice %mul3A_784 {offsets = [0, 0], sizes = [96, 384], strides = [1, 1]} : vector<128x384xf32> to vector<96x384xf32>
      %concatenate3A_788 = tpu.concatenate %broadcast_in_dim3A_786, %slice3A_787 in 0 : vector<32x384xf32>, vector<96x384xf32> -> vector<128x384xf32>
      %broadcast_in_dim3A_789 = arith.constant 0.000000e+00 : f32
      %broadcast_in_dim3A_790 = vector.broadcast %broadcast_in_dim3A_789 : f32 to vector<32x384xf32>
      %slice3A_791 = vector.extract_strided_slice %add3A_783 {offsets = [0, 0], sizes = [96, 384], strides = [1, 1]} : vector<128x384xf32> to vector<96x384xf32>
      %concatenate3A_792 = tpu.concatenate %broadcast_in_dim3A_790, %slice3A_791 in 0 : vector<32x384xf32>, vector<96x384xf32> -> vector<128x384xf32>
      %mul3A_793 = arith.mulf %mul3A_784, %concatenate3A_792 : vector<128x384xf32>
      %add3A_794 = arith.addf %mul3A_793, %add3A_783 : vector<128x384xf32>
      %mul3A_795 = arith.mulf %mul3A_784, %concatenate3A_788 : vector<128x384xf32>
      %broadcast_in_dim3A_796 = arith.constant 1.000000e+00 : f32
      %broadcast_in_dim3A_797 = vector.broadcast %broadcast_in_dim3A_796 : f32 to vector<64x384xf32>
      %slice3A_798 = vector.extract_strided_slice %mul3A_795 {offsets = [0, 0], sizes = [64, 384], strides = [1, 1]} : vector<128x384xf32> to vector<64x384xf32>
      %concatenate3A_799 = tpu.concatenate %broadcast_in_dim3A_797, %slice3A_798 in 0 : vector<64x384xf32>, vector<64x384xf32> -> vector<128x384xf32>
      %broadcast_in_dim3A_800 = arith.constant 0.000000e+00 : f32
      %broadcast_in_dim3A_801 = vector.broadcast %broadcast_in_dim3A_800 : f32 to vector<64x384xf32>
      %slice3A_802 = vector.extract_strided_slice %add3A_794 {offsets = [0, 0], sizes = [64, 384], strides = [1, 1]} : vector<128x384xf32> to vector<64x384xf32>
      %concatenate3A_803 = tpu.concatenate %broadcast_in_dim3A_801, %slice3A_802 in 0 : vector<64x384xf32>, vector<64x384xf32> -> vector<128x384xf32>
      %mul3A_804 = arith.mulf %mul3A_795, %concatenate3A_803 : vector<128x384xf32>
      %add3A_805 = arith.addf %mul3A_804, %add3A_794 : vector<128x384xf32>
      %mul3A_806 = arith.mulf %mul3A_795, %concatenate3A_799 : vector<128x384xf32>
      %slice3A_807 = vector.extract_strided_slice %while3A_197 {offsets = [5, 0], sizes = [1, 384], strides = [1, 1]} : vector<16x384xf32> to vector<1x384xf32>
      %squeeze3A_808 = vector.shape_cast %slice3A_807 : vector<1x384xf32> to vector<384xf32>
      %broadcast_in_dim3A_809 = vector.shape_cast %squeeze3A_808 : vector<384xf32> to vector<1x384xf32>
      %mul3A_810 = vector.broadcast %broadcast_in_dim3A_809 : vector<1x384xf32> to vector<128x384xf32>
      %mul3A_811 = arith.mulf %mul3A_806, %mul3A_810 : vector<128x384xf32>
      %add3A_812 = arith.addf %mul3A_811, %add3A_805 : vector<128x384xf32>
      %slice3A_813 = vector.extract_strided_slice %get3A_211 {offsets = [0, 5], sizes = [128, 1], strides = [1, 1]} : vector<128x16xf32> to vector<128x1xf32>
      %squeeze3A_814 = vector.shape_cast %slice3A_813 : vector<128x1xf32> to vector<128xf32>
      %broadcast_in_dim3A_815 = vector.shape_cast %squeeze3A_814 : vector<128xf32> to vector<128x1xf32>
      %mul3A_816 = vector.broadcast %broadcast_in_dim3A_815 : vector<128x1xf32> to vector<128x384xf32>
      %mul3A_817 = arith.mulf %add3A_812, %mul3A_816 : vector<128x384xf32>
      %add3A_818 = arith.addf %add3A_717, %mul3A_817 : vector<128x384xf32>
      %slice3A_819 = vector.extract_strided_slice %add3A_812 {offsets = [127, 0], sizes = [1, 384], strides = [1, 1]} : vector<128x384xf32> to vector<1x384xf32>
      %slice3A_820 = vector.extract_strided_slice %neg3A_110 {offsets = [0, 6], sizes = [384, 1], strides = [1, 1]} : vector<384x16xf32> to vector<384x1xf32>
      %squeeze3A_821 = vector.shape_cast %slice3A_820 : vector<384x1xf32> to vector<384xf32>
      %broadcast_in_dim3A_822 = vector.shape_cast %squeeze3A_821 : vector<384xf32> to vector<1x384xf32>
      %mul3A_823 = vector.broadcast %broadcast_in_dim3A_822 : vector<1x384xf32> to vector<128x384xf32>
      %mul3A_824 = arith.mulf %get3A_202, %mul3A_823 : vector<128x384xf32>
      %exp3A_825 = math.exp %mul3A_824 : vector<128x384xf32>
      %slice3A_826 = vector.extract_strided_slice %get3A_208 {offsets = [0, 6], sizes = [128, 1], strides = [1, 1]} : vector<128x16xf32> to vector<128x1xf32>
      %squeeze3A_827 = vector.shape_cast %slice3A_826 : vector<128x1xf32> to vector<128xf32>
      %broadcast_in_dim3A_828 = vector.shape_cast %squeeze3A_827 : vector<128xf32> to vector<128x1xf32>
      %mul3A_829 = vector.broadcast %broadcast_in_dim3A_828 : vector<128x1xf32> to vector<128x384xf32>
      %mul3A_830 = arith.mulf %get3A_205, %mul3A_829 : vector<128x384xf32>
      %broadcast_in_dim3A_831 = arith.constant 1.000000e+00 : f32
      %broadcast_in_dim3A_832 = vector.broadcast %broadcast_in_dim3A_831 : f32 to vector<1x384xf32>
      %slice3A_833 = vector.extract_strided_slice %exp3A_825 {offsets = [0, 0], sizes = [127, 384], strides = [1, 1]} : vector<128x384xf32> to vector<127x384xf32>
      %concatenate3A_834 = tpu.concatenate %broadcast_in_dim3A_832, %slice3A_833 in 0 : vector<1x384xf32>, vector<127x384xf32> -> vector<128x384xf32>
      %broadcast_in_dim3A_835 = arith.constant 0.000000e+00 : f32
      %broadcast_in_dim3A_836 = vector.broadcast %broadcast_in_dim3A_835 : f32 to vector<1x384xf32>
      %slice3A_837 = vector.extract_strided_slice %mul3A_830 {offsets = [0, 0], sizes = [127, 384], strides = [1, 1]} : vector<128x384xf32> to vector<127x384xf32>
      %concatenate3A_838 = tpu.concatenate %broadcast_in_dim3A_836, %slice3A_837 in 0 : vector<1x384xf32>, vector<127x384xf32> -> vector<128x384xf32>
      %mul3A_839 = arith.mulf %exp3A_825, %concatenate3A_838 : vector<128x384xf32>
      %add3A_840 = arith.addf %mul3A_839, %mul3A_830 : vector<128x384xf32>
      %mul3A_841 = arith.mulf %exp3A_825, %concatenate3A_834 : vector<128x384xf32>
      %broadcast_in_dim3A_842 = arith.constant 1.000000e+00 : f32
      %broadcast_in_dim3A_843 = vector.broadcast %broadcast_in_dim3A_842 : f32 to vector<2x384xf32>
      %slice3A_844 = vector.extract_strided_slice %mul3A_841 {offsets = [0, 0], sizes = [126, 384], strides = [1, 1]} : vector<128x384xf32> to vector<126x384xf32>
      %concatenate3A_845 = tpu.concatenate %broadcast_in_dim3A_843, %slice3A_844 in 0 : vector<2x384xf32>, vector<126x384xf32> -> vector<128x384xf32>
      %broadcast_in_dim3A_846 = arith.constant 0.000000e+00 : f32
      %broadcast_in_dim3A_847 = vector.broadcast %broadcast_in_dim3A_846 : f32 to vector<2x384xf32>
      %slice3A_848 = vector.extract_strided_slice %add3A_840 {offsets = [0, 0], sizes = [126, 384], strides = [1, 1]} : vector<128x384xf32> to vector<126x384xf32>
      %concatenate3A_849 = tpu.concatenate %broadcast_in_dim3A_847, %slice3A_848 in 0 : vector<2x384xf32>, vector<126x384xf32> -> vector<128x384xf32>
      %mul3A_850 = arith.mulf %mul3A_841, %concatenate3A_849 : vector<128x384xf32>
      %add3A_851 = arith.addf %mul3A_850, %add3A_840 : vector<128x384xf32>
      %mul3A_852 = arith.mulf %mul3A_841, %concatenate3A_845 : vector<128x384xf32>
      %broadcast_in_dim3A_853 = arith.constant 1.000000e+00 : f32
      %broadcast_in_dim3A_854 = vector.broadcast %broadcast_in_dim3A_853 : f32 to vector<4x384xf32>
      %slice3A_855 = vector.extract_strided_slice %mul3A_852 {offsets = [0, 0], sizes = [124, 384], strides = [1, 1]} : vector<128x384xf32> to vector<124x384xf32>
      %concatenate3A_856 = tpu.concatenate %broadcast_in_dim3A_854, %slice3A_855 in 0 : vector<4x384xf32>, vector<124x384xf32> -> vector<128x384xf32>
      %broadcast_in_dim3A_857 = arith.constant 0.000000e+00 : f32
      %broadcast_in_dim3A_858 = vector.broadcast %broadcast_in_dim3A_857 : f32 to vector<4x384xf32>
      %slice3A_859 = vector.extract_strided_slice %add3A_851 {offsets = [0, 0], sizes = [124, 384], strides = [1, 1]} : vector<128x384xf32> to vector<124x384xf32>
      %concatenate3A_860 = tpu.concatenate %broadcast_in_dim3A_858, %slice3A_859 in 0 : vector<4x384xf32>, vector<124x384xf32> -> vector<128x384xf32>
      %mul3A_861 = arith.mulf %mul3A_852, %concatenate3A_860 : vector<128x384xf32>
      %add3A_862 = arith.addf %mul3A_861, %add3A_851 : vector<128x384xf32>
      %mul3A_863 = arith.mulf %mul3A_852, %concatenate3A_856 : vector<128x384xf32>
      %broadcast_in_dim3A_864 = arith.constant 1.000000e+00 : f32
      %broadcast_in_dim3A_865 = vector.broadcast %broadcast_in_dim3A_864 : f32 to vector<8x384xf32>
      %slice3A_866 = vector.extract_strided_slice %mul3A_863 {offsets = [0, 0], sizes = [120, 384], strides = [1, 1]} : vector<128x384xf32> to vector<120x384xf32>
      %concatenate3A_867 = tpu.concatenate %broadcast_in_dim3A_865, %slice3A_866 in 0 : vector<8x384xf32>, vector<120x384xf32> -> vector<128x384xf32>
      %broadcast_in_dim3A_868 = arith.constant 0.000000e+00 : f32
      %broadcast_in_dim3A_869 = vector.broadcast %broadcast_in_dim3A_868 : f32 to vector<8x384xf32>
      %slice3A_870 = vector.extract_strided_slice %add3A_862 {offsets = [0, 0], sizes = [120, 384], strides = [1, 1]} : vector<128x384xf32> to vector<120x384xf32>
      %concatenate3A_871 = tpu.concatenate %broadcast_in_dim3A_869, %slice3A_870 in 0 : vector<8x384xf32>, vector<120x384xf32> -> vector<128x384xf32>
      %mul3A_872 = arith.mulf %mul3A_863, %concatenate3A_871 : vector<128x384xf32>
      %add3A_873 = arith.addf %mul3A_872, %add3A_862 : vector<128x384xf32>
      %mul3A_874 = arith.mulf %mul3A_863, %concatenate3A_867 : vector<128x384xf32>
      %broadcast_in_dim3A_875 = arith.constant 1.000000e+00 : f32
      %broadcast_in_dim3A_876 = vector.broadcast %broadcast_in_dim3A_875 : f32 to vector<16x384xf32>
      %slice3A_877 = vector.extract_strided_slice %mul3A_874 {offsets = [0, 0], sizes = [112, 384], strides = [1, 1]} : vector<128x384xf32> to vector<112x384xf32>
      %concatenate3A_878 = tpu.concatenate %broadcast_in_dim3A_876, %slice3A_877 in 0 : vector<16x384xf32>, vector<112x384xf32> -> vector<128x384xf32>
      %broadcast_in_dim3A_879 = arith.constant 0.000000e+00 : f32
      %broadcast_in_dim3A_880 = vector.broadcast %broadcast_in_dim3A_879 : f32 to vector<16x384xf32>
      %slice3A_881 = vector.extract_strided_slice %add3A_873 {offsets = [0, 0], sizes = [112, 384], strides = [1, 1]} : vector<128x384xf32> to vector<112x384xf32>
      %concatenate3A_882 = tpu.concatenate %broadcast_in_dim3A_880, %slice3A_881 in 0 : vector<16x384xf32>, vector<112x384xf32> -> vector<128x384xf32>
      %mul3A_883 = arith.mulf %mul3A_874, %concatenate3A_882 : vector<128x384xf32>
      %add3A_884 = arith.addf %mul3A_883, %add3A_873 : vector<128x384xf32>
      %mul3A_885 = arith.mulf %mul3A_874, %concatenate3A_878 : vector<128x384xf32>
      %broadcast_in_dim3A_886 = arith.constant 1.000000e+00 : f32
      %broadcast_in_dim3A_887 = vector.broadcast %broadcast_in_dim3A_886 : f32 to vector<32x384xf32>
      %slice3A_888 = vector.extract_strided_slice %mul3A_885 {offsets = [0, 0], sizes = [96, 384], strides = [1, 1]} : vector<128x384xf32> to vector<96x384xf32>
      %concatenate3A_889 = tpu.concatenate %broadcast_in_dim3A_887, %slice3A_888 in 0 : vector<32x384xf32>, vector<96x384xf32> -> vector<128x384xf32>
      %broadcast_in_dim3A_890 = arith.constant 0.000000e+00 : f32
      %broadcast_in_dim3A_891 = vector.broadcast %broadcast_in_dim3A_890 : f32 to vector<32x384xf32>
      %slice3A_892 = vector.extract_strided_slice %add3A_884 {offsets = [0, 0], sizes = [96, 384], strides = [1, 1]} : vector<128x384xf32> to vector<96x384xf32>
      %concatenate3A_893 = tpu.concatenate %broadcast_in_dim3A_891, %slice3A_892 in 0 : vector<32x384xf32>, vector<96x384xf32> -> vector<128x384xf32>
      %mul3A_894 = arith.mulf %mul3A_885, %concatenate3A_893 : vector<128x384xf32>
      %add3A_895 = arith.addf %mul3A_894, %add3A_884 : vector<128x384xf32>
      %mul3A_896 = arith.mulf %mul3A_885, %concatenate3A_889 : vector<128x384xf32>
      %broadcast_in_dim3A_897 = arith.constant 1.000000e+00 : f32
      %broadcast_in_dim3A_898 = vector.broadcast %broadcast_in_dim3A_897 : f32 to vector<64x384xf32>
      %slice3A_899 = vector.extract_strided_slice %mul3A_896 {offsets = [0, 0], sizes = [64, 384], strides = [1, 1]} : vector<128x384xf32> to vector<64x384xf32>
      %concatenate3A_900 = tpu.concatenate %broadcast_in_dim3A_898, %slice3A_899 in 0 : vector<64x384xf32>, vector<64x384xf32> -> vector<128x384xf32>
      %broadcast_in_dim3A_901 = arith.constant 0.000000e+00 : f32
      %broadcast_in_dim3A_902 = vector.broadcast %broadcast_in_dim3A_901 : f32 to vector<64x384xf32>
      %slice3A_903 = vector.extract_strided_slice %add3A_895 {offsets = [0, 0], sizes = [64, 384], strides = [1, 1]} : vector<128x384xf32> to vector<64x384xf32>
      %concatenate3A_904 = tpu.concatenate %broadcast_in_dim3A_902, %slice3A_903 in 0 : vector<64x384xf32>, vector<64x384xf32> -> vector<128x384xf32>
      %mul3A_905 = arith.mulf %mul3A_896, %concatenate3A_904 : vector<128x384xf32>
      %add3A_906 = arith.addf %mul3A_905, %add3A_895 : vector<128x384xf32>
      %mul3A_907 = arith.mulf %mul3A_896, %concatenate3A_900 : vector<128x384xf32>
      %slice3A_908 = vector.extract_strided_slice %while3A_197 {offsets = [6, 0], sizes = [1, 384], strides = [1, 1]} : vector<16x384xf32> to vector<1x384xf32>
      %squeeze3A_909 = vector.shape_cast %slice3A_908 : vector<1x384xf32> to vector<384xf32>
      %broadcast_in_dim3A_910 = vector.shape_cast %squeeze3A_909 : vector<384xf32> to vector<1x384xf32>
      %mul3A_911 = vector.broadcast %broadcast_in_dim3A_910 : vector<1x384xf32> to vector<128x384xf32>
      %mul3A_912 = arith.mulf %mul3A_907, %mul3A_911 : vector<128x384xf32>
      %add3A_913 = arith.addf %mul3A_912, %add3A_906 : vector<128x384xf32>
      %slice3A_914 = vector.extract_strided_slice %get3A_211 {offsets = [0, 6], sizes = [128, 1], strides = [1, 1]} : vector<128x16xf32> to vector<128x1xf32>
      %squeeze3A_915 = vector.shape_cast %slice3A_914 : vector<128x1xf32> to vector<128xf32>
      %broadcast_in_dim3A_916 = vector.shape_cast %squeeze3A_915 : vector<128xf32> to vector<128x1xf32>
      %mul3A_917 = vector.broadcast %broadcast_in_dim3A_916 : vector<128x1xf32> to vector<128x384xf32>
      %mul3A_918 = arith.mulf %add3A_913, %mul3A_917 : vector<128x384xf32>
      %add3A_919 = arith.addf %add3A_818, %mul3A_918 : vector<128x384xf32>
      %slice3A_920 = vector.extract_strided_slice %add3A_913 {offsets = [127, 0], sizes = [1, 384], strides = [1, 1]} : vector<128x384xf32> to vector<1x384xf32>
      %slice3A_921 = vector.extract_strided_slice %neg3A_110 {offsets = [0, 7], sizes = [384, 1], strides = [1, 1]} : vector<384x16xf32> to vector<384x1xf32>
      %squeeze3A_922 = vector.shape_cast %slice3A_921 : vector<384x1xf32> to vector<384xf32>
      %broadcast_in_dim3A_923 = vector.shape_cast %squeeze3A_922 : vector<384xf32> to vector<1x384xf32>
      %mul3A_924 = vector.broadcast %broadcast_in_dim3A_923 : vector<1x384xf32> to vector<128x384xf32>
      %mul3A_925 = arith.mulf %get3A_202, %mul3A_924 : vector<128x384xf32>
      %exp3A_926 = math.exp %mul3A_925 : vector<128x384xf32>
      %slice3A_927 = vector.extract_strided_slice %get3A_208 {offsets = [0, 7], sizes = [128, 1], strides = [1, 1]} : vector<128x16xf32> to vector<128x1xf32>
      %squeeze3A_928 = vector.shape_cast %slice3A_927 : vector<128x1xf32> to vector<128xf32>
      %broadcast_in_dim3A_929 = vector.shape_cast %squeeze3A_928 : vector<128xf32> to vector<128x1xf32>
      %mul3A_930 = vector.broadcast %broadcast_in_dim3A_929 : vector<128x1xf32> to vector<128x384xf32>
      %mul3A_931 = arith.mulf %get3A_205, %mul3A_930 : vector<128x384xf32>
      %broadcast_in_dim3A_932 = arith.constant 1.000000e+00 : f32
      %broadcast_in_dim3A_933 = vector.broadcast %broadcast_in_dim3A_932 : f32 to vector<1x384xf32>
      %slice3A_934 = vector.extract_strided_slice %exp3A_926 {offsets = [0, 0], sizes = [127, 384], strides = [1, 1]} : vector<128x384xf32> to vector<127x384xf32>
      %concatenate3A_935 = tpu.concatenate %broadcast_in_dim3A_933, %slice3A_934 in 0 : vector<1x384xf32>, vector<127x384xf32> -> vector<128x384xf32>
      %broadcast_in_dim3A_936 = arith.constant 0.000000e+00 : f32
      %broadcast_in_dim3A_937 = vector.broadcast %broadcast_in_dim3A_936 : f32 to vector<1x384xf32>
      %slice3A_938 = vector.extract_strided_slice %mul3A_931 {offsets = [0, 0], sizes = [127, 384], strides = [1, 1]} : vector<128x384xf32> to vector<127x384xf32>
      %concatenate3A_939 = tpu.concatenate %broadcast_in_dim3A_937, %slice3A_938 in 0 : vector<1x384xf32>, vector<127x384xf32> -> vector<128x384xf32>
      %mul3A_940 = arith.mulf %exp3A_926, %concatenate3A_939 : vector<128x384xf32>
      %add3A_941 = arith.addf %mul3A_940, %mul3A_931 : vector<128x384xf32>
      %mul3A_942 = arith.mulf %exp3A_926, %concatenate3A_935 : vector<128x384xf32>
      %broadcast_in_dim3A_943 = arith.constant 1.000000e+00 : f32
      %broadcast_in_dim3A_944 = vector.broadcast %broadcast_in_dim3A_943 : f32 to vector<2x384xf32>
      %slice3A_945 = vector.extract_strided_slice %mul3A_942 {offsets = [0, 0], sizes = [126, 384], strides = [1, 1]} : vector<128x384xf32> to vector<126x384xf32>
      %concatenate3A_946 = tpu.concatenate %broadcast_in_dim3A_944, %slice3A_945 in 0 : vector<2x384xf32>, vector<126x384xf32> -> vector<128x384xf32>
      %broadcast_in_dim3A_947 = arith.constant 0.000000e+00 : f32
      %broadcast_in_dim3A_948 = vector.broadcast %broadcast_in_dim3A_947 : f32 to vector<2x384xf32>
      %slice3A_949 = vector.extract_strided_slice %add3A_941 {offsets = [0, 0], sizes = [126, 384], strides = [1, 1]} : vector<128x384xf32> to vector<126x384xf32>
      %concatenate3A_950 = tpu.concatenate %broadcast_in_dim3A_948, %slice3A_949 in 0 : vector<2x384xf32>, vector<126x384xf32> -> vector<128x384xf32>
      %mul3A_951 = arith.mulf %mul3A_942, %concatenate3A_950 : vector<128x384xf32>
      %add3A_952 = arith.addf %mul3A_951, %add3A_941 : vector<128x384xf32>
      %mul3A_953 = arith.mulf %mul3A_942, %concatenate3A_946 : vector<128x384xf32>
      %broadcast_in_dim3A_954 = arith.constant 1.000000e+00 : f32
      %broadcast_in_dim3A_955 = vector.broadcast %broadcast_in_dim3A_954 : f32 to vector<4x384xf32>
      %slice3A_956 = vector.extract_strided_slice %mul3A_953 {offsets = [0, 0], sizes = [124, 384], strides = [1, 1]} : vector<128x384xf32> to vector<124x384xf32>
      %concatenate3A_957 = tpu.concatenate %broadcast_in_dim3A_955, %slice3A_956 in 0 : vector<4x384xf32>, vector<124x384xf32> -> vector<128x384xf32>
      %broadcast_in_dim3A_958 = arith.constant 0.000000e+00 : f32
      %broadcast_in_dim3A_959 = vector.broadcast %broadcast_in_dim3A_958 : f32 to vector<4x384xf32>
      %slice3A_960 = vector.extract_strided_slice %add3A_952 {offsets = [0, 0], sizes = [124, 384], strides = [1, 1]} : vector<128x384xf32> to vector<124x384xf32>
      %concatenate3A_961 = tpu.concatenate %broadcast_in_dim3A_959, %slice3A_960 in 0 : vector<4x384xf32>, vector<124x384xf32> -> vector<128x384xf32>
      %mul3A_962 = arith.mulf %mul3A_953, %concatenate3A_961 : vector<128x384xf32>
      %add3A_963 = arith.addf %mul3A_962, %add3A_952 : vector<128x384xf32>
      %mul3A_964 = arith.mulf %mul3A_953, %concatenate3A_957 : vector<128x384xf32>
      %broadcast_in_dim3A_965 = arith.constant 1.000000e+00 : f32
      %broadcast_in_dim3A_966 = vector.broadcast %broadcast_in_dim3A_965 : f32 to vector<8x384xf32>
      %slice3A_967 = vector.extract_strided_slice %mul3A_964 {offsets = [0, 0], sizes = [120, 384], strides = [1, 1]} : vector<128x384xf32> to vector<120x384xf32>
      %concatenate3A_968 = tpu.concatenate %broadcast_in_dim3A_966, %slice3A_967 in 0 : vector<8x384xf32>, vector<120x384xf32> -> vector<128x384xf32>
      %broadcast_in_dim3A_969 = arith.constant 0.000000e+00 : f32
      %broadcast_in_dim3A_970 = vector.broadcast %broadcast_in_dim3A_969 : f32 to vector<8x384xf32>
      %slice3A_971 = vector.extract_strided_slice %add3A_963 {offsets = [0, 0], sizes = [120, 384], strides = [1, 1]} : vector<128x384xf32> to vector<120x384xf32>
      %concatenate3A_972 = tpu.concatenate %broadcast_in_dim3A_970, %slice3A_971 in 0 : vector<8x384xf32>, vector<120x384xf32> -> vector<128x384xf32>
      %mul3A_973 = arith.mulf %mul3A_964, %concatenate3A_972 : vector<128x384xf32>
      %add3A_974 = arith.addf %mul3A_973, %add3A_963 : vector<128x384xf32>
      %mul3A_975 = arith.mulf %mul3A_964, %concatenate3A_968 : vector<128x384xf32>
      %broadcast_in_dim3A_976 = arith.constant 1.000000e+00 : f32
      %broadcast_in_dim3A_977 = vector.broadcast %broadcast_in_dim3A_976 : f32 to vector<16x384xf32>
      %slice3A_978 = vector.extract_strided_slice %mul3A_975 {offsets = [0, 0], sizes = [112, 384], strides = [1, 1]} : vector<128x384xf32> to vector<112x384xf32>
      %concatenate3A_979 = tpu.concatenate %broadcast_in_dim3A_977, %slice3A_978 in 0 : vector<16x384xf32>, vector<112x384xf32> -> vector<128x384xf32>
      %broadcast_in_dim3A_980 = arith.constant 0.000000e+00 : f32
      %broadcast_in_dim3A_981 = vector.broadcast %broadcast_in_dim3A_980 : f32 to vector<16x384xf32>
      %slice3A_982 = vector.extract_strided_slice %add3A_974 {offsets = [0, 0], sizes = [112, 384], strides = [1, 1]} : vector<128x384xf32> to vector<112x384xf32>
      %concatenate3A_983 = tpu.concatenate %broadcast_in_dim3A_981, %slice3A_982 in 0 : vector<16x384xf32>, vector<112x384xf32> -> vector<128x384xf32>
      %mul3A_984 = arith.mulf %mul3A_975, %concatenate3A_983 : vector<128x384xf32>
      %add3A_985 = arith.addf %mul3A_984, %add3A_974 : vector<128x384xf32>
      %mul3A_986 = arith.mulf %mul3A_975, %concatenate3A_979 : vector<128x384xf32>
      %broadcast_in_dim3A_987 = arith.constant 1.000000e+00 : f32
      %broadcast_in_dim3A_988 = vector.broadcast %broadcast_in_dim3A_987 : f32 to vector<32x384xf32>
      %slice3A_989 = vector.extract_strided_slice %mul3A_986 {offsets = [0, 0], sizes = [96, 384], strides = [1, 1]} : vector<128x384xf32> to vector<96x384xf32>
      %concatenate3A_990 = tpu.concatenate %broadcast_in_dim3A_988, %slice3A_989 in 0 : vector<32x384xf32>, vector<96x384xf32> -> vector<128x384xf32>
      %broadcast_in_dim3A_991 = arith.constant 0.000000e+00 : f32
      %broadcast_in_dim3A_992 = vector.broadcast %broadcast_in_dim3A_991 : f32 to vector<32x384xf32>
      %slice3A_993 = vector.extract_strided_slice %add3A_985 {offsets = [0, 0], sizes = [96, 384], strides = [1, 1]} : vector<128x384xf32> to vector<96x384xf32>
      %concatenate3A_994 = tpu.concatenate %broadcast_in_dim3A_992, %slice3A_993 in 0 : vector<32x384xf32>, vector<96x384xf32> -> vector<128x384xf32>
      %mul3A_995 = arith.mulf %mul3A_986, %concatenate3A_994 : vector<128x384xf32>
      %add3A_996 = arith.addf %mul3A_995, %add3A_985 : vector<128x384xf32>
      %mul3A_997 = arith.mulf %mul3A_986, %concatenate3A_990 : vector<128x384xf32>
      %broadcast_in_dim3A_998 = arith.constant 1.000000e+00 : f32
      %broadcast_in_dim3A_999 = vector.broadcast %broadcast_in_dim3A_998 : f32 to vector<64x384xf32>
      %slice3A_1000 = vector.extract_strided_slice %mul3A_997 {offsets = [0, 0], sizes = [64, 384], strides = [1, 1]} : vector<128x384xf32> to vector<64x384xf32>
      %concatenate3A_1001 = tpu.concatenate %broadcast_in_dim3A_999, %slice3A_1000 in 0 : vector<64x384xf32>, vector<64x384xf32> -> vector<128x384xf32>
      %broadcast_in_dim3A_1002 = arith.constant 0.000000e+00 : f32
      %broadcast_in_dim3A_1003 = vector.broadcast %broadcast_in_dim3A_1002 : f32 to vector<64x384xf32>
      %slice3A_1004 = vector.extract_strided_slice %add3A_996 {offsets = [0, 0], sizes = [64, 384], strides = [1, 1]} : vector<128x384xf32> to vector<64x384xf32>
      %concatenate3A_1005 = tpu.concatenate %broadcast_in_dim3A_1003, %slice3A_1004 in 0 : vector<64x384xf32>, vector<64x384xf32> -> vector<128x384xf32>
      %mul3A_1006 = arith.mulf %mul3A_997, %concatenate3A_1005 : vector<128x384xf32>
      %add3A_1007 = arith.addf %mul3A_1006, %add3A_996 : vector<128x384xf32>
      %mul3A_1008 = arith.mulf %mul3A_997, %concatenate3A_1001 : vector<128x384xf32>
      %slice3A_1009 = vector.extract_strided_slice %while3A_197 {offsets = [7, 0], sizes = [1, 384], strides = [1, 1]} : vector<16x384xf32> to vector<1x384xf32>
      %squeeze3A_1010 = vector.shape_cast %slice3A_1009 : vector<1x384xf32> to vector<384xf32>
      %broadcast_in_dim3A_1011 = vector.shape_cast %squeeze3A_1010 : vector<384xf32> to vector<1x384xf32>
      %mul3A_1012 = vector.broadcast %broadcast_in_dim3A_1011 : vector<1x384xf32> to vector<128x384xf32>
      %mul3A_1013 = arith.mulf %mul3A_1008, %mul3A_1012 : vector<128x384xf32>
      %add3A_1014 = arith.addf %mul3A_1013, %add3A_1007 : vector<128x384xf32>
      %slice3A_1015 = vector.extract_strided_slice %get3A_211 {offsets = [0, 7], sizes = [128, 1], strides = [1, 1]} : vector<128x16xf32> to vector<128x1xf32>
      %squeeze3A_1016 = vector.shape_cast %slice3A_1015 : vector<128x1xf32> to vector<128xf32>
      %broadcast_in_dim3A_1017 = vector.shape_cast %squeeze3A_1016 : vector<128xf32> to vector<128x1xf32>
      %mul3A_1018 = vector.broadcast %broadcast_in_dim3A_1017 : vector<128x1xf32> to vector<128x384xf32>
      %mul3A_1019 = arith.mulf %add3A_1014, %mul3A_1018 : vector<128x384xf32>
      %add3A_1020 = arith.addf %add3A_919, %mul3A_1019 : vector<128x384xf32>
      %slice3A_1021 = vector.extract_strided_slice %add3A_1014 {offsets = [127, 0], sizes = [1, 384], strides = [1, 1]} : vector<128x384xf32> to vector<1x384xf32>
      %slice3A_1022 = vector.extract_strided_slice %neg3A_110 {offsets = [0, 8], sizes = [384, 1], strides = [1, 1]} : vector<384x16xf32> to vector<384x1xf32>
      %squeeze3A_1023 = vector.shape_cast %slice3A_1022 : vector<384x1xf32> to vector<384xf32>
      %broadcast_in_dim3A_1024 = vector.shape_cast %squeeze3A_1023 : vector<384xf32> to vector<1x384xf32>
      %mul3A_1025 = vector.broadcast %broadcast_in_dim3A_1024 : vector<1x384xf32> to vector<128x384xf32>
      %mul3A_1026 = arith.mulf %get3A_202, %mul3A_1025 : vector<128x384xf32>
      %exp3A_1027 = math.exp %mul3A_1026 : vector<128x384xf32>
      %slice3A_1028 = vector.extract_strided_slice %get3A_208 {offsets = [0, 8], sizes = [128, 1], strides = [1, 1]} : vector<128x16xf32> to vector<128x1xf32>
      %squeeze3A_1029 = vector.shape_cast %slice3A_1028 : vector<128x1xf32> to vector<128xf32>
      %broadcast_in_dim3A_1030 = vector.shape_cast %squeeze3A_1029 : vector<128xf32> to vector<128x1xf32>
      %mul3A_1031 = vector.broadcast %broadcast_in_dim3A_1030 : vector<128x1xf32> to vector<128x384xf32>
      %mul3A_1032 = arith.mulf %get3A_205, %mul3A_1031 : vector<128x384xf32>
      %broadcast_in_dim3A_1033 = arith.constant 1.000000e+00 : f32
      %broadcast_in_dim3A_1034 = vector.broadcast %broadcast_in_dim3A_1033 : f32 to vector<1x384xf32>
      %slice3A_1035 = vector.extract_strided_slice %exp3A_1027 {offsets = [0, 0], sizes = [127, 384], strides = [1, 1]} : vector<128x384xf32> to vector<127x384xf32>
      %concatenate3A_1036 = tpu.concatenate %broadcast_in_dim3A_1034, %slice3A_1035 in 0 : vector<1x384xf32>, vector<127x384xf32> -> vector<128x384xf32>
      %broadcast_in_dim3A_1037 = arith.constant 0.000000e+00 : f32
      %broadcast_in_dim3A_1038 = vector.broadcast %broadcast_in_dim3A_1037 : f32 to vector<1x384xf32>
      %slice3A_1039 = vector.extract_strided_slice %mul3A_1032 {offsets = [0, 0], sizes = [127, 384], strides = [1, 1]} : vector<128x384xf32> to vector<127x384xf32>
      %concatenate3A_1040 = tpu.concatenate %broadcast_in_dim3A_1038, %slice3A_1039 in 0 : vector<1x384xf32>, vector<127x384xf32> -> vector<128x384xf32>
      %mul3A_1041 = arith.mulf %exp3A_1027, %concatenate3A_1040 : vector<128x384xf32>
      %add3A_1042 = arith.addf %mul3A_1041, %mul3A_1032 : vector<128x384xf32>
      %mul3A_1043 = arith.mulf %exp3A_1027, %concatenate3A_1036 : vector<128x384xf32>
      %broadcast_in_dim3A_1044 = arith.constant 1.000000e+00 : f32
      %broadcast_in_dim3A_1045 = vector.broadcast %broadcast_in_dim3A_1044 : f32 to vector<2x384xf32>
      %slice3A_1046 = vector.extract_strided_slice %mul3A_1043 {offsets = [0, 0], sizes = [126, 384], strides = [1, 1]} : vector<128x384xf32> to vector<126x384xf32>
      %concatenate3A_1047 = tpu.concatenate %broadcast_in_dim3A_1045, %slice3A_1046 in 0 : vector<2x384xf32>, vector<126x384xf32> -> vector<128x384xf32>
      %broadcast_in_dim3A_1048 = arith.constant 0.000000e+00 : f32
      %broadcast_in_dim3A_1049 = vector.broadcast %broadcast_in_dim3A_1048 : f32 to vector<2x384xf32>
      %slice3A_1050 = vector.extract_strided_slice %add3A_1042 {offsets = [0, 0], sizes = [126, 384], strides = [1, 1]} : vector<128x384xf32> to vector<126x384xf32>
      %concatenate3A_1051 = tpu.concatenate %broadcast_in_dim3A_1049, %slice3A_1050 in 0 : vector<2x384xf32>, vector<126x384xf32> -> vector<128x384xf32>
      %mul3A_1052 = arith.mulf %mul3A_1043, %concatenate3A_1051 : vector<128x384xf32>
      %add3A_1053 = arith.addf %mul3A_1052, %add3A_1042 : vector<128x384xf32>
      %mul3A_1054 = arith.mulf %mul3A_1043, %concatenate3A_1047 : vector<128x384xf32>
      %broadcast_in_dim3A_1055 = arith.constant 1.000000e+00 : f32
      %broadcast_in_dim3A_1056 = vector.broadcast %broadcast_in_dim3A_1055 : f32 to vector<4x384xf32>
      %slice3A_1057 = vector.extract_strided_slice %mul3A_1054 {offsets = [0, 0], sizes = [124, 384], strides = [1, 1]} : vector<128x384xf32> to vector<124x384xf32>
      %concatenate3A_1058 = tpu.concatenate %broadcast_in_dim3A_1056, %slice3A_1057 in 0 : vector<4x384xf32>, vector<124x384xf32> -> vector<128x384xf32>
      %broadcast_in_dim3A_1059 = arith.constant 0.000000e+00 : f32
      %broadcast_in_dim3A_1060 = vector.broadcast %broadcast_in_dim3A_1059 : f32 to vector<4x384xf32>
      %slice3A_1061 = vector.extract_strided_slice %add3A_1053 {offsets = [0, 0], sizes = [124, 384], strides = [1, 1]} : vector<128x384xf32> to vector<124x384xf32>
      %concatenate3A_1062 = tpu.concatenate %broadcast_in_dim3A_1060, %slice3A_1061 in 0 : vector<4x384xf32>, vector<124x384xf32> -> vector<128x384xf32>
      %mul3A_1063 = arith.mulf %mul3A_1054, %concatenate3A_1062 : vector<128x384xf32>
      %add3A_1064 = arith.addf %mul3A_1063, %add3A_1053 : vector<128x384xf32>
      %mul3A_1065 = arith.mulf %mul3A_1054, %concatenate3A_1058 : vector<128x384xf32>
      %broadcast_in_dim3A_1066 = arith.constant 1.000000e+00 : f32
      %broadcast_in_dim3A_1067 = vector.broadcast %broadcast_in_dim3A_1066 : f32 to vector<8x384xf32>
      %slice3A_1068 = vector.extract_strided_slice %mul3A_1065 {offsets = [0, 0], sizes = [120, 384], strides = [1, 1]} : vector<128x384xf32> to vector<120x384xf32>
      %concatenate3A_1069 = tpu.concatenate %broadcast_in_dim3A_1067, %slice3A_1068 in 0 : vector<8x384xf32>, vector<120x384xf32> -> vector<128x384xf32>
      %broadcast_in_dim3A_1070 = arith.constant 0.000000e+00 : f32
      %broadcast_in_dim3A_1071 = vector.broadcast %broadcast_in_dim3A_1070 : f32 to vector<8x384xf32>
      %slice3A_1072 = vector.extract_strided_slice %add3A_1064 {offsets = [0, 0], sizes = [120, 384], strides = [1, 1]} : vector<128x384xf32> to vector<120x384xf32>
      %concatenate3A_1073 = tpu.concatenate %broadcast_in_dim3A_1071, %slice3A_1072 in 0 : vector<8x384xf32>, vector<120x384xf32> -> vector<128x384xf32>
      %mul3A_1074 = arith.mulf %mul3A_1065, %concatenate3A_1073 : vector<128x384xf32>
      %add3A_1075 = arith.addf %mul3A_1074, %add3A_1064 : vector<128x384xf32>
      %mul3A_1076 = arith.mulf %mul3A_1065, %concatenate3A_1069 : vector<128x384xf32>
      %broadcast_in_dim3A_1077 = arith.constant 1.000000e+00 : f32
      %broadcast_in_dim3A_1078 = vector.broadcast %broadcast_in_dim3A_1077 : f32 to vector<16x384xf32>
      %slice3A_1079 = vector.extract_strided_slice %mul3A_1076 {offsets = [0, 0], sizes = [112, 384], strides = [1, 1]} : vector<128x384xf32> to vector<112x384xf32>
      %concatenate3A_1080 = tpu.concatenate %broadcast_in_dim3A_1078, %slice3A_1079 in 0 : vector<16x384xf32>, vector<112x384xf32> -> vector<128x384xf32>
      %broadcast_in_dim3A_1081 = arith.constant 0.000000e+00 : f32
      %broadcast_in_dim3A_1082 = vector.broadcast %broadcast_in_dim3A_1081 : f32 to vector<16x384xf32>
      %slice3A_1083 = vector.extract_strided_slice %add3A_1075 {offsets = [0, 0], sizes = [112, 384], strides = [1, 1]} : vector<128x384xf32> to vector<112x384xf32>
      %concatenate3A_1084 = tpu.concatenate %broadcast_in_dim3A_1082, %slice3A_1083 in 0 : vector<16x384xf32>, vector<112x384xf32> -> vector<128x384xf32>
      %mul3A_1085 = arith.mulf %mul3A_1076, %concatenate3A_1084 : vector<128x384xf32>
      %add3A_1086 = arith.addf %mul3A_1085, %add3A_1075 : vector<128x384xf32>
      %mul3A_1087 = arith.mulf %mul3A_1076, %concatenate3A_1080 : vector<128x384xf32>
      %broadcast_in_dim3A_1088 = arith.constant 1.000000e+00 : f32
      %broadcast_in_dim3A_1089 = vector.broadcast %broadcast_in_dim3A_1088 : f32 to vector<32x384xf32>
      %slice3A_1090 = vector.extract_strided_slice %mul3A_1087 {offsets = [0, 0], sizes = [96, 384], strides = [1, 1]} : vector<128x384xf32> to vector<96x384xf32>
      %concatenate3A_1091 = tpu.concatenate %broadcast_in_dim3A_1089, %slice3A_1090 in 0 : vector<32x384xf32>, vector<96x384xf32> -> vector<128x384xf32>
      %broadcast_in_dim3A_1092 = arith.constant 0.000000e+00 : f32
      %broadcast_in_dim3A_1093 = vector.broadcast %broadcast_in_dim3A_1092 : f32 to vector<32x384xf32>
      %slice3A_1094 = vector.extract_strided_slice %add3A_1086 {offsets = [0, 0], sizes = [96, 384], strides = [1, 1]} : vector<128x384xf32> to vector<96x384xf32>
      %concatenate3A_1095 = tpu.concatenate %broadcast_in_dim3A_1093, %slice3A_1094 in 0 : vector<32x384xf32>, vector<96x384xf32> -> vector<128x384xf32>
      %mul3A_1096 = arith.mulf %mul3A_1087, %concatenate3A_1095 : vector<128x384xf32>
      %add3A_1097 = arith.addf %mul3A_1096, %add3A_1086 : vector<128x384xf32>
      %mul3A_1098 = arith.mulf %mul3A_1087, %concatenate3A_1091 : vector<128x384xf32>
      %broadcast_in_dim3A_1099 = arith.constant 1.000000e+00 : f32
      %broadcast_in_dim3A_1100 = vector.broadcast %broadcast_in_dim3A_1099 : f32 to vector<64x384xf32>
      %slice3A_1101 = vector.extract_strided_slice %mul3A_1098 {offsets = [0, 0], sizes = [64, 384], strides = [1, 1]} : vector<128x384xf32> to vector<64x384xf32>
      %concatenate3A_1102 = tpu.concatenate %broadcast_in_dim3A_1100, %slice3A_1101 in 0 : vector<64x384xf32>, vector<64x384xf32> -> vector<128x384xf32>
      %broadcast_in_dim3A_1103 = arith.constant 0.000000e+00 : f32
      %broadcast_in_dim3A_1104 = vector.broadcast %broadcast_in_dim3A_1103 : f32 to vector<64x384xf32>
      %slice3A_1105 = vector.extract_strided_slice %add3A_1097 {offsets = [0, 0], sizes = [64, 384], strides = [1, 1]} : vector<128x384xf32> to vector<64x384xf32>
      %concatenate3A_1106 = tpu.concatenate %broadcast_in_dim3A_1104, %slice3A_1105 in 0 : vector<64x384xf32>, vector<64x384xf32> -> vector<128x384xf32>
      %mul3A_1107 = arith.mulf %mul3A_1098, %concatenate3A_1106 : vector<128x384xf32>
      %add3A_1108 = arith.addf %mul3A_1107, %add3A_1097 : vector<128x384xf32>
      %mul3A_1109 = arith.mulf %mul3A_1098, %concatenate3A_1102 : vector<128x384xf32>
      %slice3A_1110 = vector.extract_strided_slice %while3A_197 {offsets = [8, 0], sizes = [1, 384], strides = [1, 1]} : vector<16x384xf32> to vector<1x384xf32>
      %squeeze3A_1111 = vector.shape_cast %slice3A_1110 : vector<1x384xf32> to vector<384xf32>
      %broadcast_in_dim3A_1112 = vector.shape_cast %squeeze3A_1111 : vector<384xf32> to vector<1x384xf32>
      %mul3A_1113 = vector.broadcast %broadcast_in_dim3A_1112 : vector<1x384xf32> to vector<128x384xf32>
      %mul3A_1114 = arith.mulf %mul3A_1109, %mul3A_1113 : vector<128x384xf32>
      %add3A_1115 = arith.addf %mul3A_1114, %add3A_1108 : vector<128x384xf32>
      %slice3A_1116 = vector.extract_strided_slice %get3A_211 {offsets = [0, 8], sizes = [128, 1], strides = [1, 1]} : vector<128x16xf32> to vector<128x1xf32>
      %squeeze3A_1117 = vector.shape_cast %slice3A_1116 : vector<128x1xf32> to vector<128xf32>
      %broadcast_in_dim3A_1118 = vector.shape_cast %squeeze3A_1117 : vector<128xf32> to vector<128x1xf32>
      %mul3A_1119 = vector.broadcast %broadcast_in_dim3A_1118 : vector<128x1xf32> to vector<128x384xf32>
      %mul3A_1120 = arith.mulf %add3A_1115, %mul3A_1119 : vector<128x384xf32>
      %add3A_1121 = arith.addf %add3A_1020, %mul3A_1120 : vector<128x384xf32>
      %slice3A_1122 = vector.extract_strided_slice %add3A_1115 {offsets = [127, 0], sizes = [1, 384], strides = [1, 1]} : vector<128x384xf32> to vector<1x384xf32>
      %slice3A_1123 = vector.extract_strided_slice %neg3A_110 {offsets = [0, 9], sizes = [384, 1], strides = [1, 1]} : vector<384x16xf32> to vector<384x1xf32>
      %squeeze3A_1124 = vector.shape_cast %slice3A_1123 : vector<384x1xf32> to vector<384xf32>
      %broadcast_in_dim3A_1125 = vector.shape_cast %squeeze3A_1124 : vector<384xf32> to vector<1x384xf32>
      %mul3A_1126 = vector.broadcast %broadcast_in_dim3A_1125 : vector<1x384xf32> to vector<128x384xf32>
      %mul3A_1127 = arith.mulf %get3A_202, %mul3A_1126 : vector<128x384xf32>
      %exp3A_1128 = math.exp %mul3A_1127 : vector<128x384xf32>
      %slice3A_1129 = vector.extract_strided_slice %get3A_208 {offsets = [0, 9], sizes = [128, 1], strides = [1, 1]} : vector<128x16xf32> to vector<128x1xf32>
      %squeeze3A_1130 = vector.shape_cast %slice3A_1129 : vector<128x1xf32> to vector<128xf32>
      %broadcast_in_dim3A_1131 = vector.shape_cast %squeeze3A_1130 : vector<128xf32> to vector<128x1xf32>
      %mul3A_1132 = vector.broadcast %broadcast_in_dim3A_1131 : vector<128x1xf32> to vector<128x384xf32>
      %mul3A_1133 = arith.mulf %get3A_205, %mul3A_1132 : vector<128x384xf32>
      %broadcast_in_dim3A_1134 = arith.constant 1.000000e+00 : f32
      %broadcast_in_dim3A_1135 = vector.broadcast %broadcast_in_dim3A_1134 : f32 to vector<1x384xf32>
      %slice3A_1136 = vector.extract_strided_slice %exp3A_1128 {offsets = [0, 0], sizes = [127, 384], strides = [1, 1]} : vector<128x384xf32> to vector<127x384xf32>
      %concatenate3A_1137 = tpu.concatenate %broadcast_in_dim3A_1135, %slice3A_1136 in 0 : vector<1x384xf32>, vector<127x384xf32> -> vector<128x384xf32>
      %broadcast_in_dim3A_1138 = arith.constant 0.000000e+00 : f32
      %broadcast_in_dim3A_1139 = vector.broadcast %broadcast_in_dim3A_1138 : f32 to vector<1x384xf32>
      %slice3A_1140 = vector.extract_strided_slice %mul3A_1133 {offsets = [0, 0], sizes = [127, 384], strides = [1, 1]} : vector<128x384xf32> to vector<127x384xf32>
      %concatenate3A_1141 = tpu.concatenate %broadcast_in_dim3A_1139, %slice3A_1140 in 0 : vector<1x384xf32>, vector<127x384xf32> -> vector<128x384xf32>
      %mul3A_1142 = arith.mulf %exp3A_1128, %concatenate3A_1141 : vector<128x384xf32>
      %add3A_1143 = arith.addf %mul3A_1142, %mul3A_1133 : vector<128x384xf32>
      %mul3A_1144 = arith.mulf %exp3A_1128, %concatenate3A_1137 : vector<128x384xf32>
      %broadcast_in_dim3A_1145 = arith.constant 1.000000e+00 : f32
      %broadcast_in_dim3A_1146 = vector.broadcast %broadcast_in_dim3A_1145 : f32 to vector<2x384xf32>
      %slice3A_1147 = vector.extract_strided_slice %mul3A_1144 {offsets = [0, 0], sizes = [126, 384], strides = [1, 1]} : vector<128x384xf32> to vector<126x384xf32>
      %concatenate3A_1148 = tpu.concatenate %broadcast_in_dim3A_1146, %slice3A_1147 in 0 : vector<2x384xf32>, vector<126x384xf32> -> vector<128x384xf32>
      %broadcast_in_dim3A_1149 = arith.constant 0.000000e+00 : f32
      %broadcast_in_dim3A_1150 = vector.broadcast %broadcast_in_dim3A_1149 : f32 to vector<2x384xf32>
      %slice3A_1151 = vector.extract_strided_slice %add3A_1143 {offsets = [0, 0], sizes = [126, 384], strides = [1, 1]} : vector<128x384xf32> to vector<126x384xf32>
      %concatenate3A_1152 = tpu.concatenate %broadcast_in_dim3A_1150, %slice3A_1151 in 0 : vector<2x384xf32>, vector<126x384xf32> -> vector<128x384xf32>
      %mul3A_1153 = arith.mulf %mul3A_1144, %concatenate3A_1152 : vector<128x384xf32>
      %add3A_1154 = arith.addf %mul3A_1153, %add3A_1143 : vector<128x384xf32>
      %mul3A_1155 = arith.mulf %mul3A_1144, %concatenate3A_1148 : vector<128x384xf32>
      %broadcast_in_dim3A_1156 = arith.constant 1.000000e+00 : f32
      %broadcast_in_dim3A_1157 = vector.broadcast %broadcast_in_dim3A_1156 : f32 to vector<4x384xf32>
      %slice3A_1158 = vector.extract_strided_slice %mul3A_1155 {offsets = [0, 0], sizes = [124, 384], strides = [1, 1]} : vector<128x384xf32> to vector<124x384xf32>
      %concatenate3A_1159 = tpu.concatenate %broadcast_in_dim3A_1157, %slice3A_1158 in 0 : vector<4x384xf32>, vector<124x384xf32> -> vector<128x384xf32>
      %broadcast_in_dim3A_1160 = arith.constant 0.000000e+00 : f32
      %broadcast_in_dim3A_1161 = vector.broadcast %broadcast_in_dim3A_1160 : f32 to vector<4x384xf32>
      %slice3A_1162 = vector.extract_strided_slice %add3A_1154 {offsets = [0, 0], sizes = [124, 384], strides = [1, 1]} : vector<128x384xf32> to vector<124x384xf32>
      %concatenate3A_1163 = tpu.concatenate %broadcast_in_dim3A_1161, %slice3A_1162 in 0 : vector<4x384xf32>, vector<124x384xf32> -> vector<128x384xf32>
      %mul3A_1164 = arith.mulf %mul3A_1155, %concatenate3A_1163 : vector<128x384xf32>
      %add3A_1165 = arith.addf %mul3A_1164, %add3A_1154 : vector<128x384xf32>
      %mul3A_1166 = arith.mulf %mul3A_1155, %concatenate3A_1159 : vector<128x384xf32>
      %broadcast_in_dim3A_1167 = arith.constant 1.000000e+00 : f32
      %broadcast_in_dim3A_1168 = vector.broadcast %broadcast_in_dim3A_1167 : f32 to vector<8x384xf32>
      %slice3A_1169 = vector.extract_strided_slice %mul3A_1166 {offsets = [0, 0], sizes = [120, 384], strides = [1, 1]} : vector<128x384xf32> to vector<120x384xf32>
      %concatenate3A_1170 = tpu.concatenate %broadcast_in_dim3A_1168, %slice3A_1169 in 0 : vector<8x384xf32>, vector<120x384xf32> -> vector<128x384xf32>
      %broadcast_in_dim3A_1171 = arith.constant 0.000000e+00 : f32
      %broadcast_in_dim3A_1172 = vector.broadcast %broadcast_in_dim3A_1171 : f32 to vector<8x384xf32>
      %slice3A_1173 = vector.extract_strided_slice %add3A_1165 {offsets = [0, 0], sizes = [120, 384], strides = [1, 1]} : vector<128x384xf32> to vector<120x384xf32>
      %concatenate3A_1174 = tpu.concatenate %broadcast_in_dim3A_1172, %slice3A_1173 in 0 : vector<8x384xf32>, vector<120x384xf32> -> vector<128x384xf32>
      %mul3A_1175 = arith.mulf %mul3A_1166, %concatenate3A_1174 : vector<128x384xf32>
      %add3A_1176 = arith.addf %mul3A_1175, %add3A_1165 : vector<128x384xf32>
      %mul3A_1177 = arith.mulf %mul3A_1166, %concatenate3A_1170 : vector<128x384xf32>
      %broadcast_in_dim3A_1178 = arith.constant 1.000000e+00 : f32
      %broadcast_in_dim3A_1179 = vector.broadcast %broadcast_in_dim3A_1178 : f32 to vector<16x384xf32>
      %slice3A_1180 = vector.extract_strided_slice %mul3A_1177 {offsets = [0, 0], sizes = [112, 384], strides = [1, 1]} : vector<128x384xf32> to vector<112x384xf32>
      %concatenate3A_1181 = tpu.concatenate %broadcast_in_dim3A_1179, %slice3A_1180 in 0 : vector<16x384xf32>, vector<112x384xf32> -> vector<128x384xf32>
      %broadcast_in_dim3A_1182 = arith.constant 0.000000e+00 : f32
      %broadcast_in_dim3A_1183 = vector.broadcast %broadcast_in_dim3A_1182 : f32 to vector<16x384xf32>
      %slice3A_1184 = vector.extract_strided_slice %add3A_1176 {offsets = [0, 0], sizes = [112, 384], strides = [1, 1]} : vector<128x384xf32> to vector<112x384xf32>
      %concatenate3A_1185 = tpu.concatenate %broadcast_in_dim3A_1183, %slice3A_1184 in 0 : vector<16x384xf32>, vector<112x384xf32> -> vector<128x384xf32>
      %mul3A_1186 = arith.mulf %mul3A_1177, %concatenate3A_1185 : vector<128x384xf32>
      %add3A_1187 = arith.addf %mul3A_1186, %add3A_1176 : vector<128x384xf32>
      %mul3A_1188 = arith.mulf %mul3A_1177, %concatenate3A_1181 : vector<128x384xf32>
      %broadcast_in_dim3A_1189 = arith.constant 1.000000e+00 : f32
      %broadcast_in_dim3A_1190 = vector.broadcast %broadcast_in_dim3A_1189 : f32 to vector<32x384xf32>
      %slice3A_1191 = vector.extract_strided_slice %mul3A_1188 {offsets = [0, 0], sizes = [96, 384], strides = [1, 1]} : vector<128x384xf32> to vector<96x384xf32>
      %concatenate3A_1192 = tpu.concatenate %broadcast_in_dim3A_1190, %slice3A_1191 in 0 : vector<32x384xf32>, vector<96x384xf32> -> vector<128x384xf32>
      %broadcast_in_dim3A_1193 = arith.constant 0.000000e+00 : f32
      %broadcast_in_dim3A_1194 = vector.broadcast %broadcast_in_dim3A_1193 : f32 to vector<32x384xf32>
      %slice3A_1195 = vector.extract_strided_slice %add3A_1187 {offsets = [0, 0], sizes = [96, 384], strides = [1, 1]} : vector<128x384xf32> to vector<96x384xf32>
      %concatenate3A_1196 = tpu.concatenate %broadcast_in_dim3A_1194, %slice3A_1195 in 0 : vector<32x384xf32>, vector<96x384xf32> -> vector<128x384xf32>
      %mul3A_1197 = arith.mulf %mul3A_1188, %concatenate3A_1196 : vector<128x384xf32>
      %add3A_1198 = arith.addf %mul3A_1197, %add3A_1187 : vector<128x384xf32>
      %mul3A_1199 = arith.mulf %mul3A_1188, %concatenate3A_1192 : vector<128x384xf32>
      %broadcast_in_dim3A_1200 = arith.constant 1.000000e+00 : f32
      %broadcast_in_dim3A_1201 = vector.broadcast %broadcast_in_dim3A_1200 : f32 to vector<64x384xf32>
      %slice3A_1202 = vector.extract_strided_slice %mul3A_1199 {offsets = [0, 0], sizes = [64, 384], strides = [1, 1]} : vector<128x384xf32> to vector<64x384xf32>
      %concatenate3A_1203 = tpu.concatenate %broadcast_in_dim3A_1201, %slice3A_1202 in 0 : vector<64x384xf32>, vector<64x384xf32> -> vector<128x384xf32>
      %broadcast_in_dim3A_1204 = arith.constant 0.000000e+00 : f32
      %broadcast_in_dim3A_1205 = vector.broadcast %broadcast_in_dim3A_1204 : f32 to vector<64x384xf32>
      %slice3A_1206 = vector.extract_strided_slice %add3A_1198 {offsets = [0, 0], sizes = [64, 384], strides = [1, 1]} : vector<128x384xf32> to vector<64x384xf32>
      %concatenate3A_1207 = tpu.concatenate %broadcast_in_dim3A_1205, %slice3A_1206 in 0 : vector<64x384xf32>, vector<64x384xf32> -> vector<128x384xf32>
      %mul3A_1208 = arith.mulf %mul3A_1199, %concatenate3A_1207 : vector<128x384xf32>
      %add3A_1209 = arith.addf %mul3A_1208, %add3A_1198 : vector<128x384xf32>
      %mul3A_1210 = arith.mulf %mul3A_1199, %concatenate3A_1203 : vector<128x384xf32>
      %slice3A_1211 = vector.extract_strided_slice %while3A_197 {offsets = [9, 0], sizes = [1, 384], strides = [1, 1]} : vector<16x384xf32> to vector<1x384xf32>
      %squeeze3A_1212 = vector.shape_cast %slice3A_1211 : vector<1x384xf32> to vector<384xf32>
      %broadcast_in_dim3A_1213 = vector.shape_cast %squeeze3A_1212 : vector<384xf32> to vector<1x384xf32>
      %mul3A_1214 = vector.broadcast %broadcast_in_dim3A_1213 : vector<1x384xf32> to vector<128x384xf32>
      %mul3A_1215 = arith.mulf %mul3A_1210, %mul3A_1214 : vector<128x384xf32>
      %add3A_1216 = arith.addf %mul3A_1215, %add3A_1209 : vector<128x384xf32>
      %slice3A_1217 = vector.extract_strided_slice %get3A_211 {offsets = [0, 9], sizes = [128, 1], strides = [1, 1]} : vector<128x16xf32> to vector<128x1xf32>
      %squeeze3A_1218 = vector.shape_cast %slice3A_1217 : vector<128x1xf32> to vector<128xf32>
      %broadcast_in_dim3A_1219 = vector.shape_cast %squeeze3A_1218 : vector<128xf32> to vector<128x1xf32>
      %mul3A_1220 = vector.broadcast %broadcast_in_dim3A_1219 : vector<128x1xf32> to vector<128x384xf32>
      %mul3A_1221 = arith.mulf %add3A_1216, %mul3A_1220 : vector<128x384xf32>
      %add3A_1222 = arith.addf %add3A_1121, %mul3A_1221 : vector<128x384xf32>
      %slice3A_1223 = vector.extract_strided_slice %add3A_1216 {offsets = [127, 0], sizes = [1, 384], strides = [1, 1]} : vector<128x384xf32> to vector<1x384xf32>
      %slice3A_1224 = vector.extract_strided_slice %neg3A_110 {offsets = [0, 10], sizes = [384, 1], strides = [1, 1]} : vector<384x16xf32> to vector<384x1xf32>
      %squeeze3A_1225 = vector.shape_cast %slice3A_1224 : vector<384x1xf32> to vector<384xf32>
      %broadcast_in_dim3A_1226 = vector.shape_cast %squeeze3A_1225 : vector<384xf32> to vector<1x384xf32>
      %mul3A_1227 = vector.broadcast %broadcast_in_dim3A_1226 : vector<1x384xf32> to vector<128x384xf32>
      %mul3A_1228 = arith.mulf %get3A_202, %mul3A_1227 : vector<128x384xf32>
      %exp3A_1229 = math.exp %mul3A_1228 : vector<128x384xf32>
      %slice3A_1230 = vector.extract_strided_slice %get3A_208 {offsets = [0, 10], sizes = [128, 1], strides = [1, 1]} : vector<128x16xf32> to vector<128x1xf32>
      %squeeze3A_1231 = vector.shape_cast %slice3A_1230 : vector<128x1xf32> to vector<128xf32>
      %broadcast_in_dim3A_1232 = vector.shape_cast %squeeze3A_1231 : vector<128xf32> to vector<128x1xf32>
      %mul3A_1233 = vector.broadcast %broadcast_in_dim3A_1232 : vector<128x1xf32> to vector<128x384xf32>
      %mul3A_1234 = arith.mulf %get3A_205, %mul3A_1233 : vector<128x384xf32>
      %broadcast_in_dim3A_1235 = arith.constant 1.000000e+00 : f32
      %broadcast_in_dim3A_1236 = vector.broadcast %broadcast_in_dim3A_1235 : f32 to vector<1x384xf32>
      %slice3A_1237 = vector.extract_strided_slice %exp3A_1229 {offsets = [0, 0], sizes = [127, 384], strides = [1, 1]} : vector<128x384xf32> to vector<127x384xf32>
      %concatenate3A_1238 = tpu.concatenate %broadcast_in_dim3A_1236, %slice3A_1237 in 0 : vector<1x384xf32>, vector<127x384xf32> -> vector<128x384xf32>
      %broadcast_in_dim3A_1239 = arith.constant 0.000000e+00 : f32
      %broadcast_in_dim3A_1240 = vector.broadcast %broadcast_in_dim3A_1239 : f32 to vector<1x384xf32>
      %slice3A_1241 = vector.extract_strided_slice %mul3A_1234 {offsets = [0, 0], sizes = [127, 384], strides = [1, 1]} : vector<128x384xf32> to vector<127x384xf32>
      %concatenate3A_1242 = tpu.concatenate %broadcast_in_dim3A_1240, %slice3A_1241 in 0 : vector<1x384xf32>, vector<127x384xf32> -> vector<128x384xf32>
      %mul3A_1243 = arith.mulf %exp3A_1229, %concatenate3A_1242 : vector<128x384xf32>
      %add3A_1244 = arith.addf %mul3A_1243, %mul3A_1234 : vector<128x384xf32>
      %mul3A_1245 = arith.mulf %exp3A_1229, %concatenate3A_1238 : vector<128x384xf32>
      %broadcast_in_dim3A_1246 = arith.constant 1.000000e+00 : f32
      %broadcast_in_dim3A_1247 = vector.broadcast %broadcast_in_dim3A_1246 : f32 to vector<2x384xf32>
      %slice3A_1248 = vector.extract_strided_slice %mul3A_1245 {offsets = [0, 0], sizes = [126, 384], strides = [1, 1]} : vector<128x384xf32> to vector<126x384xf32>
      %concatenate3A_1249 = tpu.concatenate %broadcast_in_dim3A_1247, %slice3A_1248 in 0 : vector<2x384xf32>, vector<126x384xf32> -> vector<128x384xf32>
      %broadcast_in_dim3A_1250 = arith.constant 0.000000e+00 : f32
      %broadcast_in_dim3A_1251 = vector.broadcast %broadcast_in_dim3A_1250 : f32 to vector<2x384xf32>
      %slice3A_1252 = vector.extract_strided_slice %add3A_1244 {offsets = [0, 0], sizes = [126, 384], strides = [1, 1]} : vector<128x384xf32> to vector<126x384xf32>
      %concatenate3A_1253 = tpu.concatenate %broadcast_in_dim3A_1251, %slice3A_1252 in 0 : vector<2x384xf32>, vector<126x384xf32> -> vector<128x384xf32>
      %mul3A_1254 = arith.mulf %mul3A_1245, %concatenate3A_1253 : vector<128x384xf32>
      %add3A_1255 = arith.addf %mul3A_1254, %add3A_1244 : vector<128x384xf32>
      %mul3A_1256 = arith.mulf %mul3A_1245, %concatenate3A_1249 : vector<128x384xf32>
      %broadcast_in_dim3A_1257 = arith.constant 1.000000e+00 : f32
      %broadcast_in_dim3A_1258 = vector.broadcast %broadcast_in_dim3A_1257 : f32 to vector<4x384xf32>
      %slice3A_1259 = vector.extract_strided_slice %mul3A_1256 {offsets = [0, 0], sizes = [124, 384], strides = [1, 1]} : vector<128x384xf32> to vector<124x384xf32>
      %concatenate3A_1260 = tpu.concatenate %broadcast_in_dim3A_1258, %slice3A_1259 in 0 : vector<4x384xf32>, vector<124x384xf32> -> vector<128x384xf32>
      %broadcast_in_dim3A_1261 = arith.constant 0.000000e+00 : f32
      %broadcast_in_dim3A_1262 = vector.broadcast %broadcast_in_dim3A_1261 : f32 to vector<4x384xf32>
      %slice3A_1263 = vector.extract_strided_slice %add3A_1255 {offsets = [0, 0], sizes = [124, 384], strides = [1, 1]} : vector<128x384xf32> to vector<124x384xf32>
      %concatenate3A_1264 = tpu.concatenate %broadcast_in_dim3A_1262, %slice3A_1263 in 0 : vector<4x384xf32>, vector<124x384xf32> -> vector<128x384xf32>
      %mul3A_1265 = arith.mulf %mul3A_1256, %concatenate3A_1264 : vector<128x384xf32>
      %add3A_1266 = arith.addf %mul3A_1265, %add3A_1255 : vector<128x384xf32>
      %mul3A_1267 = arith.mulf %mul3A_1256, %concatenate3A_1260 : vector<128x384xf32>
      %broadcast_in_dim3A_1268 = arith.constant 1.000000e+00 : f32
      %broadcast_in_dim3A_1269 = vector.broadcast %broadcast_in_dim3A_1268 : f32 to vector<8x384xf32>
      %slice3A_1270 = vector.extract_strided_slice %mul3A_1267 {offsets = [0, 0], sizes = [120, 384], strides = [1, 1]} : vector<128x384xf32> to vector<120x384xf32>
      %concatenate3A_1271 = tpu.concatenate %broadcast_in_dim3A_1269, %slice3A_1270 in 0 : vector<8x384xf32>, vector<120x384xf32> -> vector<128x384xf32>
      %broadcast_in_dim3A_1272 = arith.constant 0.000000e+00 : f32
      %broadcast_in_dim3A_1273 = vector.broadcast %broadcast_in_dim3A_1272 : f32 to vector<8x384xf32>
      %slice3A_1274 = vector.extract_strided_slice %add3A_1266 {offsets = [0, 0], sizes = [120, 384], strides = [1, 1]} : vector<128x384xf32> to vector<120x384xf32>
      %concatenate3A_1275 = tpu.concatenate %broadcast_in_dim3A_1273, %slice3A_1274 in 0 : vector<8x384xf32>, vector<120x384xf32> -> vector<128x384xf32>
      %mul3A_1276 = arith.mulf %mul3A_1267, %concatenate3A_1275 : vector<128x384xf32>
      %add3A_1277 = arith.addf %mul3A_1276, %add3A_1266 : vector<128x384xf32>
      %mul3A_1278 = arith.mulf %mul3A_1267, %concatenate3A_1271 : vector<128x384xf32>
      %broadcast_in_dim3A_1279 = arith.constant 1.000000e+00 : f32
      %broadcast_in_dim3A_1280 = vector.broadcast %broadcast_in_dim3A_1279 : f32 to vector<16x384xf32>
      %slice3A_1281 = vector.extract_strided_slice %mul3A_1278 {offsets = [0, 0], sizes = [112, 384], strides = [1, 1]} : vector<128x384xf32> to vector<112x384xf32>
      %concatenate3A_1282 = tpu.concatenate %broadcast_in_dim3A_1280, %slice3A_1281 in 0 : vector<16x384xf32>, vector<112x384xf32> -> vector<128x384xf32>
      %broadcast_in_dim3A_1283 = arith.constant 0.000000e+00 : f32
      %broadcast_in_dim3A_1284 = vector.broadcast %broadcast_in_dim3A_1283 : f32 to vector<16x384xf32>
      %slice3A_1285 = vector.extract_strided_slice %add3A_1277 {offsets = [0, 0], sizes = [112, 384], strides = [1, 1]} : vector<128x384xf32> to vector<112x384xf32>
      %concatenate3A_1286 = tpu.concatenate %broadcast_in_dim3A_1284, %slice3A_1285 in 0 : vector<16x384xf32>, vector<112x384xf32> -> vector<128x384xf32>
      %mul3A_1287 = arith.mulf %mul3A_1278, %concatenate3A_1286 : vector<128x384xf32>
      %add3A_1288 = arith.addf %mul3A_1287, %add3A_1277 : vector<128x384xf32>
      %mul3A_1289 = arith.mulf %mul3A_1278, %concatenate3A_1282 : vector<128x384xf32>
      %broadcast_in_dim3A_1290 = arith.constant 1.000000e+00 : f32
      %broadcast_in_dim3A_1291 = vector.broadcast %broadcast_in_dim3A_1290 : f32 to vector<32x384xf32>
      %slice3A_1292 = vector.extract_strided_slice %mul3A_1289 {offsets = [0, 0], sizes = [96, 384], strides = [1, 1]} : vector<128x384xf32> to vector<96x384xf32>
      %concatenate3A_1293 = tpu.concatenate %broadcast_in_dim3A_1291, %slice3A_1292 in 0 : vector<32x384xf32>, vector<96x384xf32> -> vector<128x384xf32>
      %broadcast_in_dim3A_1294 = arith.constant 0.000000e+00 : f32
      %broadcast_in_dim3A_1295 = vector.broadcast %broadcast_in_dim3A_1294 : f32 to vector<32x384xf32>
      %slice3A_1296 = vector.extract_strided_slice %add3A_1288 {offsets = [0, 0], sizes = [96, 384], strides = [1, 1]} : vector<128x384xf32> to vector<96x384xf32>
      %concatenate3A_1297 = tpu.concatenate %broadcast_in_dim3A_1295, %slice3A_1296 in 0 : vector<32x384xf32>, vector<96x384xf32> -> vector<128x384xf32>
      %mul3A_1298 = arith.mulf %mul3A_1289, %concatenate3A_1297 : vector<128x384xf32>
      %add3A_1299 = arith.addf %mul3A_1298, %add3A_1288 : vector<128x384xf32>
      %mul3A_1300 = arith.mulf %mul3A_1289, %concatenate3A_1293 : vector<128x384xf32>
      %broadcast_in_dim3A_1301 = arith.constant 1.000000e+00 : f32
      %broadcast_in_dim3A_1302 = vector.broadcast %broadcast_in_dim3A_1301 : f32 to vector<64x384xf32>
      %slice3A_1303 = vector.extract_strided_slice %mul3A_1300 {offsets = [0, 0], sizes = [64, 384], strides = [1, 1]} : vector<128x384xf32> to vector<64x384xf32>
      %concatenate3A_1304 = tpu.concatenate %broadcast_in_dim3A_1302, %slice3A_1303 in 0 : vector<64x384xf32>, vector<64x384xf32> -> vector<128x384xf32>
      %broadcast_in_dim3A_1305 = arith.constant 0.000000e+00 : f32
      %broadcast_in_dim3A_1306 = vector.broadcast %broadcast_in_dim3A_1305 : f32 to vector<64x384xf32>
      %slice3A_1307 = vector.extract_strided_slice %add3A_1299 {offsets = [0, 0], sizes = [64, 384], strides = [1, 1]} : vector<128x384xf32> to vector<64x384xf32>
      %concatenate3A_1308 = tpu.concatenate %broadcast_in_dim3A_1306, %slice3A_1307 in 0 : vector<64x384xf32>, vector<64x384xf32> -> vector<128x384xf32>
      %mul3A_1309 = arith.mulf %mul3A_1300, %concatenate3A_1308 : vector<128x384xf32>
      %add3A_1310 = arith.addf %mul3A_1309, %add3A_1299 : vector<128x384xf32>
      %mul3A_1311 = arith.mulf %mul3A_1300, %concatenate3A_1304 : vector<128x384xf32>
      %slice3A_1312 = vector.extract_strided_slice %while3A_197 {offsets = [10, 0], sizes = [1, 384], strides = [1, 1]} : vector<16x384xf32> to vector<1x384xf32>
      %squeeze3A_1313 = vector.shape_cast %slice3A_1312 : vector<1x384xf32> to vector<384xf32>
      %broadcast_in_dim3A_1314 = vector.shape_cast %squeeze3A_1313 : vector<384xf32> to vector<1x384xf32>
      %mul3A_1315 = vector.broadcast %broadcast_in_dim3A_1314 : vector<1x384xf32> to vector<128x384xf32>
      %mul3A_1316 = arith.mulf %mul3A_1311, %mul3A_1315 : vector<128x384xf32>
      %add3A_1317 = arith.addf %mul3A_1316, %add3A_1310 : vector<128x384xf32>
      %slice3A_1318 = vector.extract_strided_slice %get3A_211 {offsets = [0, 10], sizes = [128, 1], strides = [1, 1]} : vector<128x16xf32> to vector<128x1xf32>
      %squeeze3A_1319 = vector.shape_cast %slice3A_1318 : vector<128x1xf32> to vector<128xf32>
      %broadcast_in_dim3A_1320 = vector.shape_cast %squeeze3A_1319 : vector<128xf32> to vector<128x1xf32>
      %mul3A_1321 = vector.broadcast %broadcast_in_dim3A_1320 : vector<128x1xf32> to vector<128x384xf32>
      %mul3A_1322 = arith.mulf %add3A_1317, %mul3A_1321 : vector<128x384xf32>
      %add3A_1323 = arith.addf %add3A_1222, %mul3A_1322 : vector<128x384xf32>
      %slice3A_1324 = vector.extract_strided_slice %add3A_1317 {offsets = [127, 0], sizes = [1, 384], strides = [1, 1]} : vector<128x384xf32> to vector<1x384xf32>
      %slice3A_1325 = vector.extract_strided_slice %neg3A_110 {offsets = [0, 11], sizes = [384, 1], strides = [1, 1]} : vector<384x16xf32> to vector<384x1xf32>
      %squeeze3A_1326 = vector.shape_cast %slice3A_1325 : vector<384x1xf32> to vector<384xf32>
      %broadcast_in_dim3A_1327 = vector.shape_cast %squeeze3A_1326 : vector<384xf32> to vector<1x384xf32>
      %mul3A_1328 = vector.broadcast %broadcast_in_dim3A_1327 : vector<1x384xf32> to vector<128x384xf32>
      %mul3A_1329 = arith.mulf %get3A_202, %mul3A_1328 : vector<128x384xf32>
      %exp3A_1330 = math.exp %mul3A_1329 : vector<128x384xf32>
      %slice3A_1331 = vector.extract_strided_slice %get3A_208 {offsets = [0, 11], sizes = [128, 1], strides = [1, 1]} : vector<128x16xf32> to vector<128x1xf32>
      %squeeze3A_1332 = vector.shape_cast %slice3A_1331 : vector<128x1xf32> to vector<128xf32>
      %broadcast_in_dim3A_1333 = vector.shape_cast %squeeze3A_1332 : vector<128xf32> to vector<128x1xf32>
      %mul3A_1334 = vector.broadcast %broadcast_in_dim3A_1333 : vector<128x1xf32> to vector<128x384xf32>
      %mul3A_1335 = arith.mulf %get3A_205, %mul3A_1334 : vector<128x384xf32>
      %broadcast_in_dim3A_1336 = arith.constant 1.000000e+00 : f32
      %broadcast_in_dim3A_1337 = vector.broadcast %broadcast_in_dim3A_1336 : f32 to vector<1x384xf32>
      %slice3A_1338 = vector.extract_strided_slice %exp3A_1330 {offsets = [0, 0], sizes = [127, 384], strides = [1, 1]} : vector<128x384xf32> to vector<127x384xf32>
      %concatenate3A_1339 = tpu.concatenate %broadcast_in_dim3A_1337, %slice3A_1338 in 0 : vector<1x384xf32>, vector<127x384xf32> -> vector<128x384xf32>
      %broadcast_in_dim3A_1340 = arith.constant 0.000000e+00 : f32
      %broadcast_in_dim3A_1341 = vector.broadcast %broadcast_in_dim3A_1340 : f32 to vector<1x384xf32>
      %slice3A_1342 = vector.extract_strided_slice %mul3A_1335 {offsets = [0, 0], sizes = [127, 384], strides = [1, 1]} : vector<128x384xf32> to vector<127x384xf32>
      %concatenate3A_1343 = tpu.concatenate %broadcast_in_dim3A_1341, %slice3A_1342 in 0 : vector<1x384xf32>, vector<127x384xf32> -> vector<128x384xf32>
      %mul3A_1344 = arith.mulf %exp3A_1330, %concatenate3A_1343 : vector<128x384xf32>
      %add3A_1345 = arith.addf %mul3A_1344, %mul3A_1335 : vector<128x384xf32>
      %mul3A_1346 = arith.mulf %exp3A_1330, %concatenate3A_1339 : vector<128x384xf32>
      %broadcast_in_dim3A_1347 = arith.constant 1.000000e+00 : f32
      %broadcast_in_dim3A_1348 = vector.broadcast %broadcast_in_dim3A_1347 : f32 to vector<2x384xf32>
      %slice3A_1349 = vector.extract_strided_slice %mul3A_1346 {offsets = [0, 0], sizes = [126, 384], strides = [1, 1]} : vector<128x384xf32> to vector<126x384xf32>
      %concatenate3A_1350 = tpu.concatenate %broadcast_in_dim3A_1348, %slice3A_1349 in 0 : vector<2x384xf32>, vector<126x384xf32> -> vector<128x384xf32>
      %broadcast_in_dim3A_1351 = arith.constant 0.000000e+00 : f32
      %broadcast_in_dim3A_1352 = vector.broadcast %broadcast_in_dim3A_1351 : f32 to vector<2x384xf32>
      %slice3A_1353 = vector.extract_strided_slice %add3A_1345 {offsets = [0, 0], sizes = [126, 384], strides = [1, 1]} : vector<128x384xf32> to vector<126x384xf32>
      %concatenate3A_1354 = tpu.concatenate %broadcast_in_dim3A_1352, %slice3A_1353 in 0 : vector<2x384xf32>, vector<126x384xf32> -> vector<128x384xf32>
      %mul3A_1355 = arith.mulf %mul3A_1346, %concatenate3A_1354 : vector<128x384xf32>
      %add3A_1356 = arith.addf %mul3A_1355, %add3A_1345 : vector<128x384xf32>
      %mul3A_1357 = arith.mulf %mul3A_1346, %concatenate3A_1350 : vector<128x384xf32>
      %broadcast_in_dim3A_1358 = arith.constant 1.000000e+00 : f32
      %broadcast_in_dim3A_1359 = vector.broadcast %broadcast_in_dim3A_1358 : f32 to vector<4x384xf32>
      %slice3A_1360 = vector.extract_strided_slice %mul3A_1357 {offsets = [0, 0], sizes = [124, 384], strides = [1, 1]} : vector<128x384xf32> to vector<124x384xf32>
      %concatenate3A_1361 = tpu.concatenate %broadcast_in_dim3A_1359, %slice3A_1360 in 0 : vector<4x384xf32>, vector<124x384xf32> -> vector<128x384xf32>
      %broadcast_in_dim3A_1362 = arith.constant 0.000000e+00 : f32
      %broadcast_in_dim3A_1363 = vector.broadcast %broadcast_in_dim3A_1362 : f32 to vector<4x384xf32>
      %slice3A_1364 = vector.extract_strided_slice %add3A_1356 {offsets = [0, 0], sizes = [124, 384], strides = [1, 1]} : vector<128x384xf32> to vector<124x384xf32>
      %concatenate3A_1365 = tpu.concatenate %broadcast_in_dim3A_1363, %slice3A_1364 in 0 : vector<4x384xf32>, vector<124x384xf32> -> vector<128x384xf32>
      %mul3A_1366 = arith.mulf %mul3A_1357, %concatenate3A_1365 : vector<128x384xf32>
      %add3A_1367 = arith.addf %mul3A_1366, %add3A_1356 : vector<128x384xf32>
      %mul3A_1368 = arith.mulf %mul3A_1357, %concatenate3A_1361 : vector<128x384xf32>
      %broadcast_in_dim3A_1369 = arith.constant 1.000000e+00 : f32
      %broadcast_in_dim3A_1370 = vector.broadcast %broadcast_in_dim3A_1369 : f32 to vector<8x384xf32>
      %slice3A_1371 = vector.extract_strided_slice %mul3A_1368 {offsets = [0, 0], sizes = [120, 384], strides = [1, 1]} : vector<128x384xf32> to vector<120x384xf32>
      %concatenate3A_1372 = tpu.concatenate %broadcast_in_dim3A_1370, %slice3A_1371 in 0 : vector<8x384xf32>, vector<120x384xf32> -> vector<128x384xf32>
      %broadcast_in_dim3A_1373 = arith.constant 0.000000e+00 : f32
      %broadcast_in_dim3A_1374 = vector.broadcast %broadcast_in_dim3A_1373 : f32 to vector<8x384xf32>
      %slice3A_1375 = vector.extract_strided_slice %add3A_1367 {offsets = [0, 0], sizes = [120, 384], strides = [1, 1]} : vector<128x384xf32> to vector<120x384xf32>
      %concatenate3A_1376 = tpu.concatenate %broadcast_in_dim3A_1374, %slice3A_1375 in 0 : vector<8x384xf32>, vector<120x384xf32> -> vector<128x384xf32>
      %mul3A_1377 = arith.mulf %mul3A_1368, %concatenate3A_1376 : vector<128x384xf32>
      %add3A_1378 = arith.addf %mul3A_1377, %add3A_1367 : vector<128x384xf32>
      %mul3A_1379 = arith.mulf %mul3A_1368, %concatenate3A_1372 : vector<128x384xf32>
      %broadcast_in_dim3A_1380 = arith.constant 1.000000e+00 : f32
      %broadcast_in_dim3A_1381 = vector.broadcast %broadcast_in_dim3A_1380 : f32 to vector<16x384xf32>
      %slice3A_1382 = vector.extract_strided_slice %mul3A_1379 {offsets = [0, 0], sizes = [112, 384], strides = [1, 1]} : vector<128x384xf32> to vector<112x384xf32>
      %concatenate3A_1383 = tpu.concatenate %broadcast_in_dim3A_1381, %slice3A_1382 in 0 : vector<16x384xf32>, vector<112x384xf32> -> vector<128x384xf32>
      %broadcast_in_dim3A_1384 = arith.constant 0.000000e+00 : f32
      %broadcast_in_dim3A_1385 = vector.broadcast %broadcast_in_dim3A_1384 : f32 to vector<16x384xf32>
      %slice3A_1386 = vector.extract_strided_slice %add3A_1378 {offsets = [0, 0], sizes = [112, 384], strides = [1, 1]} : vector<128x384xf32> to vector<112x384xf32>
      %concatenate3A_1387 = tpu.concatenate %broadcast_in_dim3A_1385, %slice3A_1386 in 0 : vector<16x384xf32>, vector<112x384xf32> -> vector<128x384xf32>
      %mul3A_1388 = arith.mulf %mul3A_1379, %concatenate3A_1387 : vector<128x384xf32>
      %add3A_1389 = arith.addf %mul3A_1388, %add3A_1378 : vector<128x384xf32>
      %mul3A_1390 = arith.mulf %mul3A_1379, %concatenate3A_1383 : vector<128x384xf32>
      %broadcast_in_dim3A_1391 = arith.constant 1.000000e+00 : f32
      %broadcast_in_dim3A_1392 = vector.broadcast %broadcast_in_dim3A_1391 : f32 to vector<32x384xf32>
      %slice3A_1393 = vector.extract_strided_slice %mul3A_1390 {offsets = [0, 0], sizes = [96, 384], strides = [1, 1]} : vector<128x384xf32> to vector<96x384xf32>
      %concatenate3A_1394 = tpu.concatenate %broadcast_in_dim3A_1392, %slice3A_1393 in 0 : vector<32x384xf32>, vector<96x384xf32> -> vector<128x384xf32>
      %broadcast_in_dim3A_1395 = arith.constant 0.000000e+00 : f32
      %broadcast_in_dim3A_1396 = vector.broadcast %broadcast_in_dim3A_1395 : f32 to vector<32x384xf32>
      %slice3A_1397 = vector.extract_strided_slice %add3A_1389 {offsets = [0, 0], sizes = [96, 384], strides = [1, 1]} : vector<128x384xf32> to vector<96x384xf32>
      %concatenate3A_1398 = tpu.concatenate %broadcast_in_dim3A_1396, %slice3A_1397 in 0 : vector<32x384xf32>, vector<96x384xf32> -> vector<128x384xf32>
      %mul3A_1399 = arith.mulf %mul3A_1390, %concatenate3A_1398 : vector<128x384xf32>
      %add3A_1400 = arith.addf %mul3A_1399, %add3A_1389 : vector<128x384xf32>
      %mul3A_1401 = arith.mulf %mul3A_1390, %concatenate3A_1394 : vector<128x384xf32>
      %broadcast_in_dim3A_1402 = arith.constant 1.000000e+00 : f32
      %broadcast_in_dim3A_1403 = vector.broadcast %broadcast_in_dim3A_1402 : f32 to vector<64x384xf32>
      %slice3A_1404 = vector.extract_strided_slice %mul3A_1401 {offsets = [0, 0], sizes = [64, 384], strides = [1, 1]} : vector<128x384xf32> to vector<64x384xf32>
      %concatenate3A_1405 = tpu.concatenate %broadcast_in_dim3A_1403, %slice3A_1404 in 0 : vector<64x384xf32>, vector<64x384xf32> -> vector<128x384xf32>
      %broadcast_in_dim3A_1406 = arith.constant 0.000000e+00 : f32
      %broadcast_in_dim3A_1407 = vector.broadcast %broadcast_in_dim3A_1406 : f32 to vector<64x384xf32>
      %slice3A_1408 = vector.extract_strided_slice %add3A_1400 {offsets = [0, 0], sizes = [64, 384], strides = [1, 1]} : vector<128x384xf32> to vector<64x384xf32>
      %concatenate3A_1409 = tpu.concatenate %broadcast_in_dim3A_1407, %slice3A_1408 in 0 : vector<64x384xf32>, vector<64x384xf32> -> vector<128x384xf32>
      %mul3A_1410 = arith.mulf %mul3A_1401, %concatenate3A_1409 : vector<128x384xf32>
      %add3A_1411 = arith.addf %mul3A_1410, %add3A_1400 : vector<128x384xf32>
      %mul3A_1412 = arith.mulf %mul3A_1401, %concatenate3A_1405 : vector<128x384xf32>
      %slice3A_1413 = vector.extract_strided_slice %while3A_197 {offsets = [11, 0], sizes = [1, 384], strides = [1, 1]} : vector<16x384xf32> to vector<1x384xf32>
      %squeeze3A_1414 = vector.shape_cast %slice3A_1413 : vector<1x384xf32> to vector<384xf32>
      %broadcast_in_dim3A_1415 = vector.shape_cast %squeeze3A_1414 : vector<384xf32> to vector<1x384xf32>
      %mul3A_1416 = vector.broadcast %broadcast_in_dim3A_1415 : vector<1x384xf32> to vector<128x384xf32>
      %mul3A_1417 = arith.mulf %mul3A_1412, %mul3A_1416 : vector<128x384xf32>
      %add3A_1418 = arith.addf %mul3A_1417, %add3A_1411 : vector<128x384xf32>
      %slice3A_1419 = vector.extract_strided_slice %get3A_211 {offsets = [0, 11], sizes = [128, 1], strides = [1, 1]} : vector<128x16xf32> to vector<128x1xf32>
      %squeeze3A_1420 = vector.shape_cast %slice3A_1419 : vector<128x1xf32> to vector<128xf32>
      %broadcast_in_dim3A_1421 = vector.shape_cast %squeeze3A_1420 : vector<128xf32> to vector<128x1xf32>
      %mul3A_1422 = vector.broadcast %broadcast_in_dim3A_1421 : vector<128x1xf32> to vector<128x384xf32>
      %mul3A_1423 = arith.mulf %add3A_1418, %mul3A_1422 : vector<128x384xf32>
      %add3A_1424 = arith.addf %add3A_1323, %mul3A_1423 : vector<128x384xf32>
      %slice3A_1425 = vector.extract_strided_slice %add3A_1418 {offsets = [127, 0], sizes = [1, 384], strides = [1, 1]} : vector<128x384xf32> to vector<1x384xf32>
      %slice3A_1426 = vector.extract_strided_slice %neg3A_110 {offsets = [0, 12], sizes = [384, 1], strides = [1, 1]} : vector<384x16xf32> to vector<384x1xf32>
      %squeeze3A_1427 = vector.shape_cast %slice3A_1426 : vector<384x1xf32> to vector<384xf32>
      %broadcast_in_dim3A_1428 = vector.shape_cast %squeeze3A_1427 : vector<384xf32> to vector<1x384xf32>
      %mul3A_1429 = vector.broadcast %broadcast_in_dim3A_1428 : vector<1x384xf32> to vector<128x384xf32>
      %mul3A_1430 = arith.mulf %get3A_202, %mul3A_1429 : vector<128x384xf32>
      %exp3A_1431 = math.exp %mul3A_1430 : vector<128x384xf32>
      %slice3A_1432 = vector.extract_strided_slice %get3A_208 {offsets = [0, 12], sizes = [128, 1], strides = [1, 1]} : vector<128x16xf32> to vector<128x1xf32>
      %squeeze3A_1433 = vector.shape_cast %slice3A_1432 : vector<128x1xf32> to vector<128xf32>
      %broadcast_in_dim3A_1434 = vector.shape_cast %squeeze3A_1433 : vector<128xf32> to vector<128x1xf32>
      %mul3A_1435 = vector.broadcast %broadcast_in_dim3A_1434 : vector<128x1xf32> to vector<128x384xf32>
      %mul3A_1436 = arith.mulf %get3A_205, %mul3A_1435 : vector<128x384xf32>
      %broadcast_in_dim3A_1437 = arith.constant 1.000000e+00 : f32
      %broadcast_in_dim3A_1438 = vector.broadcast %broadcast_in_dim3A_1437 : f32 to vector<1x384xf32>
      %slice3A_1439 = vector.extract_strided_slice %exp3A_1431 {offsets = [0, 0], sizes = [127, 384], strides = [1, 1]} : vector<128x384xf32> to vector<127x384xf32>
      %concatenate3A_1440 = tpu.concatenate %broadcast_in_dim3A_1438, %slice3A_1439 in 0 : vector<1x384xf32>, vector<127x384xf32> -> vector<128x384xf32>
      %broadcast_in_dim3A_1441 = arith.constant 0.000000e+00 : f32
      %broadcast_in_dim3A_1442 = vector.broadcast %broadcast_in_dim3A_1441 : f32 to vector<1x384xf32>
      %slice3A_1443 = vector.extract_strided_slice %mul3A_1436 {offsets = [0, 0], sizes = [127, 384], strides = [1, 1]} : vector<128x384xf32> to vector<127x384xf32>
      %concatenate3A_1444 = tpu.concatenate %broadcast_in_dim3A_1442, %slice3A_1443 in 0 : vector<1x384xf32>, vector<127x384xf32> -> vector<128x384xf32>
      %mul3A_1445 = arith.mulf %exp3A_1431, %concatenate3A_1444 : vector<128x384xf32>
      %add3A_1446 = arith.addf %mul3A_1445, %mul3A_1436 : vector<128x384xf32>
      %mul3A_1447 = arith.mulf %exp3A_1431, %concatenate3A_1440 : vector<128x384xf32>
      %broadcast_in_dim3A_1448 = arith.constant 1.000000e+00 : f32
      %broadcast_in_dim3A_1449 = vector.broadcast %broadcast_in_dim3A_1448 : f32 to vector<2x384xf32>
      %slice3A_1450 = vector.extract_strided_slice %mul3A_1447 {offsets = [0, 0], sizes = [126, 384], strides = [1, 1]} : vector<128x384xf32> to vector<126x384xf32>
      %concatenate3A_1451 = tpu.concatenate %broadcast_in_dim3A_1449, %slice3A_1450 in 0 : vector<2x384xf32>, vector<126x384xf32> -> vector<128x384xf32>
      %broadcast_in_dim3A_1452 = arith.constant 0.000000e+00 : f32
      %broadcast_in_dim3A_1453 = vector.broadcast %broadcast_in_dim3A_1452 : f32 to vector<2x384xf32>
      %slice3A_1454 = vector.extract_strided_slice %add3A_1446 {offsets = [0, 0], sizes = [126, 384], strides = [1, 1]} : vector<128x384xf32> to vector<126x384xf32>
      %concatenate3A_1455 = tpu.concatenate %broadcast_in_dim3A_1453, %slice3A_1454 in 0 : vector<2x384xf32>, vector<126x384xf32> -> vector<128x384xf32>
      %mul3A_1456 = arith.mulf %mul3A_1447, %concatenate3A_1455 : vector<128x384xf32>
      %add3A_1457 = arith.addf %mul3A_1456, %add3A_1446 : vector<128x384xf32>
      %mul3A_1458 = arith.mulf %mul3A_1447, %concatenate3A_1451 : vector<128x384xf32>
      %broadcast_in_dim3A_1459 = arith.constant 1.000000e+00 : f32
      %broadcast_in_dim3A_1460 = vector.broadcast %broadcast_in_dim3A_1459 : f32 to vector<4x384xf32>
      %slice3A_1461 = vector.extract_strided_slice %mul3A_1458 {offsets = [0, 0], sizes = [124, 384], strides = [1, 1]} : vector<128x384xf32> to vector<124x384xf32>
      %concatenate3A_1462 = tpu.concatenate %broadcast_in_dim3A_1460, %slice3A_1461 in 0 : vector<4x384xf32>, vector<124x384xf32> -> vector<128x384xf32>
      %broadcast_in_dim3A_1463 = arith.constant 0.000000e+00 : f32
      %broadcast_in_dim3A_1464 = vector.broadcast %broadcast_in_dim3A_1463 : f32 to vector<4x384xf32>
      %slice3A_1465 = vector.extract_strided_slice %add3A_1457 {offsets = [0, 0], sizes = [124, 384], strides = [1, 1]} : vector<128x384xf32> to vector<124x384xf32>
      %concatenate3A_1466 = tpu.concatenate %broadcast_in_dim3A_1464, %slice3A_1465 in 0 : vector<4x384xf32>, vector<124x384xf32> -> vector<128x384xf32>
      %mul3A_1467 = arith.mulf %mul3A_1458, %concatenate3A_1466 : vector<128x384xf32>
      %add3A_1468 = arith.addf %mul3A_1467, %add3A_1457 : vector<128x384xf32>
      %mul3A_1469 = arith.mulf %mul3A_1458, %concatenate3A_1462 : vector<128x384xf32>
      %broadcast_in_dim3A_1470 = arith.constant 1.000000e+00 : f32
      %broadcast_in_dim3A_1471 = vector.broadcast %broadcast_in_dim3A_1470 : f32 to vector<8x384xf32>
      %slice3A_1472 = vector.extract_strided_slice %mul3A_1469 {offsets = [0, 0], sizes = [120, 384], strides = [1, 1]} : vector<128x384xf32> to vector<120x384xf32>
      %concatenate3A_1473 = tpu.concatenate %broadcast_in_dim3A_1471, %slice3A_1472 in 0 : vector<8x384xf32>, vector<120x384xf32> -> vector<128x384xf32>
      %broadcast_in_dim3A_1474 = arith.constant 0.000000e+00 : f32
      %broadcast_in_dim3A_1475 = vector.broadcast %broadcast_in_dim3A_1474 : f32 to vector<8x384xf32>
      %slice3A_1476 = vector.extract_strided_slice %add3A_1468 {offsets = [0, 0], sizes = [120, 384], strides = [1, 1]} : vector<128x384xf32> to vector<120x384xf32>
      %concatenate3A_1477 = tpu.concatenate %broadcast_in_dim3A_1475, %slice3A_1476 in 0 : vector<8x384xf32>, vector<120x384xf32> -> vector<128x384xf32>
      %mul3A_1478 = arith.mulf %mul3A_1469, %concatenate3A_1477 : vector<128x384xf32>
      %add3A_1479 = arith.addf %mul3A_1478, %add3A_1468 : vector<128x384xf32>
      %mul3A_1480 = arith.mulf %mul3A_1469, %concatenate3A_1473 : vector<128x384xf32>
      %broadcast_in_dim3A_1481 = arith.constant 1.000000e+00 : f32
      %broadcast_in_dim3A_1482 = vector.broadcast %broadcast_in_dim3A_1481 : f32 to vector<16x384xf32>
      %slice3A_1483 = vector.extract_strided_slice %mul3A_1480 {offsets = [0, 0], sizes = [112, 384], strides = [1, 1]} : vector<128x384xf32> to vector<112x384xf32>
      %concatenate3A_1484 = tpu.concatenate %broadcast_in_dim3A_1482, %slice3A_1483 in 0 : vector<16x384xf32>, vector<112x384xf32> -> vector<128x384xf32>
      %broadcast_in_dim3A_1485 = arith.constant 0.000000e+00 : f32
      %broadcast_in_dim3A_1486 = vector.broadcast %broadcast_in_dim3A_1485 : f32 to vector<16x384xf32>
      %slice3A_1487 = vector.extract_strided_slice %add3A_1479 {offsets = [0, 0], sizes = [112, 384], strides = [1, 1]} : vector<128x384xf32> to vector<112x384xf32>
      %concatenate3A_1488 = tpu.concatenate %broadcast_in_dim3A_1486, %slice3A_1487 in 0 : vector<16x384xf32>, vector<112x384xf32> -> vector<128x384xf32>
      %mul3A_1489 = arith.mulf %mul3A_1480, %concatenate3A_1488 : vector<128x384xf32>
      %add3A_1490 = arith.addf %mul3A_1489, %add3A_1479 : vector<128x384xf32>
      %mul3A_1491 = arith.mulf %mul3A_1480, %concatenate3A_1484 : vector<128x384xf32>
      %broadcast_in_dim3A_1492 = arith.constant 1.000000e+00 : f32
      %broadcast_in_dim3A_1493 = vector.broadcast %broadcast_in_dim3A_1492 : f32 to vector<32x384xf32>
      %slice3A_1494 = vector.extract_strided_slice %mul3A_1491 {offsets = [0, 0], sizes = [96, 384], strides = [1, 1]} : vector<128x384xf32> to vector<96x384xf32>
      %concatenate3A_1495 = tpu.concatenate %broadcast_in_dim3A_1493, %slice3A_1494 in 0 : vector<32x384xf32>, vector<96x384xf32> -> vector<128x384xf32>
      %broadcast_in_dim3A_1496 = arith.constant 0.000000e+00 : f32
      %broadcast_in_dim3A_1497 = vector.broadcast %broadcast_in_dim3A_1496 : f32 to vector<32x384xf32>
      %slice3A_1498 = vector.extract_strided_slice %add3A_1490 {offsets = [0, 0], sizes = [96, 384], strides = [1, 1]} : vector<128x384xf32> to vector<96x384xf32>
      %concatenate3A_1499 = tpu.concatenate %broadcast_in_dim3A_1497, %slice3A_1498 in 0 : vector<32x384xf32>, vector<96x384xf32> -> vector<128x384xf32>
      %mul3A_1500 = arith.mulf %mul3A_1491, %concatenate3A_1499 : vector<128x384xf32>
      %add3A_1501 = arith.addf %mul3A_1500, %add3A_1490 : vector<128x384xf32>
      %mul3A_1502 = arith.mulf %mul3A_1491, %concatenate3A_1495 : vector<128x384xf32>
      %broadcast_in_dim3A_1503 = arith.constant 1.000000e+00 : f32
      %broadcast_in_dim3A_1504 = vector.broadcast %broadcast_in_dim3A_1503 : f32 to vector<64x384xf32>
      %slice3A_1505 = vector.extract_strided_slice %mul3A_1502 {offsets = [0, 0], sizes = [64, 384], strides = [1, 1]} : vector<128x384xf32> to vector<64x384xf32>
      %concatenate3A_1506 = tpu.concatenate %broadcast_in_dim3A_1504, %slice3A_1505 in 0 : vector<64x384xf32>, vector<64x384xf32> -> vector<128x384xf32>
      %broadcast_in_dim3A_1507 = arith.constant 0.000000e+00 : f32
      %broadcast_in_dim3A_1508 = vector.broadcast %broadcast_in_dim3A_1507 : f32 to vector<64x384xf32>
      %slice3A_1509 = vector.extract_strided_slice %add3A_1501 {offsets = [0, 0], sizes = [64, 384], strides = [1, 1]} : vector<128x384xf32> to vector<64x384xf32>
      %concatenate3A_1510 = tpu.concatenate %broadcast_in_dim3A_1508, %slice3A_1509 in 0 : vector<64x384xf32>, vector<64x384xf32> -> vector<128x384xf32>
      %mul3A_1511 = arith.mulf %mul3A_1502, %concatenate3A_1510 : vector<128x384xf32>
      %add3A_1512 = arith.addf %mul3A_1511, %add3A_1501 : vector<128x384xf32>
      %mul3A_1513 = arith.mulf %mul3A_1502, %concatenate3A_1506 : vector<128x384xf32>
      %slice3A_1514 = vector.extract_strided_slice %while3A_197 {offsets = [12, 0], sizes = [1, 384], strides = [1, 1]} : vector<16x384xf32> to vector<1x384xf32>
      %squeeze3A_1515 = vector.shape_cast %slice3A_1514 : vector<1x384xf32> to vector<384xf32>
      %broadcast_in_dim3A_1516 = vector.shape_cast %squeeze3A_1515 : vector<384xf32> to vector<1x384xf32>
      %mul3A_1517 = vector.broadcast %broadcast_in_dim3A_1516 : vector<1x384xf32> to vector<128x384xf32>
      %mul3A_1518 = arith.mulf %mul3A_1513, %mul3A_1517 : vector<128x384xf32>
      %add3A_1519 = arith.addf %mul3A_1518, %add3A_1512 : vector<128x384xf32>
      %slice3A_1520 = vector.extract_strided_slice %get3A_211 {offsets = [0, 12], sizes = [128, 1], strides = [1, 1]} : vector<128x16xf32> to vector<128x1xf32>
      %squeeze3A_1521 = vector.shape_cast %slice3A_1520 : vector<128x1xf32> to vector<128xf32>
      %broadcast_in_dim3A_1522 = vector.shape_cast %squeeze3A_1521 : vector<128xf32> to vector<128x1xf32>
      %mul3A_1523 = vector.broadcast %broadcast_in_dim3A_1522 : vector<128x1xf32> to vector<128x384xf32>
      %mul3A_1524 = arith.mulf %add3A_1519, %mul3A_1523 : vector<128x384xf32>
      %add3A_1525 = arith.addf %add3A_1424, %mul3A_1524 : vector<128x384xf32>
      %slice3A_1526 = vector.extract_strided_slice %add3A_1519 {offsets = [127, 0], sizes = [1, 384], strides = [1, 1]} : vector<128x384xf32> to vector<1x384xf32>
      %slice3A_1527 = vector.extract_strided_slice %neg3A_110 {offsets = [0, 13], sizes = [384, 1], strides = [1, 1]} : vector<384x16xf32> to vector<384x1xf32>
      %squeeze3A_1528 = vector.shape_cast %slice3A_1527 : vector<384x1xf32> to vector<384xf32>
      %broadcast_in_dim3A_1529 = vector.shape_cast %squeeze3A_1528 : vector<384xf32> to vector<1x384xf32>
      %mul3A_1530 = vector.broadcast %broadcast_in_dim3A_1529 : vector<1x384xf32> to vector<128x384xf32>
      %mul3A_1531 = arith.mulf %get3A_202, %mul3A_1530 : vector<128x384xf32>
      %exp3A_1532 = math.exp %mul3A_1531 : vector<128x384xf32>
      %slice3A_1533 = vector.extract_strided_slice %get3A_208 {offsets = [0, 13], sizes = [128, 1], strides = [1, 1]} : vector<128x16xf32> to vector<128x1xf32>
      %squeeze3A_1534 = vector.shape_cast %slice3A_1533 : vector<128x1xf32> to vector<128xf32>
      %broadcast_in_dim3A_1535 = vector.shape_cast %squeeze3A_1534 : vector<128xf32> to vector<128x1xf32>
      %mul3A_1536 = vector.broadcast %broadcast_in_dim3A_1535 : vector<128x1xf32> to vector<128x384xf32>
      %mul3A_1537 = arith.mulf %get3A_205, %mul3A_1536 : vector<128x384xf32>
      %broadcast_in_dim3A_1538 = arith.constant 1.000000e+00 : f32
      %broadcast_in_dim3A_1539 = vector.broadcast %broadcast_in_dim3A_1538 : f32 to vector<1x384xf32>
      %slice3A_1540 = vector.extract_strided_slice %exp3A_1532 {offsets = [0, 0], sizes = [127, 384], strides = [1, 1]} : vector<128x384xf32> to vector<127x384xf32>
      %concatenate3A_1541 = tpu.concatenate %broadcast_in_dim3A_1539, %slice3A_1540 in 0 : vector<1x384xf32>, vector<127x384xf32> -> vector<128x384xf32>
      %broadcast_in_dim3A_1542 = arith.constant 0.000000e+00 : f32
      %broadcast_in_dim3A_1543 = vector.broadcast %broadcast_in_dim3A_1542 : f32 to vector<1x384xf32>
      %slice3A_1544 = vector.extract_strided_slice %mul3A_1537 {offsets = [0, 0], sizes = [127, 384], strides = [1, 1]} : vector<128x384xf32> to vector<127x384xf32>
      %concatenate3A_1545 = tpu.concatenate %broadcast_in_dim3A_1543, %slice3A_1544 in 0 : vector<1x384xf32>, vector<127x384xf32> -> vector<128x384xf32>
      %mul3A_1546 = arith.mulf %exp3A_1532, %concatenate3A_1545 : vector<128x384xf32>
      %add3A_1547 = arith.addf %mul3A_1546, %mul3A_1537 : vector<128x384xf32>
      %mul3A_1548 = arith.mulf %exp3A_1532, %concatenate3A_1541 : vector<128x384xf32>
      %broadcast_in_dim3A_1549 = arith.constant 1.000000e+00 : f32
      %broadcast_in_dim3A_1550 = vector.broadcast %broadcast_in_dim3A_1549 : f32 to vector<2x384xf32>
      %slice3A_1551 = vector.extract_strided_slice %mul3A_1548 {offsets = [0, 0], sizes = [126, 384], strides = [1, 1]} : vector<128x384xf32> to vector<126x384xf32>
      %concatenate3A_1552 = tpu.concatenate %broadcast_in_dim3A_1550, %slice3A_1551 in 0 : vector<2x384xf32>, vector<126x384xf32> -> vector<128x384xf32>
      %broadcast_in_dim3A_1553 = arith.constant 0.000000e+00 : f32
      %broadcast_in_dim3A_1554 = vector.broadcast %broadcast_in_dim3A_1553 : f32 to vector<2x384xf32>
      %slice3A_1555 = vector.extract_strided_slice %add3A_1547 {offsets = [0, 0], sizes = [126, 384], strides = [1, 1]} : vector<128x384xf32> to vector<126x384xf32>
      %concatenate3A_1556 = tpu.concatenate %broadcast_in_dim3A_1554, %slice3A_1555 in 0 : vector<2x384xf32>, vector<126x384xf32> -> vector<128x384xf32>
      %mul3A_1557 = arith.mulf %mul3A_1548, %concatenate3A_1556 : vector<128x384xf32>
      %add3A_1558 = arith.addf %mul3A_1557, %add3A_1547 : vector<128x384xf32>
      %mul3A_1559 = arith.mulf %mul3A_1548, %concatenate3A_1552 : vector<128x384xf32>
      %broadcast_in_dim3A_1560 = arith.constant 1.000000e+00 : f32
      %broadcast_in_dim3A_1561 = vector.broadcast %broadcast_in_dim3A_1560 : f32 to vector<4x384xf32>
      %slice3A_1562 = vector.extract_strided_slice %mul3A_1559 {offsets = [0, 0], sizes = [124, 384], strides = [1, 1]} : vector<128x384xf32> to vector<124x384xf32>
      %concatenate3A_1563 = tpu.concatenate %broadcast_in_dim3A_1561, %slice3A_1562 in 0 : vector<4x384xf32>, vector<124x384xf32> -> vector<128x384xf32>
      %broadcast_in_dim3A_1564 = arith.constant 0.000000e+00 : f32
      %broadcast_in_dim3A_1565 = vector.broadcast %broadcast_in_dim3A_1564 : f32 to vector<4x384xf32>
      %slice3A_1566 = vector.extract_strided_slice %add3A_1558 {offsets = [0, 0], sizes = [124, 384], strides = [1, 1]} : vector<128x384xf32> to vector<124x384xf32>
      %concatenate3A_1567 = tpu.concatenate %broadcast_in_dim3A_1565, %slice3A_1566 in 0 : vector<4x384xf32>, vector<124x384xf32> -> vector<128x384xf32>
      %mul3A_1568 = arith.mulf %mul3A_1559, %concatenate3A_1567 : vector<128x384xf32>
      %add3A_1569 = arith.addf %mul3A_1568, %add3A_1558 : vector<128x384xf32>
      %mul3A_1570 = arith.mulf %mul3A_1559, %concatenate3A_1563 : vector<128x384xf32>
      %broadcast_in_dim3A_1571 = arith.constant 1.000000e+00 : f32
      %broadcast_in_dim3A_1572 = vector.broadcast %broadcast_in_dim3A_1571 : f32 to vector<8x384xf32>
      %slice3A_1573 = vector.extract_strided_slice %mul3A_1570 {offsets = [0, 0], sizes = [120, 384], strides = [1, 1]} : vector<128x384xf32> to vector<120x384xf32>
      %concatenate3A_1574 = tpu.concatenate %broadcast_in_dim3A_1572, %slice3A_1573 in 0 : vector<8x384xf32>, vector<120x384xf32> -> vector<128x384xf32>
      %broadcast_in_dim3A_1575 = arith.constant 0.000000e+00 : f32
      %broadcast_in_dim3A_1576 = vector.broadcast %broadcast_in_dim3A_1575 : f32 to vector<8x384xf32>
      %slice3A_1577 = vector.extract_strided_slice %add3A_1569 {offsets = [0, 0], sizes = [120, 384], strides = [1, 1]} : vector<128x384xf32> to vector<120x384xf32>
      %concatenate3A_1578 = tpu.concatenate %broadcast_in_dim3A_1576, %slice3A_1577 in 0 : vector<8x384xf32>, vector<120x384xf32> -> vector<128x384xf32>
      %mul3A_1579 = arith.mulf %mul3A_1570, %concatenate3A_1578 : vector<128x384xf32>
      %add3A_1580 = arith.addf %mul3A_1579, %add3A_1569 : vector<128x384xf32>
      %mul3A_1581 = arith.mulf %mul3A_1570, %concatenate3A_1574 : vector<128x384xf32>
      %broadcast_in_dim3A_1582 = arith.constant 1.000000e+00 : f32
      %broadcast_in_dim3A_1583 = vector.broadcast %broadcast_in_dim3A_1582 : f32 to vector<16x384xf32>
      %slice3A_1584 = vector.extract_strided_slice %mul3A_1581 {offsets = [0, 0], sizes = [112, 384], strides = [1, 1]} : vector<128x384xf32> to vector<112x384xf32>
      %concatenate3A_1585 = tpu.concatenate %broadcast_in_dim3A_1583, %slice3A_1584 in 0 : vector<16x384xf32>, vector<112x384xf32> -> vector<128x384xf32>
      %broadcast_in_dim3A_1586 = arith.constant 0.000000e+00 : f32
      %broadcast_in_dim3A_1587 = vector.broadcast %broadcast_in_dim3A_1586 : f32 to vector<16x384xf32>
      %slice3A_1588 = vector.extract_strided_slice %add3A_1580 {offsets = [0, 0], sizes = [112, 384], strides = [1, 1]} : vector<128x384xf32> to vector<112x384xf32>
      %concatenate3A_1589 = tpu.concatenate %broadcast_in_dim3A_1587, %slice3A_1588 in 0 : vector<16x384xf32>, vector<112x384xf32> -> vector<128x384xf32>
      %mul3A_1590 = arith.mulf %mul3A_1581, %concatenate3A_1589 : vector<128x384xf32>
      %add3A_1591 = arith.addf %mul3A_1590, %add3A_1580 : vector<128x384xf32>
      %mul3A_1592 = arith.mulf %mul3A_1581, %concatenate3A_1585 : vector<128x384xf32>
      %broadcast_in_dim3A_1593 = arith.constant 1.000000e+00 : f32
      %broadcast_in_dim3A_1594 = vector.broadcast %broadcast_in_dim3A_1593 : f32 to vector<32x384xf32>
      %slice3A_1595 = vector.extract_strided_slice %mul3A_1592 {offsets = [0, 0], sizes = [96, 384], strides = [1, 1]} : vector<128x384xf32> to vector<96x384xf32>
      %concatenate3A_1596 = tpu.concatenate %broadcast_in_dim3A_1594, %slice3A_1595 in 0 : vector<32x384xf32>, vector<96x384xf32> -> vector<128x384xf32>
      %broadcast_in_dim3A_1597 = arith.constant 0.000000e+00 : f32
      %broadcast_in_dim3A_1598 = vector.broadcast %broadcast_in_dim3A_1597 : f32 to vector<32x384xf32>
      %slice3A_1599 = vector.extract_strided_slice %add3A_1591 {offsets = [0, 0], sizes = [96, 384], strides = [1, 1]} : vector<128x384xf32> to vector<96x384xf32>
      %concatenate3A_1600 = tpu.concatenate %broadcast_in_dim3A_1598, %slice3A_1599 in 0 : vector<32x384xf32>, vector<96x384xf32> -> vector<128x384xf32>
      %mul3A_1601 = arith.mulf %mul3A_1592, %concatenate3A_1600 : vector<128x384xf32>
      %add3A_1602 = arith.addf %mul3A_1601, %add3A_1591 : vector<128x384xf32>
      %mul3A_1603 = arith.mulf %mul3A_1592, %concatenate3A_1596 : vector<128x384xf32>
      %broadcast_in_dim3A_1604 = arith.constant 1.000000e+00 : f32
      %broadcast_in_dim3A_1605 = vector.broadcast %broadcast_in_dim3A_1604 : f32 to vector<64x384xf32>
      %slice3A_1606 = vector.extract_strided_slice %mul3A_1603 {offsets = [0, 0], sizes = [64, 384], strides = [1, 1]} : vector<128x384xf32> to vector<64x384xf32>
      %concatenate3A_1607 = tpu.concatenate %broadcast_in_dim3A_1605, %slice3A_1606 in 0 : vector<64x384xf32>, vector<64x384xf32> -> vector<128x384xf32>
      %broadcast_in_dim3A_1608 = arith.constant 0.000000e+00 : f32
      %broadcast_in_dim3A_1609 = vector.broadcast %broadcast_in_dim3A_1608 : f32 to vector<64x384xf32>
      %slice3A_1610 = vector.extract_strided_slice %add3A_1602 {offsets = [0, 0], sizes = [64, 384], strides = [1, 1]} : vector<128x384xf32> to vector<64x384xf32>
      %concatenate3A_1611 = tpu.concatenate %broadcast_in_dim3A_1609, %slice3A_1610 in 0 : vector<64x384xf32>, vector<64x384xf32> -> vector<128x384xf32>
      %mul3A_1612 = arith.mulf %mul3A_1603, %concatenate3A_1611 : vector<128x384xf32>
      %add3A_1613 = arith.addf %mul3A_1612, %add3A_1602 : vector<128x384xf32>
      %mul3A_1614 = arith.mulf %mul3A_1603, %concatenate3A_1607 : vector<128x384xf32>
      %slice3A_1615 = vector.extract_strided_slice %while3A_197 {offsets = [13, 0], sizes = [1, 384], strides = [1, 1]} : vector<16x384xf32> to vector<1x384xf32>
      %squeeze3A_1616 = vector.shape_cast %slice3A_1615 : vector<1x384xf32> to vector<384xf32>
      %broadcast_in_dim3A_1617 = vector.shape_cast %squeeze3A_1616 : vector<384xf32> to vector<1x384xf32>
      %mul3A_1618 = vector.broadcast %broadcast_in_dim3A_1617 : vector<1x384xf32> to vector<128x384xf32>
      %mul3A_1619 = arith.mulf %mul3A_1614, %mul3A_1618 : vector<128x384xf32>
      %add3A_1620 = arith.addf %mul3A_1619, %add3A_1613 : vector<128x384xf32>
      %slice3A_1621 = vector.extract_strided_slice %get3A_211 {offsets = [0, 13], sizes = [128, 1], strides = [1, 1]} : vector<128x16xf32> to vector<128x1xf32>
      %squeeze3A_1622 = vector.shape_cast %slice3A_1621 : vector<128x1xf32> to vector<128xf32>
      %broadcast_in_dim3A_1623 = vector.shape_cast %squeeze3A_1622 : vector<128xf32> to vector<128x1xf32>
      %mul3A_1624 = vector.broadcast %broadcast_in_dim3A_1623 : vector<128x1xf32> to vector<128x384xf32>
      %mul3A_1625 = arith.mulf %add3A_1620, %mul3A_1624 : vector<128x384xf32>
      %add3A_1626 = arith.addf %add3A_1525, %mul3A_1625 : vector<128x384xf32>
      %slice3A_1627 = vector.extract_strided_slice %add3A_1620 {offsets = [127, 0], sizes = [1, 384], strides = [1, 1]} : vector<128x384xf32> to vector<1x384xf32>
      %slice3A_1628 = vector.extract_strided_slice %neg3A_110 {offsets = [0, 14], sizes = [384, 1], strides = [1, 1]} : vector<384x16xf32> to vector<384x1xf32>
      %squeeze3A_1629 = vector.shape_cast %slice3A_1628 : vector<384x1xf32> to vector<384xf32>
      %broadcast_in_dim3A_1630 = vector.shape_cast %squeeze3A_1629 : vector<384xf32> to vector<1x384xf32>
      %mul3A_1631 = vector.broadcast %broadcast_in_dim3A_1630 : vector<1x384xf32> to vector<128x384xf32>
      %mul3A_1632 = arith.mulf %get3A_202, %mul3A_1631 : vector<128x384xf32>
      %exp3A_1633 = math.exp %mul3A_1632 : vector<128x384xf32>
      %slice3A_1634 = vector.extract_strided_slice %get3A_208 {offsets = [0, 14], sizes = [128, 1], strides = [1, 1]} : vector<128x16xf32> to vector<128x1xf32>
      %squeeze3A_1635 = vector.shape_cast %slice3A_1634 : vector<128x1xf32> to vector<128xf32>
      %broadcast_in_dim3A_1636 = vector.shape_cast %squeeze3A_1635 : vector<128xf32> to vector<128x1xf32>
      %mul3A_1637 = vector.broadcast %broadcast_in_dim3A_1636 : vector<128x1xf32> to vector<128x384xf32>
      %mul3A_1638 = arith.mulf %get3A_205, %mul3A_1637 : vector<128x384xf32>
      %broadcast_in_dim3A_1639 = arith.constant 1.000000e+00 : f32
      %broadcast_in_dim3A_1640 = vector.broadcast %broadcast_in_dim3A_1639 : f32 to vector<1x384xf32>
      %slice3A_1641 = vector.extract_strided_slice %exp3A_1633 {offsets = [0, 0], sizes = [127, 384], strides = [1, 1]} : vector<128x384xf32> to vector<127x384xf32>
      %concatenate3A_1642 = tpu.concatenate %broadcast_in_dim3A_1640, %slice3A_1641 in 0 : vector<1x384xf32>, vector<127x384xf32> -> vector<128x384xf32>
      %broadcast_in_dim3A_1643 = arith.constant 0.000000e+00 : f32
      %broadcast_in_dim3A_1644 = vector.broadcast %broadcast_in_dim3A_1643 : f32 to vector<1x384xf32>
      %slice3A_1645 = vector.extract_strided_slice %mul3A_1638 {offsets = [0, 0], sizes = [127, 384], strides = [1, 1]} : vector<128x384xf32> to vector<127x384xf32>
      %concatenate3A_1646 = tpu.concatenate %broadcast_in_dim3A_1644, %slice3A_1645 in 0 : vector<1x384xf32>, vector<127x384xf32> -> vector<128x384xf32>
      %mul3A_1647 = arith.mulf %exp3A_1633, %concatenate3A_1646 : vector<128x384xf32>
      %add3A_1648 = arith.addf %mul3A_1647, %mul3A_1638 : vector<128x384xf32>
      %mul3A_1649 = arith.mulf %exp3A_1633, %concatenate3A_1642 : vector<128x384xf32>
      %broadcast_in_dim3A_1650 = arith.constant 1.000000e+00 : f32
      %broadcast_in_dim3A_1651 = vector.broadcast %broadcast_in_dim3A_1650 : f32 to vector<2x384xf32>
      %slice3A_1652 = vector.extract_strided_slice %mul3A_1649 {offsets = [0, 0], sizes = [126, 384], strides = [1, 1]} : vector<128x384xf32> to vector<126x384xf32>
      %concatenate3A_1653 = tpu.concatenate %broadcast_in_dim3A_1651, %slice3A_1652 in 0 : vector<2x384xf32>, vector<126x384xf32> -> vector<128x384xf32>
      %broadcast_in_dim3A_1654 = arith.constant 0.000000e+00 : f32
      %broadcast_in_dim3A_1655 = vector.broadcast %broadcast_in_dim3A_1654 : f32 to vector<2x384xf32>
      %slice3A_1656 = vector.extract_strided_slice %add3A_1648 {offsets = [0, 0], sizes = [126, 384], strides = [1, 1]} : vector<128x384xf32> to vector<126x384xf32>
      %concatenate3A_1657 = tpu.concatenate %broadcast_in_dim3A_1655, %slice3A_1656 in 0 : vector<2x384xf32>, vector<126x384xf32> -> vector<128x384xf32>
      %mul3A_1658 = arith.mulf %mul3A_1649, %concatenate3A_1657 : vector<128x384xf32>
      %add3A_1659 = arith.addf %mul3A_1658, %add3A_1648 : vector<128x384xf32>
      %mul3A_1660 = arith.mulf %mul3A_1649, %concatenate3A_1653 : vector<128x384xf32>
      %broadcast_in_dim3A_1661 = arith.constant 1.000000e+00 : f32
      %broadcast_in_dim3A_1662 = vector.broadcast %broadcast_in_dim3A_1661 : f32 to vector<4x384xf32>
      %slice3A_1663 = vector.extract_strided_slice %mul3A_1660 {offsets = [0, 0], sizes = [124, 384], strides = [1, 1]} : vector<128x384xf32> to vector<124x384xf32>
      %concatenate3A_1664 = tpu.concatenate %broadcast_in_dim3A_1662, %slice3A_1663 in 0 : vector<4x384xf32>, vector<124x384xf32> -> vector<128x384xf32>
      %broadcast_in_dim3A_1665 = arith.constant 0.000000e+00 : f32
      %broadcast_in_dim3A_1666 = vector.broadcast %broadcast_in_dim3A_1665 : f32 to vector<4x384xf32>
      %slice3A_1667 = vector.extract_strided_slice %add3A_1659 {offsets = [0, 0], sizes = [124, 384], strides = [1, 1]} : vector<128x384xf32> to vector<124x384xf32>
      %concatenate3A_1668 = tpu.concatenate %broadcast_in_dim3A_1666, %slice3A_1667 in 0 : vector<4x384xf32>, vector<124x384xf32> -> vector<128x384xf32>
      %mul3A_1669 = arith.mulf %mul3A_1660, %concatenate3A_1668 : vector<128x384xf32>
      %add3A_1670 = arith.addf %mul3A_1669, %add3A_1659 : vector<128x384xf32>
      %mul3A_1671 = arith.mulf %mul3A_1660, %concatenate3A_1664 : vector<128x384xf32>
      %broadcast_in_dim3A_1672 = arith.constant 1.000000e+00 : f32
      %broadcast_in_dim3A_1673 = vector.broadcast %broadcast_in_dim3A_1672 : f32 to vector<8x384xf32>
      %slice3A_1674 = vector.extract_strided_slice %mul3A_1671 {offsets = [0, 0], sizes = [120, 384], strides = [1, 1]} : vector<128x384xf32> to vector<120x384xf32>
      %concatenate3A_1675 = tpu.concatenate %broadcast_in_dim3A_1673, %slice3A_1674 in 0 : vector<8x384xf32>, vector<120x384xf32> -> vector<128x384xf32>
      %broadcast_in_dim3A_1676 = arith.constant 0.000000e+00 : f32
      %broadcast_in_dim3A_1677 = vector.broadcast %broadcast_in_dim3A_1676 : f32 to vector<8x384xf32>
      %slice3A_1678 = vector.extract_strided_slice %add3A_1670 {offsets = [0, 0], sizes = [120, 384], strides = [1, 1]} : vector<128x384xf32> to vector<120x384xf32>
      %concatenate3A_1679 = tpu.concatenate %broadcast_in_dim3A_1677, %slice3A_1678 in 0 : vector<8x384xf32>, vector<120x384xf32> -> vector<128x384xf32>
      %mul3A_1680 = arith.mulf %mul3A_1671, %concatenate3A_1679 : vector<128x384xf32>
      %add3A_1681 = arith.addf %mul3A_1680, %add3A_1670 : vector<128x384xf32>
      %mul3A_1682 = arith.mulf %mul3A_1671, %concatenate3A_1675 : vector<128x384xf32>
      %broadcast_in_dim3A_1683 = arith.constant 1.000000e+00 : f32
      %broadcast_in_dim3A_1684 = vector.broadcast %broadcast_in_dim3A_1683 : f32 to vector<16x384xf32>
      %slice3A_1685 = vector.extract_strided_slice %mul3A_1682 {offsets = [0, 0], sizes = [112, 384], strides = [1, 1]} : vector<128x384xf32> to vector<112x384xf32>
      %concatenate3A_1686 = tpu.concatenate %broadcast_in_dim3A_1684, %slice3A_1685 in 0 : vector<16x384xf32>, vector<112x384xf32> -> vector<128x384xf32>
      %broadcast_in_dim3A_1687 = arith.constant 0.000000e+00 : f32
      %broadcast_in_dim3A_1688 = vector.broadcast %broadcast_in_dim3A_1687 : f32 to vector<16x384xf32>
      %slice3A_1689 = vector.extract_strided_slice %add3A_1681 {offsets = [0, 0], sizes = [112, 384], strides = [1, 1]} : vector<128x384xf32> to vector<112x384xf32>
      %concatenate3A_1690 = tpu.concatenate %broadcast_in_dim3A_1688, %slice3A_1689 in 0 : vector<16x384xf32>, vector<112x384xf32> -> vector<128x384xf32>
      %mul3A_1691 = arith.mulf %mul3A_1682, %concatenate3A_1690 : vector<128x384xf32>
      %add3A_1692 = arith.addf %mul3A_1691, %add3A_1681 : vector<128x384xf32>
      %mul3A_1693 = arith.mulf %mul3A_1682, %concatenate3A_1686 : vector<128x384xf32>
      %broadcast_in_dim3A_1694 = arith.constant 1.000000e+00 : f32
      %broadcast_in_dim3A_1695 = vector.broadcast %broadcast_in_dim3A_1694 : f32 to vector<32x384xf32>
      %slice3A_1696 = vector.extract_strided_slice %mul3A_1693 {offsets = [0, 0], sizes = [96, 384], strides = [1, 1]} : vector<128x384xf32> to vector<96x384xf32>
      %concatenate3A_1697 = tpu.concatenate %broadcast_in_dim3A_1695, %slice3A_1696 in 0 : vector<32x384xf32>, vector<96x384xf32> -> vector<128x384xf32>
      %broadcast_in_dim3A_1698 = arith.constant 0.000000e+00 : f32
      %broadcast_in_dim3A_1699 = vector.broadcast %broadcast_in_dim3A_1698 : f32 to vector<32x384xf32>
      %slice3A_1700 = vector.extract_strided_slice %add3A_1692 {offsets = [0, 0], sizes = [96, 384], strides = [1, 1]} : vector<128x384xf32> to vector<96x384xf32>
      %concatenate3A_1701 = tpu.concatenate %broadcast_in_dim3A_1699, %slice3A_1700 in 0 : vector<32x384xf32>, vector<96x384xf32> -> vector<128x384xf32>
      %mul3A_1702 = arith.mulf %mul3A_1693, %concatenate3A_1701 : vector<128x384xf32>
      %add3A_1703 = arith.addf %mul3A_1702, %add3A_1692 : vector<128x384xf32>
      %mul3A_1704 = arith.mulf %mul3A_1693, %concatenate3A_1697 : vector<128x384xf32>
      %broadcast_in_dim3A_1705 = arith.constant 1.000000e+00 : f32
      %broadcast_in_dim3A_1706 = vector.broadcast %broadcast_in_dim3A_1705 : f32 to vector<64x384xf32>
      %slice3A_1707 = vector.extract_strided_slice %mul3A_1704 {offsets = [0, 0], sizes = [64, 384], strides = [1, 1]} : vector<128x384xf32> to vector<64x384xf32>
      %concatenate3A_1708 = tpu.concatenate %broadcast_in_dim3A_1706, %slice3A_1707 in 0 : vector<64x384xf32>, vector<64x384xf32> -> vector<128x384xf32>
      %broadcast_in_dim3A_1709 = arith.constant 0.000000e+00 : f32
      %broadcast_in_dim3A_1710 = vector.broadcast %broadcast_in_dim3A_1709 : f32 to vector<64x384xf32>
      %slice3A_1711 = vector.extract_strided_slice %add3A_1703 {offsets = [0, 0], sizes = [64, 384], strides = [1, 1]} : vector<128x384xf32> to vector<64x384xf32>
      %concatenate3A_1712 = tpu.concatenate %broadcast_in_dim3A_1710, %slice3A_1711 in 0 : vector<64x384xf32>, vector<64x384xf32> -> vector<128x384xf32>
      %mul3A_1713 = arith.mulf %mul3A_1704, %concatenate3A_1712 : vector<128x384xf32>
      %add3A_1714 = arith.addf %mul3A_1713, %add3A_1703 : vector<128x384xf32>
      %mul3A_1715 = arith.mulf %mul3A_1704, %concatenate3A_1708 : vector<128x384xf32>
      %slice3A_1716 = vector.extract_strided_slice %while3A_197 {offsets = [14, 0], sizes = [1, 384], strides = [1, 1]} : vector<16x384xf32> to vector<1x384xf32>
      %squeeze3A_1717 = vector.shape_cast %slice3A_1716 : vector<1x384xf32> to vector<384xf32>
      %broadcast_in_dim3A_1718 = vector.shape_cast %squeeze3A_1717 : vector<384xf32> to vector<1x384xf32>
      %mul3A_1719 = vector.broadcast %broadcast_in_dim3A_1718 : vector<1x384xf32> to vector<128x384xf32>
      %mul3A_1720 = arith.mulf %mul3A_1715, %mul3A_1719 : vector<128x384xf32>
      %add3A_1721 = arith.addf %mul3A_1720, %add3A_1714 : vector<128x384xf32>
      %slice3A_1722 = vector.extract_strided_slice %get3A_211 {offsets = [0, 14], sizes = [128, 1], strides = [1, 1]} : vector<128x16xf32> to vector<128x1xf32>
      %squeeze3A_1723 = vector.shape_cast %slice3A_1722 : vector<128x1xf32> to vector<128xf32>
      %broadcast_in_dim3A_1724 = vector.shape_cast %squeeze3A_1723 : vector<128xf32> to vector<128x1xf32>
      %mul3A_1725 = vector.broadcast %broadcast_in_dim3A_1724 : vector<128x1xf32> to vector<128x384xf32>
      %mul3A_1726 = arith.mulf %add3A_1721, %mul3A_1725 : vector<128x384xf32>
      %add3A_1727 = arith.addf %add3A_1626, %mul3A_1726 : vector<128x384xf32>
      %slice3A_1728 = vector.extract_strided_slice %add3A_1721 {offsets = [127, 0], sizes = [1, 384], strides = [1, 1]} : vector<128x384xf32> to vector<1x384xf32>
      %slice3A_1729 = vector.extract_strided_slice %neg3A_110 {offsets = [0, 15], sizes = [384, 1], strides = [1, 1]} : vector<384x16xf32> to vector<384x1xf32>
      %squeeze3A_1730 = vector.shape_cast %slice3A_1729 : vector<384x1xf32> to vector<384xf32>
      %broadcast_in_dim3A_1731 = vector.shape_cast %squeeze3A_1730 : vector<384xf32> to vector<1x384xf32>
      %mul3A_1732 = vector.broadcast %broadcast_in_dim3A_1731 : vector<1x384xf32> to vector<128x384xf32>
      %mul3A_1733 = arith.mulf %get3A_202, %mul3A_1732 : vector<128x384xf32>
      %exp3A_1734 = math.exp %mul3A_1733 : vector<128x384xf32>
      %slice3A_1735 = vector.extract_strided_slice %get3A_208 {offsets = [0, 15], sizes = [128, 1], strides = [1, 1]} : vector<128x16xf32> to vector<128x1xf32>
      %squeeze3A_1736 = vector.shape_cast %slice3A_1735 : vector<128x1xf32> to vector<128xf32>
      %broadcast_in_dim3A_1737 = vector.shape_cast %squeeze3A_1736 : vector<128xf32> to vector<128x1xf32>
      %mul3A_1738 = vector.broadcast %broadcast_in_dim3A_1737 : vector<128x1xf32> to vector<128x384xf32>
      %mul3A_1739 = arith.mulf %get3A_205, %mul3A_1738 : vector<128x384xf32>
      %broadcast_in_dim3A_1740 = arith.constant 1.000000e+00 : f32
      %broadcast_in_dim3A_1741 = vector.broadcast %broadcast_in_dim3A_1740 : f32 to vector<1x384xf32>
      %slice3A_1742 = vector.extract_strided_slice %exp3A_1734 {offsets = [0, 0], sizes = [127, 384], strides = [1, 1]} : vector<128x384xf32> to vector<127x384xf32>
      %concatenate3A_1743 = tpu.concatenate %broadcast_in_dim3A_1741, %slice3A_1742 in 0 : vector<1x384xf32>, vector<127x384xf32> -> vector<128x384xf32>
      %broadcast_in_dim3A_1744 = arith.constant 0.000000e+00 : f32
      %broadcast_in_dim3A_1745 = vector.broadcast %broadcast_in_dim3A_1744 : f32 to vector<1x384xf32>
      %slice3A_1746 = vector.extract_strided_slice %mul3A_1739 {offsets = [0, 0], sizes = [127, 384], strides = [1, 1]} : vector<128x384xf32> to vector<127x384xf32>
      %concatenate3A_1747 = tpu.concatenate %broadcast_in_dim3A_1745, %slice3A_1746 in 0 : vector<1x384xf32>, vector<127x384xf32> -> vector<128x384xf32>
      %mul3A_1748 = arith.mulf %exp3A_1734, %concatenate3A_1747 : vector<128x384xf32>
      %add3A_1749 = arith.addf %mul3A_1748, %mul3A_1739 : vector<128x384xf32>
      %mul3A_1750 = arith.mulf %exp3A_1734, %concatenate3A_1743 : vector<128x384xf32>
      %broadcast_in_dim3A_1751 = arith.constant 1.000000e+00 : f32
      %broadcast_in_dim3A_1752 = vector.broadcast %broadcast_in_dim3A_1751 : f32 to vector<2x384xf32>
      %slice3A_1753 = vector.extract_strided_slice %mul3A_1750 {offsets = [0, 0], sizes = [126, 384], strides = [1, 1]} : vector<128x384xf32> to vector<126x384xf32>
      %concatenate3A_1754 = tpu.concatenate %broadcast_in_dim3A_1752, %slice3A_1753 in 0 : vector<2x384xf32>, vector<126x384xf32> -> vector<128x384xf32>
      %broadcast_in_dim3A_1755 = arith.constant 0.000000e+00 : f32
      %broadcast_in_dim3A_1756 = vector.broadcast %broadcast_in_dim3A_1755 : f32 to vector<2x384xf32>
      %slice3A_1757 = vector.extract_strided_slice %add3A_1749 {offsets = [0, 0], sizes = [126, 384], strides = [1, 1]} : vector<128x384xf32> to vector<126x384xf32>
      %concatenate3A_1758 = tpu.concatenate %broadcast_in_dim3A_1756, %slice3A_1757 in 0 : vector<2x384xf32>, vector<126x384xf32> -> vector<128x384xf32>
      %mul3A_1759 = arith.mulf %mul3A_1750, %concatenate3A_1758 : vector<128x384xf32>
      %add3A_1760 = arith.addf %mul3A_1759, %add3A_1749 : vector<128x384xf32>
      %mul3A_1761 = arith.mulf %mul3A_1750, %concatenate3A_1754 : vector<128x384xf32>
      %broadcast_in_dim3A_1762 = arith.constant 1.000000e+00 : f32
      %broadcast_in_dim3A_1763 = vector.broadcast %broadcast_in_dim3A_1762 : f32 to vector<4x384xf32>
      %slice3A_1764 = vector.extract_strided_slice %mul3A_1761 {offsets = [0, 0], sizes = [124, 384], strides = [1, 1]} : vector<128x384xf32> to vector<124x384xf32>
      %concatenate3A_1765 = tpu.concatenate %broadcast_in_dim3A_1763, %slice3A_1764 in 0 : vector<4x384xf32>, vector<124x384xf32> -> vector<128x384xf32>
      %broadcast_in_dim3A_1766 = arith.constant 0.000000e+00 : f32
      %broadcast_in_dim3A_1767 = vector.broadcast %broadcast_in_dim3A_1766 : f32 to vector<4x384xf32>
      %slice3A_1768 = vector.extract_strided_slice %add3A_1760 {offsets = [0, 0], sizes = [124, 384], strides = [1, 1]} : vector<128x384xf32> to vector<124x384xf32>
      %concatenate3A_1769 = tpu.concatenate %broadcast_in_dim3A_1767, %slice3A_1768 in 0 : vector<4x384xf32>, vector<124x384xf32> -> vector<128x384xf32>
      %mul3A_1770 = arith.mulf %mul3A_1761, %concatenate3A_1769 : vector<128x384xf32>
      %add3A_1771 = arith.addf %mul3A_1770, %add3A_1760 : vector<128x384xf32>
      %mul3A_1772 = arith.mulf %mul3A_1761, %concatenate3A_1765 : vector<128x384xf32>
      %broadcast_in_dim3A_1773 = arith.constant 1.000000e+00 : f32
      %broadcast_in_dim3A_1774 = vector.broadcast %broadcast_in_dim3A_1773 : f32 to vector<8x384xf32>
      %slice3A_1775 = vector.extract_strided_slice %mul3A_1772 {offsets = [0, 0], sizes = [120, 384], strides = [1, 1]} : vector<128x384xf32> to vector<120x384xf32>
      %concatenate3A_1776 = tpu.concatenate %broadcast_in_dim3A_1774, %slice3A_1775 in 0 : vector<8x384xf32>, vector<120x384xf32> -> vector<128x384xf32>
      %broadcast_in_dim3A_1777 = arith.constant 0.000000e+00 : f32
      %broadcast_in_dim3A_1778 = vector.broadcast %broadcast_in_dim3A_1777 : f32 to vector<8x384xf32>
      %slice3A_1779 = vector.extract_strided_slice %add3A_1771 {offsets = [0, 0], sizes = [120, 384], strides = [1, 1]} : vector<128x384xf32> to vector<120x384xf32>
      %concatenate3A_1780 = tpu.concatenate %broadcast_in_dim3A_1778, %slice3A_1779 in 0 : vector<8x384xf32>, vector<120x384xf32> -> vector<128x384xf32>
      %mul3A_1781 = arith.mulf %mul3A_1772, %concatenate3A_1780 : vector<128x384xf32>
      %add3A_1782 = arith.addf %mul3A_1781, %add3A_1771 : vector<128x384xf32>
      %mul3A_1783 = arith.mulf %mul3A_1772, %concatenate3A_1776 : vector<128x384xf32>
      %broadcast_in_dim3A_1784 = arith.constant 1.000000e+00 : f32
      %broadcast_in_dim3A_1785 = vector.broadcast %broadcast_in_dim3A_1784 : f32 to vector<16x384xf32>
      %slice3A_1786 = vector.extract_strided_slice %mul3A_1783 {offsets = [0, 0], sizes = [112, 384], strides = [1, 1]} : vector<128x384xf32> to vector<112x384xf32>
      %concatenate3A_1787 = tpu.concatenate %broadcast_in_dim3A_1785, %slice3A_1786 in 0 : vector<16x384xf32>, vector<112x384xf32> -> vector<128x384xf32>
      %broadcast_in_dim3A_1788 = arith.constant 0.000000e+00 : f32
      %broadcast_in_dim3A_1789 = vector.broadcast %broadcast_in_dim3A_1788 : f32 to vector<16x384xf32>
      %slice3A_1790 = vector.extract_strided_slice %add3A_1782 {offsets = [0, 0], sizes = [112, 384], strides = [1, 1]} : vector<128x384xf32> to vector<112x384xf32>
      %concatenate3A_1791 = tpu.concatenate %broadcast_in_dim3A_1789, %slice3A_1790 in 0 : vector<16x384xf32>, vector<112x384xf32> -> vector<128x384xf32>
      %mul3A_1792 = arith.mulf %mul3A_1783, %concatenate3A_1791 : vector<128x384xf32>
      %add3A_1793 = arith.addf %mul3A_1792, %add3A_1782 : vector<128x384xf32>
      %mul3A_1794 = arith.mulf %mul3A_1783, %concatenate3A_1787 : vector<128x384xf32>
      %broadcast_in_dim3A_1795 = arith.constant 1.000000e+00 : f32
      %broadcast_in_dim3A_1796 = vector.broadcast %broadcast_in_dim3A_1795 : f32 to vector<32x384xf32>
      %slice3A_1797 = vector.extract_strided_slice %mul3A_1794 {offsets = [0, 0], sizes = [96, 384], strides = [1, 1]} : vector<128x384xf32> to vector<96x384xf32>
      %concatenate3A_1798 = tpu.concatenate %broadcast_in_dim3A_1796, %slice3A_1797 in 0 : vector<32x384xf32>, vector<96x384xf32> -> vector<128x384xf32>
      %broadcast_in_dim3A_1799 = arith.constant 0.000000e+00 : f32
      %broadcast_in_dim3A_1800 = vector.broadcast %broadcast_in_dim3A_1799 : f32 to vector<32x384xf32>
      %slice3A_1801 = vector.extract_strided_slice %add3A_1793 {offsets = [0, 0], sizes = [96, 384], strides = [1, 1]} : vector<128x384xf32> to vector<96x384xf32>
      %concatenate3A_1802 = tpu.concatenate %broadcast_in_dim3A_1800, %slice3A_1801 in 0 : vector<32x384xf32>, vector<96x384xf32> -> vector<128x384xf32>
      %mul3A_1803 = arith.mulf %mul3A_1794, %concatenate3A_1802 : vector<128x384xf32>
      %add3A_1804 = arith.addf %mul3A_1803, %add3A_1793 : vector<128x384xf32>
      %mul3A_1805 = arith.mulf %mul3A_1794, %concatenate3A_1798 : vector<128x384xf32>
      %broadcast_in_dim3A_1806 = arith.constant 1.000000e+00 : f32
      %broadcast_in_dim3A_1807 = vector.broadcast %broadcast_in_dim3A_1806 : f32 to vector<64x384xf32>
      %slice3A_1808 = vector.extract_strided_slice %mul3A_1805 {offsets = [0, 0], sizes = [64, 384], strides = [1, 1]} : vector<128x384xf32> to vector<64x384xf32>
      %concatenate3A_1809 = tpu.concatenate %broadcast_in_dim3A_1807, %slice3A_1808 in 0 : vector<64x384xf32>, vector<64x384xf32> -> vector<128x384xf32>
      %broadcast_in_dim3A_1810 = arith.constant 0.000000e+00 : f32
      %broadcast_in_dim3A_1811 = vector.broadcast %broadcast_in_dim3A_1810 : f32 to vector<64x384xf32>
      %slice3A_1812 = vector.extract_strided_slice %add3A_1804 {offsets = [0, 0], sizes = [64, 384], strides = [1, 1]} : vector<128x384xf32> to vector<64x384xf32>
      %concatenate3A_1813 = tpu.concatenate %broadcast_in_dim3A_1811, %slice3A_1812 in 0 : vector<64x384xf32>, vector<64x384xf32> -> vector<128x384xf32>
      %mul3A_1814 = arith.mulf %mul3A_1805, %concatenate3A_1813 : vector<128x384xf32>
      %add3A_1815 = arith.addf %mul3A_1814, %add3A_1804 : vector<128x384xf32>
      %mul3A_1816 = arith.mulf %mul3A_1805, %concatenate3A_1809 : vector<128x384xf32>
      %slice3A_1817 = vector.extract_strided_slice %while3A_197 {offsets = [15, 0], sizes = [1, 384], strides = [1, 1]} : vector<16x384xf32> to vector<1x384xf32>
      %squeeze3A_1818 = vector.shape_cast %slice3A_1817 : vector<1x384xf32> to vector<384xf32>
      %broadcast_in_dim3A_1819 = vector.shape_cast %squeeze3A_1818 : vector<384xf32> to vector<1x384xf32>
      %mul3A_1820 = vector.broadcast %broadcast_in_dim3A_1819 : vector<1x384xf32> to vector<128x384xf32>
      %mul3A_1821 = arith.mulf %mul3A_1816, %mul3A_1820 : vector<128x384xf32>
      %add3A_1822 = arith.addf %mul3A_1821, %add3A_1815 : vector<128x384xf32>
      %slice3A_1823 = vector.extract_strided_slice %get3A_211 {offsets = [0, 15], sizes = [128, 1], strides = [1, 1]} : vector<128x16xf32> to vector<128x1xf32>
      %squeeze3A_1824 = vector.shape_cast %slice3A_1823 : vector<128x1xf32> to vector<128xf32>
      %broadcast_in_dim3A_1825 = vector.shape_cast %squeeze3A_1824 : vector<128xf32> to vector<128x1xf32>
      %mul3A_1826 = vector.broadcast %broadcast_in_dim3A_1825 : vector<128x1xf32> to vector<128x384xf32>
      %mul3A_1827 = arith.mulf %add3A_1822, %mul3A_1826 : vector<128x384xf32>
      %add3A_1828 = arith.addf %add3A_1727, %mul3A_1827 : vector<128x384xf32>
      %slice3A_1829 = vector.extract_strided_slice %add3A_1822 {offsets = [127, 0], sizes = [1, 384], strides = [1, 1]} : vector<128x384xf32> to vector<1x384xf32>
      %swap3A_1830 = arith.index_cast %mul3A_199 : i32 to index
      %swap3A_1831 = arith.constant 0 : index
      %swap3A_1832 = vector.load %arg19[%swap3A_1830, %swap3A_1831] : memref<2048x384xf32, #tpu.memory_space<vmem>>, vector<128x384xf32>
      tpu.vector_store %arg19[%swap3A_1830, %swap3A_1831], %add3A_1828 {strides = array<i32>} : memref<2048x384xf32, #tpu.memory_space<vmem>>, vector<128x384xf32>,
      %concatenate3A_1833 = tpu.concatenate %slice3A_314, %slice3A_415, %slice3A_516, %slice3A_617, %slice3A_718, %slice3A_819, %slice3A_920, %slice3A_1021, %slice3A_1122, %slice3A_1223, %slice3A_1324, %slice3A_1425, %slice3A_1526, %slice3A_1627, %slice3A_1728, %slice3A_1829 in 0 : vector<1x384xf32>, vector<1x384xf32>, vector<1x384xf32>, vector<1x384xf32>, vector<1x384xf32>, vector<1x384xf32>, vector<1x384xf32>, vector<1x384xf32>, vector<1x384xf32>, vector<1x384xf32>, vector<1x384xf32>, vector<1x384xf32>, vector<1x384xf32>, vector<1x384xf32>, vector<1x384xf32>, vector<1x384xf32> -> vector<16x384xf32>
      scf.yield %concatenate3A_1833 : vector<16x384xf32>
    }
    %get3A_154 = arith.constant 0 : index
    %get3A_155 = arith.constant 0 : index
    %get3A_156 = arith.constant 0 : index
    %get3A_157 = vector.load %arg12[%get3A_154, %get3A_155, %get3A_156] : memref<1x1x384xf32, #tpu.memory_space<vmem>>, vector<1x1x384xf32>
    %get3A_158 = vector.shape_cast %get3A_157 : vector<1x1x384xf32> to vector<384xf32>
    %get3A_159 = arith.constant 0 : index
    %get3A_160 = arith.constant 0 : index
    %get3A_161 = vector.load %arg19[%get3A_159, %get3A_160] : memref<2048x384xf32, #tpu.memory_space<vmem>>, vector<2048x384xf32>
    %broadcast_in_dim3A_162 = vector.shape_cast %get3A_158 : vector<384xf32> to vector<1x384xf32>
    %mul3A_163 = vector.broadcast %broadcast_in_dim3A_162 : vector<1x384xf32> to vector<2048x384xf32>
    %mul3A_164 = arith.mulf %mul3A_163, %mul3A_61 : vector<2048x384xf32>
    %add3A_165 = arith.addf %get3A_161, %mul3A_164 : vector<2048x384xf32>
    %logistic3A_166 = arith.negf %slice3A_11 : vector<2048x384xf32>
    %logistic3A_167 = math.exp %logistic3A_166 : vector<2048x384xf32>
    %logistic3A_168 = arith.constant 1.000000e+00 : f32
    %logistic3A_169 = vector.broadcast %logistic3A_168 : f32 to vector<2048x384xf32>
    %logistic3A_170 = arith.addf %logistic3A_169, %logistic3A_167 : vector<2048x384xf32>
    %logistic3A_171 = arith.divf %logistic3A_169, %logistic3A_170 : vector<2048x384xf32>
    %mul3A_172 = arith.mulf %slice3A_11, %logistic3A_171 : vector<2048x384xf32>
    %mul3A_173 = arith.mulf %add3A_165, %mul3A_172 : vector<2048x384xf32>
    %get3A_174 = arith.constant 0 : index
    %get3A_175 = arith.constant 0 : index
    %get3A_176 = arith.constant 0 : index
    %get3A_177 = vector.load %arg13[%get3A_174, %get3A_175, %get3A_176] : memref<1x384x192xf32, #tpu.memory_space<vmem>>, vector<1x384x192xf32>
    %get3A_178 = vector.shape_cast %get3A_177 : vector<1x384x192xf32> to vector<384x192xf32>
    %get3A_179 = arith.constant 0 : index
    %get3A_180 = arith.constant 0 : index
    %get3A_181 = arith.constant 0 : index
    %get3A_182 = arith.constant 0 : index
    %get3A_183 = vector.load %arg4[%get3A_179, %get3A_180, %get3A_181, %get3A_182] : memref<1x1x2048x1xf32, #tpu.memory_space<vmem>>, vector<1x1x2048x1xf32>
    %get3A_184 = vector.shape_cast %get3A_183 : vector<1x1x2048x1xf32> to vector<2048x1xf32>
    %dot_general3A_185 = arith.constant dense<0.000000e+00> : vector<2048x192xf32>
    %dot_general3A_186 = tpu.matmul %mul3A_173, %get3A_178, %dot_general3A_185 {dimension_numbers = #tpu.dot_dimension_numbers<[1], [0], [0], [1], [0, 0, 1, 1], [], []>, transpose_lhs_hint = false} : vector<2048x384xf32>, vector<384x192xf32>, vector<2048x192xf32> -> vector<2048x192xf32>
    %mul3A_187 = vector.broadcast %get3A_184 : vector<2048x1xf32> to vector<2048x192xf32>
    %mul3A_188 = arith.mulf %dot_general3A_186, %mul3A_187 : vector<2048x192xf32>
    %swap3A_189 = arith.constant 0 : index
    %swap3A_190 = arith.constant 0 : index
    %swap3A_191 = arith.constant 0 : index
    %swap3A_192 = arith.constant 0 : index
    %swap3A_193 = vector.load %arg14[%swap3A_189, %swap3A_190, %swap3A_191, %swap3A_192] : memref<1x1x2048x192xf32, #tpu.memory_space<vmem>>, vector<1x1x2048x192xf32>
    %swap3A_194 = vector.shape_cast %swap3A_193 : vector<1x1x2048x192xf32> to vector<2048x192xf32>
    %swap3A_195 = vector.shape_cast %mul3A_188 : vector<2048x192xf32> to vector<1x1x2048x192xf32>
    tpu.vector_store %arg14[%swap3A_189, %swap3A_190, %swap3A_191, %swap3A_192], %swap3A_195 {strides = array<i32>} : memref<1x1x2048x192xf32, #tpu.memory_space<vmem>>, vector<1x1x2048x192xf32>,
    return
  }
  func.func @transform_0(%arg0: i32, %arg1: i32) -> (i32, i32, i32, i32) {
    %c0_i32 = arith.constant 0 : i32
    %c0_i32_0 = arith.constant 0 : i32
    %c0_i32_1 = arith.constant 0 : i32
    return %arg0, %arg1, %c0_i32, %c0_i32_0 : i32, i32, i32, i32
  }
  func.func @transform_1(%arg0: i32, %arg1: i32) -> (i32, i32, i32, i32) {
    %c0_i32 = arith.constant 0 : i32
    %c0_i32_0 = arith.constant 0 : i32
    %c0_i32_1 = arith.constant 0 : i32
    return %arg0, %arg1, %c0_i32, %c0_i32_0 : i32, i32, i32, i32
  }
  func.func @transform_2(%arg0: i32, %arg1: i32) -> (i32, i32, i32, i32) {
    %c0_i32 = arith.constant 0 : i32
    %c0_i32_0 = arith.constant 0 : i32
    %c0_i32_1 = arith.constant 0 : i32
    return %arg0, %arg1, %c0_i32, %c0_i32_0 : i32, i32, i32, i32
  }
  func.func @transform_3(%arg0: i32, %arg1: i32) -> (i32, i32, i32) {
    %c0_i32 = arith.constant 0 : i32
    %c0_i32_0 = arith.constant 0 : i32
    %c0_i32_1 = arith.constant 0 : i32
    return %arg1, %c0_i32, %c0_i32_0 : i32, i32, i32
  }
  func.func @transform_4(%arg0: i32, %arg1: i32) -> (i32, i32, i32) {
    %c0_i32 = arith.constant 0 : i32
    %c0_i32_0 = arith.constant 0 : i32
    %c0_i32_1 = arith.constant 0 : i32
    return %arg1, %c0_i32, %c0_i32_0 : i32, i32, i32
  }
  func.func @transform_5(%arg0: i32, %arg1: i32) -> (i32, i32, i32) {
    %c0_i32 = arith.constant 0 : i32
    %c0_i32_0 = arith.constant 0 : i32
    %c0_i32_1 = arith.constant 0 : i32
    return %arg1, %c0_i32, %c0_i32_0 : i32, i32, i32
  }
  func.func @transform_6(%arg0: i32, %arg1: i32) -> (i32, i32, i32) {
    %c0_i32 = arith.constant 0 : i32
    %c0_i32_0 = arith.constant 0 : i32
    %c0_i32_1 = arith.constant 0 : i32
    return %arg1, %c0_i32, %c0_i32_0 : i32, i32, i32
  }
  func.func @transform_7(%arg0: i32, %arg1: i32) -> (i32, i32, i32) {
    %c0_i32 = arith.constant 0 : i32
    %c0_i32_0 = arith.constant 0 : i32
    %c0_i32_1 = arith.constant 0 : i32
    return %arg1, %c0_i32, %c0_i32_0 : i32, i32, i32
  }
  func.func @transform_8(%arg0: i32, %arg1: i32) -> (i32, i32, i32) {
    %c0_i32 = arith.constant 0 : i32
    %c0_i32_0 = arith.constant 0 : i32
    %c0_i32_1 = arith.constant 0 : i32
    return %arg1, %c0_i32, %c0_i32_0 : i32, i32, i32
  }
  func.func @transform_9(%arg0: i32, %arg1: i32) -> (i32, i32, i32) {
    %c0_i32 = arith.constant 0 : i32
    %c0_i32_0 = arith.constant 0 : i32
    %c0_i32_1 = arith.constant 0 : i32
    return %arg1, %c0_i32, %c0_i32_0 : i32, i32, i32
  }
  func.func @transform_10(%arg0: i32, %arg1: i32) -> (i32, i32, i32) {
    %c0_i32 = arith.constant 0 : i32
    %c0_i32_0 = arith.constant 0 : i32
    %c0_i32_1 = arith.constant 0 : i32
    return %arg1, %c0_i32, %c0_i32_0 : i32, i32, i32
  }
  func.func @transform_11(%arg0: i32, %arg1: i32) -> (i32, i32, i32) {
    %c0_i32 = arith.constant 0 : i32
    %c0_i32_0 = arith.constant 0 : i32
    %c0_i32_1 = arith.constant 0 : i32
    return %arg1, %c0_i32, %c0_i32_0 : i32, i32, i32
  }
  func.func @transform_12(%arg0: i32, %arg1: i32) -> (i32, i32, i32, i32) {
    %c0_i32 = arith.constant 0 : i32
    %c0_i32_0 = arith.constant 0 : i32
    %c0_i32_1 = arith.constant 0 : i32
    return %arg0, %arg1, %c0_i32, %c0_i32_0 : i32, i32, i32, i32
  }
}

</mosaic_0001>

<sc_bundles>
// kernel: _run.5.cloned.1.call-start
scs
__scs_entry_jumppad:
0x0: {  	(pc) =	sbr.rel $0x88, $3  }
0x1: {  	(tag) =	ssettag $0x0;
	lr =	simm.s32 $0x1  }
0x2: {  	[smem:$0x3F93] =	sst lr;
	_ =	strace $0xD0000000  }
0x3: {  	_ = 	snop  }
0x4: {  	_ = 	snop  }
0x5: {  	_ = 	snop  }
0x6: {  	_ = 	snop  }
0x7: {  	_ = 	snop  }
__scs_overlays_trampoline_lowered:
0x8: {  	[smem:$0x3FA2] =	sst s0  }
0x9: {  	[smem:$0x3FA3] =	sst s1  }
0xa: {  	[smem:$0x3FA4] =	sst s2  }
0xb: {  	[smem:$0x3FA5] =	sst s3  }
0xc: {  	[smem:$0x3FA6] =	sst s4  }
0xd: {  	[smem:$0x3FA7] =	sst s5  }
0xe: {  	[smem:$0x3FA8] =	sst s6  }
0xf: {  	[smem:$0x3FA9] =	sst s7  }
0x10: {  	[smem:$0x3FAA] =	sst s8  }
0x11: {  	[smem:$0x3FAB] =	sst s9;
	s0 =	simm.s32 @!p0 $0x0  }
0x12: {  	s1 =	sld [smem:$0x3F91];
	s0 =	simm.s32 @p0 $0x1  }
0x13: {  	[smem:$0x3FAC] =	sst s0;
	s0 =	simm.s32 @!p1 $0x0  }
0x14: {  	s2 =	sld [smem:$0x3F90];
	s0 =	simm.s32 @p1 $0x1  }
0x15: {  	[smem:$0x3FAD] =	sst s0;
	s0 =	simm.s32 @!p2 $0x0  }
0x16: {  	s3 =	sld [smem:$0x3FDB];
	s0 =	simm.s32 @p2 $0x1  }
0x17: {  	s4 =	simm.s32 $0x1BF5;
	[smem:$0x3FAF] =	sst s0  }
0x18: {  	s0 =	sld [smem:$0x3F92];
	_ =	swait.ge [sflag:s4], $0x0  }
0x19: {  	s7 =	sld [smem:$0x3F93]  }
0x1a: {  	s8 =	sadd.s32 $0xFFFFE003, lr  }
0x1b: {  	s9 =	sadd.s32 $0xFFFFFEF7, lr;
	s5 =	simm.s32 $0xFFFFFFFF;
	p2 =	slt.u32 s8, $0xFFFFF086  }
0x1c: {  	p1 =	slt.u32 s9, $0xF7A;
	s5 =	simm.s32 @!p2 $0x0  }
0x1d: {  	s5 =	simm.s32 @p1 $0x1;
	p0 =	seq.s32 s7, s2  }
0x1e: {  	s7 =	smul.u32 @!p0 $0xF7A, s2;
	p2 =	seq.s32 @!p0 s5, $0x0  }
0x1f: {  	s9 =	smul.u32 $0xF7A, s1;
	s8 =	simm.s32 @!p0 $0x1BF5;
	p2 =	por !p2, p0  }
0x20: {  	[sflag:s8] =	ssyncset.s32 @!p0 $0xFFFFF086;
	s6 =	sadd.s32 @!p0 s3, s7;
	s7 =	simm.s32 @!p0 $0x108  }
0x21: {  	s3 =	sadd.s32 s3, s9;
	s6 =	sadd.s32 @!p0 $0x88, s6;
	s7 =	simm.s32 @p2 $0x1082  }
0x22: {  	[simem:s7], [sflag:s8] =	dma.local @!p0 [hbm:s6], $0xF7A  }
0x23: {  	s9 =	sor.u32 $0xD0000000, s2;
	s6 =	simm.s32 $0x108;
	_ =	swait.ge @!p0 [sflag:s8], $0x0  }
0x24: {  	s3 =	sadd.s32 $0x88, s3;
	s6 =	simm.s32 @!p1 $0x1082;
	[sflag:s4] =	ssyncset.s32 $0xFFFFF086  }
0x25: {  	[simem:s6], [sflag:s4] =	dma.local [hbm:s3], $0xF7A  }
0x26: {  	[smem:$0x3F93] =	sst s1;
	(tag) =	ssettag s2;
	_ =	strace s9  }
0x27: {  	s1 =	sld [smem:$0x3FA3]  }
0x28: {  	s2 =	sld [smem:$0x3FA4]  }
0x29: {  	s4 =	sld [smem:$0x3FA6]  }
0x2a: {  	p0 =	seq.s32 s5, $0x0;
	s5 =	sld [smem:$0x3FA7]  }
0x2b: {  	s6 =	sld [smem:$0x3FA8]  }
0x2c: {  	s7 =	sld [smem:$0x3FA9]  }
0x2d: {  	s3 =	simm.s32 $0x108;
	s8 =	sld [smem:$0x3FAA]  }
0x2e: {  	s3 =	simm.s32 @!p0 $0x1082;
	s9 =	sld [smem:$0x3FAB]  }
0x2f: {  	lr =	sadd.s32 s0, s3;
	s0 =	sld [smem:$0x3FA2]  }
0x30: {  	s3 =	sld [smem:$0x3FA5]  }
0x31: {  	[smem:$0x3FAE] =	sst s10  }
0x32: {  	s10 =	sld [smem:$0x3FAC];
	_ =	sdelay $0x3  }
0x33: {  	p0 =	seq.s32 s10, $0x1;
	s10 =	sld [smem:$0x3FAE];
	_ =	sdelay $0x3  }
0x34: {  	[smem:$0x3FAE] =	sst s10  }
0x35: {  	s10 =	sld [smem:$0x3FAD];
	_ =	sdelay $0x3  }
0x36: {  	p1 =	seq.s32 s10, $0x1;
	s10 =	sld [smem:$0x3FAE];
	_ =	sdelay $0x3  }
0x37: {  	[smem:$0x3FAE] =	sst s10  }
0x38: {  	s10 =	sld [smem:$0x3FAF]  }
0x39: {  	_ = 	snop;
	(pc) =	sbr.ind lr, $3  }
0x3a: {  	_ = 	snop  }
0x3b: {  	_ = 	snop  }
0x3c: {  	p2 =	seq.s32 s10, $0x1;
	s10 =	sld [smem:$0x3FAE]  }
0x3d: {  	_ =	shalt  }
0x3e: {  	_ =	shalt  }
0x3f: {  	_ =	shalt  }
0x40: {  	_ =	shalt  }
0x41: {  	_ =	shalt  }
0x42: {  	_ =	shalt  }
0x43: {  	_ =	shalt  }
0x44: {  	_ =	shalt  }
0x45: {  	_ =	shalt  }
0x46: {  	_ =	shalt  }
0x47: {  	_ =	shalt  }
0x48: {  	_ =	shalt  }
0x49: {  	_ =	shalt  }
0x4a: {  	_ =	shalt  }
0x4b: {  	_ =	shalt  }
0x4c: {  	_ =	shalt  }
0x4d: {  	_ =	shalt  }
0x4e: {  	_ =	shalt  }
0x4f: {  	_ =	shalt  }
0x50: {  	_ =	shalt  }
0x51: {  	_ =	shalt  }
0x52: {  	_ =	shalt  }
0x53: {  	_ =	shalt  }
0x54: {  	_ =	shalt  }
0x55: {  	_ =	shalt  }
0x56: {  	_ =	shalt  }
0x57: {  	_ =	shalt  }
0x58: {  	_ =	shalt  }
0x59: {  	_ =	shalt  }
0x5a: {  	_ =	shalt  }
0x5b: {  	_ =	shalt  }
0x5c: {  	_ =	shalt  }
0x5d: {  	_ =	shalt  }
0x5e: {  	_ =	shalt  }
0x5f: {  	_ =	shalt  }
0x60: {  	_ =	shalt  }
0x61: {  	_ =	shalt  }
0x62: {  	_ =	shalt  }
0x63: {  	_ =	shalt  }
0x64: {  	_ =	shalt  }
0x65: {  	_ =	shalt  }
0x66: {  	_ =	shalt  }
0x67: {  	_ =	shalt  }
0x68: {  	_ =	shalt  }
0x69: {  	_ =	shalt  }
0x6a: {  	_ =	shalt  }
0x6b: {  	_ =	shalt  }
0x6c: {  	_ =	shalt  }
0x6d: {  	_ =	shalt  }
0x6e: {  	_ =	shalt  }
0x6f: {  	_ =	shalt  }
0x70: {  	_ =	shalt  }
0x71: {  	_ =	shalt  }
0x72: {  	_ =	shalt  }
0x73: {  	_ =	shalt  }
0x74: {  	_ =	shalt  }
0x75: {  	_ =	shalt  }
0x76: {  	_ =	shalt  }
0x77: {  	_ =	shalt  }
0x78: {  	_ =	shalt  }
0x79: {  	_ =	shalt  }
0x7a: {  	_ =	shalt  }
0x7b: {  	_ =	shalt  }
0x7c: {  	_ =	shalt  }
0x7d: {  	_ =	shalt  }
0x7e: {  	_ =	shalt  }
0x7f: {  	_ =	shalt  }
0x80: {  	_ =	shalt  }
0x81: {  	_ =	shalt  }
0x82: {  	_ =	shalt  }
0x83: {  	_ =	shalt  }
0x84: {  	_ =	shalt  }
0x85: {  	_ =	shalt  }
0x86: {  	_ =	shalt  }
0x87: {  	_ =	shalt  }
.Lfunc_end0:
.L_simem_size_0:
called_computation.2_lowered:
.L_overlay_start_0:
0x88: {  	s2 =	sld [smem:$0x3FD9]  }
0x89: {  	s3 =	sld [smem:$0x3FFE];
	_ =	sdelay $0x1  }
0x8a: {  	s1 =	srdreg.scid  }
0x8b: {  	s0 =	sand.u32 $0x1, s1  }
0x8c: {  	s15 =	sshll.u32 s0, $0xA;
	s2 =	sadd.s32 s3, s2  }
0x8d: {  	s2 =	sadd.s32 s2, s15  }
0x8e: {  	[smem:$0x3FBA] =	sst s2  }
0x8f: {  	_ = 	snop  }
0x90: {  	s2 =	sld [smem:$0x3FD0];
	_ =	sdelay $0x2  }
0x91: {  	s16 =	simm.s32 $0xC;
	s4 =	simm.s32 $0x10  }
0x92: {  	[smem:s4], [sflag:s16] =	dma.local [hbm:s2], $0x1  }
0x93: {  	_ =	swait.eq [sflag:s16], $0x1  }
0x94: {  	[sflag:s16] =	ssyncset.done $0x0  }
0x95: {  	[sflag:s16] =	ssyncadd.s32 $0xFFFFFFFF  }
0x96: {  	s17 =	sld [smem:$0x10];
	(tm) =	ssettm $0x1  }
0x97: {  	s18 =	sld [smem:$0x3FFB];
	_ =	sdelay $0x3  }
0x98: {  	_ =	strace s18  }
0x99: {  	s2 =	sld [smem:$0x3FFC];
	_ =	sdelay $0x3  }
0x9a: {  	_ =	strace s2  }
0x9b: {  	s2 =	sld [smem:$0x3FFD];
	_ =	sdelay $0x3  }
0x9c: {  	_ =	strace s2  }
0x9d: {  	_ =	strace $0x8FFFFFFF  }
0x9e: {  	s19 =	sld [smem:$0x3FDB];
	_ =	sdelay $0x1  }
0x9f: {  	s20 =	simm.s32 $_scs_section_size  }
0xa0: {  	s5 =	simm.s32 $_size__tile_overlayer_lowered;
	s6 =	simm.s32 $_tile_overlayer_lowered  }
0xa1: {  	s7 =	simm.s32 $0x1BFF;
	s21 =	sshll.u32 s6, $0x1;
	s4 =	sadd.s32 s20, s19  }
0xa2: {  	s22 =	simm.s32 $0x0;
	s5 =	sshll.u32 s5, $0x1;
	s6 =	sadd.s32 s21, s4  }
0xa3: {  	[timem:s22], [sflag:s7] =	dma.local [hbm:s6], s5  }
0xa4: {  	_ =	swait.ge [sflag:s7], s5  }
0xa5: {  	s5 =	ssub.s32 $0x0, s5;
	[sflag:s7] =	ssyncset.done $0x0  }
0xa6: {  	[sflag:s7] =	ssyncadd.s32 s5;
	_ =	sdelay $0x1  }
0xa7: {  	s23 =	simm.s32 $0x1B8B  }
0xa8: {  	_ =	swait.ge [sflag:s23], $0x1  }
0xa9: {  	[sflag:s23] =	ssyncset.done $0x0  }
0xaa: {  	[sflag:s23] =	ssyncadd.s32 $0xFFFFFFFF  }
0xab: {  	s5 =	sld [smem:$0x0]  }
0xac: {  	s6 =	sand.u32 $0xFFFFFFFE, s1  }
0xad: {  	p0 =	sne.s32 s1, s6  }
0xae: {  	s6 =	sshll.u32 @p0 s6, $0xE  }
0xaf: {  	s6 =	sadd.s32 @p0 $0x11B8D, s6;
	s7 =	sshll.u32 @p0 s5, $0x11  }
0xb0: {  	s6 =	sor.u32 @p0 s7, s6  }
0xb1: {  	[sflag:s6] =	ssyncadd.remote.s32 @p0 $0x1;
	_ =	sdelay $0x1  }
0xb2: {  	s6 =	simm.s32 @p0 $0x1B8D  }
0xb3: {  	_ =	swait.eq @p0 [sflag:s6], $0x1  }
0xb4: {  	[sflag:s6] =	ssyncadd.s32 @p0 $0xFFFFFFFF  }
0xb5: {  	s7 =	sshll.u32 @!p0 s1, $0xE  }
0xb6: {  	s7 =	sor.u32 @!p0 $0x4000, s7;
	s6 =	simm.s32 @!p0 $0x1B8D  }
0xb7: {  	s5 =	sshll.u32 @!p0 s5, $0x11;
	s7 =	sadd.s32 @!p0 $0x11B8D, s7;
	_ =	swait.eq @!p0 [sflag:s6], $0x1  }
0xb8: {  	s5 =	sor.u32 @!p0 s5, s7;
	[sflag:s6] =	ssyncadd.s32 @!p0 $0xFFFFFFFF  }
0xb9: {  	s25 =	simm.s32 $0x1B8E;
	s24 =	sld [smem:$0x3FFE];
	[sflag:s5] =	ssyncadd.remote.s32 @!p0 $0x1  }
0xba: {  	s26 =	simm.s32 $execute0_lowered;
	[smem:$0x3FD2] =	sst s25  }
0xbb: {  	s6 =	sshll.u32 s26, $0x1;
	_ =	strace $0x8000004C;
	[dreg:$0x1] =	wrdreg $0xFFFFFFFF  }
0xbc: {  	s28 =	simm.s32 $_size_execute0_lowered;
	s4 =	sadd.s32 s4, s6;
	[dreg:$0x0] =	wrdreg $0x0  }
0xbd: {  	s6 =	sshll.u32 s28, $0x1;
	[dreg:$0x2] =	wrdreg s4  }
0xbe: {  	[dreg:$0x3] =	wrdreg s6  }
0xbf: {  	[dreg:$0x4] =	wrdreg $0xC0  }
0xc0: {  	_ =	task [dreg:s22], $0x5FFFF  }
0xc1: {  	[dreg:$0x1] =	wrdreg $0xFFFFFFFF  }
0xc2: {  	[dreg:$0x0] =	wrdreg $0x60  }
0xc3: {  	[dreg:$0x2] =	wrdreg s17  }
0xc4: {  	[dreg:$0x3] =	wrdreg s24  }
0xc5: {  	[dreg:$0x4] =	wrdreg $0xB  }
0xc6: {  	_ =	task.clear_ibuf [dreg:s22], $0x5FFFF;
	_ =	strace $0x9000004C  }
0xc7: {  	s29 =	simm.s32 $0xB;
	_ =	strace $0x8000004E  }
0xc8: {  	_ =	swait.ge [sflag:s29], $0x1  }
0xc9: {  	[sflag:s29] =	ssyncadd.s32 $0xFFFFFFFF  }
0xca: {  	_ =	strace $0x9000004E  }
0xcb: {  	_ =	sfence  }
0xcc: {  	s30 =	sld [smem:$0x0];
	_ =	sdelay $0x2  }
0xcd: {  	s31 =	sshll.u32 s1, $0xD;
	s1 =	sshrl.u32 s1, $0x2  }
0xce: {  	s4 =	sand.u32 $0x4000, s31;
	s1 =	sadd.s32 s1, s30  }
0xcf: {  	s0 =	sor.u32 s4, s0;
	s1 =	sshll.u32 s1, $0x11  }
0xd0: {  	s0 =	sor.u32 s1, s0  }
0xd1: {  	s0 =	sadd.s32 $0x8F2B, s0  }
0xd2: {  	[sflag:s0] =	ssyncadd.remote.s32 $0x1  }
0xd3: {  	_ =	sfence.sel $0xFFFF  }
0xd4: {  	[dreg:$0x0] =	wrdreg $0xFFFFFFFF;
	(pc) =	sbr.abs _section_cstart, $3  }
0xd5: {  	[dreg:$0x1] =	wrdreg $0xFFFFFFFF  }
0xd6: {  	_ =	task.clear_ibuf [dreg:s22], $0x2FFFF;
	_ =	strace $0x9FFFFFFF  }
0xd7: {  	(tm) =	ssettm $0x7FFFFFFF  }
tec
execute0_lowered:
.L_overlay_start_1:
0x0: {  	(tag) =	ssettag $0x1  }
0x1: {  	s1 =	srdreg.scid  }
0x2: {  	s2 =	rddreg [dreg:$0x0];
	s0 =	stileid.u32;
	s22 =	sand.u32 $0x1, s1  }
0x3: {  	s8 =	rddreg [dreg:$0x1];
	s4 =	sshll.u32 s0, $0xB;
	s5 =	sshll.u32 s22, $0xA  }
0x4: {  	s3 =	simm.s32 $0x0;
	s1 =	rddreg [dreg:$0x2];
	s24 =	sor.u32 s5, s4  }
0x5: {  	[smem:$0x7FF] =	sst s3;
	s21 =	sadd.s32 $0x4400, s8;
	s4 =	sshrl.u32 s24, $0x3  }
0x6: {  	_ =	strace $0x8000004D;
	s5 =	sadd.s32 s21, s4;
	s4 =	simm.s32 $0x2  }
0x7: {  	[tilespmem:s3], [sflag:$0x2] =	stream.linear.gather [hbm4b:s5+s3], $0x80, $0x38;
	[tilespmem:$0x6080] =	vst v63  }
0x8: {  	_ =	swait.ge [sflag:s4], $0x80  }
0x9: {  	[sflag:s4] =	ssyncset.done $0x0  }
0xa: {  	s6 =	simm.s32 $0x80;
	s7 =	simm.s32 $0x1;
	[sflag:s4] =	ssyncadd.s32 $0xFFFFFF80  }
0xb: {  	[tilespmem:s6], [sflag:$0x1] =	stream.indirect.gather [hbm4b:s2+s6], $0xC0, s3, s6, $0xb8;
	[tilespmem:$0x6080] =	vst v63  }
0xc: {  	s9 =	smul.u32 $0x18, s24;
	_ =	swait.ge [sflag:s7], $0x6000  }
0xd: {  	s23 =	sadd.s32 $0x7C00, s8;
	[sflag:s7] =	ssyncset.done $0x0  }
0xe: {  	s8 =	sadd.s32 s23, s9;
	[sflag:s7] =	ssyncadd.s32 $0xFFFFA000  }
0xf: {  	[hbm4b:s8+s3] =	stream.linear.scatter [tilespmem:s6], [sflag:$0x2], $0x6000, $0x38;
	[tilespmem:$0x6080] =	vst v63  }
0x10: {  	s10 =	sor.u32 $0x80, s24;
	_ =	swait.ge [sflag:s4], $0x6000  }
0x11: {  	s29 =	sshrl.u32 s10, $0x3;
	[sflag:s4] =	ssyncset.done $0x0  }
0x12: {  	s9 =	sadd.s32 s21, s29;
	[sflag:s4] =	ssyncadd.s32 $0xFFFFA000  }
0x13: {  	[tilespmem:s3], [sflag:$0x2] =	stream.linear.gather [hbm4b:s9+s3], $0x80, $0x38;
	[tilespmem:$0x6080] =	vst v63  }
0x14: {  	_ =	swait.ge [sflag:s4], $0x80  }
0x15: {  	[sflag:s4] =	ssyncset.done $0x0  }
0x16: {  	[sflag:s4] =	ssyncadd.s32 $0xFFFFFF80  }
0x17: {  	[tilespmem:s6], [sflag:$0x1] =	stream.indirect.gather [hbm4b:s2+s6], $0xC0, s3, s6, $0xb8;
	[tilespmem:$0x6080] =	vst v63  }
0x18: {  	s10 =	smul.u32 $0x18, s10;
	_ =	swait.ge [sflag:s7], $0x6000  }
0x19: {  	[sflag:s7] =	ssyncset.done $0x0  }
0x1a: {  	s10 =	sadd.s32 s23, s10;
	[sflag:s7] =	ssyncadd.s32 $0xFFFFA000  }
0x1b: {  	[hbm4b:s10+s3] =	stream.linear.scatter [tilespmem:s6], [sflag:$0x2], $0x6000, $0x38;
	[tilespmem:$0x6080] =	vst v63  }
0x1c: {  	s12 =	sor.u32 $0x100, s24;
	_ =	swait.ge [sflag:s4], $0x6000  }
0x1d: {  	s11 =	sshrl.u32 s12, $0x3;
	[sflag:s4] =	ssyncset.done $0x0  }
0x1e: {  	s11 =	sadd.s32 s21, s11;
	[sflag:s4] =	ssyncadd.s32 $0xFFFFA000  }
0x1f: {  	[tilespmem:s3], [sflag:$0x2] =	stream.linear.gather [hbm4b:s11+s3], $0x80, $0x38;
	[tilespmem:$0x6080] =	vst v63  }
0x20: {  	_ =	swait.ge [sflag:s4], $0x80  }
0x21: {  	[sflag:s4] =	ssyncset.done $0x0  }
0x22: {  	[sflag:s4] =	ssyncadd.s32 $0xFFFFFF80  }
0x23: {  	[tilespmem:s6], [sflag:$0x1] =	stream.indirect.gather [hbm4b:s2+s6], $0xC0, s3, s6, $0xb8;
	[tilespmem:$0x6080] =	vst v63  }
0x24: {  	s12 =	smul.u32 $0x18, s12;
	_ =	swait.ge [sflag:s7], $0x6000  }
0x25: {  	[sflag:s7] =	ssyncset.done $0x0  }
0x26: {  	s12 =	sadd.s32 s23, s12;
	[sflag:s7] =	ssyncadd.s32 $0xFFFFA000  }
0x27: {  	[hbm4b:s12+s3] =	stream.linear.scatter [tilespmem:s6], [sflag:$0x2], $0x6000, $0x38;
	[tilespmem:$0x6080] =	vst v63  }
0x28: {  	s14 =	sor.u32 $0x180, s24;
	_ =	swait.ge [sflag:s4], $0x6000  }
0x29: {  	s13 =	sshrl.u32 s14, $0x3;
	[sflag:s4] =	ssyncset.done $0x0  }
0x2a: {  	s13 =	sadd.s32 s21, s13;
	[sflag:s4] =	ssyncadd.s32 $0xFFFFA000  }
0x2b: {  	[tilespmem:s3], [sflag:$0x2] =	stream.linear.gather [hbm4b:s13+s3], $0x80, $0x38;
	[tilespmem:$0x6080] =	vst v63  }
0x2c: {  	_ =	swait.ge [sflag:s4], $0x80  }
0x2d: {  	[sflag:s4] =	ssyncset.done $0x0  }
0x2e: {  	[sflag:s4] =	ssyncadd.s32 $0xFFFFFF80  }
0x2f: {  	[tilespmem:s6], [sflag:$0x1] =	stream.indirect.gather [hbm4b:s2+s6], $0xC0, s3, s6, $0xb8;
	[tilespmem:$0x6080] =	vst v63  }
0x30: {  	s14 =	smul.u32 $0x18, s14;
	_ =	swait.ge [sflag:s7], $0x6000  }
0x31: {  	[sflag:s7] =	ssyncset.done $0x0  }
0x32: {  	s14 =	sadd.s32 s23, s14;
	[sflag:s7] =	ssyncadd.s32 $0xFFFFA000  }
0x33: {  	[hbm4b:s14+s3] =	stream.linear.scatter [tilespmem:s6], [sflag:$0x2], $0x6000, $0x38;
	[tilespmem:$0x6080] =	vst v63  }
0x34: {  	s16 =	sor.u32 $0x200, s24;
	_ =	swait.ge [sflag:s4], $0x6000  }
0x35: {  	s15 =	sshrl.u32 s16, $0x3;
	[sflag:s4] =	ssyncset.done $0x0  }
0x36: {  	s15 =	sadd.s32 s21, s15;
	[sflag:s4] =	ssyncadd.s32 $0xFFFFA000  }
0x37: {  	[tilespmem:s3], [sflag:$0x2] =	stream.linear.gather [hbm4b:s15+s3], $0x80, $0x38;
	[tilespmem:$0x6080] =	vst v63  }
0x38: {  	_ =	swait.ge [sflag:s4], $0x80  }
0x39: {  	[sflag:s4] =	ssyncset.done $0x0  }
0x3a: {  	[sflag:s4] =	ssyncadd.s32 $0xFFFFFF80  }
0x3b: {  	[tilespmem:s6], [sflag:$0x1] =	stream.indirect.gather [hbm4b:s2+s6], $0xC0, s3, s6, $0xb8;
	[tilespmem:$0x6080] =	vst v63  }
0x3c: {  	s16 =	smul.u32 $0x18, s16;
	_ =	swait.ge [sflag:s7], $0x6000  }
0x3d: {  	[sflag:s7] =	ssyncset.done $0x0  }
0x3e: {  	s16 =	sadd.s32 s23, s16;
	[sflag:s7] =	ssyncadd.s32 $0xFFFFA000  }
0x3f: {  	[hbm4b:s16+s3] =	stream.linear.scatter [tilespmem:s6], [sflag:$0x2], $0x6000, $0x38;
	[tilespmem:$0x6080] =	vst v63  }
0x40: {  	s18 =	sor.u32 $0x280, s24;
	_ =	swait.ge [sflag:s4], $0x6000  }
0x41: {  	s17 =	sshrl.u32 s18, $0x3;
	[sflag:s4] =	ssyncset.done $0x0  }
0x42: {  	s17 =	sadd.s32 s21, s17;
	[sflag:s4] =	ssyncadd.s32 $0xFFFFA000  }
0x43: {  	[tilespmem:s3], [sflag:$0x2] =	stream.linear.gather [hbm4b:s17+s3], $0x80, $0x38;
	[tilespmem:$0x6080] =	vst v63  }
0x44: {  	_ =	swait.ge [sflag:s4], $0x80  }
0x45: {  	[sflag:s4] =	ssyncset.done $0x0  }
0x46: {  	[sflag:s4] =	ssyncadd.s32 $0xFFFFFF80  }
0x47: {  	[tilespmem:s6], [sflag:$0x1] =	stream.indirect.gather [hbm4b:s2+s6], $0xC0, s3, s6, $0xb8;
	[tilespmem:$0x6080] =	vst v63  }
0x48: {  	s18 =	smul.u32 $0x18, s18;
	_ =	swait.ge [sflag:s7], $0x6000  }
0x49: {  	[sflag:s7] =	ssyncset.done $0x0  }
0x4a: {  	s18 =	sadd.s32 s23, s18;
	[sflag:s7] =	ssyncadd.s32 $0xFFFFA000  }
0x4b: {  	[hbm4b:s18+s3] =	stream.linear.scatter [tilespmem:s6], [sflag:$0x2], $0x6000, $0x38;
	[tilespmem:$0x6080] =	vst v63  }
0x4c: {  	s20 =	sor.u32 $0x300, s24;
	_ =	swait.ge [sflag:s4], $0x6000  }
0x4d: {  	s19 =	sshrl.u32 s20, $0x3;
	[sflag:s4] =	ssyncset.done $0x0  }
0x4e: {  	s19 =	sadd.s32 s21, s19;
	[sflag:s4] =	ssyncadd.s32 $0xFFFFA000  }
0x4f: {  	[tilespmem:s3], [sflag:$0x2] =	stream.linear.gather [hbm4b:s19+s3], $0x80, $0x38;
	[tilespmem:$0x6080] =	vst v63  }
0x50: {  	_ =	swait.ge [sflag:s4], $0x80  }
0x51: {  	[sflag:s4] =	ssyncset.done $0x0  }
0x52: {  	[sflag:s4] =	ssyncadd.s32 $0xFFFFFF80  }
0x53: {  	[tilespmem:s6], [sflag:$0x1] =	stream.indirect.gather [hbm4b:s2+s6], $0xC0, s3, s6, $0xb8;
	[tilespmem:$0x6080] =	vst v63  }
0x54: {  	s20 =	smul.u32 $0x18, s20;
	_ =	swait.ge [sflag:s7], $0x6000  }
0x55: {  	[sflag:s7] =	ssyncset.done $0x0  }
0x56: {  	s20 =	sadd.s32 s23, s20;
	[sflag:s7] =	ssyncadd.s32 $0xFFFFA000  }
0x57: {  	[hbm4b:s20+s3] =	stream.linear.scatter [tilespmem:s6], [sflag:$0x2], $0x6000, $0x38;
	[tilespmem:$0x6080] =	vst v63  }
0x58: {  	s24 =	sor.u32 $0x380, s24;
	_ =	swait.ge [sflag:s4], $0x6000  }
0x59: {  	s25 =	sshrl.u32 s24, $0x3;
	[sflag:s4] =	ssyncset.done $0x0  }
0x5a: {  	s22 =	ssub.s32 $0x2, s22;
	s21 =	sadd.s32 s21, s25;
	[sflag:s4] =	ssyncadd.s32 $0xFFFFA000  }
0x5b: {  	[tilespmem:s3], [sflag:$0x2] =	stream.linear.gather [hbm4b:s21+s3], $0x80, $0x38;
	[tilespmem:$0x6080] =	vst v63  }
0x5c: {  	s30 =	sshrl.u32 s22, $0x1;
	_ =	swait.ge [sflag:s4], $0x80  }
0x5d: {  	s25 =	ssub.s32 s22, s30;
	[sflag:s4] =	ssyncset.done $0x0  }
0x5e: {  	s31 =	smax.u32 s25, $0x1;
	[sflag:s4] =	ssyncadd.s32 $0xFFFFFF80  }
0x5f: {  	[tilespmem:s6], [sflag:$0x1] =	stream.indirect.gather [hbm4b:s2+s6], $0xC0, s3, s6, $0xb8;
	[tilespmem:$0x6080] =	vst v63  }
0x60: {  	s24 =	smul.u32 $0x18, s24;
	p0 =	sne.s32 s31, $0x1;
	_ =	swait.ge [sflag:s7], $0x6000  }
.Ltmp0:
0x61: {  	[sflag:s7] =	ssyncset.done $0x0;
	(pc) =	sbr.rel @!p0 .LBB2_2-.Ltmp0, $4  }
0x62: {  	s22 =	sadd.s32 s23, s24;
	[sflag:s7] =	ssyncadd.s32 $0xFFFFA000  }
0x63: {  	[hbm4b:s22+s3] =	stream.linear.scatter [tilespmem:s6], [sflag:$0x2], $0x6000, $0x38;
	[tilespmem:$0x6080] =	vst v63  }
0x64: {  	_ =	swait.ge [sflag:s4], $0x6000  }
0x65: {  	s23 =	sadd.s32 $0xFFFFFFFF, s31;
	[sflag:s4] =	ssyncset.done $0x0  }
.LBB2_1:
0x66: {  	p0 =	sne.s32 s23, $0x1;
	s23 =	sadd.s32 $0xFFFFFFFF, s23;
	[sflag:s4] =	ssyncadd.s32 $0xFFFFA000  }
0x67: {  	[tilespmem:s3], [sflag:$0x2] =	stream.linear.gather [hbm4b:s5+s3], $0x80, $0x38;
	[tilespmem:$0x6080] =	vst v63  }
0x68: {  	_ =	swait.ge [sflag:s4], $0x80  }
0x69: {  	[sflag:s4] =	ssyncset.done $0x0  }
0x6a: {  	[sflag:s4] =	ssyncadd.s32 $0xFFFFFF80  }
0x6b: {  	[tilespmem:s6], [sflag:$0x1] =	stream.indirect.gather [hbm4b:s2+s6], $0xC0, s3, s6, $0xb8;
	[tilespmem:$0x6080] =	vst v63  }
0x6c: {  	_ =	swait.ge [sflag:s7], $0x6000  }
0x6d: {  	[sflag:s7] =	ssyncset.done $0x0  }
0x6e: {  	[sflag:s7] =	ssyncadd.s32 $0xFFFFA000  }
0x6f: {  	[hbm4b:s8+s3] =	stream.linear.scatter [tilespmem:s6], [sflag:$0x2], $0x6000, $0x38;
	[tilespmem:$0x6080] =	vst v63  }
0x70: {  	_ =	swait.ge [sflag:s4], $0x6000  }
0x71: {  	[sflag:s4] =	ssyncset.done $0x0  }
0x72: {  	[sflag:s4] =	ssyncadd.s32 $0xFFFFA000  }
0x73: {  	[tilespmem:s3], [sflag:$0x2] =	stream.linear.gather [hbm4b:s9+s3], $0x80, $0x38;
	[tilespmem:$0x6080] =	vst v63  }
0x74: {  	_ =	swait.ge [sflag:s4], $0x80  }
0x75: {  	[sflag:s4] =	ssyncset.done $0x0  }
0x76: {  	[sflag:s4] =	ssyncadd.s32 $0xFFFFFF80  }
0x77: {  	[tilespmem:s6], [sflag:$0x1] =	stream.indirect.gather [hbm4b:s2+s6], $0xC0, s3, s6, $0xb8;
	[tilespmem:$0x6080] =	vst v63  }
0x78: {  	_ =	swait.ge [sflag:s7], $0x6000  }
0x79: {  	[sflag:s7] =	ssyncset.done $0x0  }
0x7a: {  	[sflag:s7] =	ssyncadd.s32 $0xFFFFA000  }
0x7b: {  	[hbm4b:s10+s3] =	stream.linear.scatter [tilespmem:s6], [sflag:$0x2], $0x6000, $0x38;
	[tilespmem:$0x6080] =	vst v63  }
0x7c: {  	_ =	swait.ge [sflag:s4], $0x6000  }
0x7d: {  	[sflag:s4] =	ssyncset.done $0x0  }
0x7e: {  	[sflag:s4] =	ssyncadd.s32 $0xFFFFA000  }
0x7f: {  	[tilespmem:s3], [sflag:$0x2] =	stream.linear.gather [hbm4b:s11+s3], $0x80, $0x38;
	[tilespmem:$0x6080] =	vst v63  }
0x80: {  	_ =	swait.ge [sflag:s4], $0x80  }
0x81: {  	[sflag:s4] =	ssyncset.done $0x0  }
0x82: {  	[sflag:s4] =	ssyncadd.s32 $0xFFFFFF80  }
0x83: {  	[tilespmem:s6], [sflag:$0x1] =	stream.indirect.gather [hbm4b:s2+s6], $0xC0, s3, s6, $0xb8;
	[tilespmem:$0x6080] =	vst v63  }
0x84: {  	_ =	swait.ge [sflag:s7], $0x6000  }
0x85: {  	[sflag:s7] =	ssyncset.done $0x0  }
0x86: {  	[sflag:s7] =	ssyncadd.s32 $0xFFFFA000  }
0x87: {  	[hbm4b:s12+s3] =	stream.linear.scatter [tilespmem:s6], [sflag:$0x2], $0x6000, $0x38;
	[tilespmem:$0x6080] =	vst v63  }
0x88: {  	_ =	swait.ge [sflag:s4], $0x6000  }
0x89: {  	[sflag:s4] =	ssyncset.done $0x0  }
0x8a: {  	[sflag:s4] =	ssyncadd.s32 $0xFFFFA000  }
0x8b: {  	[tilespmem:s3], [sflag:$0x2] =	stream.linear.gather [hbm4b:s13+s3], $0x80, $0x38;
	[tilespmem:$0x6080] =	vst v63  }
0x8c: {  	_ =	swait.ge [sflag:s4], $0x80  }
0x8d: {  	[sflag:s4] =	ssyncset.done $0x0  }
0x8e: {  	[sflag:s4] =	ssyncadd.s32 $0xFFFFFF80  }
0x8f: {  	[tilespmem:s6], [sflag:$0x1] =	stream.indirect.gather [hbm4b:s2+s6], $0xC0, s3, s6, $0xb8;
	[tilespmem:$0x6080] =	vst v63  }
0x90: {  	_ =	swait.ge [sflag:s7], $0x6000  }
0x91: {  	[sflag:s7] =	ssyncset.done $0x0  }
0x92: {  	[sflag:s7] =	ssyncadd.s32 $0xFFFFA000  }
0x93: {  	[hbm4b:s14+s3] =	stream.linear.scatter [tilespmem:s6], [sflag:$0x2], $0x6000, $0x38;
	[tilespmem:$0x6080] =	vst v63  }
0x94: {  	_ =	swait.ge [sflag:s4], $0x6000  }
0x95: {  	[sflag:s4] =	ssyncset.done $0x0  }
0x96: {  	[sflag:s4] =	ssyncadd.s32 $0xFFFFA000  }
0x97: {  	[tilespmem:s3], [sflag:$0x2] =	stream.linear.gather [hbm4b:s15+s3], $0x80, $0x38;
	[tilespmem:$0x6080] =	vst v63  }
0x98: {  	_ =	swait.ge [sflag:s4], $0x80  }
0x99: {  	[sflag:s4] =	ssyncset.done $0x0  }
0x9a: {  	[sflag:s4] =	ssyncadd.s32 $0xFFFFFF80  }
0x9b: {  	[tilespmem:s6], [sflag:$0x1] =	stream.indirect.gather [hbm4b:s2+s6], $0xC0, s3, s6, $0xb8;
	[tilespmem:$0x6080] =	vst v63  }
0x9c: {  	_ =	swait.ge [sflag:s7], $0x6000  }
0x9d: {  	[sflag:s7] =	ssyncset.done $0x0  }
0x9e: {  	[sflag:s7] =	ssyncadd.s32 $0xFFFFA000  }
0x9f: {  	[hbm4b:s16+s3] =	stream.linear.scatter [tilespmem:s6], [sflag:$0x2], $0x6000, $0x38;
	[tilespmem:$0x6080] =	vst v63  }
0xa0: {  	_ =	swait.ge [sflag:s4], $0x6000  }
0xa1: {  	[sflag:s4] =	ssyncset.done $0x0  }
0xa2: {  	[sflag:s4] =	ssyncadd.s32 $0xFFFFA000  }
0xa3: {  	[tilespmem:s3], [sflag:$0x2] =	stream.linear.gather [hbm4b:s17+s3], $0x80, $0x38;
	[tilespmem:$0x6080] =	vst v63  }
0xa4: {  	_ =	swait.ge [sflag:s4], $0x80  }
0xa5: {  	[sflag:s4] =	ssyncset.done $0x0  }
0xa6: {  	[sflag:s4] =	ssyncadd.s32 $0xFFFFFF80  }
0xa7: {  	[tilespmem:s6], [sflag:$0x1] =	stream.indirect.gather [hbm4b:s2+s6], $0xC0, s3, s6, $0xb8;
	[tilespmem:$0x6080] =	vst v63  }
0xa8: {  	_ =	swait.ge [sflag:s7], $0x6000  }
0xa9: {  	[sflag:s7] =	ssyncset.done $0x0  }
0xaa: {  	[sflag:s7] =	ssyncadd.s32 $0xFFFFA000  }
0xab: {  	[hbm4b:s18+s3] =	stream.linear.scatter [tilespmem:s6], [sflag:$0x2], $0x6000, $0x38;
	[tilespmem:$0x6080] =	vst v63  }
0xac: {  	_ =	swait.ge [sflag:s4], $0x6000  }
0xad: {  	[sflag:s4] =	ssyncset.done $0x0  }
0xae: {  	[sflag:s4] =	ssyncadd.s32 $0xFFFFA000  }
0xaf: {  	[tilespmem:s3], [sflag:$0x2] =	stream.linear.gather [hbm4b:s19+s3], $0x80, $0x38;
	[tilespmem:$0x6080] =	vst v63  }
0xb0: {  	_ =	swait.ge [sflag:s4], $0x80  }
0xb1: {  	[sflag:s4] =	ssyncset.done $0x0  }
0xb2: {  	[sflag:s4] =	ssyncadd.s32 $0xFFFFFF80  }
0xb3: {  	[tilespmem:s6], [sflag:$0x1] =	stream.indirect.gather [hbm4b:s2+s6], $0xC0, s3, s6, $0xb8;
	[tilespmem:$0x6080] =	vst v63  }
0xb4: {  	_ =	swait.ge [sflag:s7], $0x6000  }
0xb5: {  	[sflag:s7] =	ssyncset.done $0x0  }
0xb6: {  	[sflag:s7] =	ssyncadd.s32 $0xFFFFA000  }
0xb7: {  	[hbm4b:s20+s3] =	stream.linear.scatter [tilespmem:s6], [sflag:$0x2], $0x6000, $0x38;
	[tilespmem:$0x6080] =	vst v63  }
0xb8: {  	_ =	swait.ge [sflag:s4], $0x6000  }
0xb9: {  	[sflag:s4] =	ssyncset.done $0x0  }
0xba: {  	[sflag:s4] =	ssyncadd.s32 $0xFFFFA000  }
0xbb: {  	[tilespmem:s3], [sflag:$0x2] =	stream.linear.gather [hbm4b:s21+s3], $0x80, $0x38;
	[tilespmem:$0x6080] =	vst v63  }
0xbc: {  	_ =	swait.ge [sflag:s4], $0x80  }
0xbd: {  	[sflag:s4] =	ssyncset.done $0x0  }
0xbe: {  	[sflag:s4] =	ssyncadd.s32 $0xFFFFFF80  }
0xbf: {  	[tilespmem:s6], [sflag:$0x1] =	stream.indirect.gather [hbm4b:s2+s6], $0xC0, s3, s6, $0xb8;
	[tilespmem:$0x6080] =	vst v63  }
0xc0: {  	_ =	swait.ge [sflag:s7], $0x6000  }
.Ltmp1:
0xc1: {  	[sflag:s7] =	ssyncset.done $0x0;
	(pc) =	sbr.rel @p0 .LBB2_1-.Ltmp1, $4  }
0xc2: {  	[sflag:s7] =	ssyncadd.s32 $0xFFFFA000  }
0xc3: {  	[hbm4b:s22+s3] =	stream.linear.scatter [tilespmem:s6], [sflag:$0x2], $0x6000, $0x38;
	[tilespmem:$0x6080] =	vst v63  }
0xc4: {  	_ =	swait.ge [sflag:s4], $0x6000  }
0xc5: {  	[sflag:s4] =	ssyncset.done $0x0  }
.LBB2_2:
0xc6: {  	[sflag:s4] =	ssyncadd.s32 $0xFFFFA000  }
0xc7: {  	_ =	sfence.sel $0x180000  }
0xc8: {  	[bflag:$0x0] =	sbarrier.arrive $0xFFFF  }
0xc9: {  	p0 =	sne.s32 s0, $0x0;
	_ =	strace $0x9000004D  }
0xca: {  	s0 =	sadd.s32 @!p0 $0x100000, s1;
	[bflag:$0x2] =	sbarrier.arrive $0xFFFF  }
0xcb: {  	[sflag:s0] =	ssyncadd.tile.s32 @!p0 $0x1;
	_ =	shalt  }
.Lfunc_end2:
_tile_overlayer_lowered:
.L_overlay_start_2:
0xcc: {  	(tag) =	ssettag $0x2  }
0xcd: {  	s0 =	rddreg [dreg:$0x0];
	s2 =	stileid.u32  }
0xce: {  	s1 =	rddreg [dreg:$0x1];
	p0 =	sne.s32 s2, $0x0  }
0xcf: {  	s3 =	rddreg [dreg:$0x2];
	[bflag:$0x3] =	sbarrier.arrive $0xFFFF;
	s2 =	simm.s32 @!p0 $0x1C02  }
0xd0: {  	[timem:s3], [sflag:s2] =	dma.local @!p0 [hbm:s0], s1  }
0xd1: {  	s0 =	simm.s32 @!p0 $0x2  }
0xd2: {  	_ =	swait.ge @!p0 [sflag:s0], s1  }
0xd3: {  	s1 =	ssub.s32 @!p0 $0x0, s1;
	[sflag:s0] =	ssyncset.done @!p0 $0x0  }
0xd4: {  	[sflag:s0] =	ssyncadd.s32 @!p0 s1  }
0xd5: {  	[bflag:$0x3] =	sbarrier.arrive $0xFFFF  }
0xd6: {  	_ =	shalt  }

// kernel: _run.8.cloned.1.call-start
scs
__scs_entry_jumppad:
0x0: {  	(pc) =	sbr.rel $0x88, $3  }
0x1: {  	(tag) =	ssettag $0x0;
	lr =	simm.s32 $0x1  }
0x2: {  	[smem:$0x3F93] =	sst lr;
	_ =	strace $0xD0000000  }
0x3: {  	_ = 	snop  }
0x4: {  	_ = 	snop  }
0x5: {  	_ = 	snop  }
0x6: {  	_ = 	snop  }
0x7: {  	_ = 	snop  }
__scs_overlays_trampoline_lowered:
0x8: {  	[smem:$0x3FA2] =	sst s0  }
0x9: {  	[smem:$0x3FA3] =	sst s1  }
0xa: {  	[smem:$0x3FA4] =	sst s2  }
0xb: {  	[smem:$0x3FA5] =	sst s3  }
0xc: {  	[smem:$0x3FA6] =	sst s4  }
0xd: {  	[smem:$0x3FA7] =	sst s5  }
0xe: {  	[smem:$0x3FA8] =	sst s6  }
0xf: {  	[smem:$0x3FA9] =	sst s7  }
0x10: {  	[smem:$0x3FAA] =	sst s8  }
0x11: {  	[smem:$0x3FAB] =	sst s9;
	s0 =	simm.s32 @!p0 $0x0  }
0x12: {  	s1 =	sld [smem:$0x3F91];
	s0 =	simm.s32 @p0 $0x1  }
0x13: {  	[smem:$0x3FAC] =	sst s0;
	s0 =	simm.s32 @!p1 $0x0  }
0x14: {  	s2 =	sld [smem:$0x3F90];
	s0 =	simm.s32 @p1 $0x1  }
0x15: {  	[smem:$0x3FAD] =	sst s0;
	s0 =	simm.s32 @!p2 $0x0  }
0x16: {  	s3 =	sld [smem:$0x3FDB];
	s0 =	simm.s32 @p2 $0x1  }
0x17: {  	s4 =	simm.s32 $0x1BF5;
	[smem:$0x3FAF] =	sst s0  }
0x18: {  	s0 =	sld [smem:$0x3F92];
	_ =	swait.ge [sflag:s4], $0x0  }
0x19: {  	s7 =	sld [smem:$0x3F93]  }
0x1a: {  	s8 =	sadd.s32 $0xFFFFE003, lr  }
0x1b: {  	s9 =	sadd.s32 $0xFFFFFEF7, lr;
	s5 =	simm.s32 $0xFFFFFFFF;
	p2 =	slt.u32 s8, $0xFFFFF086  }
0x1c: {  	p1 =	slt.u32 s9, $0xF7A;
	s5 =	simm.s32 @!p2 $0x0  }
0x1d: {  	s5 =	simm.s32 @p1 $0x1;
	p0 =	seq.s32 s7, s2  }
0x1e: {  	s7 =	smul.u32 @!p0 $0xF7A, s2;
	p2 =	seq.s32 @!p0 s5, $0x0  }
0x1f: {  	s9 =	smul.u32 $0xF7A, s1;
	s8 =	simm.s32 @!p0 $0x1BF5;
	p2 =	por !p2, p0  }
0x20: {  	[sflag:s8] =	ssyncset.s32 @!p0 $0xFFFFF086;
	s6 =	sadd.s32 @!p0 s3, s7;
	s7 =	simm.s32 @!p0 $0x108  }
0x21: {  	s3 =	sadd.s32 s3, s9;
	s6 =	sadd.s32 @!p0 $0x88, s6;
	s7 =	simm.s32 @p2 $0x1082  }
0x22: {  	[simem:s7], [sflag:s8] =	dma.local @!p0 [hbm:s6], $0xF7A  }
0x23: {  	s9 =	sor.u32 $0xD0000000, s2;
	s6 =	simm.s32 $0x108;
	_ =	swait.ge @!p0 [sflag:s8], $0x0  }
0x24: {  	s3 =	sadd.s32 $0x88, s3;
	s6 =	simm.s32 @!p1 $0x1082;
	[sflag:s4] =	ssyncset.s32 $0xFFFFF086  }
0x25: {  	[simem:s6], [sflag:s4] =	dma.local [hbm:s3], $0xF7A  }
0x26: {  	[smem:$0x3F93] =	sst s1;
	(tag) =	ssettag s2;
	_ =	strace s9  }
0x27: {  	s1 =	sld [smem:$0x3FA3]  }
0x28: {  	s2 =	sld [smem:$0x3FA4]  }
0x29: {  	s4 =	sld [smem:$0x3FA6]  }
0x2a: {  	p0 =	seq.s32 s5, $0x0;
	s5 =	sld [smem:$0x3FA7]  }
0x2b: {  	s6 =	sld [smem:$0x3FA8]  }
0x2c: {  	s7 =	sld [smem:$0x3FA9]  }
0x2d: {  	s3 =	simm.s32 $0x108;
	s8 =	sld [smem:$0x3FAA]  }
0x2e: {  	s3 =	simm.s32 @!p0 $0x1082;
	s9 =	sld [smem:$0x3FAB]  }
0x2f: {  	lr =	sadd.s32 s0, s3;
	s0 =	sld [smem:$0x3FA2]  }
0x30: {  	s3 =	sld [smem:$0x3FA5]  }
0x31: {  	[smem:$0x3FAE] =	sst s10  }
0x32: {  	s10 =	sld [smem:$0x3FAC];
	_ =	sdelay $0x3  }
0x33: {  	p0 =	seq.s32 s10, $0x1;
	s10 =	sld [smem:$0x3FAE];
	_ =	sdelay $0x3  }
0x34: {  	[smem:$0x3FAE] =	sst s10  }
0x35: {  	s10 =	sld [smem:$0x3FAD];
	_ =	sdelay $0x3  }
0x36: {  	p1 =	seq.s32 s10, $0x1;
	s10 =	sld [smem:$0x3FAE];
	_ =	sdelay $0x3  }
0x37: {  	[smem:$0x3FAE] =	sst s10  }
0x38: {  	s10 =	sld [smem:$0x3FAF]  }
0x39: {  	_ = 	snop;
	(pc) =	sbr.ind lr, $3  }
0x3a: {  	_ = 	snop  }
0x3b: {  	_ = 	snop  }
0x3c: {  	p2 =	seq.s32 s10, $0x1;
	s10 =	sld [smem:$0x3FAE]  }
0x3d: {  	_ =	shalt  }
0x3e: {  	_ =	shalt  }
0x3f: {  	_ =	shalt  }
0x40: {  	_ =	shalt  }
0x41: {  	_ =	shalt  }
0x42: {  	_ =	shalt  }
0x43: {  	_ =	shalt  }
0x44: {  	_ =	shalt  }
0x45: {  	_ =	shalt  }
0x46: {  	_ =	shalt  }
0x47: {  	_ =	shalt  }
0x48: {  	_ =	shalt  }
0x49: {  	_ =	shalt  }
0x4a: {  	_ =	shalt  }
0x4b: {  	_ =	shalt  }
0x4c: {  	_ =	shalt  }
0x4d: {  	_ =	shalt  }
0x4e: {  	_ =	shalt  }
0x4f: {  	_ =	shalt  }
0x50: {  	_ =	shalt  }
0x51: {  	_ =	shalt  }
0x52: {  	_ =	shalt  }
0x53: {  	_ =	shalt  }
0x54: {  	_ =	shalt  }
0x55: {  	_ =	shalt  }
0x56: {  	_ =	shalt  }
0x57: {  	_ =	shalt  }
0x58: {  	_ =	shalt  }
0x59: {  	_ =	shalt  }
0x5a: {  	_ =	shalt  }
0x5b: {  	_ =	shalt  }
0x5c: {  	_ =	shalt  }
0x5d: {  	_ =	shalt  }
0x5e: {  	_ =	shalt  }
0x5f: {  	_ =	shalt  }
0x60: {  	_ =	shalt  }
0x61: {  	_ =	shalt  }
0x62: {  	_ =	shalt  }
0x63: {  	_ =	shalt  }
0x64: {  	_ =	shalt  }
0x65: {  	_ =	shalt  }
0x66: {  	_ =	shalt  }
0x67: {  	_ =	shalt  }
0x68: {  	_ =	shalt  }
0x69: {  	_ =	shalt  }
0x6a: {  	_ =	shalt  }
0x6b: {  	_ =	shalt  }
0x6c: {  	_ =	shalt  }
0x6d: {  	_ =	shalt  }
0x6e: {  	_ =	shalt  }
0x6f: {  	_ =	shalt  }
0x70: {  	_ =	shalt  }
0x71: {  	_ =	shalt  }
0x72: {  	_ =	shalt  }
0x73: {  	_ =	shalt  }
0x74: {  	_ =	shalt  }
0x75: {  	_ =	shalt  }
0x76: {  	_ =	shalt  }
0x77: {  	_ =	shalt  }
0x78: {  	_ =	shalt  }
0x79: {  	_ =	shalt  }
0x7a: {  	_ =	shalt  }
0x7b: {  	_ =	shalt  }
0x7c: {  	_ =	shalt  }
0x7d: {  	_ =	shalt  }
0x7e: {  	_ =	shalt  }
0x7f: {  	_ =	shalt  }
0x80: {  	_ =	shalt  }
0x81: {  	_ =	shalt  }
0x82: {  	_ =	shalt  }
0x83: {  	_ =	shalt  }
0x84: {  	_ =	shalt  }
0x85: {  	_ =	shalt  }
0x86: {  	_ =	shalt  }
0x87: {  	_ =	shalt  }
.Lfunc_end0:
.L_simem_size_0:
called_computation.3_lowered:
.L_overlay_start_0:
0x88: {  	s2 =	sld [smem:$0x3FD9]  }
0x89: {  	s3 =	sld [smem:$0x3FFE];
	_ =	sdelay $0x1  }
0x8a: {  	s1 =	srdreg.scid  }
0x8b: {  	s0 =	sand.u32 $0x1, s1  }
0x8c: {  	s16 =	sshll.u32 s0, $0xA;
	s2 =	sadd.s32 s3, s2  }
0x8d: {  	s2 =	sadd.s32 s2, s16  }
0x8e: {  	[smem:$0x3FBA] =	sst s2  }
0x8f: {  	_ = 	snop  }
0x90: {  	(tm) =	ssettm $0x1  }
0x91: {  	s17 =	sld [smem:$0x3FFB];
	_ =	sdelay $0x3  }
0x92: {  	_ =	strace s17  }
0x93: {  	s2 =	sld [smem:$0x3FFC];
	_ =	sdelay $0x3  }
0x94: {  	_ =	strace s2  }
0x95: {  	s2 =	sld [smem:$0x3FFD];
	_ =	sdelay $0x3  }
0x96: {  	_ =	strace s2  }
0x97: {  	_ =	strace $0x8FFFFFFF  }
0x98: {  	s18 =	sld [smem:$0x3FDB];
	_ =	sdelay $0x1  }
0x99: {  	s19 =	simm.s32 $_scs_section_size  }
0x9a: {  	s4 =	simm.s32 $_size__tile_overlayer_lowered;
	s5 =	simm.s32 $_tile_overlayer_lowered  }
0x9b: {  	s22 =	simm.s32 $0x1BFF;
	s21 =	sshll.u32 s5, $0x1;
	s2 =	sadd.s32 s19, s18  }
0x9c: {  	s6 =	simm.s32 $0x0;
	s20 =	sshll.u32 s4, $0x1;
	s4 =	sadd.s32 s21, s2  }
0x9d: {  	[timem:s6], [sflag:s22] =	dma.local [hbm:s4], s20  }
0x9e: {  	_ =	swait.ge [sflag:s22], s20  }
0x9f: {  	s3 =	ssub.s32 $0x0, s20;
	[sflag:s22] =	ssyncset.done $0x0  }
0xa0: {  	[sflag:s22] =	ssyncadd.s32 s3;
	_ =	sdelay $0x1  }
0xa1: {  	s23 =	simm.s32 $0x1B8B  }
0xa2: {  	_ =	swait.ge [sflag:s23], $0x1  }
0xa3: {  	[sflag:s23] =	ssyncset.done $0x0  }
0xa4: {  	s25 =	simm.s32 $0x1B8E;
	s24 =	sld [smem:$0x3FFE];
	[sflag:s23] =	ssyncadd.s32 $0xFFFFFFFF  }
0xa5: {  	s26 =	simm.s32 $execute0_lowered;
	[smem:$0x3FD2] =	sst s25  }
0xa6: {  	s4 =	sshll.u32 s26, $0x1;
	_ =	strace $0x8000004F;
	[dreg:$0x1] =	wrdreg $0xFFFFFFFF  }
0xa7: {  	s28 =	simm.s32 $_size_execute0_lowered;
	s2 =	sadd.s32 s2, s4;
	[dreg:$0x0] =	wrdreg $0x0  }
0xa8: {  	s4 =	sshll.u32 s28, $0x1;
	[dreg:$0x2] =	wrdreg s2  }
0xa9: {  	[dreg:$0x3] =	wrdreg s4  }
0xaa: {  	[dreg:$0x4] =	wrdreg $0xC0  }
0xab: {  	_ =	task [dreg:s6], $0x5FFFF  }
0xac: {  	[dreg:$0x1] =	wrdreg $0xFFFFFFFF  }
0xad: {  	[dreg:$0x0] =	wrdreg $0x60  }
0xae: {  	[dreg:$0x2] =	wrdreg s24  }
0xaf: {  	[dreg:$0x3] =	wrdreg $0x9  }
0xb0: {  	_ =	task.clear_ibuf [dreg:s6], $0x4FFFF;
	_ =	strace $0x9000004F  }
0xb1: {  	s29 =	simm.s32 $0x9;
	_ =	strace $0x80000051  }
0xb2: {  	_ =	swait.ge [sflag:s29], $0x1  }
0xb3: {  	[sflag:s29] =	ssyncadd.s32 $0xFFFFFFFF  }
0xb4: {  	_ =	strace $0x90000051  }
0xb5: {  	_ =	sfence  }
0xb6: {  	s30 =	sld [smem:$0x0];
	_ =	sdelay $0x2  }
0xb7: {  	s31 =	sshll.u32 s1, $0xD;
	s1 =	sshrl.u32 s1, $0x2  }
0xb8: {  	s3 =	sand.u32 $0x4000, s31;
	s1 =	sadd.s32 s1, s30  }
0xb9: {  	s0 =	sor.u32 s3, s0;
	s1 =	sshll.u32 s1, $0x11  }
0xba: {  	s0 =	sor.u32 s1, s0  }
0xbb: {  	s0 =	sadd.s32 $0x8F2B, s0  }
0xbc: {  	[sflag:s0] =	ssyncadd.remote.s32 $0x1  }
0xbd: {  	_ =	sfence.sel $0xFFFF  }
0xbe: {  	[dreg:$0x0] =	wrdreg $0xFFFFFFFF;
	(pc) =	sbr.abs _section_cstart, $3  }
0xbf: {  	[dreg:$0x1] =	wrdreg $0xFFFFFFFF  }
0xc0: {  	_ =	task.clear_ibuf [dreg:s6], $0x2FFFF;
	_ =	strace $0x9FFFFFFF  }
0xc1: {  	(tm) =	ssettm $0x7FFFFFFF  }
tec
execute0_lowered:
.L_overlay_start_1:
0x0: {  	(tag) =	ssettag $0x1  }
0x1: {  	s1 =	srdreg.scid  }
0x2: {  	s0 =	stileid.u32;
	s10 =	sand.u32 $0x1, s1  }
0x3: {  	s8 =	rddreg [dreg:$0x0];
	s3 =	sshll.u32 s0, $0x9;
	s4 =	sshll.u32 s10, $0x8  }
0x4: {  	s2 =	simm.s32 $0x0;
	s1 =	rddreg [dreg:$0x1];
	s9 =	sor.u32 s4, s3  }
0x5: {  	[smem:$0x7FF] =	sst s2;
	s11 =	sadd.s32 $0x6400, s8;
	s3 =	sshrl.u32 s9, $0x3  }
0x6: {  	_ =	strace $0x80000050;
	s4 =	sadd.s32 s11, s3;
	s3 =	simm.s32 $0x2  }
0x7: {  	[tilespmem:s2], [sflag:$0x2] =	stream.linear.gather [hbm4b:s4+s2], $0x80, $0x38;
	[tilespmem:$0x6080] =	vst v63  }
0x8: {  	_ =	swait.ge [sflag:s3], $0x80  }
0x9: {  	s6 =	simm.s32 $0x80;
	[sflag:s3] =	ssyncset.done $0x0  }
0xa: {  	s7 =	simm.s32 $0x1;
	s5 =	sadd.s32 $0x6800, s8;
	[sflag:s3] =	ssyncadd.s32 $0xFFFFFF80  }
0xb: {  	[tilespmem:s6], [sflag:$0x1] =	stream.indirect.gather [hbm4b:s5+s6], $0xC0, s2, s6, $0xb8;
	[tilespmem:$0x6080] =	vst v63  }
0xc: {  	s12 =	smul.u32 $0x18, s9;
	_ =	swait.ge [sflag:s7], $0x6000  }
0xd: {  	s13 =	sadd.s32 $0xC6800, s8;
	[sflag:s7] =	ssyncset.done $0x0  }
0xe: {  	s8 =	sadd.s32 s13, s12;
	[sflag:s7] =	ssyncadd.s32 $0xFFFFA000  }
0xf: {  	[hbm4b:s8+s2] =	stream.linear.scatter [tilespmem:s6], [sflag:$0x2], $0x6000, $0x38;
	[tilespmem:$0x6080] =	vst v63  }
0x10: {  	s30 =	sor.u32 $0x80, s9;
	_ =	swait.ge [sflag:s3], $0x6000  }
0x11: {  	s9 =	sshrl.u32 s30, $0x3;
	[sflag:s3] =	ssyncset.done $0x0  }
0x12: {  	s10 =	ssub.s32 $0x2, s10;
	s9 =	sadd.s32 s11, s9;
	[sflag:s3] =	ssyncadd.s32 $0xFFFFA000  }
0x13: {  	[tilespmem:s2], [sflag:$0x2] =	stream.linear.gather [hbm4b:s9+s2], $0x80, $0x38;
	[tilespmem:$0x6080] =	vst v63  }
0x14: {  	s31 =	sshrl.u32 s10, $0x1;
	_ =	swait.ge [sflag:s3], $0x80  }
0x15: {  	s11 =	ssub.s32 s10, s31;
	[sflag:s3] =	ssyncset.done $0x0  }
0x16: {  	s11 =	smax.u32 s11, $0x1;
	[sflag:s3] =	ssyncadd.s32 $0xFFFFFF80  }
0x17: {  	[tilespmem:s6], [sflag:$0x1] =	stream.indirect.gather [hbm4b:s5+s6], $0xC0, s2, s6, $0xb8;
	[tilespmem:$0x6080] =	vst v63  }
0x18: {  	s12 =	smul.u32 $0x18, s30;
	p0 =	sne.s32 s11, $0x1;
	_ =	swait.ge [sflag:s7], $0x6000  }
.Ltmp0:
0x19: {  	[sflag:s7] =	ssyncset.done $0x0;
	(pc) =	sbr.rel @!p0 .LBB2_2-.Ltmp0, $4  }
0x1a: {  	s10 =	sadd.s32 s13, s12;
	[sflag:s7] =	ssyncadd.s32 $0xFFFFA000  }
0x1b: {  	[hbm4b:s10+s2] =	stream.linear.scatter [tilespmem:s6], [sflag:$0x2], $0x6000, $0x38;
	[tilespmem:$0x6080] =	vst v63  }
0x1c: {  	_ =	swait.ge [sflag:s3], $0x6000  }
0x1d: {  	s11 =	sadd.s32 $0xFFFFFFFF, s11;
	[sflag:s3] =	ssyncset.done $0x0  }
.LBB2_1:
0x1e: {  	p0 =	sne.s32 s11, $0x1;
	s11 =	sadd.s32 $0xFFFFFFFF, s11;
	[sflag:s3] =	ssyncadd.s32 $0xFFFFA000  }
0x1f: {  	[tilespmem:s2], [sflag:$0x2] =	stream.linear.gather [hbm4b:s4+s2], $0x80, $0x38;
	[tilespmem:$0x6080] =	vst v63  }
0x20: {  	_ =	swait.ge [sflag:s3], $0x80  }
0x21: {  	[sflag:s3] =	ssyncset.done $0x0  }
0x22: {  	[sflag:s3] =	ssyncadd.s32 $0xFFFFFF80  }
0x23: {  	[tilespmem:s6], [sflag:$0x1] =	stream.indirect.gather [hbm4b:s5+s6], $0xC0, s2, s6, $0xb8;
	[tilespmem:$0x6080] =	vst v63  }
0x24: {  	_ =	swait.ge [sflag:s7], $0x6000  }
0x25: {  	[sflag:s7] =	ssyncset.done $0x0  }
0x26: {  	[sflag:s7] =	ssyncadd.s32 $0xFFFFA000  }
0x27: {  	[hbm4b:s8+s2] =	stream.linear.scatter [tilespmem:s6], [sflag:$0x2], $0x6000, $0x38;
	[tilespmem:$0x6080] =	vst v63  }
0x28: {  	_ =	swait.ge [sflag:s3], $0x6000  }
0x29: {  	[sflag:s3] =	ssyncset.done $0x0  }
0x2a: {  	[sflag:s3] =	ssyncadd.s32 $0xFFFFA000  }
0x2b: {  	[tilespmem:s2], [sflag:$0x2] =	stream.linear.gather [hbm4b:s9+s2], $0x80, $0x38;
	[tilespmem:$0x6080] =	vst v63  }
0x2c: {  	_ =	swait.ge [sflag:s3], $0x80  }
0x2d: {  	[sflag:s3] =	ssyncset.done $0x0  }
0x2e: {  	[sflag:s3] =	ssyncadd.s32 $0xFFFFFF80  }
0x2f: {  	[tilespmem:s6], [sflag:$0x1] =	stream.indirect.gather [hbm4b:s5+s6], $0xC0, s2, s6, $0xb8;
	[tilespmem:$0x6080] =	vst v63  }
0x30: {  	_ =	swait.ge [sflag:s7], $0x6000  }
.Ltmp1:
0x31: {  	[sflag:s7] =	ssyncset.done $0x0;
	(pc) =	sbr.rel @p0 .LBB2_1-.Ltmp1, $4  }
0x32: {  	[sflag:s7] =	ssyncadd.s32 $0xFFFFA000  }
0x33: {  	[hbm4b:s10+s2] =	stream.linear.scatter [tilespmem:s6], [sflag:$0x2], $0x6000, $0x38;
	[tilespmem:$0x6080] =	vst v63  }
0x34: {  	_ =	swait.ge [sflag:s3], $0x6000  }
0x35: {  	[sflag:s3] =	ssyncset.done $0x0  }
.LBB2_2:
0x36: {  	[sflag:s3] =	ssyncadd.s32 $0xFFFFA000  }
0x37: {  	_ =	sfence.sel $0x180000  }
0x38: {  	[bflag:$0x0] =	sbarrier.arrive $0xFFFF  }
0x39: {  	p0 =	sne.s32 s0, $0x0;
	_ =	strace $0x90000050  }
0x3a: {  	s0 =	sadd.s32 @!p0 $0x100000, s1;
	[bflag:$0x2] =	sbarrier.arrive $0xFFFF  }
0x3b: {  	[sflag:s0] =	ssyncadd.tile.s32 @!p0 $0x1;
	_ =	shalt  }
.Lfunc_end2:
_tile_overlayer_lowered:
.L_overlay_start_2:
0x3c: {  	(tag) =	ssettag $0x2  }
0x3d: {  	s0 =	rddreg [dreg:$0x0];
	s2 =	stileid.u32  }
0x3e: {  	s1 =	rddreg [dreg:$0x1];
	p0 =	sne.s32 s2, $0x0  }
0x3f: {  	s3 =	rddreg [dreg:$0x2];
	[bflag:$0x3] =	sbarrier.arrive $0xFFFF;
	s2 =	simm.s32 @!p0 $0x1C02  }
0x40: {  	[timem:s3], [sflag:s2] =	dma.local @!p0 [hbm:s0], s1  }
0x41: {  	s0 =	simm.s32 @!p0 $0x2  }
0x42: {  	_ =	swait.ge @!p0 [sflag:s0], s1  }
0x43: {  	s1 =	ssub.s32 @!p0 $0x0, s1;
	[sflag:s0] =	ssyncset.done @!p0 $0x0  }
0x44: {  	[sflag:s0] =	ssyncadd.s32 @!p0 s1  }
0x45: {  	[bflag:$0x3] =	sbarrier.arrive $0xFFFF  }
0x46: {  	_ =	shalt  }

// kernel: gather_offload_async_start.1
scs
__scs_entry_jumppad:
0x0: {  	(pc) =	sbr.rel $0x88, $3  }
0x1: {  	(tag) =	ssettag $0x0;
	lr =	simm.s32 $0x1  }
0x2: {  	[smem:$0x3F93] =	sst lr;
	_ =	strace $0xD0000000  }
0x3: {  	_ = 	snop  }
0x4: {  	_ = 	snop  }
0x5: {  	_ = 	snop  }
0x6: {  	_ = 	snop  }
0x7: {  	_ = 	snop  }
__scs_overlays_trampoline_lowered:
0x8: {  	[smem:$0x3FA2] =	sst s0  }
0x9: {  	[smem:$0x3FA3] =	sst s1  }
0xa: {  	[smem:$0x3FA4] =	sst s2  }
0xb: {  	[smem:$0x3FA5] =	sst s3  }
0xc: {  	[smem:$0x3FA6] =	sst s4  }
0xd: {  	[smem:$0x3FA7] =	sst s5  }
0xe: {  	[smem:$0x3FA8] =	sst s6  }
0xf: {  	[smem:$0x3FA9] =	sst s7  }
0x10: {  	[smem:$0x3FAA] =	sst s8  }
0x11: {  	[smem:$0x3FAB] =	sst s9;
	s0 =	simm.s32 @!p0 $0x0  }
0x12: {  	s1 =	sld [smem:$0x3F91];
	s0 =	simm.s32 @p0 $0x1  }
0x13: {  	[smem:$0x3FAC] =	sst s0;
	s0 =	simm.s32 @!p1 $0x0  }
0x14: {  	s2 =	sld [smem:$0x3F90];
	s0 =	simm.s32 @p1 $0x1  }
0x15: {  	[smem:$0x3FAD] =	sst s0;
	s0 =	simm.s32 @!p2 $0x0  }
0x16: {  	s3 =	sld [smem:$0x3FDB];
	s0 =	simm.s32 @p2 $0x1  }
0x17: {  	s4 =	simm.s32 $0x1BF5;
	[smem:$0x3FAF] =	sst s0  }
0x18: {  	s0 =	sld [smem:$0x3F92];
	_ =	swait.ge [sflag:s4], $0x0  }
0x19: {  	s7 =	sld [smem:$0x3F93]  }
0x1a: {  	s8 =	sadd.s32 $0xFFFFE003, lr  }
0x1b: {  	s9 =	sadd.s32 $0xFFFFFEF7, lr;
	s5 =	simm.s32 $0xFFFFFFFF;
	p2 =	slt.u32 s8, $0xFFFFF086  }
0x1c: {  	p1 =	slt.u32 s9, $0xF7A;
	s5 =	simm.s32 @!p2 $0x0  }
0x1d: {  	s5 =	simm.s32 @p1 $0x1;
	p0 =	seq.s32 s7, s2  }
0x1e: {  	s7 =	smul.u32 @!p0 $0xF7A, s2;
	p2 =	seq.s32 @!p0 s5, $0x0  }
0x1f: {  	s9 =	smul.u32 $0xF7A, s1;
	s8 =	simm.s32 @!p0 $0x1BF5;
	p2 =	por !p2, p0  }
0x20: {  	[sflag:s8] =	ssyncset.s32 @!p0 $0xFFFFF086;
	s6 =	sadd.s32 @!p0 s3, s7;
	s7 =	simm.s32 @!p0 $0x108  }
0x21: {  	s3 =	sadd.s32 s3, s9;
	s6 =	sadd.s32 @!p0 $0x88, s6;
	s7 =	simm.s32 @p2 $0x1082  }
0x22: {  	[simem:s7], [sflag:s8] =	dma.local @!p0 [hbm:s6], $0xF7A  }
0x23: {  	s9 =	sor.u32 $0xD0000000, s2;
	s6 =	simm.s32 $0x108;
	_ =	swait.ge @!p0 [sflag:s8], $0x0  }
0x24: {  	s3 =	sadd.s32 $0x88, s3;
	s6 =	simm.s32 @!p1 $0x1082;
	[sflag:s4] =	ssyncset.s32 $0xFFFFF086  }
0x25: {  	[simem:s6], [sflag:s4] =	dma.local [hbm:s3], $0xF7A  }
0x26: {  	[smem:$0x3F93] =	sst s1;
	(tag) =	ssettag s2;
	_ =	strace s9  }
0x27: {  	s1 =	sld [smem:$0x3FA3]  }
0x28: {  	s2 =	sld [smem:$0x3FA4]  }
0x29: {  	s4 =	sld [smem:$0x3FA6]  }
0x2a: {  	p0 =	seq.s32 s5, $0x0;
	s5 =	sld [smem:$0x3FA7]  }
0x2b: {  	s6 =	sld [smem:$0x3FA8]  }
0x2c: {  	s7 =	sld [smem:$0x3FA9]  }
0x2d: {  	s3 =	simm.s32 $0x108;
	s8 =	sld [smem:$0x3FAA]  }
0x2e: {  	s3 =	simm.s32 @!p0 $0x1082;
	s9 =	sld [smem:$0x3FAB]  }
0x2f: {  	lr =	sadd.s32 s0, s3;
	s0 =	sld [smem:$0x3FA2]  }
0x30: {  	s3 =	sld [smem:$0x3FA5]  }
0x31: {  	[smem:$0x3FAE] =	sst s10  }
0x32: {  	s10 =	sld [smem:$0x3FAC];
	_ =	sdelay $0x3  }
0x33: {  	p0 =	seq.s32 s10, $0x1;
	s10 =	sld [smem:$0x3FAE];
	_ =	sdelay $0x3  }
0x34: {  	[smem:$0x3FAE] =	sst s10  }
0x35: {  	s10 =	sld [smem:$0x3FAD];
	_ =	sdelay $0x3  }
0x36: {  	p1 =	seq.s32 s10, $0x1;
	s10 =	sld [smem:$0x3FAE];
	_ =	sdelay $0x3  }
0x37: {  	[smem:$0x3FAE] =	sst s10  }
0x38: {  	s10 =	sld [smem:$0x3FAF]  }
0x39: {  	_ = 	snop;
	(pc) =	sbr.ind lr, $3  }
0x3a: {  	_ = 	snop  }
0x3b: {  	_ = 	snop  }
0x3c: {  	p2 =	seq.s32 s10, $0x1;
	s10 =	sld [smem:$0x3FAE]  }
0x3d: {  	_ =	shalt  }
0x3e: {  	_ =	shalt  }
0x3f: {  	_ =	shalt  }
0x40: {  	_ =	shalt  }
0x41: {  	_ =	shalt  }
0x42: {  	_ =	shalt  }
0x43: {  	_ =	shalt  }
0x44: {  	_ =	shalt  }
0x45: {  	_ =	shalt  }
0x46: {  	_ =	shalt  }
0x47: {  	_ =	shalt  }
0x48: {  	_ =	shalt  }
0x49: {  	_ =	shalt  }
0x4a: {  	_ =	shalt  }
0x4b: {  	_ =	shalt  }
0x4c: {  	_ =	shalt  }
0x4d: {  	_ =	shalt  }
0x4e: {  	_ =	shalt  }
0x4f: {  	_ =	shalt  }
0x50: {  	_ =	shalt  }
0x51: {  	_ =	shalt  }
0x52: {  	_ =	shalt  }
0x53: {  	_ =	shalt  }
0x54: {  	_ =	shalt  }
0x55: {  	_ =	shalt  }
0x56: {  	_ =	shalt  }
0x57: {  	_ =	shalt  }
0x58: {  	_ =	shalt  }
0x59: {  	_ =	shalt  }
0x5a: {  	_ =	shalt  }
0x5b: {  	_ =	shalt  }
0x5c: {  	_ =	shalt  }
0x5d: {  	_ =	shalt  }
0x5e: {  	_ =	shalt  }
0x5f: {  	_ =	shalt  }
0x60: {  	_ =	shalt  }
0x61: {  	_ =	shalt  }
0x62: {  	_ =	shalt  }
0x63: {  	_ =	shalt  }
0x64: {  	_ =	shalt  }
0x65: {  	_ =	shalt  }
0x66: {  	_ =	shalt  }
0x67: {  	_ =	shalt  }
0x68: {  	_ =	shalt  }
0x69: {  	_ =	shalt  }
0x6a: {  	_ =	shalt  }
0x6b: {  	_ =	shalt  }
0x6c: {  	_ =	shalt  }
0x6d: {  	_ =	shalt  }
0x6e: {  	_ =	shalt  }
0x6f: {  	_ =	shalt  }
0x70: {  	_ =	shalt  }
0x71: {  	_ =	shalt  }
0x72: {  	_ =	shalt  }
0x73: {  	_ =	shalt  }
0x74: {  	_ =	shalt  }
0x75: {  	_ =	shalt  }
0x76: {  	_ =	shalt  }
0x77: {  	_ =	shalt  }
0x78: {  	_ =	shalt  }
0x79: {  	_ =	shalt  }
0x7a: {  	_ =	shalt  }
0x7b: {  	_ =	shalt  }
0x7c: {  	_ =	shalt  }
0x7d: {  	_ =	shalt  }
0x7e: {  	_ =	shalt  }
0x7f: {  	_ =	shalt  }
0x80: {  	_ =	shalt  }
0x81: {  	_ =	shalt  }
0x82: {  	_ =	shalt  }
0x83: {  	_ =	shalt  }
0x84: {  	_ =	shalt  }
0x85: {  	_ =	shalt  }
0x86: {  	_ =	shalt  }
0x87: {  	_ =	shalt  }
.Lfunc_end0:
.L_simem_size_0:
called_computation.1_lowered:
.L_overlay_start_0:
0x88: {  	s2 =	sld [smem:$0x3FD9]  }
0x89: {  	s3 =	sld [smem:$0x3FFE];
	_ =	sdelay $0x1  }
0x8a: {  	s1 =	srdreg.scid  }
0x8b: {  	s0 =	sand.u32 $0x1, s1  }
0x8c: {  	s16 =	sshll.u32 s0, $0xA;
	s2 =	sadd.s32 s3, s2  }
0x8d: {  	s2 =	sadd.s32 s2, s16  }
0x8e: {  	[smem:$0x3FBA] =	sst s2  }
0x8f: {  	_ = 	snop  }
0x90: {  	(tm) =	ssettm $0x1  }
0x91: {  	s17 =	sld [smem:$0x3FFB];
	_ =	sdelay $0x3  }
0x92: {  	_ =	strace s17  }
0x93: {  	s2 =	sld [smem:$0x3FFC];
	_ =	sdelay $0x3  }
0x94: {  	_ =	strace s2  }
0x95: {  	s2 =	sld [smem:$0x3FFD];
	_ =	sdelay $0x3  }
0x96: {  	_ =	strace s2  }
0x97: {  	_ =	strace $0x8FFFFFFF  }
0x98: {  	s18 =	sld [smem:$0x3FDB];
	_ =	sdelay $0x1  }
0x99: {  	s19 =	simm.s32 $_scs_section_size  }
0x9a: {  	s4 =	simm.s32 $_size__tile_overlayer_lowered;
	s5 =	simm.s32 $_tile_overlayer_lowered  }
0x9b: {  	s22 =	simm.s32 $0x1BFF;
	s21 =	sshll.u32 s5, $0x1;
	s2 =	sadd.s32 s19, s18  }
0x9c: {  	s6 =	simm.s32 $0x0;
	s20 =	sshll.u32 s4, $0x1;
	s4 =	sadd.s32 s21, s2  }
0x9d: {  	[timem:s6], [sflag:s22] =	dma.local [hbm:s4], s20  }
0x9e: {  	_ =	swait.ge [sflag:s22], s20  }
0x9f: {  	s3 =	ssub.s32 $0x0, s20;
	[sflag:s22] =	ssyncset.done $0x0  }
0xa0: {  	[sflag:s22] =	ssyncadd.s32 s3;
	_ =	sdelay $0x1  }
0xa1: {  	s23 =	simm.s32 $0x1B8B  }
0xa2: {  	_ =	swait.ge [sflag:s23], $0x1  }
0xa3: {  	[sflag:s23] =	ssyncset.done $0x0  }
0xa4: {  	s25 =	simm.s32 $0x1B8E;
	s24 =	sld [smem:$0x3FFE];
	[sflag:s23] =	ssyncadd.s32 $0xFFFFFFFF  }
0xa5: {  	s26 =	simm.s32 $execute0_lowered;
	[smem:$0x3FD2] =	sst s25  }
0xa6: {  	s4 =	sshll.u32 s26, $0x1;
	_ =	strace $0x80000046;
	[dreg:$0x1] =	wrdreg $0xFFFFFFFF  }
0xa7: {  	s28 =	simm.s32 $_size_execute0_lowered;
	s2 =	sadd.s32 s2, s4;
	[dreg:$0x0] =	wrdreg $0x0  }
0xa8: {  	s4 =	sshll.u32 s28, $0x1;
	[dreg:$0x2] =	wrdreg s2  }
0xa9: {  	[dreg:$0x3] =	wrdreg s4  }
0xaa: {  	[dreg:$0x4] =	wrdreg $0xC0  }
0xab: {  	_ =	task [dreg:s6], $0x5FFFF  }
0xac: {  	[dreg:$0x1] =	wrdreg $0xFFFFFFFF  }
0xad: {  	[dreg:$0x0] =	wrdreg $0x60  }
0xae: {  	[dreg:$0x2] =	wrdreg s24  }
0xaf: {  	[dreg:$0x3] =	wrdreg $0xA  }
0xb0: {  	_ =	task.clear_ibuf [dreg:s6], $0x4FFFF;
	_ =	strace $0x90000046  }
0xb1: {  	s29 =	simm.s32 $0xA;
	_ =	strace $0x80000048  }
0xb2: {  	_ =	swait.ge [sflag:s29], $0x1  }
0xb3: {  	[sflag:s29] =	ssyncadd.s32 $0xFFFFFFFF  }
0xb4: {  	_ =	strace $0x90000048  }
0xb5: {  	_ =	sfence  }
0xb6: {  	s30 =	sld [smem:$0x0];
	_ =	sdelay $0x2  }
0xb7: {  	s31 =	sshll.u32 s1, $0xD;
	s1 =	sshrl.u32 s1, $0x2  }
0xb8: {  	s3 =	sand.u32 $0x4000, s31;
	s1 =	sadd.s32 s1, s30  }
0xb9: {  	s0 =	sor.u32 s3, s0;
	s1 =	sshll.u32 s1, $0x11  }
0xba: {  	s0 =	sor.u32 s1, s0  }
0xbb: {  	s0 =	sadd.s32 $0x8F2B, s0  }
0xbc: {  	[sflag:s0] =	ssyncadd.remote.s32 $0x1  }
0xbd: {  	_ =	sfence.sel $0xFFFF  }
0xbe: {  	[dreg:$0x0] =	wrdreg $0xFFFFFFFF;
	(pc) =	sbr.abs _section_cstart, $3  }
0xbf: {  	[dreg:$0x1] =	wrdreg $0xFFFFFFFF  }
0xc0: {  	_ =	task.clear_ibuf [dreg:s6], $0x2FFFF;
	_ =	strace $0x9FFFFFFF  }
0xc1: {  	(tm) =	ssettm $0x7FFFFFFF  }
tec
execute0_lowered:
.L_overlay_start_1:
0x0: {  	(tag) =	ssettag $0x1  }
0x1: {  	s0 =	srdreg.scid;
	s5 =	rddreg [dreg:$0x0]  }
0x2: {  	s1 =	stileid.u32;
	s6 =	simm.s32 $0x1;
	s9 =	simm.s32 $0x1  }
0x3: {  	s10 =	simm.s32 $0x3;
	s13 =	simm.s32 $0x0;
	s2 =	sshll.u32 s0, $0x7  }
0x4: {  	s12 =	simm.s32 $0x0;
	s3 =	sshll.u32 s1, $0x8;
	s2 =	sand.u32 $0x80, s2  }
0x5: {  	s0 =	rddreg [dreg:$0x1];
	_ =	strace $0x80000047;
	s2 =	sor.u32 s3, s2  }
0x6: {  	s4 =	sadd.s32 $0x6400, s5;
	[sflag:s6] =	ssyncpa.u1 $0x0;
	s8 =	ssub.s32 $0x2000, s2  }
.Ltmp0:
0x7: {  	s3 =	sadd.s32 $0x2200, s5;
	s7 =	sand.u32 $0xF80, s8;
	(pc) =	sbr.rel .LBB2_1-.Ltmp0, $4  }
0x8: {  	s5 =	sadd.s32 $0x6800, s5;
	s11 =	smov.u32 s2;
	p0 =	sne.s32 s7, $0x0  }
0x9: {  	s8 =	sshrl.u32 s8, $0xC;
	s7 =	simm.s32 $0x2;
	s9 =	simm.s32 @!p0 $0x0  }
0xa: {  	[sflag:s7] =	ssyncpa.u1 $0x0;
	p0 =	por $0x0, $0x0;
	s8 =	sadd.s32 s9, s8  }
0xb: {  	vm0 =	vmmov $0xffff;
	[sflag:s10] =	ssyncpa.u1 $0x0;
	s10 =	simm.s32 $0x0;
	s9 =	sadd.s32 $0x1, s8  }
.LBB2_4:
0xc: {  	v3 =	vshrl.u32 v0, $0x1;
	v2 =	vand.u32 $0x7, v2;
	v63 =	vshll.u32 v0, $0xE  }
0xd: {  	v3 =	vand.u32 $0x7FF, v3;
	v2 =	vsel vm1, $0xFFFFFFFF, v2;
	v0 =	vand.u32 $0x4000, v63  }
0xe: {  	v3 =	vsel vm1, $0xFFFFFFFF, v3;
	v0 =	vsel vm1, $0xFFFFC000, v0;
	v4 =	vand.u32 $0xFFFFC000, v2  }
0xf: {  	v5 =	vand.u32 $0x7F, v3;
	v0 =	vadd.s32 v0, v4;
	v3 =	vshll.u32 v3, $0x3  }
0x10: {  	v2 =	vshll.u32 v2, $0x7;
	v3 =	vand.u32 $0xFFFFFC00, v3;
	v0 =	vor.u32 v5, v0  }
0x11: {  	v2 =	vand.u32 $0x380, v2;
	v0 =	vadd.s32 v3, v0  }
0x12: {  	v0 =	vor.u32 v2, v0;
	_ =	sdelay $0x1  }
0x13: {  	(ifvalue) =	ssetifvalue $0x7FFFFFFF;
	s14 =	sadd.s32 $0x10, s14  }
0x14: {  	[tilespmem:s14], [sflag:$0x1] =	stream.indirect_vreg.gather [hbm4b:s3+s10], $0x1, v1, vm0, $0x4038;
	[tilespmem:$0x200] =	vst v63  }
0x15: {  	(ifvalue) =	ssetifvalue $0x7FFFFFFF;
	s14 =	sadd.s32 $0x10, s14  }
0x16: {  	[tilespmem:s14], [sflag:$0x1] =	stream.indirect_vreg.gather [hbm4b:s3+s10], $0x1, v0, vm0, $0x4038;
	[tilespmem:$0x200] =	vst v63  }
0x17: {  	_ =	swait.ge [sflag:s6], $0x80  }
0x18: {  	s30 =	sshrl.u32 s13, $0x3;
	[sflag:s6] =	ssyncset.done $0x0  }
0x19: {  	s31 =	sand.u32 $0x7, s13;
	s14 =	sadd.s32 s5, s30;
	[sflag:s6] =	ssyncadd.s32 $0xFFFFFF80  }
0x1a: {  	[hbm4b:s14+s31] =	stream.linear.scatter [tilespmem:s15], [sflag:$0x3], $0x80, $0x38;
	[tilespmem:$0x200] =	vst v63  }
.LBB2_5:
0x1b: {  	s15 =	sadd.s32 $0x1000, s11  }
0x1c: {  	p2 =	sgt.s32 s15, $0x1FFF  }
0x1d: {  	s15 =	smov.u32 @p2 s2;
	p2 =	sne.s32 s12, s9  }
.Ltmp1:
0x1e: {  	p1 =	slt.u32 s12, $0x2;
	(pc) =	sbr.rel @!p2 .LBB2_6-.Ltmp1, $4  }
0x1f: {  	s14 =	simm.s32 @!p1 $0x3  }
0x20: {  	s16 =	sadd.s32 $0x1, s12;
	_ =	swait.ge @!p1 [sflag:s14], $0x80  }
0x21: {  	s13 =	smov.u32 s11;
	p0 =	por !p0, !p0;
	[sflag:s14] =	ssyncset.done @!p1 $0x0  }
0x22: {  	s12 =	smov.u32 s16;
	s11 =	smov.u32 s15;
	[sflag:s14] =	ssyncadd.s32 @!p1 $0xFFFFFF80  }
.LBB2_1:
0x23: {  	p1 =	sge.u32 s12, s8  }
0x24: {  	s14 =	sxor.u32 @!p1 $0xFFFFFFFF, s12  }
0x25: {  	s31 =	sadd.s32 $0xFFFFFFFF, s12;
	s15 =	sshrl.u32 @!p1 s11, $0x3;
	s14 =	sshll.u32 @!p1 s14, $0x7  }
0x26: {  	s16 =	sand.u32 @!p1 $0x7, s11;
	s15 =	sadd.s32 @!p1 s4, s15;
	s14 =	sand.u32 @!p1 $0x80, s14  }
0x27: {  	[tilespmem:s14], [sflag:$0x2] =	stream.linear.gather @!p1 [hbm4b:s15+s16], $0x80, $0x38;
	[tilespmem:$0x200] =	vst v63  }
0x28: {  	p1 =	sge.u32 s31, s8  }
.Ltmp2:
0x29: {  	_ = 	snop;
	(pc) =	sbr.rel @p1 .LBB2_5-.Ltmp2, $1  }
0x2a: {  	_ =	sdelay $0x3  }
0x2b: {  	s14 =	simm.s32 $0x1  }
0x2c: {  	_ =	swait.ge [sflag:s7], $0x80;
	s14 =	simm.s32 @!p0 $0x0  }
0x2d: {  	[sflag:s7] =	ssyncset.done $0x0;
	s14 =	sshll.u32 s14, $0x7  }
0x2e: {  	[sflag:s7] =	ssyncadd.s32 $0xFFFFFF80;
	(ifvalue) =	ssetifvalue $0x7FFFFFFF;
	v0 =	vld.msk [tilespmem:s14+$0x0 ss:$0x1], $0xffff;
	_ =	sdelay $0x1  }
0x2f: {  	s15 =	sadd.s32 $0x10, s14  }
0x30: {  	v3 =	vld.msk [tilespmem:s15+$0x0 ss:$0x1], $0xffff;
	_ =	sdelay $0x1  }
0x31: {  	vm1 =	veq.s32 v0, $0x80000000  }
0x32: {  	v1 =	vshrl.u32 v0, $0xC;
	v2 =	vshrl.u32 v0, $0x1;
	v0 =	vshll.u32 v0, $0xE  }
0x33: {  	v1 =	vand.u32 $0x7, v1;
	v2 =	vand.u32 $0x7FF, v2;
	v0 =	vand.u32 $0x4000, v0  }
0x34: {  	v62 =	vshrl.u32 v3, $0x1;
	v1 =	vsel vm1, $0xFFFFFFFF, v1;
	v2 =	vsel vm1, $0xFFFFFFFF, v2  }
0x35: {  	v0 =	vsel vm1, $0xFFFFC000, v0;
	vm1 =	veq.s32 v3, $0x80000000;
	v4 =	vand.u32 $0xFFFFC000, v1  }
0x36: {  	v5 =	vand.u32 $0x7F, v2;
	v2 =	vshll.u32 v2, $0x3;
	v0 =	vadd.s32 v0, v4  }
0x37: {  	v1 =	vshll.u32 v1, $0x7;
	v2 =	vand.u32 $0xFFFFFC00, v2;
	v0 =	vor.u32 v5, v0  }
0x38: {  	v1 =	vand.u32 $0x380, v1;
	v0 =	vadd.s32 v2, v0;
	v2 =	vshrl.u32 v3, $0xC  }
0x39: {  	s17 =	sadd.s32 $0x10, s15;
	v3 =	vshll.u32 v3, $0xE;
	v1 =	vor.u32 v1, v0;
	v2 =	vand.u32 $0x7, v2  }
0x3a: {  	v4 =	vand.u32 $0x7FF, v62;
	v0 =	vld.msk [tilespmem:s17+$0x0 ss:$0x1], $0xffff;
	v3 =	vand.u32 $0x4000, v3;
	v2 =	vsel vm1, $0xFFFFFFFF, v2  }
0x3b: {  	v4 =	vsel vm1, $0xFFFFFFFF, v4;
	v3 =	vsel vm1, $0xFFFFC000, v3;
	v63 =	vand.u32 $0xFFFFC000, v2  }
0x3c: {  	s31 =	sshll.u32 s12, $0x7;
	v6 =	vand.u32 $0x7F, v4;
	v4 =	vshll.u32 v4, $0x3;
	v3 =	vadd.s32 v3, v63  }
0x3d: {  	s14 =	sor.u32 $0x100, s14;
	s15 =	sand.u32 $0x80, s31;
	(ifvalue) =	ssetifvalue $0x7FFFFFFF;
	v4 =	vand.u32 $0xFFFFFC00, v4;
	v2 =	vshll.u32 v2, $0x7;
	v3 =	vor.u32 v6, v3  }
0x3e: {  	[tilespmem:s14], [sflag:$0x1] =	stream.indirect_vreg.gather [hbm4b:s3+s10], $0x1, v1, vm0, $0x4038;
	v1 =	vand.u32 $0x380, v2;
	v3 =	vadd.s32 v4, v3;
	[tilespmem:$0x200] =	vst v63  }
0x3f: {  	s16 =	simm.s32 $0x20;
	s15 =	sor.u32 $0x100, s15;
	s17 =	sadd.s32 $0x10, s17;
	vm1 =	veq.s32 v0, $0x80000000;
	v2 =	vshrl.u32 v0, $0xC;
	v1 =	vor.u32 v1, v3  }
.LBB2_3:
0x40: {  	s16 =	sadd.s32 $0x10, s16;
	v3 =	vshrl.u32 v0, $0x1;
	v2 =	vand.u32 $0x7, v2;
	v4 =	vshll.u32 v0, $0xE;
	v0 =	vld.msk [tilespmem:s17+$0x0 ss:$0x1], $0xffff  }
0x41: {  	p1 =	slt.u32 s16, $0x70;
	v3 =	vand.u32 $0x7FF, v3;
	v2 =	vsel vm1, $0xFFFFFFFF, v2;
	v4 =	vand.u32 $0x4000, v4  }
.Ltmp3:
0x42: {  	v3 =	vsel vm1, $0xFFFFFFFF, v3;
	v4 =	vsel vm1, $0xFFFFC000, v4;
	v5 =	vand.u32 $0xFFFFC000, v2;
	(pc) =	sbr.rel @p1 .LBB2_3-.Ltmp3, $4  }
0x43: {  	s14 =	sadd.s32 $0x10, s14;
	v6 =	vand.u32 $0x7F, v3;
	v4 =	vadd.s32 v4, v5;
	v3 =	vshll.u32 v3, $0x3;
	(ifvalue) =	ssetifvalue $0x7FFFFFFF  }
0x44: {  	v2 =	vshll.u32 v2, $0x7;
	v3 =	vand.u32 $0xFFFFFC00, v3;
	v4 =	vor.u32 v6, v4;
	[tilespmem:s14], [sflag:$0x1] =	stream.indirect_vreg.gather [hbm4b:s3+s10], $0x1, v1, vm0, $0x4038;
	[tilespmem:$0x200] =	vst v63  }
0x45: {  	v1 =	vand.u32 $0x380, v2;
	v3 =	vadd.s32 v3, v4  }
0x46: {  	s17 =	sadd.s32 $0x10, s17;
	vm1 =	veq.s32 v0, $0x80000000;
	v2 =	vshrl.u32 v0, $0xC;
	v1 =	vor.u32 v1, v3  }
.Ltmp4:
0x47: {  	_ = 	snop;
	(pc) =	sbr.rel .LBB2_4-.Ltmp4, $1  }
0x48: {  	_ =	sdelay $0x3  }
.LBB2_6:
0x49: {  	_ =	sfence.sel $0x180000  }
0x4a: {  	s2 =	simm.s32 $0x2;
	[bflag:$0x0] =	sbarrier.arrive $0xFFFF  }
0x4b: {  	s30 =	simm.s32 $0x3;
	[sflag:s2] =	ssyncpa.u1 $0x1  }
0x4c: {  	s31 =	simm.s32 $0x1;
	[sflag:s30] =	ssyncpa.u1 $0x1  }
0x4d: {  	[sflag:s31] =	ssyncpa.u1 $0x1  }
0x4e: {  	p0 =	sne.s32 s1, $0x0;
	_ =	strace $0x90000047  }
0x4f: {  	s0 =	sadd.s32 @!p0 $0x100000, s0;
	[bflag:$0x2] =	sbarrier.arrive $0xFFFF  }
0x50: {  	[sflag:s0] =	ssyncadd.tile.s32 @!p0 $0x1;
	_ =	shalt  }
.Lfunc_end2:
_tile_overlayer_lowered:
.L_overlay_start_2:
0x51: {  	(tag) =	ssettag $0x2  }
0x52: {  	s0 =	rddreg [dreg:$0x0];
	s2 =	stileid.u32  }
0x53: {  	s1 =	rddreg [dreg:$0x1];
	p0 =	sne.s32 s2, $0x0  }
0x54: {  	s3 =	rddreg [dreg:$0x2];
	[bflag:$0x3] =	sbarrier.arrive $0xFFFF;
	s2 =	simm.s32 @!p0 $0x1C01  }
0x55: {  	[timem:s3], [sflag:s2] =	dma.local @!p0 [hbm:s0], s1  }
0x56: {  	s0 =	simm.s32 @!p0 $0x1  }
0x57: {  	_ =	swait.ge @!p0 [sflag:s0], s1  }
0x58: {  	s1 =	ssub.s32 @!p0 $0x0, s1;
	[sflag:s0] =	ssyncset.done @!p0 $0x0  }
0x59: {  	[sflag:s0] =	ssyncadd.s32 @!p0 s1  }
0x5a: {  	[bflag:$0x3] =	sbarrier.arrive $0xFFFF  }
0x5b: {  	_ =	shalt  }

// kernel: gather_offload_async_start
scs
__scs_entry_jumppad:
0x0: {  	(pc) =	sbr.rel $0x88, $3  }
0x1: {  	(tag) =	ssettag $0x0;
	lr =	simm.s32 $0x1  }
0x2: {  	[smem:$0x3F93] =	sst lr;
	_ =	strace $0xD0000000  }
0x3: {  	_ = 	snop  }
0x4: {  	_ = 	snop  }
0x5: {  	_ = 	snop  }
0x6: {  	_ = 	snop  }
0x7: {  	_ = 	snop  }
__scs_overlays_trampoline_lowered:
0x8: {  	[smem:$0x3FA2] =	sst s0  }
0x9: {  	[smem:$0x3FA3] =	sst s1  }
0xa: {  	[smem:$0x3FA4] =	sst s2  }
0xb: {  	[smem:$0x3FA5] =	sst s3  }
0xc: {  	[smem:$0x3FA6] =	sst s4  }
0xd: {  	[smem:$0x3FA7] =	sst s5  }
0xe: {  	[smem:$0x3FA8] =	sst s6  }
0xf: {  	[smem:$0x3FA9] =	sst s7  }
0x10: {  	[smem:$0x3FAA] =	sst s8  }
0x11: {  	[smem:$0x3FAB] =	sst s9;
	s0 =	simm.s32 @!p0 $0x0  }
0x12: {  	s1 =	sld [smem:$0x3F91];
	s0 =	simm.s32 @p0 $0x1  }
0x13: {  	[smem:$0x3FAC] =	sst s0;
	s0 =	simm.s32 @!p1 $0x0  }
0x14: {  	s2 =	sld [smem:$0x3F90];
	s0 =	simm.s32 @p1 $0x1  }
0x15: {  	[smem:$0x3FAD] =	sst s0;
	s0 =	simm.s32 @!p2 $0x0  }
0x16: {  	s3 =	sld [smem:$0x3FDB];
	s0 =	simm.s32 @p2 $0x1  }
0x17: {  	s4 =	simm.s32 $0x1BF5;
	[smem:$0x3FAF] =	sst s0  }
0x18: {  	s0 =	sld [smem:$0x3F92];
	_ =	swait.ge [sflag:s4], $0x0  }
0x19: {  	s7 =	sld [smem:$0x3F93]  }
0x1a: {  	s8 =	sadd.s32 $0xFFFFE003, lr  }
0x1b: {  	s9 =	sadd.s32 $0xFFFFFEF7, lr;
	s5 =	simm.s32 $0xFFFFFFFF;
	p2 =	slt.u32 s8, $0xFFFFF086  }
0x1c: {  	p1 =	slt.u32 s9, $0xF7A;
	s5 =	simm.s32 @!p2 $0x0  }
0x1d: {  	s5 =	simm.s32 @p1 $0x1;
	p0 =	seq.s32 s7, s2  }
0x1e: {  	s7 =	smul.u32 @!p0 $0xF7A, s2;
	p2 =	seq.s32 @!p0 s5, $0x0  }
0x1f: {  	s9 =	smul.u32 $0xF7A, s1;
	s8 =	simm.s32 @!p0 $0x1BF5;
	p2 =	por !p2, p0  }
0x20: {  	[sflag:s8] =	ssyncset.s32 @!p0 $0xFFFFF086;
	s6 =	sadd.s32 @!p0 s3, s7;
	s7 =	simm.s32 @!p0 $0x108  }
0x21: {  	s3 =	sadd.s32 s3, s9;
	s6 =	sadd.s32 @!p0 $0x88, s6;
	s7 =	simm.s32 @p2 $0x1082  }
0x22: {  	[simem:s7], [sflag:s8] =	dma.local @!p0 [hbm:s6], $0xF7A  }
0x23: {  	s9 =	sor.u32 $0xD0000000, s2;
	s6 =	simm.s32 $0x108;
	_ =	swait.ge @!p0 [sflag:s8], $0x0  }
0x24: {  	s3 =	sadd.s32 $0x88, s3;
	s6 =	simm.s32 @!p1 $0x1082;
	[sflag:s4] =	ssyncset.s32 $0xFFFFF086  }
0x25: {  	[simem:s6], [sflag:s4] =	dma.local [hbm:s3], $0xF7A  }
0x26: {  	[smem:$0x3F93] =	sst s1;
	(tag) =	ssettag s2;
	_ =	strace s9  }
0x27: {  	s1 =	sld [smem:$0x3FA3]  }
0x28: {  	s2 =	sld [smem:$0x3FA4]  }
0x29: {  	s4 =	sld [smem:$0x3FA6]  }
0x2a: {  	p0 =	seq.s32 s5, $0x0;
	s5 =	sld [smem:$0x3FA7]  }
0x2b: {  	s6 =	sld [smem:$0x3FA8]  }
0x2c: {  	s7 =	sld [smem:$0x3FA9]  }
0x2d: {  	s3 =	simm.s32 $0x108;
	s8 =	sld [smem:$0x3FAA]  }
0x2e: {  	s3 =	simm.s32 @!p0 $0x1082;
	s9 =	sld [smem:$0x3FAB]  }
0x2f: {  	lr =	sadd.s32 s0, s3;
	s0 =	sld [smem:$0x3FA2]  }
0x30: {  	s3 =	sld [smem:$0x3FA5]  }
0x31: {  	[smem:$0x3FAE] =	sst s10  }
0x32: {  	s10 =	sld [smem:$0x3FAC];
	_ =	sdelay $0x3  }
0x33: {  	p0 =	seq.s32 s10, $0x1;
	s10 =	sld [smem:$0x3FAE];
	_ =	sdelay $0x3  }
0x34: {  	[smem:$0x3FAE] =	sst s10  }
0x35: {  	s10 =	sld [smem:$0x3FAD];
	_ =	sdelay $0x3  }
0x36: {  	p1 =	seq.s32 s10, $0x1;
	s10 =	sld [smem:$0x3FAE];
	_ =	sdelay $0x3  }
0x37: {  	[smem:$0x3FAE] =	sst s10  }
0x38: {  	s10 =	sld [smem:$0x3FAF]  }
0x39: {  	_ = 	snop;
	(pc) =	sbr.ind lr, $3  }
0x3a: {  	_ = 	snop  }
0x3b: {  	_ = 	snop  }
0x3c: {  	p2 =	seq.s32 s10, $0x1;
	s10 =	sld [smem:$0x3FAE]  }
0x3d: {  	_ =	shalt  }
0x3e: {  	_ =	shalt  }
0x3f: {  	_ =	shalt  }
0x40: {  	_ =	shalt  }
0x41: {  	_ =	shalt  }
0x42: {  	_ =	shalt  }
0x43: {  	_ =	shalt  }
0x44: {  	_ =	shalt  }
0x45: {  	_ =	shalt  }
0x46: {  	_ =	shalt  }
0x47: {  	_ =	shalt  }
0x48: {  	_ =	shalt  }
0x49: {  	_ =	shalt  }
0x4a: {  	_ =	shalt  }
0x4b: {  	_ =	shalt  }
0x4c: {  	_ =	shalt  }
0x4d: {  	_ =	shalt  }
0x4e: {  	_ =	shalt  }
0x4f: {  	_ =	shalt  }
0x50: {  	_ =	shalt  }
0x51: {  	_ =	shalt  }
0x52: {  	_ =	shalt  }
0x53: {  	_ =	shalt  }
0x54: {  	_ =	shalt  }
0x55: {  	_ =	shalt  }
0x56: {  	_ =	shalt  }
0x57: {  	_ =	shalt  }
0x58: {  	_ =	shalt  }
0x59: {  	_ =	shalt  }
0x5a: {  	_ =	shalt  }
0x5b: {  	_ =	shalt  }
0x5c: {  	_ =	shalt  }
0x5d: {  	_ =	shalt  }
0x5e: {  	_ =	shalt  }
0x5f: {  	_ =	shalt  }
0x60: {  	_ =	shalt  }
0x61: {  	_ =	shalt  }
0x62: {  	_ =	shalt  }
0x63: {  	_ =	shalt  }
0x64: {  	_ =	shalt  }
0x65: {  	_ =	shalt  }
0x66: {  	_ =	shalt  }
0x67: {  	_ =	shalt  }
0x68: {  	_ =	shalt  }
0x69: {  	_ =	shalt  }
0x6a: {  	_ =	shalt  }
0x6b: {  	_ =	shalt  }
0x6c: {  	_ =	shalt  }
0x6d: {  	_ =	shalt  }
0x6e: {  	_ =	shalt  }
0x6f: {  	_ =	shalt  }
0x70: {  	_ =	shalt  }
0x71: {  	_ =	shalt  }
0x72: {  	_ =	shalt  }
0x73: {  	_ =	shalt  }
0x74: {  	_ =	shalt  }
0x75: {  	_ =	shalt  }
0x76: {  	_ =	shalt  }
0x77: {  	_ =	shalt  }
0x78: {  	_ =	shalt  }
0x79: {  	_ =	shalt  }
0x7a: {  	_ =	shalt  }
0x7b: {  	_ =	shalt  }
0x7c: {  	_ =	shalt  }
0x7d: {  	_ =	shalt  }
0x7e: {  	_ =	shalt  }
0x7f: {  	_ =	shalt  }
0x80: {  	_ =	shalt  }
0x81: {  	_ =	shalt  }
0x82: {  	_ =	shalt  }
0x83: {  	_ =	shalt  }
0x84: {  	_ =	shalt  }
0x85: {  	_ =	shalt  }
0x86: {  	_ =	shalt  }
0x87: {  	_ =	shalt  }
.Lfunc_end0:
.L_simem_size_0:
called_computation_lowered:
.L_overlay_start_0:
0x88: {  	s2 =	sld [smem:$0x3FD9]  }
0x89: {  	s3 =	sld [smem:$0x3FFE];
	_ =	sdelay $0x1  }
0x8a: {  	s1 =	srdreg.scid  }
0x8b: {  	s0 =	sand.u32 $0x1, s1  }
0x8c: {  	s17 =	sshll.u32 s0, $0xA;
	s2 =	sadd.s32 s3, s2  }
0x8d: {  	s2 =	sadd.s32 s2, s17  }
0x8e: {  	[smem:$0x3FBA] =	sst s2  }
0x8f: {  	_ = 	snop  }
0x90: {  	(tm) =	ssettm $0x1  }
0x91: {  	s18 =	sld [smem:$0x3FFB];
	_ =	sdelay $0x3  }
0x92: {  	_ =	strace s18  }
0x93: {  	s2 =	sld [smem:$0x3FFC];
	_ =	sdelay $0x3  }
0x94: {  	_ =	strace s2  }
0x95: {  	s2 =	sld [smem:$0x3FFD];
	_ =	sdelay $0x3  }
0x96: {  	_ =	strace s2  }
0x97: {  	_ =	strace $0x8FFFFFFF  }
0x98: {  	s19 =	sld [smem:$0x3FDB];
	_ =	sdelay $0x1  }
0x99: {  	s20 =	simm.s32 $_scs_section_size  }
0x9a: {  	s4 =	simm.s32 $_size__tile_overlayer_lowered;
	s5 =	simm.s32 $_tile_overlayer_lowered  }
0x9b: {  	s6 =	simm.s32 $0x1BFF;
	s21 =	sshll.u32 s5, $0x1;
	s3 =	sadd.s32 s20, s19  }
0x9c: {  	s22 =	simm.s32 $0x0;
	s4 =	sshll.u32 s4, $0x1;
	s5 =	sadd.s32 s21, s3  }
0x9d: {  	[timem:s22], [sflag:s6] =	dma.local [hbm:s5], s4  }
0x9e: {  	_ =	swait.ge [sflag:s6], s4  }
0x9f: {  	s4 =	ssub.s32 $0x0, s4;
	[sflag:s6] =	ssyncset.done $0x0  }
0xa0: {  	[sflag:s6] =	ssyncadd.s32 s4;
	_ =	sdelay $0x1  }
0xa1: {  	s23 =	simm.s32 $0x1B8B  }
0xa2: {  	_ =	swait.ge [sflag:s23], $0x1  }
0xa3: {  	[sflag:s23] =	ssyncset.done $0x0  }
0xa4: {  	[sflag:s23] =	ssyncadd.s32 $0xFFFFFFFF  }
0xa5: {  	s4 =	sld [smem:$0x0]  }
0xa6: {  	s5 =	sand.u32 $0xFFFFFFFE, s1  }
0xa7: {  	p0 =	sne.s32 s1, s5  }
0xa8: {  	s5 =	sshll.u32 @p0 s5, $0xE  }
0xa9: {  	s5 =	sadd.s32 @p0 $0x11B8D, s5;
	s6 =	sshll.u32 @p0 s4, $0x11  }
0xaa: {  	s5 =	sor.u32 @p0 s6, s5  }
0xab: {  	[sflag:s5] =	ssyncadd.remote.s32 @p0 $0x1;
	_ =	sdelay $0x1  }
0xac: {  	s5 =	simm.s32 @p0 $0x1B8D  }
0xad: {  	_ =	swait.eq @p0 [sflag:s5], $0x1  }
0xae: {  	[sflag:s5] =	ssyncadd.s32 @p0 $0xFFFFFFFF  }
0xaf: {  	s6 =	sshll.u32 @!p0 s1, $0xE  }
0xb0: {  	s6 =	sor.u32 @!p0 $0x4000, s6;
	s5 =	simm.s32 @!p0 $0x1B8D  }
0xb1: {  	s4 =	sshll.u32 @!p0 s4, $0x11;
	s6 =	sadd.s32 @!p0 $0x11B8D, s6;
	_ =	swait.eq @!p0 [sflag:s5], $0x1  }
0xb2: {  	s4 =	sor.u32 @!p0 s4, s6;
	[sflag:s5] =	ssyncadd.s32 @!p0 $0xFFFFFFFF  }
0xb3: {  	s25 =	simm.s32 $0x1B8E;
	s24 =	sld [smem:$0x3FFE];
	[sflag:s4] =	ssyncadd.remote.s32 @!p0 $0x1  }
0xb4: {  	s26 =	simm.s32 $execute0_lowered;
	[smem:$0x3FD2] =	sst s25  }
0xb5: {  	s5 =	sshll.u32 s26, $0x1;
	_ =	strace $0x80000049;
	[dreg:$0x1] =	wrdreg $0xFFFFFFFF  }
0xb6: {  	s28 =	simm.s32 $_size_execute0_lowered;
	s3 =	sadd.s32 s3, s5;
	[dreg:$0x0] =	wrdreg $0x0  }
0xb7: {  	s5 =	sshll.u32 s28, $0x1;
	[dreg:$0x2] =	wrdreg s3  }
0xb8: {  	[dreg:$0x3] =	wrdreg s5  }
0xb9: {  	[dreg:$0x4] =	wrdreg $0xC0  }
0xba: {  	_ =	task [dreg:s22], $0x5FFFF  }
0xbb: {  	[dreg:$0x1] =	wrdreg $0xFFFFFFFF  }
0xbc: {  	[dreg:$0x0] =	wrdreg $0x60  }
0xbd: {  	[dreg:$0x2] =	wrdreg s24  }
0xbe: {  	[dreg:$0x3] =	wrdreg $0x9  }
0xbf: {  	_ =	task.clear_ibuf [dreg:s22], $0x4FFFF;
	_ =	strace $0x90000049  }
0xc0: {  	s29 =	simm.s32 $0x9;
	_ =	strace $0x8000004B  }
0xc1: {  	_ =	swait.ge [sflag:s29], $0x1  }
0xc2: {  	[sflag:s29] =	ssyncadd.s32 $0xFFFFFFFF  }
0xc3: {  	_ =	strace $0x9000004B  }
0xc4: {  	_ =	sfence  }
0xc5: {  	s30 =	sld [smem:$0x0];
	_ =	sdelay $0x2  }
0xc6: {  	s31 =	sshll.u32 s1, $0xD;
	s1 =	sshrl.u32 s1, $0x2  }
0xc7: {  	s4 =	sand.u32 $0x4000, s31;
	s1 =	sadd.s32 s1, s30  }
0xc8: {  	s0 =	sor.u32 s4, s0;
	s1 =	sshll.u32 s1, $0x11  }
0xc9: {  	s0 =	sor.u32 s1, s0  }
0xca: {  	s0 =	sadd.s32 $0x8F2B, s0  }
0xcb: {  	[sflag:s0] =	ssyncadd.remote.s32 $0x1  }
0xcc: {  	_ =	sfence.sel $0xFFFF  }
0xcd: {  	[dreg:$0x0] =	wrdreg $0xFFFFFFFF;
	(pc) =	sbr.abs _section_cstart, $3  }
0xce: {  	[dreg:$0x1] =	wrdreg $0xFFFFFFFF  }
0xcf: {  	_ =	task.clear_ibuf [dreg:s22], $0x2FFFF;
	_ =	strace $0x9FFFFFFF  }
0xd0: {  	(tm) =	ssettm $0x7FFFFFFF  }
0xd1: {  	_ =	shalt  }
tec
execute0_lowered:
.L_overlay_start_1:
0x0: {  	(tag) =	ssettag $0x1  }
0x1: {  	s0 =	srdreg.scid;
	s5 =	rddreg [dreg:$0x0]  }
0x2: {  	s1 =	stileid.u32;
	s6 =	simm.s32 $0x1;
	s9 =	simm.s32 $0x1  }
0x3: {  	s10 =	simm.s32 $0x3;
	s13 =	simm.s32 $0x0;
	s2 =	sshll.u32 s0, $0x9  }
0x4: {  	s12 =	simm.s32 $0x0;
	s3 =	sshll.u32 s1, $0xA;
	s2 =	sand.u32 $0x200, s2  }
0x5: {  	s0 =	rddreg [dreg:$0x1];
	_ =	strace $0x8000004A;
	s2 =	sor.u32 s3, s2  }
0x6: {  	s4 =	sadd.s32 $0x5400, s5;
	[sflag:s6] =	ssyncpa.u1 $0x0;
	s8 =	ssub.s32 $0x8000, s2  }
.Ltmp0:
0x7: {  	s3 =	sadd.s32 $0x1000, s5;
	s7 =	sand.u32 $0x3E00, s8;
	(pc) =	sbr.rel .LBB2_1-.Ltmp0, $4  }
0x8: {  	s5 =	sadd.s32 $0x6C00, s5;
	s11 =	smov.u32 s2;
	p0 =	sne.s32 s7, $0x0  }
0x9: {  	s8 =	sshrl.u32 s8, $0xE;
	s7 =	simm.s32 $0x2;
	s9 =	simm.s32 @!p0 $0x0  }
0xa: {  	[sflag:s7] =	ssyncpa.u1 $0x0;
	p0 =	por $0x0, $0x0;
	s8 =	sadd.s32 s9, s8  }
0xb: {  	vm0 =	vmmov $0xffff;
	[sflag:s10] =	ssyncpa.u1 $0x0;
	s10 =	simm.s32 $0x0;
	s9 =	sadd.s32 $0x1, s8  }
.LBB2_4:
0xc: {  	v2 =	vand.u32 $0x7, v2;
	v3 =	vshrl.u32 v0, $0x4;
	v63 =	vshll.u32 v0, $0xE  }
0xd: {  	v2 =	vsel vm1, $0xFFFFFFFF, v2;
	v3 =	vand.u32 $0x7FF, v3;
	v0 =	vand.u32 $0x4000, v63  }
0xe: {  	v3 =	vsel vm1, $0xFFFFFFFF, v3;
	v0 =	vsel vm1, $0xFFFFC000, v0;
	v4 =	vand.u32 $0xFFFFC000, v2  }
0xf: {  	v5 =	vand.u32 $0x7F, v3;
	v0 =	vadd.s32 v0, v4;
	v3 =	vshll.u32 v3, $0x3  }
0x10: {  	v2 =	vshll.u32 v2, $0x7;
	v3 =	vand.u32 $0xFFFFFC00, v3;
	v0 =	vor.u32 v5, v0  }
0x11: {  	v2 =	vand.u32 $0x380, v2;
	v0 =	vadd.s32 v3, v0  }
0x12: {  	v0 =	vor.u32 v2, v0;
	_ =	sdelay $0x1  }
0x13: {  	(ifvalue) =	ssetifvalue $0x7FFFFFFF;
	s14 =	sadd.s32 $0x10, s14  }
0x14: {  	[tilespmem:s14], [sflag:$0x1] =	stream.indirect_vreg.gather [hbm4b:s3+s10], $0x1, v1, vm0, $0x4038;
	[tilespmem:$0x800] =	vst v63  }
0x15: {  	(ifvalue) =	ssetifvalue $0x7FFFFFFF;
	s14 =	sadd.s32 $0x10, s14  }
0x16: {  	[tilespmem:s14], [sflag:$0x1] =	stream.indirect_vreg.gather [hbm4b:s3+s10], $0x1, v0, vm0, $0x4038;
	[tilespmem:$0x800] =	vst v63  }
0x17: {  	_ =	swait.ge [sflag:s6], $0x200  }
0x18: {  	s30 =	sshrl.u32 s13, $0x3;
	[sflag:s6] =	ssyncset.done $0x0  }
0x19: {  	s31 =	sand.u32 $0x7, s13;
	s14 =	sadd.s32 s5, s30;
	[sflag:s6] =	ssyncadd.s32 $0xFFFFFE00  }
0x1a: {  	[hbm4b:s14+s31] =	stream.linear.scatter [tilespmem:s15], [sflag:$0x3], $0x200, $0x38;
	[tilespmem:$0x800] =	vst v63  }
.LBB2_5:
0x1b: {  	s15 =	sadd.s32 $0x4000, s11  }
0x1c: {  	p2 =	sgt.s32 s15, $0x7FFF  }
0x1d: {  	s15 =	smov.u32 @p2 s2;
	p2 =	sne.s32 s12, s9  }
.Ltmp1:
0x1e: {  	p1 =	slt.u32 s12, $0x2;
	(pc) =	sbr.rel @!p2 .LBB2_6-.Ltmp1, $4  }
0x1f: {  	s14 =	simm.s32 @!p1 $0x3  }
0x20: {  	s16 =	sadd.s32 $0x1, s12;
	_ =	swait.ge @!p1 [sflag:s14], $0x200  }
0x21: {  	s13 =	smov.u32 s11;
	p0 =	por !p0, !p0;
	[sflag:s14] =	ssyncset.done @!p1 $0x0  }
0x22: {  	s12 =	smov.u32 s16;
	s11 =	smov.u32 s15;
	[sflag:s14] =	ssyncadd.s32 @!p1 $0xFFFFFE00  }
.LBB2_1:
0x23: {  	p1 =	sge.u32 s12, s8  }
0x24: {  	s14 =	sxor.u32 @!p1 $0xFFFFFFFF, s12  }
0x25: {  	s31 =	sadd.s32 $0xFFFFFFFF, s12;
	s15 =	sshrl.u32 @!p1 s11, $0x3;
	s14 =	sshll.u32 @!p1 s14, $0x9  }
0x26: {  	s16 =	sand.u32 @!p1 $0x7, s11;
	s15 =	sadd.s32 @!p1 s4, s15;
	s14 =	sand.u32 @!p1 $0x200, s14  }
0x27: {  	[tilespmem:s14], [sflag:$0x2] =	stream.linear.gather @!p1 [hbm4b:s15+s16], $0x200, $0x38;
	[tilespmem:$0x800] =	vst v63  }
0x28: {  	p1 =	sge.u32 s31, s8  }
.Ltmp2:
0x29: {  	_ = 	snop;
	(pc) =	sbr.rel @p1 .LBB2_5-.Ltmp2, $1  }
0x2a: {  	_ =	sdelay $0x3  }
0x2b: {  	s14 =	simm.s32 $0x1  }
0x2c: {  	_ =	swait.ge [sflag:s7], $0x200;
	s14 =	simm.s32 @!p0 $0x0  }
0x2d: {  	[sflag:s7] =	ssyncset.done $0x0;
	s14 =	sshll.u32 s14, $0x9  }
0x2e: {  	[sflag:s7] =	ssyncadd.s32 $0xFFFFFE00;
	(ifvalue) =	ssetifvalue $0x7FFFFFFF;
	v0 =	vld.msk [tilespmem:s14+$0x0 ss:$0x1], $0xffff;
	_ =	sdelay $0x1  }
0x2f: {  	s15 =	sadd.s32 $0x10, s14  }
0x30: {  	v3 =	vld.msk [tilespmem:s15+$0x0 ss:$0x1], $0xffff;
	_ =	sdelay $0x1  }
0x31: {  	vm1 =	veq.s32 v0, $0x80000000  }
0x32: {  	v1 =	vshrl.u32 v0, $0x1;
	v2 =	vshrl.u32 v0, $0x4;
	v0 =	vshll.u32 v0, $0xE  }
0x33: {  	v1 =	vand.u32 $0x7, v1;
	v2 =	vand.u32 $0x7FF, v2;
	v0 =	vand.u32 $0x4000, v0  }
0x34: {  	v62 =	vshrl.u32 v3, $0x4;
	v1 =	vsel vm1, $0xFFFFFFFF, v1;
	v2 =	vsel vm1, $0xFFFFFFFF, v2  }
0x35: {  	v0 =	vsel vm1, $0xFFFFC000, v0;
	vm1 =	veq.s32 v3, $0x80000000;
	v4 =	vand.u32 $0xFFFFC000, v1  }
0x36: {  	v5 =	vand.u32 $0x7F, v2;
	v2 =	vshll.u32 v2, $0x3;
	v0 =	vadd.s32 v0, v4  }
0x37: {  	v1 =	vshll.u32 v1, $0x7;
	v2 =	vand.u32 $0xFFFFFC00, v2;
	v0 =	vor.u32 v5, v0  }
0x38: {  	v1 =	vand.u32 $0x380, v1;
	v0 =	vadd.s32 v2, v0;
	v2 =	vshrl.u32 v3, $0x1  }
0x39: {  	s17 =	sadd.s32 $0x10, s15;
	v3 =	vshll.u32 v3, $0xE;
	v1 =	vor.u32 v1, v0;
	v2 =	vand.u32 $0x7, v2  }
0x3a: {  	v4 =	vand.u32 $0x7FF, v62;
	v0 =	vld.msk [tilespmem:s17+$0x0 ss:$0x1], $0xffff;
	v3 =	vand.u32 $0x4000, v3;
	v2 =	vsel vm1, $0xFFFFFFFF, v2  }
0x3b: {  	v4 =	vsel vm1, $0xFFFFFFFF, v4;
	v3 =	vsel vm1, $0xFFFFC000, v3;
	v63 =	vand.u32 $0xFFFFC000, v2  }
0x3c: {  	s31 =	sshll.u32 s12, $0x9;
	v6 =	vand.u32 $0x7F, v4;
	v4 =	vshll.u32 v4, $0x3;
	v3 =	vadd.s32 v3, v63  }
0x3d: {  	s14 =	sor.u32 $0x400, s14;
	s15 =	sand.u32 $0x200, s31;
	(ifvalue) =	ssetifvalue $0x7FFFFFFF;
	v4 =	vand.u32 $0xFFFFFC00, v4;
	v2 =	vshll.u32 v2, $0x7;
	v3 =	vor.u32 v6, v3  }
0x3e: {  	[tilespmem:s14], [sflag:$0x1] =	stream.indirect_vreg.gather [hbm4b:s3+s10], $0x1, v1, vm0, $0x4038;
	v1 =	vand.u32 $0x380, v2;
	v3 =	vadd.s32 v4, v3;
	[tilespmem:$0x800] =	vst v63  }
0x3f: {  	s16 =	simm.s32 $0x20;
	s15 =	sor.u32 $0x400, s15;
	s17 =	sadd.s32 $0x10, s17;
	vm1 =	veq.s32 v0, $0x80000000;
	v2 =	vshrl.u32 v0, $0x1;
	v1 =	vor.u32 v1, v3  }
.LBB2_3:
0x40: {  	s16 =	sadd.s32 $0x10, s16;
	v2 =	vand.u32 $0x7, v2;
	v3 =	vshrl.u32 v0, $0x4;
	v4 =	vshll.u32 v0, $0xE;
	v0 =	vld.msk [tilespmem:s17+$0x0 ss:$0x1], $0xffff  }
0x41: {  	p1 =	slt.u32 s16, $0x1F0;
	v2 =	vsel vm1, $0xFFFFFFFF, v2;
	v3 =	vand.u32 $0x7FF, v3;
	v4 =	vand.u32 $0x4000, v4  }
.Ltmp3:
0x42: {  	v3 =	vsel vm1, $0xFFFFFFFF, v3;
	v4 =	vsel vm1, $0xFFFFC000, v4;
	v5 =	vand.u32 $0xFFFFC000, v2;
	(pc) =	sbr.rel @p1 .LBB2_3-.Ltmp3, $4  }
0x43: {  	s14 =	sadd.s32 $0x10, s14;
	v6 =	vand.u32 $0x7F, v3;
	v4 =	vadd.s32 v4, v5;
	v3 =	vshll.u32 v3, $0x3;
	(ifvalue) =	ssetifvalue $0x7FFFFFFF  }
0x44: {  	v2 =	vshll.u32 v2, $0x7;
	v3 =	vand.u32 $0xFFFFFC00, v3;
	v4 =	vor.u32 v6, v4;
	[tilespmem:s14], [sflag:$0x1] =	stream.indirect_vreg.gather [hbm4b:s3+s10], $0x1, v1, vm0, $0x4038;
	[tilespmem:$0x800] =	vst v63  }
0x45: {  	v1 =	vand.u32 $0x380, v2;
	v3 =	vadd.s32 v3, v4  }
0x46: {  	s17 =	sadd.s32 $0x10, s17;
	vm1 =	veq.s32 v0, $0x80000000;
	v2 =	vshrl.u32 v0, $0x1;
	v1 =	vor.u32 v1, v3  }
.Ltmp4:
0x47: {  	_ = 	snop;
	(pc) =	sbr.rel .LBB2_4-.Ltmp4, $1  }
0x48: {  	_ =	sdelay $0x3  }
.LBB2_6:
0x49: {  	_ =	sfence.sel $0x180000  }
0x4a: {  	s2 =	simm.s32 $0x2;
	[bflag:$0x0] =	sbarrier.arrive $0xFFFF  }
0x4b: {  	s30 =	simm.s32 $0x3;
	[sflag:s2] =	ssyncpa.u1 $0x1  }
0x4c: {  	s31 =	simm.s32 $0x1;
	[sflag:s30] =	ssyncpa.u1 $0x1  }
0x4d: {  	[sflag:s31] =	ssyncpa.u1 $0x1  }
0x4e: {  	p0 =	sne.s32 s1, $0x0;
	_ =	strace $0x9000004A  }
0x4f: {  	s0 =	sadd.s32 @!p0 $0x100000, s0;
	[bflag:$0x2] =	sbarrier.arrive $0xFFFF  }
0x50: {  	[sflag:s0] =	ssyncadd.tile.s32 @!p0 $0x1;
	_ =	shalt  }
.Lfunc_end2:
_tile_overlayer_lowered:
.L_overlay_start_2:
0x51: {  	(tag) =	ssettag $0x2  }
0x52: {  	s0 =	rddreg [dreg:$0x0];
	s2 =	stileid.u32  }
0x53: {  	s1 =	rddreg [dreg:$0x1];
	p0 =	sne.s32 s2, $0x0  }
0x54: {  	s3 =	rddreg [dreg:$0x2];
	[bflag:$0x3] =	sbarrier.arrive $0xFFFF;
	s2 =	simm.s32 @!p0 $0x1C01  }
0x55: {  	[timem:s3], [sflag:s2] =	dma.local @!p0 [hbm:s0], s1  }
0x56: {  	s0 =	simm.s32 @!p0 $0x1  }
0x57: {  	_ =	swait.ge @!p0 [sflag:s0], s1  }
0x58: {  	s1 =	ssub.s32 @!p0 $0x0, s1;
	[sflag:s0] =	ssyncset.done @!p0 $0x0  }
0x59: {  	[sflag:s0] =	ssyncadd.s32 @!p0 s1  }
0x5a: {  	[bflag:$0x3] =	sbarrier.arrive $0xFFFF  }
0x5b: {  	_ =	shalt  }

</sc_bundles>
